<compile_context>
chip_gen: v7x
topology: tpu7x:2x2x1
jax: 0.10.2.dev20260603
libtpu: 0.0.44.dev20260713+nightly
codegen_flags: <defaults>
</compile_context>

<pallas_src>
import functools
import jax
import jax.numpy as jnp
from jax import lax
from jax.experimental import pallas as pl
from jax.experimental.pallas import tpu as pltpu
from jax.experimental.pallas import tpu_sc as plsc

E = 320000
F = 128
S = 10000
EPS = 1e-9
NC = 2
NS = 16
NW = NC * NS
NB = 80
NBLK = E // NB
NG = NB // 16
SPT = 320
SP = NW * SPT
NCH = E // 16
EPW = E // NW
GNB = 125
NIT = EPW // GNB
GRING = 5

_MESH = plsc.VectorSubcoreMesh(core_axis_name="c", subcore_axis_name="s")
_PARAMS = pltpu.CompilerParams(use_tc_tiling_on_sc=False,
                               needs_layout_passes=False)


@functools.partial(
    pl.kernel,
    out_type=jax.ShapeDtypeStruct((SP, F), jnp.float32),
    mesh=_MESH,
    compiler_params=_PARAMS,
    scratch_types=[
        pltpu.VMEM_SHARED((NS, SPT + 1, F), jnp.float32),
        pltpu.VMEM((NB, F), jnp.float32),
        pltpu.VMEM((NB, F), jnp.float32),
        pltpu.VMEM((SPT, F), jnp.float32),
        pltpu.VMEM((NB,), jnp.int32),
        pltpu.VMEM((NB,), jnp.int32),
        pltpu.VMEM((NB,), jnp.int32),
        pltpu.VMEM((336,), jnp.float32),
        pltpu.VMEM((16,), jnp.int32),
        pltpu.VMEM((16,), jnp.int32),
        pltpu.VMEM((8, F), jnp.float32),
        pltpu.SemaphoreType.DMA,
        pltpu.SemaphoreType.DMA,
        pltpu.SemaphoreType.DMA,
    ],
)
def _pool(x_hbm, seg_hbm, pool_hbm,
          sp_acc, xbuf0, xbuf1, normbuf, segrow0, segrow1, idxbuf, cntl,
          bsbuf, tmp16, zbuf, zsem, psem0, psem1):
    xbufs = (xbuf0, xbuf1)
    segrows = (segrow0, segrow1)
    psems = (psem0, psem1)
    c = lax.axis_index("c")
    s = lax.axis_index("s")
    w = c * NS + s
    segbase = w * SPT
    ZV = jnp.zeros((16,), jnp.float32)
    IOTA = lax.iota(jnp.int32, 16)

    def fz(r, _):
        for v in range(F // 16):
            zbuf[r, pl.ds(v * 16, 16)] = ZV
        return 0
    lax.fori_loop(0, 8, fz, 0)

    def fzc(k, _):
        cntl[pl.ds(k * 16, 16)] = ZV
        return 0
    lax.fori_loop(0, 336 // 16, fzc, 0)

    for k in range((SPT + 1) // 8):
        pltpu.async_copy(zbuf, sp_acc.at[s, pl.ds(k * 8, 8)], zsem)
    for k in range((SPT + 1) // 8):
        pltpu.make_async_copy(zbuf, sp_acc.at[s, pl.ds(k * 8, 8)],
                              zsem).wait()
    pltpu.sync_copy(zbuf.at[pl.ds(0, 1)], sp_acc.at[s, pl.ds(SPT, 1)])

    def lower_bound(B):
        def probe(_, lohi):
            lo, hi = lohi
            mid = lax.div(lo + hi, jnp.int32(2))
            pltpu.sync_copy(seg_hbm.at[pl.ds(mid * 16, 16)], bsbuf)
            vmin = lax.reduce_min(bsbuf[:], (0,))
            go_left = vmin >= B
            return (jnp.where(go_left, lo, mid), jnp.where(go_left, mid, hi))
        lo, _ = lax.fori_loop(0, 15, probe,
                              (jnp.int32(0), jnp.int32(NCH)))
        pltpu.sync_copy(seg_hbm.at[pl.ds(lo * 16, 16)], bsbuf)
        nlt = lax.reduce_sum((bsbuf[:] < B).astype(jnp.int32), (0,))
        return lo * 16 + nlt

    e_lo = lower_bound(segbase)
    e_hi = lower_bound(segbase + SPT)
    jb_lo = lax.div(e_lo, jnp.int32(NB))
    jb_hi = lax.div(e_hi + NB - 1, jnp.int32(NB))

    def shift_right_i32(x, fill):
        tmp16[:] = x
        y = plsc.load_gather(tmp16, [jnp.maximum(IOTA - 1, 0)])
        return jnp.where(IOTA == 0, fill, y)

    def shift_left_i32(x, fill):
        tmp16[:] = x
        y = plsc.load_gather(tmp16, [jnp.minimum(IOTA + 1, 15)])
        return jnp.where(IOTA == 15, fill, y)

    def issue(jb, b):
        off = jb * NB
        pltpu.async_copy(x_hbm.at[pl.ds(off, NB)], xbufs[b], psems[b])
        pltpu.async_copy(seg_hbm.at[pl.ds(off, NB)], segrows[b], psems[b])

    def wait_pf(jb, b):
        off = jb * NB
        pltpu.make_async_copy(x_hbm.at[pl.ds(off, NB)], xbufs[b],
                              psems[b]).wait()
        pltpu.make_async_copy(seg_hbm.at[pl.ds(off, NB)], segrows[b],
                              psems[b]).wait()

    for b in range(2):
        @pl.when(jb_lo + b < jb_hi)
        def _prime():
            issue(jb_lo + b, b)

    def pair(g, _):
        for b in range(2):
            jb = jb_lo + g * 2 + b

            @pl.when(jb < jb_hi)
            def _step():
                wait_pf(jb, b)
                for k in range(NG):
                    iv = segrows[b][pl.ds(k * 16, 16)]
                    lidx = iv - segbase
                    inr = (lidx >= 0) & (lidx < SPT)
                    lidxc = jnp.where(inr, lidx, SPT)
                    idxbuf[pl.ds(k * 16, 16)] = lidxc
                    prev = shift_right_i32(iv, -1)
                    m = iv != prev
                    sp = jnp.where(m, IOTA, 16)
                    z = lax.rev(plsc.cummax(lax.rev(-sp, (0,))), (0,))
                    ns = -shift_left_i32(z, -16)
                    runlen = (ns - IOTA).astype(jnp.float32)
                    plsc.addupdate_scatter(cntl, [lidxc], runlen,
                                           mask=m & inr)

                pltpu.sync_copy(xbufs[b], sp_acc.at[s].at[idxbuf], add=True)

                @pl.when(jb + 2 < jb_hi)
                def _refill():
                    issue(jb + 2, b)
        return 0
    npairs = lax.div(jb_hi - jb_lo + 1, jnp.int32(2))
    lax.fori_loop(0, npairs, pair, 0)

    pltpu.sync_copy(sp_acc.at[s, pl.ds(0, SPT)], normbuf)

    def rown(r, _):
        cv = plsc.load_gather(cntl, [jnp.broadcast_to(r, (16,))]) + EPS
        for v in range(F // 16):
            sl = pl.ds(v * 16, 16)
            normbuf[r, sl] = normbuf[r, sl] / cv
        return 0
    lax.fori_loop(0, SPT, rown, 0)
    pltpu.sync_copy(normbuf, pool_hbm.at[pl.ds(w * SPT, SPT)])


@functools.partial(
    pl.kernel,
    out_type=jax.ShapeDtypeStruct((E, F), jnp.float32),
    mesh=_MESH,
    compiler_params=_PARAMS,
    scratch_types=[pltpu.VMEM((NIT, GNB), jnp.int32)]
    + [pltpu.VMEM((GNB, F), jnp.float32)] * GRING
    + [pltpu.SemaphoreType.DMA] * (2 * GRING),
)
def _gather(pool_hbm, seg3_hbm, out_hbm, segbuf, *rest):
    rows = rest[:GRING]
    gsems = rest[GRING:2 * GRING]
    wsems = rest[2 * GRING:3 * GRING]
    c = lax.axis_index("c")
    s = lax.axis_index("s")
    base = (c * NS + s) * EPW

    pltpu.sync_copy(seg3_hbm.at[c * NS + s], segbuf)
    for b in range(GRING):
        pltpu.async_copy(pool_hbm.at[segbuf.at[b]], rows[b], gsems[b])

    def wait_g(b, j):
        pltpu.make_async_copy(pool_hbm.at[segbuf.at[j]], rows[b],
                              gsems[b]).wait()

    def wait_w(b, j):
        pltpu.make_async_copy(rows[b],
                              out_hbm.at[pl.ds(base + j * GNB, GNB)],
                              wsems[b]).wait()

    def outer(g, _):
        for b in range(GRING):
            j = g * GRING + b
            wait_g(b, j)
            pltpu.async_copy(rows[b],
                             out_hbm.at[pl.ds(base + j * GNB, GNB)],
                             wsems[b])
            jn = j + GRING

            @pl.when(jn < NIT)
            def _refill():
                wait_w(b, j)
                pltpu.async_copy(pool_hbm.at[segbuf.at[jn]], rows[b],
                                 gsems[b])
        return 0
    lax.fori_loop(0, NIT // GRING, outer, 0)
    for b in range(GRING):
        wait_w(b, 0)


def kernel(input, mask):
    seg = mask[:, 0].astype(jnp.int32)
    pooled = _pool(input, seg)
    return _gather(pooled, seg.reshape(NW, NIT, GNB))

# --- scband reference (transcript-rebuilt; emitter-appended) ---
"""Pipeline reference for scband-sparse-pool-63728724738280 (READ-ONLY COPY).

The authoritative reference and input builder live on the scoring server;
editing this copy changes nothing except your own understanding.
"""

import jax, jax.numpy as jnp
import numpy as np

E = 320000
OUT_FEATURES = 128
OUT_SIZE = 10000
AXIS = 0
EPS = 1e-09


def setup_inputs(seed: int = 0) -> dict:
    key = jax.random.key(seed)
    k1, k2 = jax.random.split(key)
    x = jax.random.normal(k1, (E, OUT_FEATURES), dtype=jnp.float32)
    mask = jnp.sort(jax.random.randint(k2, (E, 2), 0, OUT_SIZE), axis=0).astype(jnp.int64)
    return {"input": x, "mask": mask}


def reference(input, mask):
    seg = mask[:, AXIS]
    # norm: count of entries per output row (computed from mask, as in __init__) + eps
    norm = jnp.zeros((OUT_SIZE,), dtype=jnp.float32).at[seg].add(jnp.ones((E,), dtype=jnp.float32)) + EPS
    # scatter-add (index_add_) of input rows into output rows
    pooled_sum = jax.ops.segment_sum(input, seg, num_segments=OUT_SIZE)
    pooled = pooled_sum / norm[:, None]
    # index_select back to the edge/entry dimension
    return jnp.take(pooled, seg, axis=0)

if __name__ == "__main__":
    import jax
    _d = setup_inputs()
    print(jax.jit(kernel)(*tuple(_d.values())))

</pallas_src>

<mosaic_0001>
#map = affine_map<(d0, d1) -> (0, 0)>
#map1 = affine_map<(d0, d1) -> (0, 0, 0)>
module attributes {stable_mosaic.version = 14 : i64} {
  func.func @_gather(%arg0: i32, %arg1: i32, %arg2: memref<10240x128xf32, #tpu.memory_space<hbm>>, %arg3: memref<32x80x125xi32, #tpu.memory_space<hbm>>, %arg4: memref<320000x128xf32, #tpu.memory_space<hbm>>, %arg5: memref<80x125xi32, #tpu.memory_space<vmem>>, %arg6: memref<125x128xf32, #tpu.memory_space<vmem>>, %arg7: memref<125x128xf32, #tpu.memory_space<vmem>>, %arg8: memref<125x128xf32, #tpu.memory_space<vmem>>, %arg9: memref<125x128xf32, #tpu.memory_space<vmem>>, %arg10: memref<125x128xf32, #tpu.memory_space<vmem>>, %arg11: memref<!tpu.dma_semaphore, #tpu.memory_space<semaphore_mem>>, %arg12: memref<!tpu.dma_semaphore, #tpu.memory_space<semaphore_mem>>, %arg13: memref<!tpu.dma_semaphore, #tpu.memory_space<semaphore_mem>>, %arg14: memref<!tpu.dma_semaphore, #tpu.memory_space<semaphore_mem>>, %arg15: memref<!tpu.dma_semaphore, #tpu.memory_space<semaphore_mem>>, %arg16: memref<!tpu.dma_semaphore, #tpu.memory_space<semaphore_mem>>, %arg17: memref<!tpu.dma_semaphore, #tpu.memory_space<semaphore_mem>>, %arg18: memref<!tpu.dma_semaphore, #tpu.memory_space<semaphore_mem>>, %arg19: memref<!tpu.dma_semaphore, #tpu.memory_space<semaphore_mem>>, %arg20: memref<!tpu.dma_semaphore, #tpu.memory_space<semaphore_mem>>) attributes {dimension_semantics = [#tpu.dimension_semantics<core_parallel>, #tpu.dimension_semantics<subcore_parallel>], iteration_bounds = array<i64: 2, 16>, scalar_prefetch = 0 : i64, scratch_operands = 16 : i64, tpu.core_type = #tpu.core_type<sc_vector_subcore>, window_params = [{transform_indices = #map}, {transform_indices = #map1}, {transform_indices = #map}]} {
    %mul3A = arith.constant 16 : i32
    %mul3A_0 = arith.muli %arg0, %mul3A : i32
    %add3A = arith.addi %mul3A_0, %arg1 : i32
    %mul3A_1 = arith.constant 10000 : i32
    %mul3A_2 = arith.muli %add3A, %mul3A_1 : i32
    %mul3A_3 = arith.constant 16 : i32
    %mul3A_4 = arith.muli %arg0, %mul3A_3 : i32
    %add3A_5 = arith.addi %mul3A_4, %arg1 : i32
    "tpu.region"() ({
      %run_scoped3A = tpu.sem_alloc : memref<!tpu.dma_semaphore, #tpu.memory_space<semaphore_mem>>
      %dma_start3A_75 = arith.constant 0 : i32
      %dma_start3A_76 = arith.constant 0 : i32
      %dma_start3A_77 = tpu.memref_slice %arg3[%add3A_5, %dma_start3A_75, %dma_start3A_76] : memref<32x80x125xi32, #tpu.memory_space<hbm>> -> memref<1x80x125xi32, #tpu.memory_space<hbm>>
      %dma_start3A_78 = tpu.memref_squeeze %dma_start3A_77 : memref<1x80x125xi32, #tpu.memory_space<hbm>> -> memref<80x125xi32, #tpu.memory_space<hbm>>
      %dma_start3A_79 = arith.constant 0 : i32
      %dma_start3A_80 = arith.constant 0 : i32
      %dma_start3A_81 = tpu.memref_slice %arg3[%add3A_5, %dma_start3A_79, %dma_start3A_80] : memref<32x80x125xi32, #tpu.memory_space<hbm>> -> memref<1x80x125xi32, #tpu.memory_space<hbm>>
      %dma_start3A_82 = tpu.memref_squeeze %dma_start3A_81 : memref<1x80x125xi32, #tpu.memory_space<hbm>> -> memref<80x125xi32, #tpu.memory_space<hbm>>
      tpu.enqueue_dma source(%dma_start3A_82 : memref<80x125xi32, #tpu.memory_space<hbm>>) target(%arg5 : memref<80x125xi32, #tpu.memory_space<vmem>>) target_semaphore(%run_scoped3A : memref<!tpu.dma_semaphore, #tpu.memory_space<semaphore_mem>>)
      %dma_wait3A_83 = arith.constant 0 : i32
      %dma_wait3A_84 = arith.constant 0 : i32
      %dma_wait3A_85 = tpu.memref_slice %arg3[%add3A_5, %dma_wait3A_83, %dma_wait3A_84] : memref<32x80x125xi32, #tpu.memory_space<hbm>> -> memref<1x80x125xi32, #tpu.memory_space<hbm>>
      %dma_wait3A_86 = tpu.memref_squeeze %dma_wait3A_85 : memref<1x80x125xi32, #tpu.memory_space<hbm>> -> memref<80x125xi32, #tpu.memory_space<hbm>>
      %dma_wait3A_87 = arith.constant 0 : i32
      %dma_wait3A_88 = arith.constant 0 : i32
      %dma_wait3A_89 = tpu.memref_slice %arg3[%add3A_5, %dma_wait3A_87, %dma_wait3A_88] : memref<32x80x125xi32, #tpu.memory_space<hbm>> -> memref<1x80x125xi32, #tpu.memory_space<hbm>>
      %dma_wait3A_90 = tpu.memref_squeeze %dma_wait3A_89 : memref<1x80x125xi32, #tpu.memory_space<hbm>> -> memref<80x125xi32, #tpu.memory_space<hbm>>
      tpu.wait_dma2 semaphore(%run_scoped3A : memref<!tpu.dma_semaphore, #tpu.memory_space<semaphore_mem>>) src(%dma_wait3A_90 : memref<80x125xi32, #tpu.memory_space<hbm>>) dst(%arg5 : memref<80x125xi32, #tpu.memory_space<vmem>>)
      tpu.yield
    }) : () -> ()
    %dma_start3A = arith.constant 0 : i32
    %dma_start3A_6 = arith.constant 0 : i32
    %dma_start3A_7 = tpu.memref_slice %arg5[%dma_start3A, %dma_start3A_6] : memref<80x125xi32, #tpu.memory_space<vmem>> -> memref<1x125xi32, #tpu.memory_space<vmem>>
    %dma_start3A_8 = tpu.memref_squeeze %dma_start3A_7 : memref<1x125xi32, #tpu.memory_space<vmem>> -> memref<125xi32, #tpu.memory_space<vmem>>
    %dma_start3A_9 = arith.constant 0 : i32
    %dma_start3A_10 = arith.constant 0 : i32
    %dma_start3A_11 = tpu.memref_slice %arg2[%dma_start3A_9, %dma_start3A_10] : memref<10240x128xf32, #tpu.memory_space<hbm>> -> memref<10240x128xf32, #tpu.memory_space<hbm>>
    tpu.enqueue_indirect_dma source(%dma_start3A_11 : memref<10240x128xf32, #tpu.memory_space<hbm>>) target(%arg6 : memref<125x128xf32, #tpu.memory_space<vmem>>) offsets(%dma_start3A_8 : memref<125xi32, #tpu.memory_space<vmem>>) semaphore(%arg11 : memref<!tpu.dma_semaphore, #tpu.memory_space<semaphore_mem>>)
    %dma_start3A_12 = arith.constant 1 : i32
    %dma_start3A_13 = arith.constant 0 : i32
    %dma_start3A_14 = tpu.memref_slice %arg5[%dma_start3A_12, %dma_start3A_13] : memref<80x125xi32, #tpu.memory_space<vmem>> -> memref<1x125xi32, #tpu.memory_space<vmem>>
    %dma_start3A_15 = tpu.memref_squeeze %dma_start3A_14 : memref<1x125xi32, #tpu.memory_space<vmem>> -> memref<125xi32, #tpu.memory_space<vmem>>
    %dma_start3A_16 = arith.constant 0 : i32
    %dma_start3A_17 = arith.constant 0 : i32
    %dma_start3A_18 = tpu.memref_slice %arg2[%dma_start3A_16, %dma_start3A_17] : memref<10240x128xf32, #tpu.memory_space<hbm>> -> memref<10240x128xf32, #tpu.memory_space<hbm>>
    tpu.enqueue_indirect_dma source(%dma_start3A_18 : memref<10240x128xf32, #tpu.memory_space<hbm>>) target(%arg7 : memref<125x128xf32, #tpu.memory_space<vmem>>) offsets(%dma_start3A_15 : memref<125xi32, #tpu.memory_space<vmem>>) semaphore(%arg12 : memref<!tpu.dma_semaphore, #tpu.memory_space<semaphore_mem>>)
    %dma_start3A_19 = arith.constant 2 : i32
    %dma_start3A_20 = arith.constant 0 : i32
    %dma_start3A_21 = tpu.memref_slice %arg5[%dma_start3A_19, %dma_start3A_20] : memref<80x125xi32, #tpu.memory_space<vmem>> -> memref<1x125xi32, #tpu.memory_space<vmem>>
    %dma_start3A_22 = tpu.memref_squeeze %dma_start3A_21 : memref<1x125xi32, #tpu.memory_space<vmem>> -> memref<125xi32, #tpu.memory_space<vmem>>
    %dma_start3A_23 = arith.constant 0 : i32
    %dma_start3A_24 = arith.constant 0 : i32
    %dma_start3A_25 = tpu.memref_slice %arg2[%dma_start3A_23, %dma_start3A_24] : memref<10240x128xf32, #tpu.memory_space<hbm>> -> memref<10240x128xf32, #tpu.memory_space<hbm>>
    tpu.enqueue_indirect_dma source(%dma_start3A_25 : memref<10240x128xf32, #tpu.memory_space<hbm>>) target(%arg8 : memref<125x128xf32, #tpu.memory_space<vmem>>) offsets(%dma_start3A_22 : memref<125xi32, #tpu.memory_space<vmem>>) semaphore(%arg13 : memref<!tpu.dma_semaphore, #tpu.memory_space<semaphore_mem>>)
    %dma_start3A_26 = arith.constant 3 : i32
    %dma_start3A_27 = arith.constant 0 : i32
    %dma_start3A_28 = tpu.memref_slice %arg5[%dma_start3A_26, %dma_start3A_27] : memref<80x125xi32, #tpu.memory_space<vmem>> -> memref<1x125xi32, #tpu.memory_space<vmem>>
    %dma_start3A_29 = tpu.memref_squeeze %dma_start3A_28 : memref<1x125xi32, #tpu.memory_space<vmem>> -> memref<125xi32, #tpu.memory_space<vmem>>
    %dma_start3A_30 = arith.constant 0 : i32
    %dma_start3A_31 = arith.constant 0 : i32
    %dma_start3A_32 = tpu.memref_slice %arg2[%dma_start3A_30, %dma_start3A_31] : memref<10240x128xf32, #tpu.memory_space<hbm>> -> memref<10240x128xf32, #tpu.memory_space<hbm>>
    tpu.enqueue_indirect_dma source(%dma_start3A_32 : memref<10240x128xf32, #tpu.memory_space<hbm>>) target(%arg9 : memref<125x128xf32, #tpu.memory_space<vmem>>) offsets(%dma_start3A_29 : memref<125xi32, #tpu.memory_space<vmem>>) semaphore(%arg14 : memref<!tpu.dma_semaphore, #tpu.memory_space<semaphore_mem>>)
    %dma_start3A_33 = arith.constant 4 : i32
    %dma_start3A_34 = arith.constant 0 : i32
    %dma_start3A_35 = tpu.memref_slice %arg5[%dma_start3A_33, %dma_start3A_34] : memref<80x125xi32, #tpu.memory_space<vmem>> -> memref<1x125xi32, #tpu.memory_space<vmem>>
    %dma_start3A_36 = tpu.memref_squeeze %dma_start3A_35 : memref<1x125xi32, #tpu.memory_space<vmem>> -> memref<125xi32, #tpu.memory_space<vmem>>
    %dma_start3A_37 = arith.constant 0 : i32
    %dma_start3A_38 = arith.constant 0 : i32
    %dma_start3A_39 = tpu.memref_slice %arg2[%dma_start3A_37, %dma_start3A_38] : memref<10240x128xf32, #tpu.memory_space<hbm>> -> memref<10240x128xf32, #tpu.memory_space<hbm>>
    tpu.enqueue_indirect_dma source(%dma_start3A_39 : memref<10240x128xf32, #tpu.memory_space<hbm>>) target(%arg10 : memref<125x128xf32, #tpu.memory_space<vmem>>) offsets(%dma_start3A_36 : memref<125xi32, #tpu.memory_space<vmem>>) semaphore(%arg15 : memref<!tpu.dma_semaphore, #tpu.memory_space<semaphore_mem>>)
    %scan3A = arith.constant 0 : i32
    %scan3A_40 = arith.constant 0 : i32
    %scan3A_41 = arith.constant 16 : i32
    %scan3A_42 = arith.addi %scan3A_40, %scan3A_41 : i32
    %scan3A_43 = arith.constant 1 : i32
    %scan3A_44 = scf.for %scan3A_75 = %scan3A_40 to %scan3A_42 step %scan3A_43 iter_args(%scan3A_76 = %scan3A) -> (i32)  : i32 {
      %mul3A_77 = arith.constant 5 : i32
      %mul3A_78 = arith.muli %scan3A_75, %mul3A_77 : i32
      %add3A_79 = arith.constant 0 : i32
      %add3A_80 = arith.addi %mul3A_78, %add3A_79 : i32
      %dma_wait3A_81 = arith.constant 0 : i32
      %dma_wait3A_82 = tpu.memref_slice %arg5[%add3A_80, %dma_wait3A_81] : memref<80x125xi32, #tpu.memory_space<vmem>> -> memref<1x125xi32, #tpu.memory_space<vmem>>
      %dma_wait3A_83 = tpu.memref_squeeze %dma_wait3A_82 : memref<1x125xi32, #tpu.memory_space<vmem>> -> memref<125xi32, #tpu.memory_space<vmem>>
      %dma_wait3A_84 = arith.constant 0 : i32
      %dma_wait3A_85 = arith.constant 0 : i32
      %dma_wait3A_86 = tpu.memref_slice %arg2[%dma_wait3A_84, %dma_wait3A_85] : memref<10240x128xf32, #tpu.memory_space<hbm>> -> memref<10240x128xf32, #tpu.memory_space<hbm>>
      tpu.wait_indirect_dma semaphore(%arg11 : memref<!tpu.dma_semaphore, #tpu.memory_space<semaphore_mem>>) src(%dma_wait3A_86 : memref<10240x128xf32, #tpu.memory_space<hbm>>) dst(%arg6 : memref<125x128xf32, #tpu.memory_space<vmem>>)
      %mul3A_87 = arith.constant 125 : i32
      %mul3A_88 = arith.muli %add3A_80, %mul3A_87 : i32
      %add3A_89 = arith.addi %mul3A_2, %mul3A_88 : i32
      %dma_start3A_90 = arith.constant 0 : i32
      %dma_start3A_91 = tpu.memref_slice %arg4[%add3A_89, %dma_start3A_90] : memref<320000x128xf32, #tpu.memory_space<hbm>> -> memref<125x128xf32, #tpu.memory_space<hbm>>
      %dma_start3A_92 = arith.constant 0 : i32
      %dma_start3A_93 = tpu.memref_slice %arg4[%add3A_89, %dma_start3A_92] : memref<320000x128xf32, #tpu.memory_space<hbm>> -> memref<125x128xf32, #tpu.memory_space<hbm>>
      tpu.enqueue_dma source(%arg6 : memref<125x128xf32, #tpu.memory_space<vmem>>) target(%dma_start3A_93 : memref<125x128xf32, #tpu.memory_space<hbm>>) target_semaphore(%arg16 : memref<!tpu.dma_semaphore, #tpu.memory_space<semaphore_mem>>)
      %add3A_94 = arith.constant 5 : i32
      %add3A_95 = arith.addi %add3A_80, %add3A_94 : i32
      %lt3A = arith.constant 80 : i32
      %lt3A_96 = arith.cmpi slt, %add3A_95, %lt3A : i32
      %convert_element_type3A = arith.extui %lt3A_96 : i1 to i32
      %cond3A = arith.constant 0 : i32
      %cond3A_97 = arith.cmpi ne, %convert_element_type3A, %cond3A : i32
      scf.if %cond3A_97 {
        %mul3A_195 = arith.constant 125 : i32
        %mul3A_196 = arith.muli %add3A_80, %mul3A_195 : i32
        %add3A_197 = arith.addi %mul3A_2, %mul3A_196 : i32
        %dma_wait3A_198 = arith.constant 0 : i32
        %dma_wait3A_199 = tpu.memref_slice %arg4[%add3A_197, %dma_wait3A_198] : memref<320000x128xf32, #tpu.memory_space<hbm>> -> memref<125x128xf32, #tpu.memory_space<hbm>>
        %dma_wait3A_200 = arith.constant 0 : i32
        %dma_wait3A_201 = tpu.memref_slice %arg4[%add3A_197, %dma_wait3A_200] : memref<320000x128xf32, #tpu.memory_space<hbm>> -> memref<125x128xf32, #tpu.memory_space<hbm>>
        tpu.wait_dma2 semaphore(%arg16 : memref<!tpu.dma_semaphore, #tpu.memory_space<semaphore_mem>>) src(%arg6 : memref<125x128xf32, #tpu.memory_space<vmem>>) dst(%dma_wait3A_201 : memref<125x128xf32, #tpu.memory_space<hbm>>)
        %dma_start3A_202 = arith.constant 0 : i32
        %dma_start3A_203 = tpu.memref_slice %arg5[%add3A_95, %dma_start3A_202] : memref<80x125xi32, #tpu.memory_space<vmem>> -> memref<1x125xi32, #tpu.memory_space<vmem>>
        %dma_start3A_204 = tpu.memref_squeeze %dma_start3A_203 : memref<1x125xi32, #tpu.memory_space<vmem>> -> memref<125xi32, #tpu.memory_space<vmem>>
        %dma_start3A_205 = arith.constant 0 : i32
        %dma_start3A_206 = arith.constant 0 : i32
        %dma_start3A_207 = tpu.memref_slice %arg2[%dma_start3A_205, %dma_start3A_206] : memref<10240x128xf32, #tpu.memory_space<hbm>> -> memref<10240x128xf32, #tpu.memory_space<hbm>>
        tpu.enqueue_indirect_dma source(%dma_start3A_207 : memref<10240x128xf32, #tpu.memory_space<hbm>>) target(%arg6 : memref<125x128xf32, #tpu.memory_space<vmem>>) offsets(%dma_start3A_204 : memref<125xi32, #tpu.memory_space<vmem>>) semaphore(%arg11 : memref<!tpu.dma_semaphore, #tpu.memory_space<semaphore_mem>>)
      } else {
      }
      %mul3A_98 = arith.constant 5 : i32
      %mul3A_99 = arith.muli %scan3A_75, %mul3A_98 : i32
      %add3A_100 = arith.constant 1 : i32
      %add3A_101 = arith.addi %mul3A_99, %add3A_100 : i32
      %dma_wait3A_102 = arith.constant 0 : i32
      %dma_wait3A_103 = tpu.memref_slice %arg5[%add3A_101, %dma_wait3A_102] : memref<80x125xi32, #tpu.memory_space<vmem>> -> memref<1x125xi32, #tpu.memory_space<vmem>>
      %dma_wait3A_104 = tpu.memref_squeeze %dma_wait3A_103 : memref<1x125xi32, #tpu.memory_space<vmem>> -> memref<125xi32, #tpu.memory_space<vmem>>
      %dma_wait3A_105 = arith.constant 0 : i32
      %dma_wait3A_106 = arith.constant 0 : i32
      %dma_wait3A_107 = tpu.memref_slice %arg2[%dma_wait3A_105, %dma_wait3A_106] : memref<10240x128xf32, #tpu.memory_space<hbm>> -> memref<10240x128xf32, #tpu.memory_space<hbm>>
      tpu.wait_indirect_dma semaphore(%arg12 : memref<!tpu.dma_semaphore, #tpu.memory_space<semaphore_mem>>) src(%dma_wait3A_107 : memref<10240x128xf32, #tpu.memory_space<hbm>>) dst(%arg7 : memref<125x128xf32, #tpu.memory_space<vmem>>)
      %mul3A_108 = arith.constant 125 : i32
      %mul3A_109 = arith.muli %add3A_101, %mul3A_108 : i32
      %add3A_110 = arith.addi %mul3A_2, %mul3A_109 : i32
      %dma_start3A_111 = arith.constant 0 : i32
      %dma_start3A_112 = tpu.memref_slice %arg4[%add3A_110, %dma_start3A_111] : memref<320000x128xf32, #tpu.memory_space<hbm>> -> memref<125x128xf32, #tpu.memory_space<hbm>>
      %dma_start3A_113 = arith.constant 0 : i32
      %dma_start3A_114 = tpu.memref_slice %arg4[%add3A_110, %dma_start3A_113] : memref<320000x128xf32, #tpu.memory_space<hbm>> -> memref<125x128xf32, #tpu.memory_space<hbm>>
      tpu.enqueue_dma source(%arg7 : memref<125x128xf32, #tpu.memory_space<vmem>>) target(%dma_start3A_114 : memref<125x128xf32, #tpu.memory_space<hbm>>) target_semaphore(%arg17 : memref<!tpu.dma_semaphore, #tpu.memory_space<semaphore_mem>>)
      %add3A_115 = arith.constant 5 : i32
      %add3A_116 = arith.addi %add3A_101, %add3A_115 : i32
      %lt3A_117 = arith.constant 80 : i32
      %lt3A_118 = arith.cmpi slt, %add3A_116, %lt3A_117 : i32
      %convert_element_type3A_119 = arith.extui %lt3A_118 : i1 to i32
      %cond3A_120 = arith.constant 0 : i32
      %cond3A_121 = arith.cmpi ne, %convert_element_type3A_119, %cond3A_120 : i32
      scf.if %cond3A_121 {
        %mul3A_195 = arith.constant 125 : i32
        %mul3A_196 = arith.muli %add3A_101, %mul3A_195 : i32
        %add3A_197 = arith.addi %mul3A_2, %mul3A_196 : i32
        %dma_wait3A_198 = arith.constant 0 : i32
        %dma_wait3A_199 = tpu.memref_slice %arg4[%add3A_197, %dma_wait3A_198] : memref<320000x128xf32, #tpu.memory_space<hbm>> -> memref<125x128xf32, #tpu.memory_space<hbm>>
        %dma_wait3A_200 = arith.constant 0 : i32
        %dma_wait3A_201 = tpu.memref_slice %arg4[%add3A_197, %dma_wait3A_200] : memref<320000x128xf32, #tpu.memory_space<hbm>> -> memref<125x128xf32, #tpu.memory_space<hbm>>
        tpu.wait_dma2 semaphore(%arg17 : memref<!tpu.dma_semaphore, #tpu.memory_space<semaphore_mem>>) src(%arg7 : memref<125x128xf32, #tpu.memory_space<vmem>>) dst(%dma_wait3A_201 : memref<125x128xf32, #tpu.memory_space<hbm>>)
        %dma_start3A_202 = arith.constant 0 : i32
        %dma_start3A_203 = tpu.memref_slice %arg5[%add3A_116, %dma_start3A_202] : memref<80x125xi32, #tpu.memory_space<vmem>> -> memref<1x125xi32, #tpu.memory_space<vmem>>
        %dma_start3A_204 = tpu.memref_squeeze %dma_start3A_203 : memref<1x125xi32, #tpu.memory_space<vmem>> -> memref<125xi32, #tpu.memory_space<vmem>>
        %dma_start3A_205 = arith.constant 0 : i32
        %dma_start3A_206 = arith.constant 0 : i32
        %dma_start3A_207 = tpu.memref_slice %arg2[%dma_start3A_205, %dma_start3A_206] : memref<10240x128xf32, #tpu.memory_space<hbm>> -> memref<10240x128xf32, #tpu.memory_space<hbm>>
        tpu.enqueue_indirect_dma source(%dma_start3A_207 : memref<10240x128xf32, #tpu.memory_space<hbm>>) target(%arg7 : memref<125x128xf32, #tpu.memory_space<vmem>>) offsets(%dma_start3A_204 : memref<125xi32, #tpu.memory_space<vmem>>) semaphore(%arg12 : memref<!tpu.dma_semaphore, #tpu.memory_space<semaphore_mem>>)
      } else {
      }
      %mul3A_122 = arith.constant 5 : i32
      %mul3A_123 = arith.muli %scan3A_75, %mul3A_122 : i32
      %add3A_124 = arith.constant 2 : i32
      %add3A_125 = arith.addi %mul3A_123, %add3A_124 : i32
      %dma_wait3A_126 = arith.constant 0 : i32
      %dma_wait3A_127 = tpu.memref_slice %arg5[%add3A_125, %dma_wait3A_126] : memref<80x125xi32, #tpu.memory_space<vmem>> -> memref<1x125xi32, #tpu.memory_space<vmem>>
      %dma_wait3A_128 = tpu.memref_squeeze %dma_wait3A_127 : memref<1x125xi32, #tpu.memory_space<vmem>> -> memref<125xi32, #tpu.memory_space<vmem>>
      %dma_wait3A_129 = arith.constant 0 : i32
      %dma_wait3A_130 = arith.constant 0 : i32
      %dma_wait3A_131 = tpu.memref_slice %arg2[%dma_wait3A_129, %dma_wait3A_130] : memref<10240x128xf32, #tpu.memory_space<hbm>> -> memref<10240x128xf32, #tpu.memory_space<hbm>>
      tpu.wait_indirect_dma semaphore(%arg13 : memref<!tpu.dma_semaphore, #tpu.memory_space<semaphore_mem>>) src(%dma_wait3A_131 : memref<10240x128xf32, #tpu.memory_space<hbm>>) dst(%arg8 : memref<125x128xf32, #tpu.memory_space<vmem>>)
      %mul3A_132 = arith.constant 125 : i32
      %mul3A_133 = arith.muli %add3A_125, %mul3A_132 : i32
      %add3A_134 = arith.addi %mul3A_2, %mul3A_133 : i32
      %dma_start3A_135 = arith.constant 0 : i32
      %dma_start3A_136 = tpu.memref_slice %arg4[%add3A_134, %dma_start3A_135] : memref<320000x128xf32, #tpu.memory_space<hbm>> -> memref<125x128xf32, #tpu.memory_space<hbm>>
      %dma_start3A_137 = arith.constant 0 : i32
      %dma_start3A_138 = tpu.memref_slice %arg4[%add3A_134, %dma_start3A_137] : memref<320000x128xf32, #tpu.memory_space<hbm>> -> memref<125x128xf32, #tpu.memory_space<hbm>>
      tpu.enqueue_dma source(%arg8 : memref<125x128xf32, #tpu.memory_space<vmem>>) target(%dma_start3A_138 : memref<125x128xf32, #tpu.memory_space<hbm>>) target_semaphore(%arg18 : memref<!tpu.dma_semaphore, #tpu.memory_space<semaphore_mem>>)
      %add3A_139 = arith.constant 5 : i32
      %add3A_140 = arith.addi %add3A_125, %add3A_139 : i32
      %lt3A_141 = arith.constant 80 : i32
      %lt3A_142 = arith.cmpi slt, %add3A_140, %lt3A_141 : i32
      %convert_element_type3A_143 = arith.extui %lt3A_142 : i1 to i32
      %cond3A_144 = arith.constant 0 : i32
      %cond3A_145 = arith.cmpi ne, %convert_element_type3A_143, %cond3A_144 : i32
      scf.if %cond3A_145 {
        %mul3A_195 = arith.constant 125 : i32
        %mul3A_196 = arith.muli %add3A_125, %mul3A_195 : i32
        %add3A_197 = arith.addi %mul3A_2, %mul3A_196 : i32
        %dma_wait3A_198 = arith.constant 0 : i32
        %dma_wait3A_199 = tpu.memref_slice %arg4[%add3A_197, %dma_wait3A_198] : memref<320000x128xf32, #tpu.memory_space<hbm>> -> memref<125x128xf32, #tpu.memory_space<hbm>>
        %dma_wait3A_200 = arith.constant 0 : i32
        %dma_wait3A_201 = tpu.memref_slice %arg4[%add3A_197, %dma_wait3A_200] : memref<320000x128xf32, #tpu.memory_space<hbm>> -> memref<125x128xf32, #tpu.memory_space<hbm>>
        tpu.wait_dma2 semaphore(%arg18 : memref<!tpu.dma_semaphore, #tpu.memory_space<semaphore_mem>>) src(%arg8 : memref<125x128xf32, #tpu.memory_space<vmem>>) dst(%dma_wait3A_201 : memref<125x128xf32, #tpu.memory_space<hbm>>)
        %dma_start3A_202 = arith.constant 0 : i32
        %dma_start3A_203 = tpu.memref_slice %arg5[%add3A_140, %dma_start3A_202] : memref<80x125xi32, #tpu.memory_space<vmem>> -> memref<1x125xi32, #tpu.memory_space<vmem>>
        %dma_start3A_204 = tpu.memref_squeeze %dma_start3A_203 : memref<1x125xi32, #tpu.memory_space<vmem>> -> memref<125xi32, #tpu.memory_space<vmem>>
        %dma_start3A_205 = arith.constant 0 : i32
        %dma_start3A_206 = arith.constant 0 : i32
        %dma_start3A_207 = tpu.memref_slice %arg2[%dma_start3A_205, %dma_start3A_206] : memref<10240x128xf32, #tpu.memory_space<hbm>> -> memref<10240x128xf32, #tpu.memory_space<hbm>>
        tpu.enqueue_indirect_dma source(%dma_start3A_207 : memref<10240x128xf32, #tpu.memory_space<hbm>>) target(%arg8 : memref<125x128xf32, #tpu.memory_space<vmem>>) offsets(%dma_start3A_204 : memref<125xi32, #tpu.memory_space<vmem>>) semaphore(%arg13 : memref<!tpu.dma_semaphore, #tpu.memory_space<semaphore_mem>>)
      } else {
      }
      %mul3A_146 = arith.constant 5 : i32
      %mul3A_147 = arith.muli %scan3A_75, %mul3A_146 : i32
      %add3A_148 = arith.constant 3 : i32
      %add3A_149 = arith.addi %mul3A_147, %add3A_148 : i32
      %dma_wait3A_150 = arith.constant 0 : i32
      %dma_wait3A_151 = tpu.memref_slice %arg5[%add3A_149, %dma_wait3A_150] : memref<80x125xi32, #tpu.memory_space<vmem>> -> memref<1x125xi32, #tpu.memory_space<vmem>>
      %dma_wait3A_152 = tpu.memref_squeeze %dma_wait3A_151 : memref<1x125xi32, #tpu.memory_space<vmem>> -> memref<125xi32, #tpu.memory_space<vmem>>
      %dma_wait3A_153 = arith.constant 0 : i32
      %dma_wait3A_154 = arith.constant 0 : i32
      %dma_wait3A_155 = tpu.memref_slice %arg2[%dma_wait3A_153, %dma_wait3A_154] : memref<10240x128xf32, #tpu.memory_space<hbm>> -> memref<10240x128xf32, #tpu.memory_space<hbm>>
      tpu.wait_indirect_dma semaphore(%arg14 : memref<!tpu.dma_semaphore, #tpu.memory_space<semaphore_mem>>) src(%dma_wait3A_155 : memref<10240x128xf32, #tpu.memory_space<hbm>>) dst(%arg9 : memref<125x128xf32, #tpu.memory_space<vmem>>)
      %mul3A_156 = arith.constant 125 : i32
      %mul3A_157 = arith.muli %add3A_149, %mul3A_156 : i32
      %add3A_158 = arith.addi %mul3A_2, %mul3A_157 : i32
      %dma_start3A_159 = arith.constant 0 : i32
      %dma_start3A_160 = tpu.memref_slice %arg4[%add3A_158, %dma_start3A_159] : memref<320000x128xf32, #tpu.memory_space<hbm>> -> memref<125x128xf32, #tpu.memory_space<hbm>>
      %dma_start3A_161 = arith.constant 0 : i32
      %dma_start3A_162 = tpu.memref_slice %arg4[%add3A_158, %dma_start3A_161] : memref<320000x128xf32, #tpu.memory_space<hbm>> -> memref<125x128xf32, #tpu.memory_space<hbm>>
      tpu.enqueue_dma source(%arg9 : memref<125x128xf32, #tpu.memory_space<vmem>>) target(%dma_start3A_162 : memref<125x128xf32, #tpu.memory_space<hbm>>) target_semaphore(%arg19 : memref<!tpu.dma_semaphore, #tpu.memory_space<semaphore_mem>>)
      %add3A_163 = arith.constant 5 : i32
      %add3A_164 = arith.addi %add3A_149, %add3A_163 : i32
      %lt3A_165 = arith.constant 80 : i32
      %lt3A_166 = arith.cmpi slt, %add3A_164, %lt3A_165 : i32
      %convert_element_type3A_167 = arith.extui %lt3A_166 : i1 to i32
      %cond3A_168 = arith.constant 0 : i32
      %cond3A_169 = arith.cmpi ne, %convert_element_type3A_167, %cond3A_168 : i32
      scf.if %cond3A_169 {
        %mul3A_195 = arith.constant 125 : i32
        %mul3A_196 = arith.muli %add3A_149, %mul3A_195 : i32
        %add3A_197 = arith.addi %mul3A_2, %mul3A_196 : i32
        %dma_wait3A_198 = arith.constant 0 : i32
        %dma_wait3A_199 = tpu.memref_slice %arg4[%add3A_197, %dma_wait3A_198] : memref<320000x128xf32, #tpu.memory_space<hbm>> -> memref<125x128xf32, #tpu.memory_space<hbm>>
        %dma_wait3A_200 = arith.constant 0 : i32
        %dma_wait3A_201 = tpu.memref_slice %arg4[%add3A_197, %dma_wait3A_200] : memref<320000x128xf32, #tpu.memory_space<hbm>> -> memref<125x128xf32, #tpu.memory_space<hbm>>
        tpu.wait_dma2 semaphore(%arg19 : memref<!tpu.dma_semaphore, #tpu.memory_space<semaphore_mem>>) src(%arg9 : memref<125x128xf32, #tpu.memory_space<vmem>>) dst(%dma_wait3A_201 : memref<125x128xf32, #tpu.memory_space<hbm>>)
        %dma_start3A_202 = arith.constant 0 : i32
        %dma_start3A_203 = tpu.memref_slice %arg5[%add3A_164, %dma_start3A_202] : memref<80x125xi32, #tpu.memory_space<vmem>> -> memref<1x125xi32, #tpu.memory_space<vmem>>
        %dma_start3A_204 = tpu.memref_squeeze %dma_start3A_203 : memref<1x125xi32, #tpu.memory_space<vmem>> -> memref<125xi32, #tpu.memory_space<vmem>>
        %dma_start3A_205 = arith.constant 0 : i32
        %dma_start3A_206 = arith.constant 0 : i32
        %dma_start3A_207 = tpu.memref_slice %arg2[%dma_start3A_205, %dma_start3A_206] : memref<10240x128xf32, #tpu.memory_space<hbm>> -> memref<10240x128xf32, #tpu.memory_space<hbm>>
        tpu.enqueue_indirect_dma source(%dma_start3A_207 : memref<10240x128xf32, #tpu.memory_space<hbm>>) target(%arg9 : memref<125x128xf32, #tpu.memory_space<vmem>>) offsets(%dma_start3A_204 : memref<125xi32, #tpu.memory_space<vmem>>) semaphore(%arg14 : memref<!tpu.dma_semaphore, #tpu.memory_space<semaphore_mem>>)
      } else {
      }
      %mul3A_170 = arith.constant 5 : i32
      %mul3A_171 = arith.muli %scan3A_75, %mul3A_170 : i32
      %add3A_172 = arith.constant 4 : i32
      %add3A_173 = arith.addi %mul3A_171, %add3A_172 : i32
      %dma_wait3A_174 = arith.constant 0 : i32
      %dma_wait3A_175 = tpu.memref_slice %arg5[%add3A_173, %dma_wait3A_174] : memref<80x125xi32, #tpu.memory_space<vmem>> -> memref<1x125xi32, #tpu.memory_space<vmem>>
      %dma_wait3A_176 = tpu.memref_squeeze %dma_wait3A_175 : memref<1x125xi32, #tpu.memory_space<vmem>> -> memref<125xi32, #tpu.memory_space<vmem>>
      %dma_wait3A_177 = arith.constant 0 : i32
      %dma_wait3A_178 = arith.constant 0 : i32
      %dma_wait3A_179 = tpu.memref_slice %arg2[%dma_wait3A_177, %dma_wait3A_178] : memref<10240x128xf32, #tpu.memory_space<hbm>> -> memref<10240x128xf32, #tpu.memory_space<hbm>>
      tpu.wait_indirect_dma semaphore(%arg15 : memref<!tpu.dma_semaphore, #tpu.memory_space<semaphore_mem>>) src(%dma_wait3A_179 : memref<10240x128xf32, #tpu.memory_space<hbm>>) dst(%arg10 : memref<125x128xf32, #tpu.memory_space<vmem>>)
      %mul3A_180 = arith.constant 125 : i32
      %mul3A_181 = arith.muli %add3A_173, %mul3A_180 : i32
      %add3A_182 = arith.addi %mul3A_2, %mul3A_181 : i32
      %dma_start3A_183 = arith.constant 0 : i32
      %dma_start3A_184 = tpu.memref_slice %arg4[%add3A_182, %dma_start3A_183] : memref<320000x128xf32, #tpu.memory_space<hbm>> -> memref<125x128xf32, #tpu.memory_space<hbm>>
      %dma_start3A_185 = arith.constant 0 : i32
      %dma_start3A_186 = tpu.memref_slice %arg4[%add3A_182, %dma_start3A_185] : memref<320000x128xf32, #tpu.memory_space<hbm>> -> memref<125x128xf32, #tpu.memory_space<hbm>>
      tpu.enqueue_dma source(%arg10 : memref<125x128xf32, #tpu.memory_space<vmem>>) target(%dma_start3A_186 : memref<125x128xf32, #tpu.memory_space<hbm>>) target_semaphore(%arg20 : memref<!tpu.dma_semaphore, #tpu.memory_space<semaphore_mem>>)
      %add3A_187 = arith.constant 5 : i32
      %add3A_188 = arith.addi %add3A_173, %add3A_187 : i32
      %lt3A_189 = arith.constant 80 : i32
      %lt3A_190 = arith.cmpi slt, %add3A_188, %lt3A_189 : i32
      %convert_element_type3A_191 = arith.extui %lt3A_190 : i1 to i32
      %cond3A_192 = arith.constant 0 : i32
      %cond3A_193 = arith.cmpi ne, %convert_element_type3A_191, %cond3A_192 : i32
      scf.if %cond3A_193 {
        %mul3A_195 = arith.constant 125 : i32
        %mul3A_196 = arith.muli %add3A_173, %mul3A_195 : i32
        %add3A_197 = arith.addi %mul3A_2, %mul3A_196 : i32
        %dma_wait3A_198 = arith.constant 0 : i32
        %dma_wait3A_199 = tpu.memref_slice %arg4[%add3A_197, %dma_wait3A_198] : memref<320000x128xf32, #tpu.memory_space<hbm>> -> memref<125x128xf32, #tpu.memory_space<hbm>>
        %dma_wait3A_200 = arith.constant 0 : i32
        %dma_wait3A_201 = tpu.memref_slice %arg4[%add3A_197, %dma_wait3A_200] : memref<320000x128xf32, #tpu.memory_space<hbm>> -> memref<125x128xf32, #tpu.memory_space<hbm>>
        tpu.wait_dma2 semaphore(%arg20 : memref<!tpu.dma_semaphore, #tpu.memory_space<semaphore_mem>>) src(%arg10 : memref<125x128xf32, #tpu.memory_space<vmem>>) dst(%dma_wait3A_201 : memref<125x128xf32, #tpu.memory_space<hbm>>)
        %dma_start3A_202 = arith.constant 0 : i32
        %dma_start3A_203 = tpu.memref_slice %arg5[%add3A_188, %dma_start3A_202] : memref<80x125xi32, #tpu.memory_space<vmem>> -> memref<1x125xi32, #tpu.memory_space<vmem>>
        %dma_start3A_204 = tpu.memref_squeeze %dma_start3A_203 : memref<1x125xi32, #tpu.memory_space<vmem>> -> memref<125xi32, #tpu.memory_space<vmem>>
        %dma_start3A_205 = arith.constant 0 : i32
        %dma_start3A_206 = arith.constant 0 : i32
        %dma_start3A_207 = tpu.memref_slice %arg2[%dma_start3A_205, %dma_start3A_206] : memref<10240x128xf32, #tpu.memory_space<hbm>> -> memref<10240x128xf32, #tpu.memory_space<hbm>>
        tpu.enqueue_indirect_dma source(%dma_start3A_207 : memref<10240x128xf32, #tpu.memory_space<hbm>>) target(%arg10 : memref<125x128xf32, #tpu.memory_space<vmem>>) offsets(%dma_start3A_204 : memref<125xi32, #tpu.memory_space<vmem>>) semaphore(%arg15 : memref<!tpu.dma_semaphore, #tpu.memory_space<semaphore_mem>>)
      } else {
      }
      %scan3A_194 = arith.constant 0 : i32
      scf.yield %scan3A_194 : i32
    }
    %scan3A_45 = arith.constant 16 : i32
    %add3A_46 = arith.constant 0 : i32
    %add3A_47 = arith.addi %mul3A_2, %add3A_46 : i32
    %dma_wait3A = arith.constant 0 : i32
    %dma_wait3A_48 = tpu.memref_slice %arg4[%add3A_47, %dma_wait3A] : memref<320000x128xf32, #tpu.memory_space<hbm>> -> memref<125x128xf32, #tpu.memory_space<hbm>>
    %dma_wait3A_49 = arith.constant 0 : i32
    %dma_wait3A_50 = tpu.memref_slice %arg4[%add3A_47, %dma_wait3A_49] : memref<320000x128xf32, #tpu.memory_space<hbm>> -> memref<125x128xf32, #tpu.memory_space<hbm>>
    tpu.wait_dma2 semaphore(%arg16 : memref<!tpu.dma_semaphore, #tpu.memory_space<semaphore_mem>>) src(%arg6 : memref<125x128xf32, #tpu.memory_space<vmem>>) dst(%dma_wait3A_50 : memref<125x128xf32, #tpu.memory_space<hbm>>)
    %add3A_51 = arith.constant 0 : i32
    %add3A_52 = arith.addi %mul3A_2, %add3A_51 : i32
    %dma_wait3A_53 = arith.constant 0 : i32
    %dma_wait3A_54 = tpu.memref_slice %arg4[%add3A_52, %dma_wait3A_53] : memref<320000x128xf32, #tpu.memory_space<hbm>> -> memref<125x128xf32, #tpu.memory_space<hbm>>
    %dma_wait3A_55 = arith.constant 0 : i32
    %dma_wait3A_56 = tpu.memref_slice %arg4[%add3A_52, %dma_wait3A_55] : memref<320000x128xf32, #tpu.memory_space<hbm>> -> memref<125x128xf32, #tpu.memory_space<hbm>>
    tpu.wait_dma2 semaphore(%arg17 : memref<!tpu.dma_semaphore, #tpu.memory_space<semaphore_mem>>) src(%arg7 : memref<125x128xf32, #tpu.memory_space<vmem>>) dst(%dma_wait3A_56 : memref<125x128xf32, #tpu.memory_space<hbm>>)
    %add3A_57 = arith.constant 0 : i32
    %add3A_58 = arith.addi %mul3A_2, %add3A_57 : i32
    %dma_wait3A_59 = arith.constant 0 : i32
    %dma_wait3A_60 = tpu.memref_slice %arg4[%add3A_58, %dma_wait3A_59] : memref<320000x128xf32, #tpu.memory_space<hbm>> -> memref<125x128xf32, #tpu.memory_space<hbm>>
    %dma_wait3A_61 = arith.constant 0 : i32
    %dma_wait3A_62 = tpu.memref_slice %arg4[%add3A_58, %dma_wait3A_61] : memref<320000x128xf32, #tpu.memory_space<hbm>> -> memref<125x128xf32, #tpu.memory_space<hbm>>
    tpu.wait_dma2 semaphore(%arg18 : memref<!tpu.dma_semaphore, #tpu.memory_space<semaphore_mem>>) src(%arg8 : memref<125x128xf32, #tpu.memory_space<vmem>>) dst(%dma_wait3A_62 : memref<125x128xf32, #tpu.memory_space<hbm>>)
    %add3A_63 = arith.constant 0 : i32
    %add3A_64 = arith.addi %mul3A_2, %add3A_63 : i32
    %dma_wait3A_65 = arith.constant 0 : i32
    %dma_wait3A_66 = tpu.memref_slice %arg4[%add3A_64, %dma_wait3A_65] : memref<320000x128xf32, #tpu.memory_space<hbm>> -> memref<125x128xf32, #tpu.memory_space<hbm>>
    %dma_wait3A_67 = arith.constant 0 : i32
    %dma_wait3A_68 = tpu.memref_slice %arg4[%add3A_64, %dma_wait3A_67] : memref<320000x128xf32, #tpu.memory_space<hbm>> -> memref<125x128xf32, #tpu.memory_space<hbm>>
    tpu.wait_dma2 semaphore(%arg19 : memref<!tpu.dma_semaphore, #tpu.memory_space<semaphore_mem>>) src(%arg9 : memref<125x128xf32, #tpu.memory_space<vmem>>) dst(%dma_wait3A_68 : memref<125x128xf32, #tpu.memory_space<hbm>>)
    %add3A_69 = arith.constant 0 : i32
    %add3A_70 = arith.addi %mul3A_2, %add3A_69 : i32
    %dma_wait3A_71 = arith.constant 0 : i32
    %dma_wait3A_72 = tpu.memref_slice %arg4[%add3A_70, %dma_wait3A_71] : memref<320000x128xf32, #tpu.memory_space<hbm>> -> memref<125x128xf32, #tpu.memory_space<hbm>>
    %dma_wait3A_73 = arith.constant 0 : i32
    %dma_wait3A_74 = tpu.memref_slice %arg4[%add3A_70, %dma_wait3A_73] : memref<320000x128xf32, #tpu.memory_space<hbm>> -> memref<125x128xf32, #tpu.memory_space<hbm>>
    tpu.wait_dma2 semaphore(%arg20 : memref<!tpu.dma_semaphore, #tpu.memory_space<semaphore_mem>>) src(%arg10 : memref<125x128xf32, #tpu.memory_space<vmem>>) dst(%dma_wait3A_74 : memref<125x128xf32, #tpu.memory_space<hbm>>)
    return
  }
}

#map = affine_map<(d0, d1) -> (0, 0)>
#map1 = affine_map<(d0, d1) -> (0)>
module attributes {stable_mosaic.version = 14 : i64} {
  func.func @_pool(%arg0: i32, %arg1: i32, %arg2: memref<320000x128xf32, #tpu.memory_space<hbm>>, %arg3: memref<320000xi32, #tpu.memory_space<hbm>>, %arg4: memref<10240x128xf32, #tpu.memory_space<hbm>>, %arg5: memref<16x321x128xf32, #tpu.memory_space<vmem_shared>>, %arg6: memref<80x128xf32, #tpu.memory_space<vmem>>, %arg7: memref<80x128xf32, #tpu.memory_space<vmem>>, %arg8: memref<320x128xf32, #tpu.memory_space<vmem>>, %arg9: memref<80xi32, #tpu.memory_space<vmem>>, %arg10: memref<80xi32, #tpu.memory_space<vmem>>, %arg11: memref<80xi32, #tpu.memory_space<vmem>>, %arg12: memref<336xf32, #tpu.memory_space<vmem>>, %arg13: memref<16xi32, #tpu.memory_space<vmem>>, %arg14: memref<16xi32, #tpu.memory_space<vmem>>, %arg15: memref<8x128xf32, #tpu.memory_space<vmem>>, %arg16: memref<!tpu.dma_semaphore, #tpu.memory_space<semaphore_mem>>, %arg17: memref<!tpu.dma_semaphore, #tpu.memory_space<semaphore_mem>>, %arg18: memref<!tpu.dma_semaphore, #tpu.memory_space<semaphore_mem>>) attributes {dimension_semantics = [#tpu.dimension_semantics<core_parallel>, #tpu.dimension_semantics<subcore_parallel>], iteration_bounds = array<i64: 2, 16>, scalar_prefetch = 0 : i64, scratch_operands = 14 : i64, tpu.core_type = #tpu.core_type<sc_vector_subcore>, window_params = [{transform_indices = #map}, {transform_indices = #map1}, {transform_indices = #map}]} {
    %mul3A = arith.constant 16 : i32
    %mul3A_0 = arith.muli %arg0, %mul3A : i32
    %add3A = arith.addi %mul3A_0, %arg1 : i32
    %mul3A_1 = arith.constant 320 : i32
    %mul3A_2 = arith.muli %add3A, %mul3A_1 : i32
    %broadcast_in_dim3A = arith.constant 0.000000e+00 : f32
    %broadcast_in_dim3A_3 = vector.broadcast %broadcast_in_dim3A : f32 to vector<16xf32>
    %iota3A = tpu.iota {dimensions = array<i32: 0>} : vector<16xi32>
    %scan3A = arith.constant 0 : i32
    %scan3A_4 = arith.constant 0 : i32
    %scan3A_5 = arith.constant 8 : i32
    %scan3A_6 = arith.addi %scan3A_4, %scan3A_5 : i32
    %scan3A_7 = arith.constant 1 : i32
    %scan3A_8 = scf.for %scan3A_739 = %scan3A_4 to %scan3A_6 step %scan3A_7 iter_args(%scan3A_740 = %scan3A) -> (i32)  : i32 {
      %swap3A = arith.index_cast %scan3A_739 : i32 to index
      %swap3A_741 = arith.constant 0 : index
      %swap3A_742 = tpu.vector_load %arg15[%swap3A, %swap3A_741] {strides = array<i32>} : memref<8x128xf32, #tpu.memory_space<vmem>>, vector<16xf32>,
      tpu.vector_store %arg15[%swap3A, %swap3A_741], %broadcast_in_dim3A_3 {strides = array<i32>} : memref<8x128xf32, #tpu.memory_space<vmem>>, vector<16xf32>,
      %swap3A_743 = arith.index_cast %scan3A_739 : i32 to index
      %swap3A_744 = arith.constant 16 : index
      %swap3A_745 = tpu.vector_load %arg15[%swap3A_743, %swap3A_744] {strides = array<i32>} : memref<8x128xf32, #tpu.memory_space<vmem>>, vector<16xf32>,
      tpu.vector_store %arg15[%swap3A_743, %swap3A_744], %broadcast_in_dim3A_3 {strides = array<i32>} : memref<8x128xf32, #tpu.memory_space<vmem>>, vector<16xf32>,
      %swap3A_746 = arith.index_cast %scan3A_739 : i32 to index
      %swap3A_747 = arith.constant 32 : index
      %swap3A_748 = tpu.vector_load %arg15[%swap3A_746, %swap3A_747] {strides = array<i32>} : memref<8x128xf32, #tpu.memory_space<vmem>>, vector<16xf32>,
      tpu.vector_store %arg15[%swap3A_746, %swap3A_747], %broadcast_in_dim3A_3 {strides = array<i32>} : memref<8x128xf32, #tpu.memory_space<vmem>>, vector<16xf32>,
      %swap3A_749 = arith.index_cast %scan3A_739 : i32 to index
      %swap3A_750 = arith.constant 48 : index
      %swap3A_751 = tpu.vector_load %arg15[%swap3A_749, %swap3A_750] {strides = array<i32>} : memref<8x128xf32, #tpu.memory_space<vmem>>, vector<16xf32>,
      tpu.vector_store %arg15[%swap3A_749, %swap3A_750], %broadcast_in_dim3A_3 {strides = array<i32>} : memref<8x128xf32, #tpu.memory_space<vmem>>, vector<16xf32>,
      %swap3A_752 = arith.index_cast %scan3A_739 : i32 to index
      %swap3A_753 = arith.constant 64 : index
      %swap3A_754 = tpu.vector_load %arg15[%swap3A_752, %swap3A_753] {strides = array<i32>} : memref<8x128xf32, #tpu.memory_space<vmem>>, vector<16xf32>,
      tpu.vector_store %arg15[%swap3A_752, %swap3A_753], %broadcast_in_dim3A_3 {strides = array<i32>} : memref<8x128xf32, #tpu.memory_space<vmem>>, vector<16xf32>,
      %swap3A_755 = arith.index_cast %scan3A_739 : i32 to index
      %swap3A_756 = arith.constant 80 : index
      %swap3A_757 = tpu.vector_load %arg15[%swap3A_755, %swap3A_756] {strides = array<i32>} : memref<8x128xf32, #tpu.memory_space<vmem>>, vector<16xf32>,
      tpu.vector_store %arg15[%swap3A_755, %swap3A_756], %broadcast_in_dim3A_3 {strides = array<i32>} : memref<8x128xf32, #tpu.memory_space<vmem>>, vector<16xf32>,
      %swap3A_758 = arith.index_cast %scan3A_739 : i32 to index
      %swap3A_759 = arith.constant 96 : index
      %swap3A_760 = tpu.vector_load %arg15[%swap3A_758, %swap3A_759] {strides = array<i32>} : memref<8x128xf32, #tpu.memory_space<vmem>>, vector<16xf32>,
      tpu.vector_store %arg15[%swap3A_758, %swap3A_759], %broadcast_in_dim3A_3 {strides = array<i32>} : memref<8x128xf32, #tpu.memory_space<vmem>>, vector<16xf32>,
      %swap3A_761 = arith.index_cast %scan3A_739 : i32 to index
      %swap3A_762 = arith.constant 112 : index
      %swap3A_763 = tpu.vector_load %arg15[%swap3A_761, %swap3A_762] {strides = array<i32>} : memref<8x128xf32, #tpu.memory_space<vmem>>, vector<16xf32>,
      tpu.vector_store %arg15[%swap3A_761, %swap3A_762], %broadcast_in_dim3A_3 {strides = array<i32>} : memref<8x128xf32, #tpu.memory_space<vmem>>, vector<16xf32>,
      %scan3A_764 = arith.constant 0 : i32
      scf.yield %scan3A_764 : i32
    }
    %scan3A_9 = arith.constant 8 : i32
    %scan3A_10 = arith.constant 0 : i32
    %scan3A_11 = arith.constant 0 : i32
    %scan3A_12 = arith.constant 21 : i32
    %scan3A_13 = arith.addi %scan3A_11, %scan3A_12 : i32
    %scan3A_14 = arith.constant 1 : i32
    %scan3A_15 = scf.for %scan3A_739 = %scan3A_11 to %scan3A_13 step %scan3A_14 iter_args(%scan3A_740 = %scan3A_10) -> (i32)  : i32 {
      %mul3A_741 = arith.constant 16 : i32
      %mul3A_742 = arith.muli %scan3A_739, %mul3A_741 : i32
      %swap3A = arith.index_cast %mul3A_742 : i32 to index
      %swap3A_743 = tpu.vector_load %arg12[%swap3A] {strides = array<i32>} : memref<336xf32, #tpu.memory_space<vmem>>, vector<16xf32>,
      tpu.vector_store %arg12[%swap3A], %broadcast_in_dim3A_3 {strides = array<i32>} : memref<336xf32, #tpu.memory_space<vmem>>, vector<16xf32>,
      %scan3A_744 = arith.constant 0 : i32
      scf.yield %scan3A_744 : i32
    }
    %scan3A_16 = arith.constant 21 : i32
    %dma_start3A = arith.constant 0 : i32
    %dma_start3A_17 = arith.constant 0 : i32
    %dma_start3A_18 = tpu.memref_slice %arg5[%arg1, %dma_start3A, %dma_start3A_17] : memref<16x321x128xf32, #tpu.memory_space<vmem_shared>> -> memref<1x8x128xf32, #tpu.memory_space<vmem_shared>>
    %dma_start3A_19 = tpu.memref_squeeze %dma_start3A_18 : memref<1x8x128xf32, #tpu.memory_space<vmem_shared>> -> memref<8x128xf32, #tpu.memory_space<vmem_shared>>
    %dma_start3A_20 = arith.constant 0 : i32
    %dma_start3A_21 = arith.constant 0 : i32
    %dma_start3A_22 = tpu.memref_slice %arg5[%arg1, %dma_start3A_20, %dma_start3A_21] : memref<16x321x128xf32, #tpu.memory_space<vmem_shared>> -> memref<1x8x128xf32, #tpu.memory_space<vmem_shared>>
    %dma_start3A_23 = tpu.memref_squeeze %dma_start3A_22 : memref<1x8x128xf32, #tpu.memory_space<vmem_shared>> -> memref<8x128xf32, #tpu.memory_space<vmem_shared>>
    tpu.enqueue_dma source(%arg15 : memref<8x128xf32, #tpu.memory_space<vmem>>) target(%dma_start3A_23 : memref<8x128xf32, #tpu.memory_space<vmem_shared>>) target_semaphore(%arg16 : memref<!tpu.dma_semaphore, #tpu.memory_space<semaphore_mem>>)
    %dma_start3A_24 = arith.constant 8 : i32
    %dma_start3A_25 = arith.constant 0 : i32
    %dma_start3A_26 = tpu.memref_slice %arg5[%arg1, %dma_start3A_24, %dma_start3A_25] : memref<16x321x128xf32, #tpu.memory_space<vmem_shared>> -> memref<1x8x128xf32, #tpu.memory_space<vmem_shared>>
    %dma_start3A_27 = tpu.memref_squeeze %dma_start3A_26 : memref<1x8x128xf32, #tpu.memory_space<vmem_shared>> -> memref<8x128xf32, #tpu.memory_space<vmem_shared>>
    %dma_start3A_28 = arith.constant 8 : i32
    %dma_start3A_29 = arith.constant 0 : i32
    %dma_start3A_30 = tpu.memref_slice %arg5[%arg1, %dma_start3A_28, %dma_start3A_29] : memref<16x321x128xf32, #tpu.memory_space<vmem_shared>> -> memref<1x8x128xf32, #tpu.memory_space<vmem_shared>>
    %dma_start3A_31 = tpu.memref_squeeze %dma_start3A_30 : memref<1x8x128xf32, #tpu.memory_space<vmem_shared>> -> memref<8x128xf32, #tpu.memory_space<vmem_shared>>
    tpu.enqueue_dma source(%arg15 : memref<8x128xf32, #tpu.memory_space<vmem>>) target(%dma_start3A_31 : memref<8x128xf32, #tpu.memory_space<vmem_shared>>) target_semaphore(%arg16 : memref<!tpu.dma_semaphore, #tpu.memory_space<semaphore_mem>>)
    %dma_start3A_32 = arith.constant 16 : i32
    %dma_start3A_33 = arith.constant 0 : i32
    %dma_start3A_34 = tpu.memref_slice %arg5[%arg1, %dma_start3A_32, %dma_start3A_33] : memref<16x321x128xf32, #tpu.memory_space<vmem_shared>> -> memref<1x8x128xf32, #tpu.memory_space<vmem_shared>>
    %dma_start3A_35 = tpu.memref_squeeze %dma_start3A_34 : memref<1x8x128xf32, #tpu.memory_space<vmem_shared>> -> memref<8x128xf32, #tpu.memory_space<vmem_shared>>
    %dma_start3A_36 = arith.constant 16 : i32
    %dma_start3A_37 = arith.constant 0 : i32
    %dma_start3A_38 = tpu.memref_slice %arg5[%arg1, %dma_start3A_36, %dma_start3A_37] : memref<16x321x128xf32, #tpu.memory_space<vmem_shared>> -> memref<1x8x128xf32, #tpu.memory_space<vmem_shared>>
    %dma_start3A_39 = tpu.memref_squeeze %dma_start3A_38 : memref<1x8x128xf32, #tpu.memory_space<vmem_shared>> -> memref<8x128xf32, #tpu.memory_space<vmem_shared>>
    tpu.enqueue_dma source(%arg15 : memref<8x128xf32, #tpu.memory_space<vmem>>) target(%dma_start3A_39 : memref<8x128xf32, #tpu.memory_space<vmem_shared>>) target_semaphore(%arg16 : memref<!tpu.dma_semaphore, #tpu.memory_space<semaphore_mem>>)
    %dma_start3A_40 = arith.constant 24 : i32
    %dma_start3A_41 = arith.constant 0 : i32
    %dma_start3A_42 = tpu.memref_slice %arg5[%arg1, %dma_start3A_40, %dma_start3A_41] : memref<16x321x128xf32, #tpu.memory_space<vmem_shared>> -> memref<1x8x128xf32, #tpu.memory_space<vmem_shared>>
    %dma_start3A_43 = tpu.memref_squeeze %dma_start3A_42 : memref<1x8x128xf32, #tpu.memory_space<vmem_shared>> -> memref<8x128xf32, #tpu.memory_space<vmem_shared>>
    %dma_start3A_44 = arith.constant 24 : i32
    %dma_start3A_45 = arith.constant 0 : i32
    %dma_start3A_46 = tpu.memref_slice %arg5[%arg1, %dma_start3A_44, %dma_start3A_45] : memref<16x321x128xf32, #tpu.memory_space<vmem_shared>> -> memref<1x8x128xf32, #tpu.memory_space<vmem_shared>>
    %dma_start3A_47 = tpu.memref_squeeze %dma_start3A_46 : memref<1x8x128xf32, #tpu.memory_space<vmem_shared>> -> memref<8x128xf32, #tpu.memory_space<vmem_shared>>
    tpu.enqueue_dma source(%arg15 : memref<8x128xf32, #tpu.memory_space<vmem>>) target(%dma_start3A_47 : memref<8x128xf32, #tpu.memory_space<vmem_shared>>) target_semaphore(%arg16 : memref<!tpu.dma_semaphore, #tpu.memory_space<semaphore_mem>>)
    %dma_start3A_48 = arith.constant 32 : i32
    %dma_start3A_49 = arith.constant 0 : i32
    %dma_start3A_50 = tpu.memref_slice %arg5[%arg1, %dma_start3A_48, %dma_start3A_49] : memref<16x321x128xf32, #tpu.memory_space<vmem_shared>> -> memref<1x8x128xf32, #tpu.memory_space<vmem_shared>>
    %dma_start3A_51 = tpu.memref_squeeze %dma_start3A_50 : memref<1x8x128xf32, #tpu.memory_space<vmem_shared>> -> memref<8x128xf32, #tpu.memory_space<vmem_shared>>
    %dma_start3A_52 = arith.constant 32 : i32
    %dma_start3A_53 = arith.constant 0 : i32
    %dma_start3A_54 = tpu.memref_slice %arg5[%arg1, %dma_start3A_52, %dma_start3A_53] : memref<16x321x128xf32, #tpu.memory_space<vmem_shared>> -> memref<1x8x128xf32, #tpu.memory_space<vmem_shared>>
    %dma_start3A_55 = tpu.memref_squeeze %dma_start3A_54 : memref<1x8x128xf32, #tpu.memory_space<vmem_shared>> -> memref<8x128xf32, #tpu.memory_space<vmem_shared>>
    tpu.enqueue_dma source(%arg15 : memref<8x128xf32, #tpu.memory_space<vmem>>) target(%dma_start3A_55 : memref<8x128xf32, #tpu.memory_space<vmem_shared>>) target_semaphore(%arg16 : memref<!tpu.dma_semaphore, #tpu.memory_space<semaphore_mem>>)
    %dma_start3A_56 = arith.constant 40 : i32
    %dma_start3A_57 = arith.constant 0 : i32
    %dma_start3A_58 = tpu.memref_slice %arg5[%arg1, %dma_start3A_56, %dma_start3A_57] : memref<16x321x128xf32, #tpu.memory_space<vmem_shared>> -> memref<1x8x128xf32, #tpu.memory_space<vmem_shared>>
    %dma_start3A_59 = tpu.memref_squeeze %dma_start3A_58 : memref<1x8x128xf32, #tpu.memory_space<vmem_shared>> -> memref<8x128xf32, #tpu.memory_space<vmem_shared>>
    %dma_start3A_60 = arith.constant 40 : i32
    %dma_start3A_61 = arith.constant 0 : i32
    %dma_start3A_62 = tpu.memref_slice %arg5[%arg1, %dma_start3A_60, %dma_start3A_61] : memref<16x321x128xf32, #tpu.memory_space<vmem_shared>> -> memref<1x8x128xf32, #tpu.memory_space<vmem_shared>>
    %dma_start3A_63 = tpu.memref_squeeze %dma_start3A_62 : memref<1x8x128xf32, #tpu.memory_space<vmem_shared>> -> memref<8x128xf32, #tpu.memory_space<vmem_shared>>
    tpu.enqueue_dma source(%arg15 : memref<8x128xf32, #tpu.memory_space<vmem>>) target(%dma_start3A_63 : memref<8x128xf32, #tpu.memory_space<vmem_shared>>) target_semaphore(%arg16 : memref<!tpu.dma_semaphore, #tpu.memory_space<semaphore_mem>>)
    %dma_start3A_64 = arith.constant 48 : i32
    %dma_start3A_65 = arith.constant 0 : i32
    %dma_start3A_66 = tpu.memref_slice %arg5[%arg1, %dma_start3A_64, %dma_start3A_65] : memref<16x321x128xf32, #tpu.memory_space<vmem_shared>> -> memref<1x8x128xf32, #tpu.memory_space<vmem_shared>>
    %dma_start3A_67 = tpu.memref_squeeze %dma_start3A_66 : memref<1x8x128xf32, #tpu.memory_space<vmem_shared>> -> memref<8x128xf32, #tpu.memory_space<vmem_shared>>
    %dma_start3A_68 = arith.constant 48 : i32
    %dma_start3A_69 = arith.constant 0 : i32
    %dma_start3A_70 = tpu.memref_slice %arg5[%arg1, %dma_start3A_68, %dma_start3A_69] : memref<16x321x128xf32, #tpu.memory_space<vmem_shared>> -> memref<1x8x128xf32, #tpu.memory_space<vmem_shared>>
    %dma_start3A_71 = tpu.memref_squeeze %dma_start3A_70 : memref<1x8x128xf32, #tpu.memory_space<vmem_shared>> -> memref<8x128xf32, #tpu.memory_space<vmem_shared>>
    tpu.enqueue_dma source(%arg15 : memref<8x128xf32, #tpu.memory_space<vmem>>) target(%dma_start3A_71 : memref<8x128xf32, #tpu.memory_space<vmem_shared>>) target_semaphore(%arg16 : memref<!tpu.dma_semaphore, #tpu.memory_space<semaphore_mem>>)
    %dma_start3A_72 = arith.constant 56 : i32
    %dma_start3A_73 = arith.constant 0 : i32
    %dma_start3A_74 = tpu.memref_slice %arg5[%arg1, %dma_start3A_72, %dma_start3A_73] : memref<16x321x128xf32, #tpu.memory_space<vmem_shared>> -> memref<1x8x128xf32, #tpu.memory_space<vmem_shared>>
    %dma_start3A_75 = tpu.memref_squeeze %dma_start3A_74 : memref<1x8x128xf32, #tpu.memory_space<vmem_shared>> -> memref<8x128xf32, #tpu.memory_space<vmem_shared>>
    %dma_start3A_76 = arith.constant 56 : i32
    %dma_start3A_77 = arith.constant 0 : i32
    %dma_start3A_78 = tpu.memref_slice %arg5[%arg1, %dma_start3A_76, %dma_start3A_77] : memref<16x321x128xf32, #tpu.memory_space<vmem_shared>> -> memref<1x8x128xf32, #tpu.memory_space<vmem_shared>>
    %dma_start3A_79 = tpu.memref_squeeze %dma_start3A_78 : memref<1x8x128xf32, #tpu.memory_space<vmem_shared>> -> memref<8x128xf32, #tpu.memory_space<vmem_shared>>
    tpu.enqueue_dma source(%arg15 : memref<8x128xf32, #tpu.memory_space<vmem>>) target(%dma_start3A_79 : memref<8x128xf32, #tpu.memory_space<vmem_shared>>) target_semaphore(%arg16 : memref<!tpu.dma_semaphore, #tpu.memory_space<semaphore_mem>>)
    %dma_start3A_80 = arith.constant 64 : i32
    %dma_start3A_81 = arith.constant 0 : i32
    %dma_start3A_82 = tpu.memref_slice %arg5[%arg1, %dma_start3A_80, %dma_start3A_81] : memref<16x321x128xf32, #tpu.memory_space<vmem_shared>> -> memref<1x8x128xf32, #tpu.memory_space<vmem_shared>>
    %dma_start3A_83 = tpu.memref_squeeze %dma_start3A_82 : memref<1x8x128xf32, #tpu.memory_space<vmem_shared>> -> memref<8x128xf32, #tpu.memory_space<vmem_shared>>
    %dma_start3A_84 = arith.constant 64 : i32
    %dma_start3A_85 = arith.constant 0 : i32
    %dma_start3A_86 = tpu.memref_slice %arg5[%arg1, %dma_start3A_84, %dma_start3A_85] : memref<16x321x128xf32, #tpu.memory_space<vmem_shared>> -> memref<1x8x128xf32, #tpu.memory_space<vmem_shared>>
    %dma_start3A_87 = tpu.memref_squeeze %dma_start3A_86 : memref<1x8x128xf32, #tpu.memory_space<vmem_shared>> -> memref<8x128xf32, #tpu.memory_space<vmem_shared>>
    tpu.enqueue_dma source(%arg15 : memref<8x128xf32, #tpu.memory_space<vmem>>) target(%dma_start3A_87 : memref<8x128xf32, #tpu.memory_space<vmem_shared>>) target_semaphore(%arg16 : memref<!tpu.dma_semaphore, #tpu.memory_space<semaphore_mem>>)
    %dma_start3A_88 = arith.constant 72 : i32
    %dma_start3A_89 = arith.constant 0 : i32
    %dma_start3A_90 = tpu.memref_slice %arg5[%arg1, %dma_start3A_88, %dma_start3A_89] : memref<16x321x128xf32, #tpu.memory_space<vmem_shared>> -> memref<1x8x128xf32, #tpu.memory_space<vmem_shared>>
    %dma_start3A_91 = tpu.memref_squeeze %dma_start3A_90 : memref<1x8x128xf32, #tpu.memory_space<vmem_shared>> -> memref<8x128xf32, #tpu.memory_space<vmem_shared>>
    %dma_start3A_92 = arith.constant 72 : i32
    %dma_start3A_93 = arith.constant 0 : i32
    %dma_start3A_94 = tpu.memref_slice %arg5[%arg1, %dma_start3A_92, %dma_start3A_93] : memref<16x321x128xf32, #tpu.memory_space<vmem_shared>> -> memref<1x8x128xf32, #tpu.memory_space<vmem_shared>>
    %dma_start3A_95 = tpu.memref_squeeze %dma_start3A_94 : memref<1x8x128xf32, #tpu.memory_space<vmem_shared>> -> memref<8x128xf32, #tpu.memory_space<vmem_shared>>
    tpu.enqueue_dma source(%arg15 : memref<8x128xf32, #tpu.memory_space<vmem>>) target(%dma_start3A_95 : memref<8x128xf32, #tpu.memory_space<vmem_shared>>) target_semaphore(%arg16 : memref<!tpu.dma_semaphore, #tpu.memory_space<semaphore_mem>>)
    %dma_start3A_96 = arith.constant 80 : i32
    %dma_start3A_97 = arith.constant 0 : i32
    %dma_start3A_98 = tpu.memref_slice %arg5[%arg1, %dma_start3A_96, %dma_start3A_97] : memref<16x321x128xf32, #tpu.memory_space<vmem_shared>> -> memref<1x8x128xf32, #tpu.memory_space<vmem_shared>>
    %dma_start3A_99 = tpu.memref_squeeze %dma_start3A_98 : memref<1x8x128xf32, #tpu.memory_space<vmem_shared>> -> memref<8x128xf32, #tpu.memory_space<vmem_shared>>
    %dma_start3A_100 = arith.constant 80 : i32
    %dma_start3A_101 = arith.constant 0 : i32
    %dma_start3A_102 = tpu.memref_slice %arg5[%arg1, %dma_start3A_100, %dma_start3A_101] : memref<16x321x128xf32, #tpu.memory_space<vmem_shared>> -> memref<1x8x128xf32, #tpu.memory_space<vmem_shared>>
    %dma_start3A_103 = tpu.memref_squeeze %dma_start3A_102 : memref<1x8x128xf32, #tpu.memory_space<vmem_shared>> -> memref<8x128xf32, #tpu.memory_space<vmem_shared>>
    tpu.enqueue_dma source(%arg15 : memref<8x128xf32, #tpu.memory_space<vmem>>) target(%dma_start3A_103 : memref<8x128xf32, #tpu.memory_space<vmem_shared>>) target_semaphore(%arg16 : memref<!tpu.dma_semaphore, #tpu.memory_space<semaphore_mem>>)
    %dma_start3A_104 = arith.constant 88 : i32
    %dma_start3A_105 = arith.constant 0 : i32
    %dma_start3A_106 = tpu.memref_slice %arg5[%arg1, %dma_start3A_104, %dma_start3A_105] : memref<16x321x128xf32, #tpu.memory_space<vmem_shared>> -> memref<1x8x128xf32, #tpu.memory_space<vmem_shared>>
    %dma_start3A_107 = tpu.memref_squeeze %dma_start3A_106 : memref<1x8x128xf32, #tpu.memory_space<vmem_shared>> -> memref<8x128xf32, #tpu.memory_space<vmem_shared>>
    %dma_start3A_108 = arith.constant 88 : i32
    %dma_start3A_109 = arith.constant 0 : i32
    %dma_start3A_110 = tpu.memref_slice %arg5[%arg1, %dma_start3A_108, %dma_start3A_109] : memref<16x321x128xf32, #tpu.memory_space<vmem_shared>> -> memref<1x8x128xf32, #tpu.memory_space<vmem_shared>>
    %dma_start3A_111 = tpu.memref_squeeze %dma_start3A_110 : memref<1x8x128xf32, #tpu.memory_space<vmem_shared>> -> memref<8x128xf32, #tpu.memory_space<vmem_shared>>
    tpu.enqueue_dma source(%arg15 : memref<8x128xf32, #tpu.memory_space<vmem>>) target(%dma_start3A_111 : memref<8x128xf32, #tpu.memory_space<vmem_shared>>) target_semaphore(%arg16 : memref<!tpu.dma_semaphore, #tpu.memory_space<semaphore_mem>>)
    %dma_start3A_112 = arith.constant 96 : i32
    %dma_start3A_113 = arith.constant 0 : i32
    %dma_start3A_114 = tpu.memref_slice %arg5[%arg1, %dma_start3A_112, %dma_start3A_113] : memref<16x321x128xf32, #tpu.memory_space<vmem_shared>> -> memref<1x8x128xf32, #tpu.memory_space<vmem_shared>>
    %dma_start3A_115 = tpu.memref_squeeze %dma_start3A_114 : memref<1x8x128xf32, #tpu.memory_space<vmem_shared>> -> memref<8x128xf32, #tpu.memory_space<vmem_shared>>
    %dma_start3A_116 = arith.constant 96 : i32
    %dma_start3A_117 = arith.constant 0 : i32
    %dma_start3A_118 = tpu.memref_slice %arg5[%arg1, %dma_start3A_116, %dma_start3A_117] : memref<16x321x128xf32, #tpu.memory_space<vmem_shared>> -> memref<1x8x128xf32, #tpu.memory_space<vmem_shared>>
    %dma_start3A_119 = tpu.memref_squeeze %dma_start3A_118 : memref<1x8x128xf32, #tpu.memory_space<vmem_shared>> -> memref<8x128xf32, #tpu.memory_space<vmem_shared>>
    tpu.enqueue_dma source(%arg15 : memref<8x128xf32, #tpu.memory_space<vmem>>) target(%dma_start3A_119 : memref<8x128xf32, #tpu.memory_space<vmem_shared>>) target_semaphore(%arg16 : memref<!tpu.dma_semaphore, #tpu.memory_space<semaphore_mem>>)
    %dma_start3A_120 = arith.constant 104 : i32
    %dma_start3A_121 = arith.constant 0 : i32
    %dma_start3A_122 = tpu.memref_slice %arg5[%arg1, %dma_start3A_120, %dma_start3A_121] : memref<16x321x128xf32, #tpu.memory_space<vmem_shared>> -> memref<1x8x128xf32, #tpu.memory_space<vmem_shared>>
    %dma_start3A_123 = tpu.memref_squeeze %dma_start3A_122 : memref<1x8x128xf32, #tpu.memory_space<vmem_shared>> -> memref<8x128xf32, #tpu.memory_space<vmem_shared>>
    %dma_start3A_124 = arith.constant 104 : i32
    %dma_start3A_125 = arith.constant 0 : i32
    %dma_start3A_126 = tpu.memref_slice %arg5[%arg1, %dma_start3A_124, %dma_start3A_125] : memref<16x321x128xf32, #tpu.memory_space<vmem_shared>> -> memref<1x8x128xf32, #tpu.memory_space<vmem_shared>>
    %dma_start3A_127 = tpu.memref_squeeze %dma_start3A_126 : memref<1x8x128xf32, #tpu.memory_space<vmem_shared>> -> memref<8x128xf32, #tpu.memory_space<vmem_shared>>
    tpu.enqueue_dma source(%arg15 : memref<8x128xf32, #tpu.memory_space<vmem>>) target(%dma_start3A_127 : memref<8x128xf32, #tpu.memory_space<vmem_shared>>) target_semaphore(%arg16 : memref<!tpu.dma_semaphore, #tpu.memory_space<semaphore_mem>>)
    %dma_start3A_128 = arith.constant 112 : i32
    %dma_start3A_129 = arith.constant 0 : i32
    %dma_start3A_130 = tpu.memref_slice %arg5[%arg1, %dma_start3A_128, %dma_start3A_129] : memref<16x321x128xf32, #tpu.memory_space<vmem_shared>> -> memref<1x8x128xf32, #tpu.memory_space<vmem_shared>>
    %dma_start3A_131 = tpu.memref_squeeze %dma_start3A_130 : memref<1x8x128xf32, #tpu.memory_space<vmem_shared>> -> memref<8x128xf32, #tpu.memory_space<vmem_shared>>
    %dma_start3A_132 = arith.constant 112 : i32
    %dma_start3A_133 = arith.constant 0 : i32
    %dma_start3A_134 = tpu.memref_slice %arg5[%arg1, %dma_start3A_132, %dma_start3A_133] : memref<16x321x128xf32, #tpu.memory_space<vmem_shared>> -> memref<1x8x128xf32, #tpu.memory_space<vmem_shared>>
    %dma_start3A_135 = tpu.memref_squeeze %dma_start3A_134 : memref<1x8x128xf32, #tpu.memory_space<vmem_shared>> -> memref<8x128xf32, #tpu.memory_space<vmem_shared>>
    tpu.enqueue_dma source(%arg15 : memref<8x128xf32, #tpu.memory_space<vmem>>) target(%dma_start3A_135 : memref<8x128xf32, #tpu.memory_space<vmem_shared>>) target_semaphore(%arg16 : memref<!tpu.dma_semaphore, #tpu.memory_space<semaphore_mem>>)
    %dma_start3A_136 = arith.constant 120 : i32
    %dma_start3A_137 = arith.constant 0 : i32
    %dma_start3A_138 = tpu.memref_slice %arg5[%arg1, %dma_start3A_136, %dma_start3A_137] : memref<16x321x128xf32, #tpu.memory_space<vmem_shared>> -> memref<1x8x128xf32, #tpu.memory_space<vmem_shared>>
    %dma_start3A_139 = tpu.memref_squeeze %dma_start3A_138 : memref<1x8x128xf32, #tpu.memory_space<vmem_shared>> -> memref<8x128xf32, #tpu.memory_space<vmem_shared>>
    %dma_start3A_140 = arith.constant 120 : i32
    %dma_start3A_141 = arith.constant 0 : i32
    %dma_start3A_142 = tpu.memref_slice %arg5[%arg1, %dma_start3A_140, %dma_start3A_141] : memref<16x321x128xf32, #tpu.memory_space<vmem_shared>> -> memref<1x8x128xf32, #tpu.memory_space<vmem_shared>>
    %dma_start3A_143 = tpu.memref_squeeze %dma_start3A_142 : memref<1x8x128xf32, #tpu.memory_space<vmem_shared>> -> memref<8x128xf32, #tpu.memory_space<vmem_shared>>
    tpu.enqueue_dma source(%arg15 : memref<8x128xf32, #tpu.memory_space<vmem>>) target(%dma_start3A_143 : memref<8x128xf32, #tpu.memory_space<vmem_shared>>) target_semaphore(%arg16 : memref<!tpu.dma_semaphore, #tpu.memory_space<semaphore_mem>>)
    %dma_start3A_144 = arith.constant 128 : i32
    %dma_start3A_145 = arith.constant 0 : i32
    %dma_start3A_146 = tpu.memref_slice %arg5[%arg1, %dma_start3A_144, %dma_start3A_145] : memref<16x321x128xf32, #tpu.memory_space<vmem_shared>> -> memref<1x8x128xf32, #tpu.memory_space<vmem_shared>>
    %dma_start3A_147 = tpu.memref_squeeze %dma_start3A_146 : memref<1x8x128xf32, #tpu.memory_space<vmem_shared>> -> memref<8x128xf32, #tpu.memory_space<vmem_shared>>
    %dma_start3A_148 = arith.constant 128 : i32
    %dma_start3A_149 = arith.constant 0 : i32
    %dma_start3A_150 = tpu.memref_slice %arg5[%arg1, %dma_start3A_148, %dma_start3A_149] : memref<16x321x128xf32, #tpu.memory_space<vmem_shared>> -> memref<1x8x128xf32, #tpu.memory_space<vmem_shared>>
    %dma_start3A_151 = tpu.memref_squeeze %dma_start3A_150 : memref<1x8x128xf32, #tpu.memory_space<vmem_shared>> -> memref<8x128xf32, #tpu.memory_space<vmem_shared>>
    tpu.enqueue_dma source(%arg15 : memref<8x128xf32, #tpu.memory_space<vmem>>) target(%dma_start3A_151 : memref<8x128xf32, #tpu.memory_space<vmem_shared>>) target_semaphore(%arg16 : memref<!tpu.dma_semaphore, #tpu.memory_space<semaphore_mem>>)
    %dma_start3A_152 = arith.constant 136 : i32
    %dma_start3A_153 = arith.constant 0 : i32
    %dma_start3A_154 = tpu.memref_slice %arg5[%arg1, %dma_start3A_152, %dma_start3A_153] : memref<16x321x128xf32, #tpu.memory_space<vmem_shared>> -> memref<1x8x128xf32, #tpu.memory_space<vmem_shared>>
    %dma_start3A_155 = tpu.memref_squeeze %dma_start3A_154 : memref<1x8x128xf32, #tpu.memory_space<vmem_shared>> -> memref<8x128xf32, #tpu.memory_space<vmem_shared>>
    %dma_start3A_156 = arith.constant 136 : i32
    %dma_start3A_157 = arith.constant 0 : i32
    %dma_start3A_158 = tpu.memref_slice %arg5[%arg1, %dma_start3A_156, %dma_start3A_157] : memref<16x321x128xf32, #tpu.memory_space<vmem_shared>> -> memref<1x8x128xf32, #tpu.memory_space<vmem_shared>>
    %dma_start3A_159 = tpu.memref_squeeze %dma_start3A_158 : memref<1x8x128xf32, #tpu.memory_space<vmem_shared>> -> memref<8x128xf32, #tpu.memory_space<vmem_shared>>
    tpu.enqueue_dma source(%arg15 : memref<8x128xf32, #tpu.memory_space<vmem>>) target(%dma_start3A_159 : memref<8x128xf32, #tpu.memory_space<vmem_shared>>) target_semaphore(%arg16 : memref<!tpu.dma_semaphore, #tpu.memory_space<semaphore_mem>>)
    %dma_start3A_160 = arith.constant 144 : i32
    %dma_start3A_161 = arith.constant 0 : i32
    %dma_start3A_162 = tpu.memref_slice %arg5[%arg1, %dma_start3A_160, %dma_start3A_161] : memref<16x321x128xf32, #tpu.memory_space<vmem_shared>> -> memref<1x8x128xf32, #tpu.memory_space<vmem_shared>>
    %dma_start3A_163 = tpu.memref_squeeze %dma_start3A_162 : memref<1x8x128xf32, #tpu.memory_space<vmem_shared>> -> memref<8x128xf32, #tpu.memory_space<vmem_shared>>
    %dma_start3A_164 = arith.constant 144 : i32
    %dma_start3A_165 = arith.constant 0 : i32
    %dma_start3A_166 = tpu.memref_slice %arg5[%arg1, %dma_start3A_164, %dma_start3A_165] : memref<16x321x128xf32, #tpu.memory_space<vmem_shared>> -> memref<1x8x128xf32, #tpu.memory_space<vmem_shared>>
    %dma_start3A_167 = tpu.memref_squeeze %dma_start3A_166 : memref<1x8x128xf32, #tpu.memory_space<vmem_shared>> -> memref<8x128xf32, #tpu.memory_space<vmem_shared>>
    tpu.enqueue_dma source(%arg15 : memref<8x128xf32, #tpu.memory_space<vmem>>) target(%dma_start3A_167 : memref<8x128xf32, #tpu.memory_space<vmem_shared>>) target_semaphore(%arg16 : memref<!tpu.dma_semaphore, #tpu.memory_space<semaphore_mem>>)
    %dma_start3A_168 = arith.constant 152 : i32
    %dma_start3A_169 = arith.constant 0 : i32
    %dma_start3A_170 = tpu.memref_slice %arg5[%arg1, %dma_start3A_168, %dma_start3A_169] : memref<16x321x128xf32, #tpu.memory_space<vmem_shared>> -> memref<1x8x128xf32, #tpu.memory_space<vmem_shared>>
    %dma_start3A_171 = tpu.memref_squeeze %dma_start3A_170 : memref<1x8x128xf32, #tpu.memory_space<vmem_shared>> -> memref<8x128xf32, #tpu.memory_space<vmem_shared>>
    %dma_start3A_172 = arith.constant 152 : i32
    %dma_start3A_173 = arith.constant 0 : i32
    %dma_start3A_174 = tpu.memref_slice %arg5[%arg1, %dma_start3A_172, %dma_start3A_173] : memref<16x321x128xf32, #tpu.memory_space<vmem_shared>> -> memref<1x8x128xf32, #tpu.memory_space<vmem_shared>>
    %dma_start3A_175 = tpu.memref_squeeze %dma_start3A_174 : memref<1x8x128xf32, #tpu.memory_space<vmem_shared>> -> memref<8x128xf32, #tpu.memory_space<vmem_shared>>
    tpu.enqueue_dma source(%arg15 : memref<8x128xf32, #tpu.memory_space<vmem>>) target(%dma_start3A_175 : memref<8x128xf32, #tpu.memory_space<vmem_shared>>) target_semaphore(%arg16 : memref<!tpu.dma_semaphore, #tpu.memory_space<semaphore_mem>>)
    %dma_start3A_176 = arith.constant 160 : i32
    %dma_start3A_177 = arith.constant 0 : i32
    %dma_start3A_178 = tpu.memref_slice %arg5[%arg1, %dma_start3A_176, %dma_start3A_177] : memref<16x321x128xf32, #tpu.memory_space<vmem_shared>> -> memref<1x8x128xf32, #tpu.memory_space<vmem_shared>>
    %dma_start3A_179 = tpu.memref_squeeze %dma_start3A_178 : memref<1x8x128xf32, #tpu.memory_space<vmem_shared>> -> memref<8x128xf32, #tpu.memory_space<vmem_shared>>
    %dma_start3A_180 = arith.constant 160 : i32
    %dma_start3A_181 = arith.constant 0 : i32
    %dma_start3A_182 = tpu.memref_slice %arg5[%arg1, %dma_start3A_180, %dma_start3A_181] : memref<16x321x128xf32, #tpu.memory_space<vmem_shared>> -> memref<1x8x128xf32, #tpu.memory_space<vmem_shared>>
    %dma_start3A_183 = tpu.memref_squeeze %dma_start3A_182 : memref<1x8x128xf32, #tpu.memory_space<vmem_shared>> -> memref<8x128xf32, #tpu.memory_space<vmem_shared>>
    tpu.enqueue_dma source(%arg15 : memref<8x128xf32, #tpu.memory_space<vmem>>) target(%dma_start3A_183 : memref<8x128xf32, #tpu.memory_space<vmem_shared>>) target_semaphore(%arg16 : memref<!tpu.dma_semaphore, #tpu.memory_space<semaphore_mem>>)
    %dma_start3A_184 = arith.constant 168 : i32
    %dma_start3A_185 = arith.constant 0 : i32
    %dma_start3A_186 = tpu.memref_slice %arg5[%arg1, %dma_start3A_184, %dma_start3A_185] : memref<16x321x128xf32, #tpu.memory_space<vmem_shared>> -> memref<1x8x128xf32, #tpu.memory_space<vmem_shared>>
    %dma_start3A_187 = tpu.memref_squeeze %dma_start3A_186 : memref<1x8x128xf32, #tpu.memory_space<vmem_shared>> -> memref<8x128xf32, #tpu.memory_space<vmem_shared>>
    %dma_start3A_188 = arith.constant 168 : i32
    %dma_start3A_189 = arith.constant 0 : i32
    %dma_start3A_190 = tpu.memref_slice %arg5[%arg1, %dma_start3A_188, %dma_start3A_189] : memref<16x321x128xf32, #tpu.memory_space<vmem_shared>> -> memref<1x8x128xf32, #tpu.memory_space<vmem_shared>>
    %dma_start3A_191 = tpu.memref_squeeze %dma_start3A_190 : memref<1x8x128xf32, #tpu.memory_space<vmem_shared>> -> memref<8x128xf32, #tpu.memory_space<vmem_shared>>
    tpu.enqueue_dma source(%arg15 : memref<8x128xf32, #tpu.memory_space<vmem>>) target(%dma_start3A_191 : memref<8x128xf32, #tpu.memory_space<vmem_shared>>) target_semaphore(%arg16 : memref<!tpu.dma_semaphore, #tpu.memory_space<semaphore_mem>>)
    %dma_start3A_192 = arith.constant 176 : i32
    %dma_start3A_193 = arith.constant 0 : i32
    %dma_start3A_194 = tpu.memref_slice %arg5[%arg1, %dma_start3A_192, %dma_start3A_193] : memref<16x321x128xf32, #tpu.memory_space<vmem_shared>> -> memref<1x8x128xf32, #tpu.memory_space<vmem_shared>>
    %dma_start3A_195 = tpu.memref_squeeze %dma_start3A_194 : memref<1x8x128xf32, #tpu.memory_space<vmem_shared>> -> memref<8x128xf32, #tpu.memory_space<vmem_shared>>
    %dma_start3A_196 = arith.constant 176 : i32
    %dma_start3A_197 = arith.constant 0 : i32
    %dma_start3A_198 = tpu.memref_slice %arg5[%arg1, %dma_start3A_196, %dma_start3A_197] : memref<16x321x128xf32, #tpu.memory_space<vmem_shared>> -> memref<1x8x128xf32, #tpu.memory_space<vmem_shared>>
    %dma_start3A_199 = tpu.memref_squeeze %dma_start3A_198 : memref<1x8x128xf32, #tpu.memory_space<vmem_shared>> -> memref<8x128xf32, #tpu.memory_space<vmem_shared>>
    tpu.enqueue_dma source(%arg15 : memref<8x128xf32, #tpu.memory_space<vmem>>) target(%dma_start3A_199 : memref<8x128xf32, #tpu.memory_space<vmem_shared>>) target_semaphore(%arg16 : memref<!tpu.dma_semaphore, #tpu.memory_space<semaphore_mem>>)
    %dma_start3A_200 = arith.constant 184 : i32
    %dma_start3A_201 = arith.constant 0 : i32
    %dma_start3A_202 = tpu.memref_slice %arg5[%arg1, %dma_start3A_200, %dma_start3A_201] : memref<16x321x128xf32, #tpu.memory_space<vmem_shared>> -> memref<1x8x128xf32, #tpu.memory_space<vmem_shared>>
    %dma_start3A_203 = tpu.memref_squeeze %dma_start3A_202 : memref<1x8x128xf32, #tpu.memory_space<vmem_shared>> -> memref<8x128xf32, #tpu.memory_space<vmem_shared>>
    %dma_start3A_204 = arith.constant 184 : i32
    %dma_start3A_205 = arith.constant 0 : i32
    %dma_start3A_206 = tpu.memref_slice %arg5[%arg1, %dma_start3A_204, %dma_start3A_205] : memref<16x321x128xf32, #tpu.memory_space<vmem_shared>> -> memref<1x8x128xf32, #tpu.memory_space<vmem_shared>>
    %dma_start3A_207 = tpu.memref_squeeze %dma_start3A_206 : memref<1x8x128xf32, #tpu.memory_space<vmem_shared>> -> memref<8x128xf32, #tpu.memory_space<vmem_shared>>
    tpu.enqueue_dma source(%arg15 : memref<8x128xf32, #tpu.memory_space<vmem>>) target(%dma_start3A_207 : memref<8x128xf32, #tpu.memory_space<vmem_shared>>) target_semaphore(%arg16 : memref<!tpu.dma_semaphore, #tpu.memory_space<semaphore_mem>>)
    %dma_start3A_208 = arith.constant 192 : i32
    %dma_start3A_209 = arith.constant 0 : i32
    %dma_start3A_210 = tpu.memref_slice %arg5[%arg1, %dma_start3A_208, %dma_start3A_209] : memref<16x321x128xf32, #tpu.memory_space<vmem_shared>> -> memref<1x8x128xf32, #tpu.memory_space<vmem_shared>>
    %dma_start3A_211 = tpu.memref_squeeze %dma_start3A_210 : memref<1x8x128xf32, #tpu.memory_space<vmem_shared>> -> memref<8x128xf32, #tpu.memory_space<vmem_shared>>
    %dma_start3A_212 = arith.constant 192 : i32
    %dma_start3A_213 = arith.constant 0 : i32
    %dma_start3A_214 = tpu.memref_slice %arg5[%arg1, %dma_start3A_212, %dma_start3A_213] : memref<16x321x128xf32, #tpu.memory_space<vmem_shared>> -> memref<1x8x128xf32, #tpu.memory_space<vmem_shared>>
    %dma_start3A_215 = tpu.memref_squeeze %dma_start3A_214 : memref<1x8x128xf32, #tpu.memory_space<vmem_shared>> -> memref<8x128xf32, #tpu.memory_space<vmem_shared>>
    tpu.enqueue_dma source(%arg15 : memref<8x128xf32, #tpu.memory_space<vmem>>) target(%dma_start3A_215 : memref<8x128xf32, #tpu.memory_space<vmem_shared>>) target_semaphore(%arg16 : memref<!tpu.dma_semaphore, #tpu.memory_space<semaphore_mem>>)
    %dma_start3A_216 = arith.constant 200 : i32
    %dma_start3A_217 = arith.constant 0 : i32
    %dma_start3A_218 = tpu.memref_slice %arg5[%arg1, %dma_start3A_216, %dma_start3A_217] : memref<16x321x128xf32, #tpu.memory_space<vmem_shared>> -> memref<1x8x128xf32, #tpu.memory_space<vmem_shared>>
    %dma_start3A_219 = tpu.memref_squeeze %dma_start3A_218 : memref<1x8x128xf32, #tpu.memory_space<vmem_shared>> -> memref<8x128xf32, #tpu.memory_space<vmem_shared>>
    %dma_start3A_220 = arith.constant 200 : i32
    %dma_start3A_221 = arith.constant 0 : i32
    %dma_start3A_222 = tpu.memref_slice %arg5[%arg1, %dma_start3A_220, %dma_start3A_221] : memref<16x321x128xf32, #tpu.memory_space<vmem_shared>> -> memref<1x8x128xf32, #tpu.memory_space<vmem_shared>>
    %dma_start3A_223 = tpu.memref_squeeze %dma_start3A_222 : memref<1x8x128xf32, #tpu.memory_space<vmem_shared>> -> memref<8x128xf32, #tpu.memory_space<vmem_shared>>
    tpu.enqueue_dma source(%arg15 : memref<8x128xf32, #tpu.memory_space<vmem>>) target(%dma_start3A_223 : memref<8x128xf32, #tpu.memory_space<vmem_shared>>) target_semaphore(%arg16 : memref<!tpu.dma_semaphore, #tpu.memory_space<semaphore_mem>>)
    %dma_start3A_224 = arith.constant 208 : i32
    %dma_start3A_225 = arith.constant 0 : i32
    %dma_start3A_226 = tpu.memref_slice %arg5[%arg1, %dma_start3A_224, %dma_start3A_225] : memref<16x321x128xf32, #tpu.memory_space<vmem_shared>> -> memref<1x8x128xf32, #tpu.memory_space<vmem_shared>>
    %dma_start3A_227 = tpu.memref_squeeze %dma_start3A_226 : memref<1x8x128xf32, #tpu.memory_space<vmem_shared>> -> memref<8x128xf32, #tpu.memory_space<vmem_shared>>
    %dma_start3A_228 = arith.constant 208 : i32
    %dma_start3A_229 = arith.constant 0 : i32
    %dma_start3A_230 = tpu.memref_slice %arg5[%arg1, %dma_start3A_228, %dma_start3A_229] : memref<16x321x128xf32, #tpu.memory_space<vmem_shared>> -> memref<1x8x128xf32, #tpu.memory_space<vmem_shared>>
    %dma_start3A_231 = tpu.memref_squeeze %dma_start3A_230 : memref<1x8x128xf32, #tpu.memory_space<vmem_shared>> -> memref<8x128xf32, #tpu.memory_space<vmem_shared>>
    tpu.enqueue_dma source(%arg15 : memref<8x128xf32, #tpu.memory_space<vmem>>) target(%dma_start3A_231 : memref<8x128xf32, #tpu.memory_space<vmem_shared>>) target_semaphore(%arg16 : memref<!tpu.dma_semaphore, #tpu.memory_space<semaphore_mem>>)
    %dma_start3A_232 = arith.constant 216 : i32
    %dma_start3A_233 = arith.constant 0 : i32
    %dma_start3A_234 = tpu.memref_slice %arg5[%arg1, %dma_start3A_232, %dma_start3A_233] : memref<16x321x128xf32, #tpu.memory_space<vmem_shared>> -> memref<1x8x128xf32, #tpu.memory_space<vmem_shared>>
    %dma_start3A_235 = tpu.memref_squeeze %dma_start3A_234 : memref<1x8x128xf32, #tpu.memory_space<vmem_shared>> -> memref<8x128xf32, #tpu.memory_space<vmem_shared>>
    %dma_start3A_236 = arith.constant 216 : i32
    %dma_start3A_237 = arith.constant 0 : i32
    %dma_start3A_238 = tpu.memref_slice %arg5[%arg1, %dma_start3A_236, %dma_start3A_237] : memref<16x321x128xf32, #tpu.memory_space<vmem_shared>> -> memref<1x8x128xf32, #tpu.memory_space<vmem_shared>>
    %dma_start3A_239 = tpu.memref_squeeze %dma_start3A_238 : memref<1x8x128xf32, #tpu.memory_space<vmem_shared>> -> memref<8x128xf32, #tpu.memory_space<vmem_shared>>
    tpu.enqueue_dma source(%arg15 : memref<8x128xf32, #tpu.memory_space<vmem>>) target(%dma_start3A_239 : memref<8x128xf32, #tpu.memory_space<vmem_shared>>) target_semaphore(%arg16 : memref<!tpu.dma_semaphore, #tpu.memory_space<semaphore_mem>>)
    %dma_start3A_240 = arith.constant 224 : i32
    %dma_start3A_241 = arith.constant 0 : i32
    %dma_start3A_242 = tpu.memref_slice %arg5[%arg1, %dma_start3A_240, %dma_start3A_241] : memref<16x321x128xf32, #tpu.memory_space<vmem_shared>> -> memref<1x8x128xf32, #tpu.memory_space<vmem_shared>>
    %dma_start3A_243 = tpu.memref_squeeze %dma_start3A_242 : memref<1x8x128xf32, #tpu.memory_space<vmem_shared>> -> memref<8x128xf32, #tpu.memory_space<vmem_shared>>
    %dma_start3A_244 = arith.constant 224 : i32
    %dma_start3A_245 = arith.constant 0 : i32
    %dma_start3A_246 = tpu.memref_slice %arg5[%arg1, %dma_start3A_244, %dma_start3A_245] : memref<16x321x128xf32, #tpu.memory_space<vmem_shared>> -> memref<1x8x128xf32, #tpu.memory_space<vmem_shared>>
    %dma_start3A_247 = tpu.memref_squeeze %dma_start3A_246 : memref<1x8x128xf32, #tpu.memory_space<vmem_shared>> -> memref<8x128xf32, #tpu.memory_space<vmem_shared>>
    tpu.enqueue_dma source(%arg15 : memref<8x128xf32, #tpu.memory_space<vmem>>) target(%dma_start3A_247 : memref<8x128xf32, #tpu.memory_space<vmem_shared>>) target_semaphore(%arg16 : memref<!tpu.dma_semaphore, #tpu.memory_space<semaphore_mem>>)
    %dma_start3A_248 = arith.constant 232 : i32
    %dma_start3A_249 = arith.constant 0 : i32
    %dma_start3A_250 = tpu.memref_slice %arg5[%arg1, %dma_start3A_248, %dma_start3A_249] : memref<16x321x128xf32, #tpu.memory_space<vmem_shared>> -> memref<1x8x128xf32, #tpu.memory_space<vmem_shared>>
    %dma_start3A_251 = tpu.memref_squeeze %dma_start3A_250 : memref<1x8x128xf32, #tpu.memory_space<vmem_shared>> -> memref<8x128xf32, #tpu.memory_space<vmem_shared>>
    %dma_start3A_252 = arith.constant 232 : i32
    %dma_start3A_253 = arith.constant 0 : i32
    %dma_start3A_254 = tpu.memref_slice %arg5[%arg1, %dma_start3A_252, %dma_start3A_253] : memref<16x321x128xf32, #tpu.memory_space<vmem_shared>> -> memref<1x8x128xf32, #tpu.memory_space<vmem_shared>>
    %dma_start3A_255 = tpu.memref_squeeze %dma_start3A_254 : memref<1x8x128xf32, #tpu.memory_space<vmem_shared>> -> memref<8x128xf32, #tpu.memory_space<vmem_shared>>
    tpu.enqueue_dma source(%arg15 : memref<8x128xf32, #tpu.memory_space<vmem>>) target(%dma_start3A_255 : memref<8x128xf32, #tpu.memory_space<vmem_shared>>) target_semaphore(%arg16 : memref<!tpu.dma_semaphore, #tpu.memory_space<semaphore_mem>>)
    %dma_start3A_256 = arith.constant 240 : i32
    %dma_start3A_257 = arith.constant 0 : i32
    %dma_start3A_258 = tpu.memref_slice %arg5[%arg1, %dma_start3A_256, %dma_start3A_257] : memref<16x321x128xf32, #tpu.memory_space<vmem_shared>> -> memref<1x8x128xf32, #tpu.memory_space<vmem_shared>>
    %dma_start3A_259 = tpu.memref_squeeze %dma_start3A_258 : memref<1x8x128xf32, #tpu.memory_space<vmem_shared>> -> memref<8x128xf32, #tpu.memory_space<vmem_shared>>
    %dma_start3A_260 = arith.constant 240 : i32
    %dma_start3A_261 = arith.constant 0 : i32
    %dma_start3A_262 = tpu.memref_slice %arg5[%arg1, %dma_start3A_260, %dma_start3A_261] : memref<16x321x128xf32, #tpu.memory_space<vmem_shared>> -> memref<1x8x128xf32, #tpu.memory_space<vmem_shared>>
    %dma_start3A_263 = tpu.memref_squeeze %dma_start3A_262 : memref<1x8x128xf32, #tpu.memory_space<vmem_shared>> -> memref<8x128xf32, #tpu.memory_space<vmem_shared>>
    tpu.enqueue_dma source(%arg15 : memref<8x128xf32, #tpu.memory_space<vmem>>) target(%dma_start3A_263 : memref<8x128xf32, #tpu.memory_space<vmem_shared>>) target_semaphore(%arg16 : memref<!tpu.dma_semaphore, #tpu.memory_space<semaphore_mem>>)
    %dma_start3A_264 = arith.constant 248 : i32
    %dma_start3A_265 = arith.constant 0 : i32
    %dma_start3A_266 = tpu.memref_slice %arg5[%arg1, %dma_start3A_264, %dma_start3A_265] : memref<16x321x128xf32, #tpu.memory_space<vmem_shared>> -> memref<1x8x128xf32, #tpu.memory_space<vmem_shared>>
    %dma_start3A_267 = tpu.memref_squeeze %dma_start3A_266 : memref<1x8x128xf32, #tpu.memory_space<vmem_shared>> -> memref<8x128xf32, #tpu.memory_space<vmem_shared>>
    %dma_start3A_268 = arith.constant 248 : i32
    %dma_start3A_269 = arith.constant 0 : i32
    %dma_start3A_270 = tpu.memref_slice %arg5[%arg1, %dma_start3A_268, %dma_start3A_269] : memref<16x321x128xf32, #tpu.memory_space<vmem_shared>> -> memref<1x8x128xf32, #tpu.memory_space<vmem_shared>>
    %dma_start3A_271 = tpu.memref_squeeze %dma_start3A_270 : memref<1x8x128xf32, #tpu.memory_space<vmem_shared>> -> memref<8x128xf32, #tpu.memory_space<vmem_shared>>
    tpu.enqueue_dma source(%arg15 : memref<8x128xf32, #tpu.memory_space<vmem>>) target(%dma_start3A_271 : memref<8x128xf32, #tpu.memory_space<vmem_shared>>) target_semaphore(%arg16 : memref<!tpu.dma_semaphore, #tpu.memory_space<semaphore_mem>>)
    %dma_start3A_272 = arith.constant 256 : i32
    %dma_start3A_273 = arith.constant 0 : i32
    %dma_start3A_274 = tpu.memref_slice %arg5[%arg1, %dma_start3A_272, %dma_start3A_273] : memref<16x321x128xf32, #tpu.memory_space<vmem_shared>> -> memref<1x8x128xf32, #tpu.memory_space<vmem_shared>>
    %dma_start3A_275 = tpu.memref_squeeze %dma_start3A_274 : memref<1x8x128xf32, #tpu.memory_space<vmem_shared>> -> memref<8x128xf32, #tpu.memory_space<vmem_shared>>
    %dma_start3A_276 = arith.constant 256 : i32
    %dma_start3A_277 = arith.constant 0 : i32
    %dma_start3A_278 = tpu.memref_slice %arg5[%arg1, %dma_start3A_276, %dma_start3A_277] : memref<16x321x128xf32, #tpu.memory_space<vmem_shared>> -> memref<1x8x128xf32, #tpu.memory_space<vmem_shared>>
    %dma_start3A_279 = tpu.memref_squeeze %dma_start3A_278 : memref<1x8x128xf32, #tpu.memory_space<vmem_shared>> -> memref<8x128xf32, #tpu.memory_space<vmem_shared>>
    tpu.enqueue_dma source(%arg15 : memref<8x128xf32, #tpu.memory_space<vmem>>) target(%dma_start3A_279 : memref<8x128xf32, #tpu.memory_space<vmem_shared>>) target_semaphore(%arg16 : memref<!tpu.dma_semaphore, #tpu.memory_space<semaphore_mem>>)
    %dma_start3A_280 = arith.constant 264 : i32
    %dma_start3A_281 = arith.constant 0 : i32
    %dma_start3A_282 = tpu.memref_slice %arg5[%arg1, %dma_start3A_280, %dma_start3A_281] : memref<16x321x128xf32, #tpu.memory_space<vmem_shared>> -> memref<1x8x128xf32, #tpu.memory_space<vmem_shared>>
    %dma_start3A_283 = tpu.memref_squeeze %dma_start3A_282 : memref<1x8x128xf32, #tpu.memory_space<vmem_shared>> -> memref<8x128xf32, #tpu.memory_space<vmem_shared>>
    %dma_start3A_284 = arith.constant 264 : i32
    %dma_start3A_285 = arith.constant 0 : i32
    %dma_start3A_286 = tpu.memref_slice %arg5[%arg1, %dma_start3A_284, %dma_start3A_285] : memref<16x321x128xf32, #tpu.memory_space<vmem_shared>> -> memref<1x8x128xf32, #tpu.memory_space<vmem_shared>>
    %dma_start3A_287 = tpu.memref_squeeze %dma_start3A_286 : memref<1x8x128xf32, #tpu.memory_space<vmem_shared>> -> memref<8x128xf32, #tpu.memory_space<vmem_shared>>
    tpu.enqueue_dma source(%arg15 : memref<8x128xf32, #tpu.memory_space<vmem>>) target(%dma_start3A_287 : memref<8x128xf32, #tpu.memory_space<vmem_shared>>) target_semaphore(%arg16 : memref<!tpu.dma_semaphore, #tpu.memory_space<semaphore_mem>>)
    %dma_start3A_288 = arith.constant 272 : i32
    %dma_start3A_289 = arith.constant 0 : i32
    %dma_start3A_290 = tpu.memref_slice %arg5[%arg1, %dma_start3A_288, %dma_start3A_289] : memref<16x321x128xf32, #tpu.memory_space<vmem_shared>> -> memref<1x8x128xf32, #tpu.memory_space<vmem_shared>>
    %dma_start3A_291 = tpu.memref_squeeze %dma_start3A_290 : memref<1x8x128xf32, #tpu.memory_space<vmem_shared>> -> memref<8x128xf32, #tpu.memory_space<vmem_shared>>
    %dma_start3A_292 = arith.constant 272 : i32
    %dma_start3A_293 = arith.constant 0 : i32
    %dma_start3A_294 = tpu.memref_slice %arg5[%arg1, %dma_start3A_292, %dma_start3A_293] : memref<16x321x128xf32, #tpu.memory_space<vmem_shared>> -> memref<1x8x128xf32, #tpu.memory_space<vmem_shared>>
    %dma_start3A_295 = tpu.memref_squeeze %dma_start3A_294 : memref<1x8x128xf32, #tpu.memory_space<vmem_shared>> -> memref<8x128xf32, #tpu.memory_space<vmem_shared>>
    tpu.enqueue_dma source(%arg15 : memref<8x128xf32, #tpu.memory_space<vmem>>) target(%dma_start3A_295 : memref<8x128xf32, #tpu.memory_space<vmem_shared>>) target_semaphore(%arg16 : memref<!tpu.dma_semaphore, #tpu.memory_space<semaphore_mem>>)
    %dma_start3A_296 = arith.constant 280 : i32
    %dma_start3A_297 = arith.constant 0 : i32
    %dma_start3A_298 = tpu.memref_slice %arg5[%arg1, %dma_start3A_296, %dma_start3A_297] : memref<16x321x128xf32, #tpu.memory_space<vmem_shared>> -> memref<1x8x128xf32, #tpu.memory_space<vmem_shared>>
    %dma_start3A_299 = tpu.memref_squeeze %dma_start3A_298 : memref<1x8x128xf32, #tpu.memory_space<vmem_shared>> -> memref<8x128xf32, #tpu.memory_space<vmem_shared>>
    %dma_start3A_300 = arith.constant 280 : i32
    %dma_start3A_301 = arith.constant 0 : i32
    %dma_start3A_302 = tpu.memref_slice %arg5[%arg1, %dma_start3A_300, %dma_start3A_301] : memref<16x321x128xf32, #tpu.memory_space<vmem_shared>> -> memref<1x8x128xf32, #tpu.memory_space<vmem_shared>>
    %dma_start3A_303 = tpu.memref_squeeze %dma_start3A_302 : memref<1x8x128xf32, #tpu.memory_space<vmem_shared>> -> memref<8x128xf32, #tpu.memory_space<vmem_shared>>
    tpu.enqueue_dma source(%arg15 : memref<8x128xf32, #tpu.memory_space<vmem>>) target(%dma_start3A_303 : memref<8x128xf32, #tpu.memory_space<vmem_shared>>) target_semaphore(%arg16 : memref<!tpu.dma_semaphore, #tpu.memory_space<semaphore_mem>>)
    %dma_start3A_304 = arith.constant 288 : i32
    %dma_start3A_305 = arith.constant 0 : i32
    %dma_start3A_306 = tpu.memref_slice %arg5[%arg1, %dma_start3A_304, %dma_start3A_305] : memref<16x321x128xf32, #tpu.memory_space<vmem_shared>> -> memref<1x8x128xf32, #tpu.memory_space<vmem_shared>>
    %dma_start3A_307 = tpu.memref_squeeze %dma_start3A_306 : memref<1x8x128xf32, #tpu.memory_space<vmem_shared>> -> memref<8x128xf32, #tpu.memory_space<vmem_shared>>
    %dma_start3A_308 = arith.constant 288 : i32
    %dma_start3A_309 = arith.constant 0 : i32
    %dma_start3A_310 = tpu.memref_slice %arg5[%arg1, %dma_start3A_308, %dma_start3A_309] : memref<16x321x128xf32, #tpu.memory_space<vmem_shared>> -> memref<1x8x128xf32, #tpu.memory_space<vmem_shared>>
    %dma_start3A_311 = tpu.memref_squeeze %dma_start3A_310 : memref<1x8x128xf32, #tpu.memory_space<vmem_shared>> -> memref<8x128xf32, #tpu.memory_space<vmem_shared>>
    tpu.enqueue_dma source(%arg15 : memref<8x128xf32, #tpu.memory_space<vmem>>) target(%dma_start3A_311 : memref<8x128xf32, #tpu.memory_space<vmem_shared>>) target_semaphore(%arg16 : memref<!tpu.dma_semaphore, #tpu.memory_space<semaphore_mem>>)
    %dma_start3A_312 = arith.constant 296 : i32
    %dma_start3A_313 = arith.constant 0 : i32
    %dma_start3A_314 = tpu.memref_slice %arg5[%arg1, %dma_start3A_312, %dma_start3A_313] : memref<16x321x128xf32, #tpu.memory_space<vmem_shared>> -> memref<1x8x128xf32, #tpu.memory_space<vmem_shared>>
    %dma_start3A_315 = tpu.memref_squeeze %dma_start3A_314 : memref<1x8x128xf32, #tpu.memory_space<vmem_shared>> -> memref<8x128xf32, #tpu.memory_space<vmem_shared>>
    %dma_start3A_316 = arith.constant 296 : i32
    %dma_start3A_317 = arith.constant 0 : i32
    %dma_start3A_318 = tpu.memref_slice %arg5[%arg1, %dma_start3A_316, %dma_start3A_317] : memref<16x321x128xf32, #tpu.memory_space<vmem_shared>> -> memref<1x8x128xf32, #tpu.memory_space<vmem_shared>>
    %dma_start3A_319 = tpu.memref_squeeze %dma_start3A_318 : memref<1x8x128xf32, #tpu.memory_space<vmem_shared>> -> memref<8x128xf32, #tpu.memory_space<vmem_shared>>
    tpu.enqueue_dma source(%arg15 : memref<8x128xf32, #tpu.memory_space<vmem>>) target(%dma_start3A_319 : memref<8x128xf32, #tpu.memory_space<vmem_shared>>) target_semaphore(%arg16 : memref<!tpu.dma_semaphore, #tpu.memory_space<semaphore_mem>>)
    %dma_start3A_320 = arith.constant 304 : i32
    %dma_start3A_321 = arith.constant 0 : i32
    %dma_start3A_322 = tpu.memref_slice %arg5[%arg1, %dma_start3A_320, %dma_start3A_321] : memref<16x321x128xf32, #tpu.memory_space<vmem_shared>> -> memref<1x8x128xf32, #tpu.memory_space<vmem_shared>>
    %dma_start3A_323 = tpu.memref_squeeze %dma_start3A_322 : memref<1x8x128xf32, #tpu.memory_space<vmem_shared>> -> memref<8x128xf32, #tpu.memory_space<vmem_shared>>
    %dma_start3A_324 = arith.constant 304 : i32
    %dma_start3A_325 = arith.constant 0 : i32
    %dma_start3A_326 = tpu.memref_slice %arg5[%arg1, %dma_start3A_324, %dma_start3A_325] : memref<16x321x128xf32, #tpu.memory_space<vmem_shared>> -> memref<1x8x128xf32, #tpu.memory_space<vmem_shared>>
    %dma_start3A_327 = tpu.memref_squeeze %dma_start3A_326 : memref<1x8x128xf32, #tpu.memory_space<vmem_shared>> -> memref<8x128xf32, #tpu.memory_space<vmem_shared>>
    tpu.enqueue_dma source(%arg15 : memref<8x128xf32, #tpu.memory_space<vmem>>) target(%dma_start3A_327 : memref<8x128xf32, #tpu.memory_space<vmem_shared>>) target_semaphore(%arg16 : memref<!tpu.dma_semaphore, #tpu.memory_space<semaphore_mem>>)
    %dma_start3A_328 = arith.constant 312 : i32
    %dma_start3A_329 = arith.constant 0 : i32
    %dma_start3A_330 = tpu.memref_slice %arg5[%arg1, %dma_start3A_328, %dma_start3A_329] : memref<16x321x128xf32, #tpu.memory_space<vmem_shared>> -> memref<1x8x128xf32, #tpu.memory_space<vmem_shared>>
    %dma_start3A_331 = tpu.memref_squeeze %dma_start3A_330 : memref<1x8x128xf32, #tpu.memory_space<vmem_shared>> -> memref<8x128xf32, #tpu.memory_space<vmem_shared>>
    %dma_start3A_332 = arith.constant 312 : i32
    %dma_start3A_333 = arith.constant 0 : i32
    %dma_start3A_334 = tpu.memref_slice %arg5[%arg1, %dma_start3A_332, %dma_start3A_333] : memref<16x321x128xf32, #tpu.memory_space<vmem_shared>> -> memref<1x8x128xf32, #tpu.memory_space<vmem_shared>>
    %dma_start3A_335 = tpu.memref_squeeze %dma_start3A_334 : memref<1x8x128xf32, #tpu.memory_space<vmem_shared>> -> memref<8x128xf32, #tpu.memory_space<vmem_shared>>
    tpu.enqueue_dma source(%arg15 : memref<8x128xf32, #tpu.memory_space<vmem>>) target(%dma_start3A_335 : memref<8x128xf32, #tpu.memory_space<vmem_shared>>) target_semaphore(%arg16 : memref<!tpu.dma_semaphore, #tpu.memory_space<semaphore_mem>>)
    %dma_wait3A = arith.constant 0 : i32
    %dma_wait3A_336 = arith.constant 0 : i32
    %dma_wait3A_337 = tpu.memref_slice %arg5[%arg1, %dma_wait3A, %dma_wait3A_336] : memref<16x321x128xf32, #tpu.memory_space<vmem_shared>> -> memref<1x8x128xf32, #tpu.memory_space<vmem_shared>>
    %dma_wait3A_338 = tpu.memref_squeeze %dma_wait3A_337 : memref<1x8x128xf32, #tpu.memory_space<vmem_shared>> -> memref<8x128xf32, #tpu.memory_space<vmem_shared>>
    %dma_wait3A_339 = arith.constant 0 : i32
    %dma_wait3A_340 = arith.constant 0 : i32
    %dma_wait3A_341 = tpu.memref_slice %arg5[%arg1, %dma_wait3A_339, %dma_wait3A_340] : memref<16x321x128xf32, #tpu.memory_space<vmem_shared>> -> memref<1x8x128xf32, #tpu.memory_space<vmem_shared>>
    %dma_wait3A_342 = tpu.memref_squeeze %dma_wait3A_341 : memref<1x8x128xf32, #tpu.memory_space<vmem_shared>> -> memref<8x128xf32, #tpu.memory_space<vmem_shared>>
    tpu.wait_dma2 semaphore(%arg16 : memref<!tpu.dma_semaphore, #tpu.memory_space<semaphore_mem>>) src(%arg15 : memref<8x128xf32, #tpu.memory_space<vmem>>) dst(%dma_wait3A_342 : memref<8x128xf32, #tpu.memory_space<vmem_shared>>)
    %dma_wait3A_343 = arith.constant 8 : i32
    %dma_wait3A_344 = arith.constant 0 : i32
    %dma_wait3A_345 = tpu.memref_slice %arg5[%arg1, %dma_wait3A_343, %dma_wait3A_344] : memref<16x321x128xf32, #tpu.memory_space<vmem_shared>> -> memref<1x8x128xf32, #tpu.memory_space<vmem_shared>>
    %dma_wait3A_346 = tpu.memref_squeeze %dma_wait3A_345 : memref<1x8x128xf32, #tpu.memory_space<vmem_shared>> -> memref<8x128xf32, #tpu.memory_space<vmem_shared>>
    %dma_wait3A_347 = arith.constant 8 : i32
    %dma_wait3A_348 = arith.constant 0 : i32
    %dma_wait3A_349 = tpu.memref_slice %arg5[%arg1, %dma_wait3A_347, %dma_wait3A_348] : memref<16x321x128xf32, #tpu.memory_space<vmem_shared>> -> memref<1x8x128xf32, #tpu.memory_space<vmem_shared>>
    %dma_wait3A_350 = tpu.memref_squeeze %dma_wait3A_349 : memref<1x8x128xf32, #tpu.memory_space<vmem_shared>> -> memref<8x128xf32, #tpu.memory_space<vmem_shared>>
    tpu.wait_dma2 semaphore(%arg16 : memref<!tpu.dma_semaphore, #tpu.memory_space<semaphore_mem>>) src(%arg15 : memref<8x128xf32, #tpu.memory_space<vmem>>) dst(%dma_wait3A_350 : memref<8x128xf32, #tpu.memory_space<vmem_shared>>)
    %dma_wait3A_351 = arith.constant 16 : i32
    %dma_wait3A_352 = arith.constant 0 : i32
    %dma_wait3A_353 = tpu.memref_slice %arg5[%arg1, %dma_wait3A_351, %dma_wait3A_352] : memref<16x321x128xf32, #tpu.memory_space<vmem_shared>> -> memref<1x8x128xf32, #tpu.memory_space<vmem_shared>>
    %dma_wait3A_354 = tpu.memref_squeeze %dma_wait3A_353 : memref<1x8x128xf32, #tpu.memory_space<vmem_shared>> -> memref<8x128xf32, #tpu.memory_space<vmem_shared>>
    %dma_wait3A_355 = arith.constant 16 : i32
    %dma_wait3A_356 = arith.constant 0 : i32
    %dma_wait3A_357 = tpu.memref_slice %arg5[%arg1, %dma_wait3A_355, %dma_wait3A_356] : memref<16x321x128xf32, #tpu.memory_space<vmem_shared>> -> memref<1x8x128xf32, #tpu.memory_space<vmem_shared>>
    %dma_wait3A_358 = tpu.memref_squeeze %dma_wait3A_357 : memref<1x8x128xf32, #tpu.memory_space<vmem_shared>> -> memref<8x128xf32, #tpu.memory_space<vmem_shared>>
    tpu.wait_dma2 semaphore(%arg16 : memref<!tpu.dma_semaphore, #tpu.memory_space<semaphore_mem>>) src(%arg15 : memref<8x128xf32, #tpu.memory_space<vmem>>) dst(%dma_wait3A_358 : memref<8x128xf32, #tpu.memory_space<vmem_shared>>)
    %dma_wait3A_359 = arith.constant 24 : i32
    %dma_wait3A_360 = arith.constant 0 : i32
    %dma_wait3A_361 = tpu.memref_slice %arg5[%arg1, %dma_wait3A_359, %dma_wait3A_360] : memref<16x321x128xf32, #tpu.memory_space<vmem_shared>> -> memref<1x8x128xf32, #tpu.memory_space<vmem_shared>>
    %dma_wait3A_362 = tpu.memref_squeeze %dma_wait3A_361 : memref<1x8x128xf32, #tpu.memory_space<vmem_shared>> -> memref<8x128xf32, #tpu.memory_space<vmem_shared>>
    %dma_wait3A_363 = arith.constant 24 : i32
    %dma_wait3A_364 = arith.constant 0 : i32
    %dma_wait3A_365 = tpu.memref_slice %arg5[%arg1, %dma_wait3A_363, %dma_wait3A_364] : memref<16x321x128xf32, #tpu.memory_space<vmem_shared>> -> memref<1x8x128xf32, #tpu.memory_space<vmem_shared>>
    %dma_wait3A_366 = tpu.memref_squeeze %dma_wait3A_365 : memref<1x8x128xf32, #tpu.memory_space<vmem_shared>> -> memref<8x128xf32, #tpu.memory_space<vmem_shared>>
    tpu.wait_dma2 semaphore(%arg16 : memref<!tpu.dma_semaphore, #tpu.memory_space<semaphore_mem>>) src(%arg15 : memref<8x128xf32, #tpu.memory_space<vmem>>) dst(%dma_wait3A_366 : memref<8x128xf32, #tpu.memory_space<vmem_shared>>)
    %dma_wait3A_367 = arith.constant 32 : i32
    %dma_wait3A_368 = arith.constant 0 : i32
    %dma_wait3A_369 = tpu.memref_slice %arg5[%arg1, %dma_wait3A_367, %dma_wait3A_368] : memref<16x321x128xf32, #tpu.memory_space<vmem_shared>> -> memref<1x8x128xf32, #tpu.memory_space<vmem_shared>>
    %dma_wait3A_370 = tpu.memref_squeeze %dma_wait3A_369 : memref<1x8x128xf32, #tpu.memory_space<vmem_shared>> -> memref<8x128xf32, #tpu.memory_space<vmem_shared>>
    %dma_wait3A_371 = arith.constant 32 : i32
    %dma_wait3A_372 = arith.constant 0 : i32
    %dma_wait3A_373 = tpu.memref_slice %arg5[%arg1, %dma_wait3A_371, %dma_wait3A_372] : memref<16x321x128xf32, #tpu.memory_space<vmem_shared>> -> memref<1x8x128xf32, #tpu.memory_space<vmem_shared>>
    %dma_wait3A_374 = tpu.memref_squeeze %dma_wait3A_373 : memref<1x8x128xf32, #tpu.memory_space<vmem_shared>> -> memref<8x128xf32, #tpu.memory_space<vmem_shared>>
    tpu.wait_dma2 semaphore(%arg16 : memref<!tpu.dma_semaphore, #tpu.memory_space<semaphore_mem>>) src(%arg15 : memref<8x128xf32, #tpu.memory_space<vmem>>) dst(%dma_wait3A_374 : memref<8x128xf32, #tpu.memory_space<vmem_shared>>)
    %dma_wait3A_375 = arith.constant 40 : i32
    %dma_wait3A_376 = arith.constant 0 : i32
    %dma_wait3A_377 = tpu.memref_slice %arg5[%arg1, %dma_wait3A_375, %dma_wait3A_376] : memref<16x321x128xf32, #tpu.memory_space<vmem_shared>> -> memref<1x8x128xf32, #tpu.memory_space<vmem_shared>>
    %dma_wait3A_378 = tpu.memref_squeeze %dma_wait3A_377 : memref<1x8x128xf32, #tpu.memory_space<vmem_shared>> -> memref<8x128xf32, #tpu.memory_space<vmem_shared>>
    %dma_wait3A_379 = arith.constant 40 : i32
    %dma_wait3A_380 = arith.constant 0 : i32
    %dma_wait3A_381 = tpu.memref_slice %arg5[%arg1, %dma_wait3A_379, %dma_wait3A_380] : memref<16x321x128xf32, #tpu.memory_space<vmem_shared>> -> memref<1x8x128xf32, #tpu.memory_space<vmem_shared>>
    %dma_wait3A_382 = tpu.memref_squeeze %dma_wait3A_381 : memref<1x8x128xf32, #tpu.memory_space<vmem_shared>> -> memref<8x128xf32, #tpu.memory_space<vmem_shared>>
    tpu.wait_dma2 semaphore(%arg16 : memref<!tpu.dma_semaphore, #tpu.memory_space<semaphore_mem>>) src(%arg15 : memref<8x128xf32, #tpu.memory_space<vmem>>) dst(%dma_wait3A_382 : memref<8x128xf32, #tpu.memory_space<vmem_shared>>)
    %dma_wait3A_383 = arith.constant 48 : i32
    %dma_wait3A_384 = arith.constant 0 : i32
    %dma_wait3A_385 = tpu.memref_slice %arg5[%arg1, %dma_wait3A_383, %dma_wait3A_384] : memref<16x321x128xf32, #tpu.memory_space<vmem_shared>> -> memref<1x8x128xf32, #tpu.memory_space<vmem_shared>>
    %dma_wait3A_386 = tpu.memref_squeeze %dma_wait3A_385 : memref<1x8x128xf32, #tpu.memory_space<vmem_shared>> -> memref<8x128xf32, #tpu.memory_space<vmem_shared>>
    %dma_wait3A_387 = arith.constant 48 : i32
    %dma_wait3A_388 = arith.constant 0 : i32
    %dma_wait3A_389 = tpu.memref_slice %arg5[%arg1, %dma_wait3A_387, %dma_wait3A_388] : memref<16x321x128xf32, #tpu.memory_space<vmem_shared>> -> memref<1x8x128xf32, #tpu.memory_space<vmem_shared>>
    %dma_wait3A_390 = tpu.memref_squeeze %dma_wait3A_389 : memref<1x8x128xf32, #tpu.memory_space<vmem_shared>> -> memref<8x128xf32, #tpu.memory_space<vmem_shared>>
    tpu.wait_dma2 semaphore(%arg16 : memref<!tpu.dma_semaphore, #tpu.memory_space<semaphore_mem>>) src(%arg15 : memref<8x128xf32, #tpu.memory_space<vmem>>) dst(%dma_wait3A_390 : memref<8x128xf32, #tpu.memory_space<vmem_shared>>)
    %dma_wait3A_391 = arith.constant 56 : i32
    %dma_wait3A_392 = arith.constant 0 : i32
    %dma_wait3A_393 = tpu.memref_slice %arg5[%arg1, %dma_wait3A_391, %dma_wait3A_392] : memref<16x321x128xf32, #tpu.memory_space<vmem_shared>> -> memref<1x8x128xf32, #tpu.memory_space<vmem_shared>>
    %dma_wait3A_394 = tpu.memref_squeeze %dma_wait3A_393 : memref<1x8x128xf32, #tpu.memory_space<vmem_shared>> -> memref<8x128xf32, #tpu.memory_space<vmem_shared>>
    %dma_wait3A_395 = arith.constant 56 : i32
    %dma_wait3A_396 = arith.constant 0 : i32
    %dma_wait3A_397 = tpu.memref_slice %arg5[%arg1, %dma_wait3A_395, %dma_wait3A_396] : memref<16x321x128xf32, #tpu.memory_space<vmem_shared>> -> memref<1x8x128xf32, #tpu.memory_space<vmem_shared>>
    %dma_wait3A_398 = tpu.memref_squeeze %dma_wait3A_397 : memref<1x8x128xf32, #tpu.memory_space<vmem_shared>> -> memref<8x128xf32, #tpu.memory_space<vmem_shared>>
    tpu.wait_dma2 semaphore(%arg16 : memref<!tpu.dma_semaphore, #tpu.memory_space<semaphore_mem>>) src(%arg15 : memref<8x128xf32, #tpu.memory_space<vmem>>) dst(%dma_wait3A_398 : memref<8x128xf32, #tpu.memory_space<vmem_shared>>)
    %dma_wait3A_399 = arith.constant 64 : i32
    %dma_wait3A_400 = arith.constant 0 : i32
    %dma_wait3A_401 = tpu.memref_slice %arg5[%arg1, %dma_wait3A_399, %dma_wait3A_400] : memref<16x321x128xf32, #tpu.memory_space<vmem_shared>> -> memref<1x8x128xf32, #tpu.memory_space<vmem_shared>>
    %dma_wait3A_402 = tpu.memref_squeeze %dma_wait3A_401 : memref<1x8x128xf32, #tpu.memory_space<vmem_shared>> -> memref<8x128xf32, #tpu.memory_space<vmem_shared>>
    %dma_wait3A_403 = arith.constant 64 : i32
    %dma_wait3A_404 = arith.constant 0 : i32
    %dma_wait3A_405 = tpu.memref_slice %arg5[%arg1, %dma_wait3A_403, %dma_wait3A_404] : memref<16x321x128xf32, #tpu.memory_space<vmem_shared>> -> memref<1x8x128xf32, #tpu.memory_space<vmem_shared>>
    %dma_wait3A_406 = tpu.memref_squeeze %dma_wait3A_405 : memref<1x8x128xf32, #tpu.memory_space<vmem_shared>> -> memref<8x128xf32, #tpu.memory_space<vmem_shared>>
    tpu.wait_dma2 semaphore(%arg16 : memref<!tpu.dma_semaphore, #tpu.memory_space<semaphore_mem>>) src(%arg15 : memref<8x128xf32, #tpu.memory_space<vmem>>) dst(%dma_wait3A_406 : memref<8x128xf32, #tpu.memory_space<vmem_shared>>)
    %dma_wait3A_407 = arith.constant 72 : i32
    %dma_wait3A_408 = arith.constant 0 : i32
    %dma_wait3A_409 = tpu.memref_slice %arg5[%arg1, %dma_wait3A_407, %dma_wait3A_408] : memref<16x321x128xf32, #tpu.memory_space<vmem_shared>> -> memref<1x8x128xf32, #tpu.memory_space<vmem_shared>>
    %dma_wait3A_410 = tpu.memref_squeeze %dma_wait3A_409 : memref<1x8x128xf32, #tpu.memory_space<vmem_shared>> -> memref<8x128xf32, #tpu.memory_space<vmem_shared>>
    %dma_wait3A_411 = arith.constant 72 : i32
    %dma_wait3A_412 = arith.constant 0 : i32
    %dma_wait3A_413 = tpu.memref_slice %arg5[%arg1, %dma_wait3A_411, %dma_wait3A_412] : memref<16x321x128xf32, #tpu.memory_space<vmem_shared>> -> memref<1x8x128xf32, #tpu.memory_space<vmem_shared>>
    %dma_wait3A_414 = tpu.memref_squeeze %dma_wait3A_413 : memref<1x8x128xf32, #tpu.memory_space<vmem_shared>> -> memref<8x128xf32, #tpu.memory_space<vmem_shared>>
    tpu.wait_dma2 semaphore(%arg16 : memref<!tpu.dma_semaphore, #tpu.memory_space<semaphore_mem>>) src(%arg15 : memref<8x128xf32, #tpu.memory_space<vmem>>) dst(%dma_wait3A_414 : memref<8x128xf32, #tpu.memory_space<vmem_shared>>)
    %dma_wait3A_415 = arith.constant 80 : i32
    %dma_wait3A_416 = arith.constant 0 : i32
    %dma_wait3A_417 = tpu.memref_slice %arg5[%arg1, %dma_wait3A_415, %dma_wait3A_416] : memref<16x321x128xf32, #tpu.memory_space<vmem_shared>> -> memref<1x8x128xf32, #tpu.memory_space<vmem_shared>>
    %dma_wait3A_418 = tpu.memref_squeeze %dma_wait3A_417 : memref<1x8x128xf32, #tpu.memory_space<vmem_shared>> -> memref<8x128xf32, #tpu.memory_space<vmem_shared>>
    %dma_wait3A_419 = arith.constant 80 : i32
    %dma_wait3A_420 = arith.constant 0 : i32
    %dma_wait3A_421 = tpu.memref_slice %arg5[%arg1, %dma_wait3A_419, %dma_wait3A_420] : memref<16x321x128xf32, #tpu.memory_space<vmem_shared>> -> memref<1x8x128xf32, #tpu.memory_space<vmem_shared>>
    %dma_wait3A_422 = tpu.memref_squeeze %dma_wait3A_421 : memref<1x8x128xf32, #tpu.memory_space<vmem_shared>> -> memref<8x128xf32, #tpu.memory_space<vmem_shared>>
    tpu.wait_dma2 semaphore(%arg16 : memref<!tpu.dma_semaphore, #tpu.memory_space<semaphore_mem>>) src(%arg15 : memref<8x128xf32, #tpu.memory_space<vmem>>) dst(%dma_wait3A_422 : memref<8x128xf32, #tpu.memory_space<vmem_shared>>)
    %dma_wait3A_423 = arith.constant 88 : i32
    %dma_wait3A_424 = arith.constant 0 : i32
    %dma_wait3A_425 = tpu.memref_slice %arg5[%arg1, %dma_wait3A_423, %dma_wait3A_424] : memref<16x321x128xf32, #tpu.memory_space<vmem_shared>> -> memref<1x8x128xf32, #tpu.memory_space<vmem_shared>>
    %dma_wait3A_426 = tpu.memref_squeeze %dma_wait3A_425 : memref<1x8x128xf32, #tpu.memory_space<vmem_shared>> -> memref<8x128xf32, #tpu.memory_space<vmem_shared>>
    %dma_wait3A_427 = arith.constant 88 : i32
    %dma_wait3A_428 = arith.constant 0 : i32
    %dma_wait3A_429 = tpu.memref_slice %arg5[%arg1, %dma_wait3A_427, %dma_wait3A_428] : memref<16x321x128xf32, #tpu.memory_space<vmem_shared>> -> memref<1x8x128xf32, #tpu.memory_space<vmem_shared>>
    %dma_wait3A_430 = tpu.memref_squeeze %dma_wait3A_429 : memref<1x8x128xf32, #tpu.memory_space<vmem_shared>> -> memref<8x128xf32, #tpu.memory_space<vmem_shared>>
    tpu.wait_dma2 semaphore(%arg16 : memref<!tpu.dma_semaphore, #tpu.memory_space<semaphore_mem>>) src(%arg15 : memref<8x128xf32, #tpu.memory_space<vmem>>) dst(%dma_wait3A_430 : memref<8x128xf32, #tpu.memory_space<vmem_shared>>)
    %dma_wait3A_431 = arith.constant 96 : i32
    %dma_wait3A_432 = arith.constant 0 : i32
    %dma_wait3A_433 = tpu.memref_slice %arg5[%arg1, %dma_wait3A_431, %dma_wait3A_432] : memref<16x321x128xf32, #tpu.memory_space<vmem_shared>> -> memref<1x8x128xf32, #tpu.memory_space<vmem_shared>>
    %dma_wait3A_434 = tpu.memref_squeeze %dma_wait3A_433 : memref<1x8x128xf32, #tpu.memory_space<vmem_shared>> -> memref<8x128xf32, #tpu.memory_space<vmem_shared>>
    %dma_wait3A_435 = arith.constant 96 : i32
    %dma_wait3A_436 = arith.constant 0 : i32
    %dma_wait3A_437 = tpu.memref_slice %arg5[%arg1, %dma_wait3A_435, %dma_wait3A_436] : memref<16x321x128xf32, #tpu.memory_space<vmem_shared>> -> memref<1x8x128xf32, #tpu.memory_space<vmem_shared>>
    %dma_wait3A_438 = tpu.memref_squeeze %dma_wait3A_437 : memref<1x8x128xf32, #tpu.memory_space<vmem_shared>> -> memref<8x128xf32, #tpu.memory_space<vmem_shared>>
    tpu.wait_dma2 semaphore(%arg16 : memref<!tpu.dma_semaphore, #tpu.memory_space<semaphore_mem>>) src(%arg15 : memref<8x128xf32, #tpu.memory_space<vmem>>) dst(%dma_wait3A_438 : memref<8x128xf32, #tpu.memory_space<vmem_shared>>)
    %dma_wait3A_439 = arith.constant 104 : i32
    %dma_wait3A_440 = arith.constant 0 : i32
    %dma_wait3A_441 = tpu.memref_slice %arg5[%arg1, %dma_wait3A_439, %dma_wait3A_440] : memref<16x321x128xf32, #tpu.memory_space<vmem_shared>> -> memref<1x8x128xf32, #tpu.memory_space<vmem_shared>>
    %dma_wait3A_442 = tpu.memref_squeeze %dma_wait3A_441 : memref<1x8x128xf32, #tpu.memory_space<vmem_shared>> -> memref<8x128xf32, #tpu.memory_space<vmem_shared>>
    %dma_wait3A_443 = arith.constant 104 : i32
    %dma_wait3A_444 = arith.constant 0 : i32
    %dma_wait3A_445 = tpu.memref_slice %arg5[%arg1, %dma_wait3A_443, %dma_wait3A_444] : memref<16x321x128xf32, #tpu.memory_space<vmem_shared>> -> memref<1x8x128xf32, #tpu.memory_space<vmem_shared>>
    %dma_wait3A_446 = tpu.memref_squeeze %dma_wait3A_445 : memref<1x8x128xf32, #tpu.memory_space<vmem_shared>> -> memref<8x128xf32, #tpu.memory_space<vmem_shared>>
    tpu.wait_dma2 semaphore(%arg16 : memref<!tpu.dma_semaphore, #tpu.memory_space<semaphore_mem>>) src(%arg15 : memref<8x128xf32, #tpu.memory_space<vmem>>) dst(%dma_wait3A_446 : memref<8x128xf32, #tpu.memory_space<vmem_shared>>)
    %dma_wait3A_447 = arith.constant 112 : i32
    %dma_wait3A_448 = arith.constant 0 : i32
    %dma_wait3A_449 = tpu.memref_slice %arg5[%arg1, %dma_wait3A_447, %dma_wait3A_448] : memref<16x321x128xf32, #tpu.memory_space<vmem_shared>> -> memref<1x8x128xf32, #tpu.memory_space<vmem_shared>>
    %dma_wait3A_450 = tpu.memref_squeeze %dma_wait3A_449 : memref<1x8x128xf32, #tpu.memory_space<vmem_shared>> -> memref<8x128xf32, #tpu.memory_space<vmem_shared>>
    %dma_wait3A_451 = arith.constant 112 : i32
    %dma_wait3A_452 = arith.constant 0 : i32
    %dma_wait3A_453 = tpu.memref_slice %arg5[%arg1, %dma_wait3A_451, %dma_wait3A_452] : memref<16x321x128xf32, #tpu.memory_space<vmem_shared>> -> memref<1x8x128xf32, #tpu.memory_space<vmem_shared>>
    %dma_wait3A_454 = tpu.memref_squeeze %dma_wait3A_453 : memref<1x8x128xf32, #tpu.memory_space<vmem_shared>> -> memref<8x128xf32, #tpu.memory_space<vmem_shared>>
    tpu.wait_dma2 semaphore(%arg16 : memref<!tpu.dma_semaphore, #tpu.memory_space<semaphore_mem>>) src(%arg15 : memref<8x128xf32, #tpu.memory_space<vmem>>) dst(%dma_wait3A_454 : memref<8x128xf32, #tpu.memory_space<vmem_shared>>)
    %dma_wait3A_455 = arith.constant 120 : i32
    %dma_wait3A_456 = arith.constant 0 : i32
    %dma_wait3A_457 = tpu.memref_slice %arg5[%arg1, %dma_wait3A_455, %dma_wait3A_456] : memref<16x321x128xf32, #tpu.memory_space<vmem_shared>> -> memref<1x8x128xf32, #tpu.memory_space<vmem_shared>>
    %dma_wait3A_458 = tpu.memref_squeeze %dma_wait3A_457 : memref<1x8x128xf32, #tpu.memory_space<vmem_shared>> -> memref<8x128xf32, #tpu.memory_space<vmem_shared>>
    %dma_wait3A_459 = arith.constant 120 : i32
    %dma_wait3A_460 = arith.constant 0 : i32
    %dma_wait3A_461 = tpu.memref_slice %arg5[%arg1, %dma_wait3A_459, %dma_wait3A_460] : memref<16x321x128xf32, #tpu.memory_space<vmem_shared>> -> memref<1x8x128xf32, #tpu.memory_space<vmem_shared>>
    %dma_wait3A_462 = tpu.memref_squeeze %dma_wait3A_461 : memref<1x8x128xf32, #tpu.memory_space<vmem_shared>> -> memref<8x128xf32, #tpu.memory_space<vmem_shared>>
    tpu.wait_dma2 semaphore(%arg16 : memref<!tpu.dma_semaphore, #tpu.memory_space<semaphore_mem>>) src(%arg15 : memref<8x128xf32, #tpu.memory_space<vmem>>) dst(%dma_wait3A_462 : memref<8x128xf32, #tpu.memory_space<vmem_shared>>)
    %dma_wait3A_463 = arith.constant 128 : i32
    %dma_wait3A_464 = arith.constant 0 : i32
    %dma_wait3A_465 = tpu.memref_slice %arg5[%arg1, %dma_wait3A_463, %dma_wait3A_464] : memref<16x321x128xf32, #tpu.memory_space<vmem_shared>> -> memref<1x8x128xf32, #tpu.memory_space<vmem_shared>>
    %dma_wait3A_466 = tpu.memref_squeeze %dma_wait3A_465 : memref<1x8x128xf32, #tpu.memory_space<vmem_shared>> -> memref<8x128xf32, #tpu.memory_space<vmem_shared>>
    %dma_wait3A_467 = arith.constant 128 : i32
    %dma_wait3A_468 = arith.constant 0 : i32
    %dma_wait3A_469 = tpu.memref_slice %arg5[%arg1, %dma_wait3A_467, %dma_wait3A_468] : memref<16x321x128xf32, #tpu.memory_space<vmem_shared>> -> memref<1x8x128xf32, #tpu.memory_space<vmem_shared>>
    %dma_wait3A_470 = tpu.memref_squeeze %dma_wait3A_469 : memref<1x8x128xf32, #tpu.memory_space<vmem_shared>> -> memref<8x128xf32, #tpu.memory_space<vmem_shared>>
    tpu.wait_dma2 semaphore(%arg16 : memref<!tpu.dma_semaphore, #tpu.memory_space<semaphore_mem>>) src(%arg15 : memref<8x128xf32, #tpu.memory_space<vmem>>) dst(%dma_wait3A_470 : memref<8x128xf32, #tpu.memory_space<vmem_shared>>)
    %dma_wait3A_471 = arith.constant 136 : i32
    %dma_wait3A_472 = arith.constant 0 : i32
    %dma_wait3A_473 = tpu.memref_slice %arg5[%arg1, %dma_wait3A_471, %dma_wait3A_472] : memref<16x321x128xf32, #tpu.memory_space<vmem_shared>> -> memref<1x8x128xf32, #tpu.memory_space<vmem_shared>>
    %dma_wait3A_474 = tpu.memref_squeeze %dma_wait3A_473 : memref<1x8x128xf32, #tpu.memory_space<vmem_shared>> -> memref<8x128xf32, #tpu.memory_space<vmem_shared>>
    %dma_wait3A_475 = arith.constant 136 : i32
    %dma_wait3A_476 = arith.constant 0 : i32
    %dma_wait3A_477 = tpu.memref_slice %arg5[%arg1, %dma_wait3A_475, %dma_wait3A_476] : memref<16x321x128xf32, #tpu.memory_space<vmem_shared>> -> memref<1x8x128xf32, #tpu.memory_space<vmem_shared>>
    %dma_wait3A_478 = tpu.memref_squeeze %dma_wait3A_477 : memref<1x8x128xf32, #tpu.memory_space<vmem_shared>> -> memref<8x128xf32, #tpu.memory_space<vmem_shared>>
    tpu.wait_dma2 semaphore(%arg16 : memref<!tpu.dma_semaphore, #tpu.memory_space<semaphore_mem>>) src(%arg15 : memref<8x128xf32, #tpu.memory_space<vmem>>) dst(%dma_wait3A_478 : memref<8x128xf32, #tpu.memory_space<vmem_shared>>)
    %dma_wait3A_479 = arith.constant 144 : i32
    %dma_wait3A_480 = arith.constant 0 : i32
    %dma_wait3A_481 = tpu.memref_slice %arg5[%arg1, %dma_wait3A_479, %dma_wait3A_480] : memref<16x321x128xf32, #tpu.memory_space<vmem_shared>> -> memref<1x8x128xf32, #tpu.memory_space<vmem_shared>>
    %dma_wait3A_482 = tpu.memref_squeeze %dma_wait3A_481 : memref<1x8x128xf32, #tpu.memory_space<vmem_shared>> -> memref<8x128xf32, #tpu.memory_space<vmem_shared>>
    %dma_wait3A_483 = arith.constant 144 : i32
    %dma_wait3A_484 = arith.constant 0 : i32
    %dma_wait3A_485 = tpu.memref_slice %arg5[%arg1, %dma_wait3A_483, %dma_wait3A_484] : memref<16x321x128xf32, #tpu.memory_space<vmem_shared>> -> memref<1x8x128xf32, #tpu.memory_space<vmem_shared>>
    %dma_wait3A_486 = tpu.memref_squeeze %dma_wait3A_485 : memref<1x8x128xf32, #tpu.memory_space<vmem_shared>> -> memref<8x128xf32, #tpu.memory_space<vmem_shared>>
    tpu.wait_dma2 semaphore(%arg16 : memref<!tpu.dma_semaphore, #tpu.memory_space<semaphore_mem>>) src(%arg15 : memref<8x128xf32, #tpu.memory_space<vmem>>) dst(%dma_wait3A_486 : memref<8x128xf32, #tpu.memory_space<vmem_shared>>)
    %dma_wait3A_487 = arith.constant 152 : i32
    %dma_wait3A_488 = arith.constant 0 : i32
    %dma_wait3A_489 = tpu.memref_slice %arg5[%arg1, %dma_wait3A_487, %dma_wait3A_488] : memref<16x321x128xf32, #tpu.memory_space<vmem_shared>> -> memref<1x8x128xf32, #tpu.memory_space<vmem_shared>>
    %dma_wait3A_490 = tpu.memref_squeeze %dma_wait3A_489 : memref<1x8x128xf32, #tpu.memory_space<vmem_shared>> -> memref<8x128xf32, #tpu.memory_space<vmem_shared>>
    %dma_wait3A_491 = arith.constant 152 : i32
    %dma_wait3A_492 = arith.constant 0 : i32
    %dma_wait3A_493 = tpu.memref_slice %arg5[%arg1, %dma_wait3A_491, %dma_wait3A_492] : memref<16x321x128xf32, #tpu.memory_space<vmem_shared>> -> memref<1x8x128xf32, #tpu.memory_space<vmem_shared>>
    %dma_wait3A_494 = tpu.memref_squeeze %dma_wait3A_493 : memref<1x8x128xf32, #tpu.memory_space<vmem_shared>> -> memref<8x128xf32, #tpu.memory_space<vmem_shared>>
    tpu.wait_dma2 semaphore(%arg16 : memref<!tpu.dma_semaphore, #tpu.memory_space<semaphore_mem>>) src(%arg15 : memref<8x128xf32, #tpu.memory_space<vmem>>) dst(%dma_wait3A_494 : memref<8x128xf32, #tpu.memory_space<vmem_shared>>)
    %dma_wait3A_495 = arith.constant 160 : i32
    %dma_wait3A_496 = arith.constant 0 : i32
    %dma_wait3A_497 = tpu.memref_slice %arg5[%arg1, %dma_wait3A_495, %dma_wait3A_496] : memref<16x321x128xf32, #tpu.memory_space<vmem_shared>> -> memref<1x8x128xf32, #tpu.memory_space<vmem_shared>>
    %dma_wait3A_498 = tpu.memref_squeeze %dma_wait3A_497 : memref<1x8x128xf32, #tpu.memory_space<vmem_shared>> -> memref<8x128xf32, #tpu.memory_space<vmem_shared>>
    %dma_wait3A_499 = arith.constant 160 : i32
    %dma_wait3A_500 = arith.constant 0 : i32
    %dma_wait3A_501 = tpu.memref_slice %arg5[%arg1, %dma_wait3A_499, %dma_wait3A_500] : memref<16x321x128xf32, #tpu.memory_space<vmem_shared>> -> memref<1x8x128xf32, #tpu.memory_space<vmem_shared>>
    %dma_wait3A_502 = tpu.memref_squeeze %dma_wait3A_501 : memref<1x8x128xf32, #tpu.memory_space<vmem_shared>> -> memref<8x128xf32, #tpu.memory_space<vmem_shared>>
    tpu.wait_dma2 semaphore(%arg16 : memref<!tpu.dma_semaphore, #tpu.memory_space<semaphore_mem>>) src(%arg15 : memref<8x128xf32, #tpu.memory_space<vmem>>) dst(%dma_wait3A_502 : memref<8x128xf32, #tpu.memory_space<vmem_shared>>)
    %dma_wait3A_503 = arith.constant 168 : i32
    %dma_wait3A_504 = arith.constant 0 : i32
    %dma_wait3A_505 = tpu.memref_slice %arg5[%arg1, %dma_wait3A_503, %dma_wait3A_504] : memref<16x321x128xf32, #tpu.memory_space<vmem_shared>> -> memref<1x8x128xf32, #tpu.memory_space<vmem_shared>>
    %dma_wait3A_506 = tpu.memref_squeeze %dma_wait3A_505 : memref<1x8x128xf32, #tpu.memory_space<vmem_shared>> -> memref<8x128xf32, #tpu.memory_space<vmem_shared>>
    %dma_wait3A_507 = arith.constant 168 : i32
    %dma_wait3A_508 = arith.constant 0 : i32
    %dma_wait3A_509 = tpu.memref_slice %arg5[%arg1, %dma_wait3A_507, %dma_wait3A_508] : memref<16x321x128xf32, #tpu.memory_space<vmem_shared>> -> memref<1x8x128xf32, #tpu.memory_space<vmem_shared>>
    %dma_wait3A_510 = tpu.memref_squeeze %dma_wait3A_509 : memref<1x8x128xf32, #tpu.memory_space<vmem_shared>> -> memref<8x128xf32, #tpu.memory_space<vmem_shared>>
    tpu.wait_dma2 semaphore(%arg16 : memref<!tpu.dma_semaphore, #tpu.memory_space<semaphore_mem>>) src(%arg15 : memref<8x128xf32, #tpu.memory_space<vmem>>) dst(%dma_wait3A_510 : memref<8x128xf32, #tpu.memory_space<vmem_shared>>)
    %dma_wait3A_511 = arith.constant 176 : i32
    %dma_wait3A_512 = arith.constant 0 : i32
    %dma_wait3A_513 = tpu.memref_slice %arg5[%arg1, %dma_wait3A_511, %dma_wait3A_512] : memref<16x321x128xf32, #tpu.memory_space<vmem_shared>> -> memref<1x8x128xf32, #tpu.memory_space<vmem_shared>>
    %dma_wait3A_514 = tpu.memref_squeeze %dma_wait3A_513 : memref<1x8x128xf32, #tpu.memory_space<vmem_shared>> -> memref<8x128xf32, #tpu.memory_space<vmem_shared>>
    %dma_wait3A_515 = arith.constant 176 : i32
    %dma_wait3A_516 = arith.constant 0 : i32
    %dma_wait3A_517 = tpu.memref_slice %arg5[%arg1, %dma_wait3A_515, %dma_wait3A_516] : memref<16x321x128xf32, #tpu.memory_space<vmem_shared>> -> memref<1x8x128xf32, #tpu.memory_space<vmem_shared>>
    %dma_wait3A_518 = tpu.memref_squeeze %dma_wait3A_517 : memref<1x8x128xf32, #tpu.memory_space<vmem_shared>> -> memref<8x128xf32, #tpu.memory_space<vmem_shared>>
    tpu.wait_dma2 semaphore(%arg16 : memref<!tpu.dma_semaphore, #tpu.memory_space<semaphore_mem>>) src(%arg15 : memref<8x128xf32, #tpu.memory_space<vmem>>) dst(%dma_wait3A_518 : memref<8x128xf32, #tpu.memory_space<vmem_shared>>)
    %dma_wait3A_519 = arith.constant 184 : i32
    %dma_wait3A_520 = arith.constant 0 : i32
    %dma_wait3A_521 = tpu.memref_slice %arg5[%arg1, %dma_wait3A_519, %dma_wait3A_520] : memref<16x321x128xf32, #tpu.memory_space<vmem_shared>> -> memref<1x8x128xf32, #tpu.memory_space<vmem_shared>>
    %dma_wait3A_522 = tpu.memref_squeeze %dma_wait3A_521 : memref<1x8x128xf32, #tpu.memory_space<vmem_shared>> -> memref<8x128xf32, #tpu.memory_space<vmem_shared>>
    %dma_wait3A_523 = arith.constant 184 : i32
    %dma_wait3A_524 = arith.constant 0 : i32
    %dma_wait3A_525 = tpu.memref_slice %arg5[%arg1, %dma_wait3A_523, %dma_wait3A_524] : memref<16x321x128xf32, #tpu.memory_space<vmem_shared>> -> memref<1x8x128xf32, #tpu.memory_space<vmem_shared>>
    %dma_wait3A_526 = tpu.memref_squeeze %dma_wait3A_525 : memref<1x8x128xf32, #tpu.memory_space<vmem_shared>> -> memref<8x128xf32, #tpu.memory_space<vmem_shared>>
    tpu.wait_dma2 semaphore(%arg16 : memref<!tpu.dma_semaphore, #tpu.memory_space<semaphore_mem>>) src(%arg15 : memref<8x128xf32, #tpu.memory_space<vmem>>) dst(%dma_wait3A_526 : memref<8x128xf32, #tpu.memory_space<vmem_shared>>)
    %dma_wait3A_527 = arith.constant 192 : i32
    %dma_wait3A_528 = arith.constant 0 : i32
    %dma_wait3A_529 = tpu.memref_slice %arg5[%arg1, %dma_wait3A_527, %dma_wait3A_528] : memref<16x321x128xf32, #tpu.memory_space<vmem_shared>> -> memref<1x8x128xf32, #tpu.memory_space<vmem_shared>>
    %dma_wait3A_530 = tpu.memref_squeeze %dma_wait3A_529 : memref<1x8x128xf32, #tpu.memory_space<vmem_shared>> -> memref<8x128xf32, #tpu.memory_space<vmem_shared>>
    %dma_wait3A_531 = arith.constant 192 : i32
    %dma_wait3A_532 = arith.constant 0 : i32
    %dma_wait3A_533 = tpu.memref_slice %arg5[%arg1, %dma_wait3A_531, %dma_wait3A_532] : memref<16x321x128xf32, #tpu.memory_space<vmem_shared>> -> memref<1x8x128xf32, #tpu.memory_space<vmem_shared>>
    %dma_wait3A_534 = tpu.memref_squeeze %dma_wait3A_533 : memref<1x8x128xf32, #tpu.memory_space<vmem_shared>> -> memref<8x128xf32, #tpu.memory_space<vmem_shared>>
    tpu.wait_dma2 semaphore(%arg16 : memref<!tpu.dma_semaphore, #tpu.memory_space<semaphore_mem>>) src(%arg15 : memref<8x128xf32, #tpu.memory_space<vmem>>) dst(%dma_wait3A_534 : memref<8x128xf32, #tpu.memory_space<vmem_shared>>)
    %dma_wait3A_535 = arith.constant 200 : i32
    %dma_wait3A_536 = arith.constant 0 : i32
    %dma_wait3A_537 = tpu.memref_slice %arg5[%arg1, %dma_wait3A_535, %dma_wait3A_536] : memref<16x321x128xf32, #tpu.memory_space<vmem_shared>> -> memref<1x8x128xf32, #tpu.memory_space<vmem_shared>>
    %dma_wait3A_538 = tpu.memref_squeeze %dma_wait3A_537 : memref<1x8x128xf32, #tpu.memory_space<vmem_shared>> -> memref<8x128xf32, #tpu.memory_space<vmem_shared>>
    %dma_wait3A_539 = arith.constant 200 : i32
    %dma_wait3A_540 = arith.constant 0 : i32
    %dma_wait3A_541 = tpu.memref_slice %arg5[%arg1, %dma_wait3A_539, %dma_wait3A_540] : memref<16x321x128xf32, #tpu.memory_space<vmem_shared>> -> memref<1x8x128xf32, #tpu.memory_space<vmem_shared>>
    %dma_wait3A_542 = tpu.memref_squeeze %dma_wait3A_541 : memref<1x8x128xf32, #tpu.memory_space<vmem_shared>> -> memref<8x128xf32, #tpu.memory_space<vmem_shared>>
    tpu.wait_dma2 semaphore(%arg16 : memref<!tpu.dma_semaphore, #tpu.memory_space<semaphore_mem>>) src(%arg15 : memref<8x128xf32, #tpu.memory_space<vmem>>) dst(%dma_wait3A_542 : memref<8x128xf32, #tpu.memory_space<vmem_shared>>)
    %dma_wait3A_543 = arith.constant 208 : i32
    %dma_wait3A_544 = arith.constant 0 : i32
    %dma_wait3A_545 = tpu.memref_slice %arg5[%arg1, %dma_wait3A_543, %dma_wait3A_544] : memref<16x321x128xf32, #tpu.memory_space<vmem_shared>> -> memref<1x8x128xf32, #tpu.memory_space<vmem_shared>>
    %dma_wait3A_546 = tpu.memref_squeeze %dma_wait3A_545 : memref<1x8x128xf32, #tpu.memory_space<vmem_shared>> -> memref<8x128xf32, #tpu.memory_space<vmem_shared>>
    %dma_wait3A_547 = arith.constant 208 : i32
    %dma_wait3A_548 = arith.constant 0 : i32
    %dma_wait3A_549 = tpu.memref_slice %arg5[%arg1, %dma_wait3A_547, %dma_wait3A_548] : memref<16x321x128xf32, #tpu.memory_space<vmem_shared>> -> memref<1x8x128xf32, #tpu.memory_space<vmem_shared>>
    %dma_wait3A_550 = tpu.memref_squeeze %dma_wait3A_549 : memref<1x8x128xf32, #tpu.memory_space<vmem_shared>> -> memref<8x128xf32, #tpu.memory_space<vmem_shared>>
    tpu.wait_dma2 semaphore(%arg16 : memref<!tpu.dma_semaphore, #tpu.memory_space<semaphore_mem>>) src(%arg15 : memref<8x128xf32, #tpu.memory_space<vmem>>) dst(%dma_wait3A_550 : memref<8x128xf32, #tpu.memory_space<vmem_shared>>)
    %dma_wait3A_551 = arith.constant 216 : i32
    %dma_wait3A_552 = arith.constant 0 : i32
    %dma_wait3A_553 = tpu.memref_slice %arg5[%arg1, %dma_wait3A_551, %dma_wait3A_552] : memref<16x321x128xf32, #tpu.memory_space<vmem_shared>> -> memref<1x8x128xf32, #tpu.memory_space<vmem_shared>>
    %dma_wait3A_554 = tpu.memref_squeeze %dma_wait3A_553 : memref<1x8x128xf32, #tpu.memory_space<vmem_shared>> -> memref<8x128xf32, #tpu.memory_space<vmem_shared>>
    %dma_wait3A_555 = arith.constant 216 : i32
    %dma_wait3A_556 = arith.constant 0 : i32
    %dma_wait3A_557 = tpu.memref_slice %arg5[%arg1, %dma_wait3A_555, %dma_wait3A_556] : memref<16x321x128xf32, #tpu.memory_space<vmem_shared>> -> memref<1x8x128xf32, #tpu.memory_space<vmem_shared>>
    %dma_wait3A_558 = tpu.memref_squeeze %dma_wait3A_557 : memref<1x8x128xf32, #tpu.memory_space<vmem_shared>> -> memref<8x128xf32, #tpu.memory_space<vmem_shared>>
    tpu.wait_dma2 semaphore(%arg16 : memref<!tpu.dma_semaphore, #tpu.memory_space<semaphore_mem>>) src(%arg15 : memref<8x128xf32, #tpu.memory_space<vmem>>) dst(%dma_wait3A_558 : memref<8x128xf32, #tpu.memory_space<vmem_shared>>)
    %dma_wait3A_559 = arith.constant 224 : i32
    %dma_wait3A_560 = arith.constant 0 : i32
    %dma_wait3A_561 = tpu.memref_slice %arg5[%arg1, %dma_wait3A_559, %dma_wait3A_560] : memref<16x321x128xf32, #tpu.memory_space<vmem_shared>> -> memref<1x8x128xf32, #tpu.memory_space<vmem_shared>>
    %dma_wait3A_562 = tpu.memref_squeeze %dma_wait3A_561 : memref<1x8x128xf32, #tpu.memory_space<vmem_shared>> -> memref<8x128xf32, #tpu.memory_space<vmem_shared>>
    %dma_wait3A_563 = arith.constant 224 : i32
    %dma_wait3A_564 = arith.constant 0 : i32
    %dma_wait3A_565 = tpu.memref_slice %arg5[%arg1, %dma_wait3A_563, %dma_wait3A_564] : memref<16x321x128xf32, #tpu.memory_space<vmem_shared>> -> memref<1x8x128xf32, #tpu.memory_space<vmem_shared>>
    %dma_wait3A_566 = tpu.memref_squeeze %dma_wait3A_565 : memref<1x8x128xf32, #tpu.memory_space<vmem_shared>> -> memref<8x128xf32, #tpu.memory_space<vmem_shared>>
    tpu.wait_dma2 semaphore(%arg16 : memref<!tpu.dma_semaphore, #tpu.memory_space<semaphore_mem>>) src(%arg15 : memref<8x128xf32, #tpu.memory_space<vmem>>) dst(%dma_wait3A_566 : memref<8x128xf32, #tpu.memory_space<vmem_shared>>)
    %dma_wait3A_567 = arith.constant 232 : i32
    %dma_wait3A_568 = arith.constant 0 : i32
    %dma_wait3A_569 = tpu.memref_slice %arg5[%arg1, %dma_wait3A_567, %dma_wait3A_568] : memref<16x321x128xf32, #tpu.memory_space<vmem_shared>> -> memref<1x8x128xf32, #tpu.memory_space<vmem_shared>>
    %dma_wait3A_570 = tpu.memref_squeeze %dma_wait3A_569 : memref<1x8x128xf32, #tpu.memory_space<vmem_shared>> -> memref<8x128xf32, #tpu.memory_space<vmem_shared>>
    %dma_wait3A_571 = arith.constant 232 : i32
    %dma_wait3A_572 = arith.constant 0 : i32
    %dma_wait3A_573 = tpu.memref_slice %arg5[%arg1, %dma_wait3A_571, %dma_wait3A_572] : memref<16x321x128xf32, #tpu.memory_space<vmem_shared>> -> memref<1x8x128xf32, #tpu.memory_space<vmem_shared>>
    %dma_wait3A_574 = tpu.memref_squeeze %dma_wait3A_573 : memref<1x8x128xf32, #tpu.memory_space<vmem_shared>> -> memref<8x128xf32, #tpu.memory_space<vmem_shared>>
    tpu.wait_dma2 semaphore(%arg16 : memref<!tpu.dma_semaphore, #tpu.memory_space<semaphore_mem>>) src(%arg15 : memref<8x128xf32, #tpu.memory_space<vmem>>) dst(%dma_wait3A_574 : memref<8x128xf32, #tpu.memory_space<vmem_shared>>)
    %dma_wait3A_575 = arith.constant 240 : i32
    %dma_wait3A_576 = arith.constant 0 : i32
    %dma_wait3A_577 = tpu.memref_slice %arg5[%arg1, %dma_wait3A_575, %dma_wait3A_576] : memref<16x321x128xf32, #tpu.memory_space<vmem_shared>> -> memref<1x8x128xf32, #tpu.memory_space<vmem_shared>>
    %dma_wait3A_578 = tpu.memref_squeeze %dma_wait3A_577 : memref<1x8x128xf32, #tpu.memory_space<vmem_shared>> -> memref<8x128xf32, #tpu.memory_space<vmem_shared>>
    %dma_wait3A_579 = arith.constant 240 : i32
    %dma_wait3A_580 = arith.constant 0 : i32
    %dma_wait3A_581 = tpu.memref_slice %arg5[%arg1, %dma_wait3A_579, %dma_wait3A_580] : memref<16x321x128xf32, #tpu.memory_space<vmem_shared>> -> memref<1x8x128xf32, #tpu.memory_space<vmem_shared>>
    %dma_wait3A_582 = tpu.memref_squeeze %dma_wait3A_581 : memref<1x8x128xf32, #tpu.memory_space<vmem_shared>> -> memref<8x128xf32, #tpu.memory_space<vmem_shared>>
    tpu.wait_dma2 semaphore(%arg16 : memref<!tpu.dma_semaphore, #tpu.memory_space<semaphore_mem>>) src(%arg15 : memref<8x128xf32, #tpu.memory_space<vmem>>) dst(%dma_wait3A_582 : memref<8x128xf32, #tpu.memory_space<vmem_shared>>)
    %dma_wait3A_583 = arith.constant 248 : i32
    %dma_wait3A_584 = arith.constant 0 : i32
    %dma_wait3A_585 = tpu.memref_slice %arg5[%arg1, %dma_wait3A_583, %dma_wait3A_584] : memref<16x321x128xf32, #tpu.memory_space<vmem_shared>> -> memref<1x8x128xf32, #tpu.memory_space<vmem_shared>>
    %dma_wait3A_586 = tpu.memref_squeeze %dma_wait3A_585 : memref<1x8x128xf32, #tpu.memory_space<vmem_shared>> -> memref<8x128xf32, #tpu.memory_space<vmem_shared>>
    %dma_wait3A_587 = arith.constant 248 : i32
    %dma_wait3A_588 = arith.constant 0 : i32
    %dma_wait3A_589 = tpu.memref_slice %arg5[%arg1, %dma_wait3A_587, %dma_wait3A_588] : memref<16x321x128xf32, #tpu.memory_space<vmem_shared>> -> memref<1x8x128xf32, #tpu.memory_space<vmem_shared>>
    %dma_wait3A_590 = tpu.memref_squeeze %dma_wait3A_589 : memref<1x8x128xf32, #tpu.memory_space<vmem_shared>> -> memref<8x128xf32, #tpu.memory_space<vmem_shared>>
    tpu.wait_dma2 semaphore(%arg16 : memref<!tpu.dma_semaphore, #tpu.memory_space<semaphore_mem>>) src(%arg15 : memref<8x128xf32, #tpu.memory_space<vmem>>) dst(%dma_wait3A_590 : memref<8x128xf32, #tpu.memory_space<vmem_shared>>)
    %dma_wait3A_591 = arith.constant 256 : i32
    %dma_wait3A_592 = arith.constant 0 : i32
    %dma_wait3A_593 = tpu.memref_slice %arg5[%arg1, %dma_wait3A_591, %dma_wait3A_592] : memref<16x321x128xf32, #tpu.memory_space<vmem_shared>> -> memref<1x8x128xf32, #tpu.memory_space<vmem_shared>>
    %dma_wait3A_594 = tpu.memref_squeeze %dma_wait3A_593 : memref<1x8x128xf32, #tpu.memory_space<vmem_shared>> -> memref<8x128xf32, #tpu.memory_space<vmem_shared>>
    %dma_wait3A_595 = arith.constant 256 : i32
    %dma_wait3A_596 = arith.constant 0 : i32
    %dma_wait3A_597 = tpu.memref_slice %arg5[%arg1, %dma_wait3A_595, %dma_wait3A_596] : memref<16x321x128xf32, #tpu.memory_space<vmem_shared>> -> memref<1x8x128xf32, #tpu.memory_space<vmem_shared>>
    %dma_wait3A_598 = tpu.memref_squeeze %dma_wait3A_597 : memref<1x8x128xf32, #tpu.memory_space<vmem_shared>> -> memref<8x128xf32, #tpu.memory_space<vmem_shared>>
    tpu.wait_dma2 semaphore(%arg16 : memref<!tpu.dma_semaphore, #tpu.memory_space<semaphore_mem>>) src(%arg15 : memref<8x128xf32, #tpu.memory_space<vmem>>) dst(%dma_wait3A_598 : memref<8x128xf32, #tpu.memory_space<vmem_shared>>)
    %dma_wait3A_599 = arith.constant 264 : i32
    %dma_wait3A_600 = arith.constant 0 : i32
    %dma_wait3A_601 = tpu.memref_slice %arg5[%arg1, %dma_wait3A_599, %dma_wait3A_600] : memref<16x321x128xf32, #tpu.memory_space<vmem_shared>> -> memref<1x8x128xf32, #tpu.memory_space<vmem_shared>>
    %dma_wait3A_602 = tpu.memref_squeeze %dma_wait3A_601 : memref<1x8x128xf32, #tpu.memory_space<vmem_shared>> -> memref<8x128xf32, #tpu.memory_space<vmem_shared>>
    %dma_wait3A_603 = arith.constant 264 : i32
    %dma_wait3A_604 = arith.constant 0 : i32
    %dma_wait3A_605 = tpu.memref_slice %arg5[%arg1, %dma_wait3A_603, %dma_wait3A_604] : memref<16x321x128xf32, #tpu.memory_space<vmem_shared>> -> memref<1x8x128xf32, #tpu.memory_space<vmem_shared>>
    %dma_wait3A_606 = tpu.memref_squeeze %dma_wait3A_605 : memref<1x8x128xf32, #tpu.memory_space<vmem_shared>> -> memref<8x128xf32, #tpu.memory_space<vmem_shared>>
    tpu.wait_dma2 semaphore(%arg16 : memref<!tpu.dma_semaphore, #tpu.memory_space<semaphore_mem>>) src(%arg15 : memref<8x128xf32, #tpu.memory_space<vmem>>) dst(%dma_wait3A_606 : memref<8x128xf32, #tpu.memory_space<vmem_shared>>)
    %dma_wait3A_607 = arith.constant 272 : i32
    %dma_wait3A_608 = arith.constant 0 : i32
    %dma_wait3A_609 = tpu.memref_slice %arg5[%arg1, %dma_wait3A_607, %dma_wait3A_608] : memref<16x321x128xf32, #tpu.memory_space<vmem_shared>> -> memref<1x8x128xf32, #tpu.memory_space<vmem_shared>>
    %dma_wait3A_610 = tpu.memref_squeeze %dma_wait3A_609 : memref<1x8x128xf32, #tpu.memory_space<vmem_shared>> -> memref<8x128xf32, #tpu.memory_space<vmem_shared>>
    %dma_wait3A_611 = arith.constant 272 : i32
    %dma_wait3A_612 = arith.constant 0 : i32
    %dma_wait3A_613 = tpu.memref_slice %arg5[%arg1, %dma_wait3A_611, %dma_wait3A_612] : memref<16x321x128xf32, #tpu.memory_space<vmem_shared>> -> memref<1x8x128xf32, #tpu.memory_space<vmem_shared>>
    %dma_wait3A_614 = tpu.memref_squeeze %dma_wait3A_613 : memref<1x8x128xf32, #tpu.memory_space<vmem_shared>> -> memref<8x128xf32, #tpu.memory_space<vmem_shared>>
    tpu.wait_dma2 semaphore(%arg16 : memref<!tpu.dma_semaphore, #tpu.memory_space<semaphore_mem>>) src(%arg15 : memref<8x128xf32, #tpu.memory_space<vmem>>) dst(%dma_wait3A_614 : memref<8x128xf32, #tpu.memory_space<vmem_shared>>)
    %dma_wait3A_615 = arith.constant 280 : i32
    %dma_wait3A_616 = arith.constant 0 : i32
    %dma_wait3A_617 = tpu.memref_slice %arg5[%arg1, %dma_wait3A_615, %dma_wait3A_616] : memref<16x321x128xf32, #tpu.memory_space<vmem_shared>> -> memref<1x8x128xf32, #tpu.memory_space<vmem_shared>>
    %dma_wait3A_618 = tpu.memref_squeeze %dma_wait3A_617 : memref<1x8x128xf32, #tpu.memory_space<vmem_shared>> -> memref<8x128xf32, #tpu.memory_space<vmem_shared>>
    %dma_wait3A_619 = arith.constant 280 : i32
    %dma_wait3A_620 = arith.constant 0 : i32
    %dma_wait3A_621 = tpu.memref_slice %arg5[%arg1, %dma_wait3A_619, %dma_wait3A_620] : memref<16x321x128xf32, #tpu.memory_space<vmem_shared>> -> memref<1x8x128xf32, #tpu.memory_space<vmem_shared>>
    %dma_wait3A_622 = tpu.memref_squeeze %dma_wait3A_621 : memref<1x8x128xf32, #tpu.memory_space<vmem_shared>> -> memref<8x128xf32, #tpu.memory_space<vmem_shared>>
    tpu.wait_dma2 semaphore(%arg16 : memref<!tpu.dma_semaphore, #tpu.memory_space<semaphore_mem>>) src(%arg15 : memref<8x128xf32, #tpu.memory_space<vmem>>) dst(%dma_wait3A_622 : memref<8x128xf32, #tpu.memory_space<vmem_shared>>)
    %dma_wait3A_623 = arith.constant 288 : i32
    %dma_wait3A_624 = arith.constant 0 : i32
    %dma_wait3A_625 = tpu.memref_slice %arg5[%arg1, %dma_wait3A_623, %dma_wait3A_624] : memref<16x321x128xf32, #tpu.memory_space<vmem_shared>> -> memref<1x8x128xf32, #tpu.memory_space<vmem_shared>>
    %dma_wait3A_626 = tpu.memref_squeeze %dma_wait3A_625 : memref<1x8x128xf32, #tpu.memory_space<vmem_shared>> -> memref<8x128xf32, #tpu.memory_space<vmem_shared>>
    %dma_wait3A_627 = arith.constant 288 : i32
    %dma_wait3A_628 = arith.constant 0 : i32
    %dma_wait3A_629 = tpu.memref_slice %arg5[%arg1, %dma_wait3A_627, %dma_wait3A_628] : memref<16x321x128xf32, #tpu.memory_space<vmem_shared>> -> memref<1x8x128xf32, #tpu.memory_space<vmem_shared>>
    %dma_wait3A_630 = tpu.memref_squeeze %dma_wait3A_629 : memref<1x8x128xf32, #tpu.memory_space<vmem_shared>> -> memref<8x128xf32, #tpu.memory_space<vmem_shared>>
    tpu.wait_dma2 semaphore(%arg16 : memref<!tpu.dma_semaphore, #tpu.memory_space<semaphore_mem>>) src(%arg15 : memref<8x128xf32, #tpu.memory_space<vmem>>) dst(%dma_wait3A_630 : memref<8x128xf32, #tpu.memory_space<vmem_shared>>)
    %dma_wait3A_631 = arith.constant 296 : i32
    %dma_wait3A_632 = arith.constant 0 : i32
    %dma_wait3A_633 = tpu.memref_slice %arg5[%arg1, %dma_wait3A_631, %dma_wait3A_632] : memref<16x321x128xf32, #tpu.memory_space<vmem_shared>> -> memref<1x8x128xf32, #tpu.memory_space<vmem_shared>>
    %dma_wait3A_634 = tpu.memref_squeeze %dma_wait3A_633 : memref<1x8x128xf32, #tpu.memory_space<vmem_shared>> -> memref<8x128xf32, #tpu.memory_space<vmem_shared>>
    %dma_wait3A_635 = arith.constant 296 : i32
    %dma_wait3A_636 = arith.constant 0 : i32
    %dma_wait3A_637 = tpu.memref_slice %arg5[%arg1, %dma_wait3A_635, %dma_wait3A_636] : memref<16x321x128xf32, #tpu.memory_space<vmem_shared>> -> memref<1x8x128xf32, #tpu.memory_space<vmem_shared>>
    %dma_wait3A_638 = tpu.memref_squeeze %dma_wait3A_637 : memref<1x8x128xf32, #tpu.memory_space<vmem_shared>> -> memref<8x128xf32, #tpu.memory_space<vmem_shared>>
    tpu.wait_dma2 semaphore(%arg16 : memref<!tpu.dma_semaphore, #tpu.memory_space<semaphore_mem>>) src(%arg15 : memref<8x128xf32, #tpu.memory_space<vmem>>) dst(%dma_wait3A_638 : memref<8x128xf32, #tpu.memory_space<vmem_shared>>)
    %dma_wait3A_639 = arith.constant 304 : i32
    %dma_wait3A_640 = arith.constant 0 : i32
    %dma_wait3A_641 = tpu.memref_slice %arg5[%arg1, %dma_wait3A_639, %dma_wait3A_640] : memref<16x321x128xf32, #tpu.memory_space<vmem_shared>> -> memref<1x8x128xf32, #tpu.memory_space<vmem_shared>>
    %dma_wait3A_642 = tpu.memref_squeeze %dma_wait3A_641 : memref<1x8x128xf32, #tpu.memory_space<vmem_shared>> -> memref<8x128xf32, #tpu.memory_space<vmem_shared>>
    %dma_wait3A_643 = arith.constant 304 : i32
    %dma_wait3A_644 = arith.constant 0 : i32
    %dma_wait3A_645 = tpu.memref_slice %arg5[%arg1, %dma_wait3A_643, %dma_wait3A_644] : memref<16x321x128xf32, #tpu.memory_space<vmem_shared>> -> memref<1x8x128xf32, #tpu.memory_space<vmem_shared>>
    %dma_wait3A_646 = tpu.memref_squeeze %dma_wait3A_645 : memref<1x8x128xf32, #tpu.memory_space<vmem_shared>> -> memref<8x128xf32, #tpu.memory_space<vmem_shared>>
    tpu.wait_dma2 semaphore(%arg16 : memref<!tpu.dma_semaphore, #tpu.memory_space<semaphore_mem>>) src(%arg15 : memref<8x128xf32, #tpu.memory_space<vmem>>) dst(%dma_wait3A_646 : memref<8x128xf32, #tpu.memory_space<vmem_shared>>)
    %dma_wait3A_647 = arith.constant 312 : i32
    %dma_wait3A_648 = arith.constant 0 : i32
    %dma_wait3A_649 = tpu.memref_slice %arg5[%arg1, %dma_wait3A_647, %dma_wait3A_648] : memref<16x321x128xf32, #tpu.memory_space<vmem_shared>> -> memref<1x8x128xf32, #tpu.memory_space<vmem_shared>>
    %dma_wait3A_650 = tpu.memref_squeeze %dma_wait3A_649 : memref<1x8x128xf32, #tpu.memory_space<vmem_shared>> -> memref<8x128xf32, #tpu.memory_space<vmem_shared>>
    %dma_wait3A_651 = arith.constant 312 : i32
    %dma_wait3A_652 = arith.constant 0 : i32
    %dma_wait3A_653 = tpu.memref_slice %arg5[%arg1, %dma_wait3A_651, %dma_wait3A_652] : memref<16x321x128xf32, #tpu.memory_space<vmem_shared>> -> memref<1x8x128xf32, #tpu.memory_space<vmem_shared>>
    %dma_wait3A_654 = tpu.memref_squeeze %dma_wait3A_653 : memref<1x8x128xf32, #tpu.memory_space<vmem_shared>> -> memref<8x128xf32, #tpu.memory_space<vmem_shared>>
    tpu.wait_dma2 semaphore(%arg16 : memref<!tpu.dma_semaphore, #tpu.memory_space<semaphore_mem>>) src(%arg15 : memref<8x128xf32, #tpu.memory_space<vmem>>) dst(%dma_wait3A_654 : memref<8x128xf32, #tpu.memory_space<vmem_shared>>)
    "tpu.region"() ({
      %run_scoped3A = tpu.sem_alloc : memref<!tpu.dma_semaphore, #tpu.memory_space<semaphore_mem>>
      %dma_start3A_739 = arith.constant 0 : i32
      %dma_start3A_740 = arith.constant 0 : i32
      %dma_start3A_741 = tpu.memref_slice %arg15[%dma_start3A_739, %dma_start3A_740] : memref<8x128xf32, #tpu.memory_space<vmem>> -> memref<1x128xf32, #tpu.memory_space<vmem>>
      %dma_start3A_742 = arith.constant 320 : i32
      %dma_start3A_743 = arith.constant 0 : i32
      %dma_start3A_744 = tpu.memref_slice %arg5[%arg1, %dma_start3A_742, %dma_start3A_743] : memref<16x321x128xf32, #tpu.memory_space<vmem_shared>> -> memref<1x1x128xf32, #tpu.memory_space<vmem_shared>>
      %dma_start3A_745 = tpu.memref_squeeze %dma_start3A_744 : memref<1x1x128xf32, #tpu.memory_space<vmem_shared>> -> memref<1x128xf32, #tpu.memory_space<vmem_shared>>
      %dma_start3A_746 = arith.constant 320 : i32
      %dma_start3A_747 = arith.constant 0 : i32
      %dma_start3A_748 = tpu.memref_slice %arg5[%arg1, %dma_start3A_746, %dma_start3A_747] : memref<16x321x128xf32, #tpu.memory_space<vmem_shared>> -> memref<1x1x128xf32, #tpu.memory_space<vmem_shared>>
      %dma_start3A_749 = tpu.memref_squeeze %dma_start3A_748 : memref<1x1x128xf32, #tpu.memory_space<vmem_shared>> -> memref<1x128xf32, #tpu.memory_space<vmem_shared>>
      %dma_start3A_750 = arith.constant 0 : i32
      %dma_start3A_751 = arith.constant 0 : i32
      %dma_start3A_752 = tpu.memref_slice %arg15[%dma_start3A_750, %dma_start3A_751] : memref<8x128xf32, #tpu.memory_space<vmem>> -> memref<1x128xf32, #tpu.memory_space<vmem>>
      tpu.enqueue_dma source(%dma_start3A_752 : memref<1x128xf32, #tpu.memory_space<vmem>>) target(%dma_start3A_749 : memref<1x128xf32, #tpu.memory_space<vmem_shared>>) target_semaphore(%run_scoped3A : memref<!tpu.dma_semaphore, #tpu.memory_space<semaphore_mem>>)
      %dma_wait3A_753 = arith.constant 0 : i32
      %dma_wait3A_754 = arith.constant 0 : i32
      %dma_wait3A_755 = tpu.memref_slice %arg15[%dma_wait3A_753, %dma_wait3A_754] : memref<8x128xf32, #tpu.memory_space<vmem>> -> memref<1x128xf32, #tpu.memory_space<vmem>>
      %dma_wait3A_756 = arith.constant 320 : i32
      %dma_wait3A_757 = arith.constant 0 : i32
      %dma_wait3A_758 = tpu.memref_slice %arg5[%arg1, %dma_wait3A_756, %dma_wait3A_757] : memref<16x321x128xf32, #tpu.memory_space<vmem_shared>> -> memref<1x1x128xf32, #tpu.memory_space<vmem_shared>>
      %dma_wait3A_759 = tpu.memref_squeeze %dma_wait3A_758 : memref<1x1x128xf32, #tpu.memory_space<vmem_shared>> -> memref<1x128xf32, #tpu.memory_space<vmem_shared>>
      %dma_wait3A_760 = arith.constant 320 : i32
      %dma_wait3A_761 = arith.constant 0 : i32
      %dma_wait3A_762 = tpu.memref_slice %arg5[%arg1, %dma_wait3A_760, %dma_wait3A_761] : memref<16x321x128xf32, #tpu.memory_space<vmem_shared>> -> memref<1x1x128xf32, #tpu.memory_space<vmem_shared>>
      %dma_wait3A_763 = tpu.memref_squeeze %dma_wait3A_762 : memref<1x1x128xf32, #tpu.memory_space<vmem_shared>> -> memref<1x128xf32, #tpu.memory_space<vmem_shared>>
      %dma_wait3A_764 = arith.constant 0 : i32
      %dma_wait3A_765 = arith.constant 0 : i32
      %dma_wait3A_766 = tpu.memref_slice %arg15[%dma_wait3A_764, %dma_wait3A_765] : memref<8x128xf32, #tpu.memory_space<vmem>> -> memref<1x128xf32, #tpu.memory_space<vmem>>
      tpu.wait_dma2 semaphore(%run_scoped3A : memref<!tpu.dma_semaphore, #tpu.memory_space<semaphore_mem>>) src(%dma_wait3A_766 : memref<1x128xf32, #tpu.memory_space<vmem>>) dst(%dma_wait3A_763 : memref<1x128xf32, #tpu.memory_space<vmem_shared>>)
      tpu.yield
    }) : () -> ()
    %scan3A_655 = arith.constant 0 : i32
    %scan3A_656 = arith.constant 20000 : i32
    %scan3A_657 = arith.constant 0 : i32
    %scan3A_658 = arith.constant 15 : i32
    %scan3A_659 = arith.addi %scan3A_657, %scan3A_658 : i32
    %scan3A_660 = arith.constant 1 : i32
    %scan3A_661:2 = scf.for %scan3A_739 = %scan3A_657 to %scan3A_659 step %scan3A_660 iter_args(%scan3A_740 = %scan3A_655, %scan3A_741 = %scan3A_656) -> (i32, i32)  : i32 {
      %add3A_742 = arith.addi %scan3A_740, %scan3A_741 : i32
      %div3A_743 = arith.constant 2 : i32
      %div3A_744 = arith.divsi %add3A_742, %div3A_743 : i32
      %mul3A_745 = arith.constant 16 : i32
      %mul3A_746 = arith.muli %div3A_744, %mul3A_745 : i32
      "tpu.region"() ({
        %run_scoped3A = tpu.sem_alloc : memref<!tpu.dma_semaphore, #tpu.memory_space<semaphore_mem>>
        %dma_start3A_757 = tpu.memref_slice %arg3[%mul3A_746] : memref<320000xi32, #tpu.memory_space<hbm>> -> memref<16xi32, #tpu.memory_space<hbm>>
        %dma_start3A_758 = tpu.memref_slice %arg3[%mul3A_746] : memref<320000xi32, #tpu.memory_space<hbm>> -> memref<16xi32, #tpu.memory_space<hbm>>
        tpu.enqueue_dma source(%dma_start3A_758 : memref<16xi32, #tpu.memory_space<hbm>>) target(%arg13 : memref<16xi32, #tpu.memory_space<vmem>>) target_semaphore(%run_scoped3A : memref<!tpu.dma_semaphore, #tpu.memory_space<semaphore_mem>>)
        %dma_wait3A_759 = tpu.memref_slice %arg3[%mul3A_746] : memref<320000xi32, #tpu.memory_space<hbm>> -> memref<16xi32, #tpu.memory_space<hbm>>
        %dma_wait3A_760 = tpu.memref_slice %arg3[%mul3A_746] : memref<320000xi32, #tpu.memory_space<hbm>> -> memref<16xi32, #tpu.memory_space<hbm>>
        tpu.wait_dma2 semaphore(%run_scoped3A : memref<!tpu.dma_semaphore, #tpu.memory_space<semaphore_mem>>) src(%dma_wait3A_760 : memref<16xi32, #tpu.memory_space<hbm>>) dst(%arg13 : memref<16xi32, #tpu.memory_space<vmem>>)
        tpu.yield
      }) : () -> ()
      %get3A_747 = arith.constant 0 : index
      %get3A_748 = tpu.vector_load %arg13[%get3A_747] {strides = array<i32>} : memref<16xi32, #tpu.memory_space<vmem>>, vector<16xi32>,
      %reduce_min3A = arith.constant true
      %reduce_min3A_749 = vector.broadcast %reduce_min3A : i1 to vector<16xi1>
      %reduce_min3A_750 = arith.constant -2147483648 : i32
      %reduce_min3A_751 = vector.broadcast %reduce_min3A_750 : i32 to vector<16xi32>
      %reduce_min3A_752 = arith.xori %get3A_748, %reduce_min3A_751 : vector<16xi32>
      %reduce_min3A_753 = tpu.scan <min>, %reduce_min3A_752 masked %reduce_min3A_749 : vector<16xi32>, vector<16xi1> -> vector<16xi32>
      %reduce_min3A_754 = arith.xori %reduce_min3A_753, %reduce_min3A_751 : vector<16xi32>
      %reduce_min3A_755 = vector.extract %reduce_min3A_754[15] : i32 from vector<16xi32>
      %ge3A = arith.cmpi sge, %reduce_min3A_755, %mul3A_2 : i32
      %select_n3A = arith.select %ge3A, %scan3A_740, %div3A_744 : i32
      %select_n3A_756 = arith.select %ge3A, %div3A_744, %scan3A_741 : i32
      scf.yield %select_n3A, %select_n3A_756 : i32, i32
    }
    %scan3A_662 = arith.constant 15 : i32
    %mul3A_663 = arith.constant 16 : i32
    %mul3A_664 = arith.muli %scan3A_661#0, %mul3A_663 : i32
    "tpu.region"() ({
      %run_scoped3A = tpu.sem_alloc : memref<!tpu.dma_semaphore, #tpu.memory_space<semaphore_mem>>
      %dma_start3A_739 = tpu.memref_slice %arg3[%mul3A_664] : memref<320000xi32, #tpu.memory_space<hbm>> -> memref<16xi32, #tpu.memory_space<hbm>>
      %dma_start3A_740 = tpu.memref_slice %arg3[%mul3A_664] : memref<320000xi32, #tpu.memory_space<hbm>> -> memref<16xi32, #tpu.memory_space<hbm>>
      tpu.enqueue_dma source(%dma_start3A_740 : memref<16xi32, #tpu.memory_space<hbm>>) target(%arg13 : memref<16xi32, #tpu.memory_space<vmem>>) target_semaphore(%run_scoped3A : memref<!tpu.dma_semaphore, #tpu.memory_space<semaphore_mem>>)
      %dma_wait3A_741 = tpu.memref_slice %arg3[%mul3A_664] : memref<320000xi32, #tpu.memory_space<hbm>> -> memref<16xi32, #tpu.memory_space<hbm>>
      %dma_wait3A_742 = tpu.memref_slice %arg3[%mul3A_664] : memref<320000xi32, #tpu.memory_space<hbm>> -> memref<16xi32, #tpu.memory_space<hbm>>
      tpu.wait_dma2 semaphore(%run_scoped3A : memref<!tpu.dma_semaphore, #tpu.memory_space<semaphore_mem>>) src(%dma_wait3A_742 : memref<16xi32, #tpu.memory_space<hbm>>) dst(%arg13 : memref<16xi32, #tpu.memory_space<vmem>>)
      tpu.yield
    }) : () -> ()
    %get3A = arith.constant 0 : index
    %get3A_665 = tpu.vector_load %arg13[%get3A] {strides = array<i32>} : memref<16xi32, #tpu.memory_space<vmem>>, vector<16xi32>,
    %lt3A = vector.broadcast %mul3A_2 : i32 to vector<16xi32>
    %lt3A_666 = arith.cmpi slt, %get3A_665, %lt3A : vector<16xi32>
    %convert_element_type3A = arith.extui %lt3A_666 : vector<16xi1> to vector<16xi32>
    %reduce_sum3A = arith.constant true
    %reduce_sum3A_667 = vector.broadcast %reduce_sum3A : i1 to vector<16xi1>
    %reduce_sum3A_668 = tpu.scan <sum>, %convert_element_type3A masked %reduce_sum3A_667 : vector<16xi32>, vector<16xi1> -> vector<16xi32>
    %reduce_sum3A_669 = vector.extract %reduce_sum3A_668[15] : i32 from vector<16xi32>
    %mul3A_670 = arith.constant 16 : i32
    %mul3A_671 = arith.muli %scan3A_661#0, %mul3A_670 : i32
    %add3A_672 = arith.addi %mul3A_671, %reduce_sum3A_669 : i32
    %add3A_673 = arith.constant 320 : i32
    %add3A_674 = arith.addi %mul3A_2, %add3A_673 : i32
    %scan3A_675 = arith.constant 0 : i32
    %scan3A_676 = arith.constant 20000 : i32
    %scan3A_677 = arith.constant 0 : i32
    %scan3A_678 = arith.constant 15 : i32
    %scan3A_679 = arith.addi %scan3A_677, %scan3A_678 : i32
    %scan3A_680 = arith.constant 1 : i32
    %scan3A_681:2 = scf.for %scan3A_739 = %scan3A_677 to %scan3A_679 step %scan3A_680 iter_args(%scan3A_740 = %scan3A_675, %scan3A_741 = %scan3A_676) -> (i32, i32)  : i32 {
      %add3A_742 = arith.addi %scan3A_740, %scan3A_741 : i32
      %div3A_743 = arith.constant 2 : i32
      %div3A_744 = arith.divsi %add3A_742, %div3A_743 : i32
      %mul3A_745 = arith.constant 16 : i32
      %mul3A_746 = arith.muli %div3A_744, %mul3A_745 : i32
      "tpu.region"() ({
        %run_scoped3A = tpu.sem_alloc : memref<!tpu.dma_semaphore, #tpu.memory_space<semaphore_mem>>
        %dma_start3A_757 = tpu.memref_slice %arg3[%mul3A_746] : memref<320000xi32, #tpu.memory_space<hbm>> -> memref<16xi32, #tpu.memory_space<hbm>>
        %dma_start3A_758 = tpu.memref_slice %arg3[%mul3A_746] : memref<320000xi32, #tpu.memory_space<hbm>> -> memref<16xi32, #tpu.memory_space<hbm>>
        tpu.enqueue_dma source(%dma_start3A_758 : memref<16xi32, #tpu.memory_space<hbm>>) target(%arg13 : memref<16xi32, #tpu.memory_space<vmem>>) target_semaphore(%run_scoped3A : memref<!tpu.dma_semaphore, #tpu.memory_space<semaphore_mem>>)
        %dma_wait3A_759 = tpu.memref_slice %arg3[%mul3A_746] : memref<320000xi32, #tpu.memory_space<hbm>> -> memref<16xi32, #tpu.memory_space<hbm>>
        %dma_wait3A_760 = tpu.memref_slice %arg3[%mul3A_746] : memref<320000xi32, #tpu.memory_space<hbm>> -> memref<16xi32, #tpu.memory_space<hbm>>
        tpu.wait_dma2 semaphore(%run_scoped3A : memref<!tpu.dma_semaphore, #tpu.memory_space<semaphore_mem>>) src(%dma_wait3A_760 : memref<16xi32, #tpu.memory_space<hbm>>) dst(%arg13 : memref<16xi32, #tpu.memory_space<vmem>>)
        tpu.yield
      }) : () -> ()
      %get3A_747 = arith.constant 0 : index
      %get3A_748 = tpu.vector_load %arg13[%get3A_747] {strides = array<i32>} : memref<16xi32, #tpu.memory_space<vmem>>, vector<16xi32>,
      %reduce_min3A = arith.constant true
      %reduce_min3A_749 = vector.broadcast %reduce_min3A : i1 to vector<16xi1>
      %reduce_min3A_750 = arith.constant -2147483648 : i32
      %reduce_min3A_751 = vector.broadcast %reduce_min3A_750 : i32 to vector<16xi32>
      %reduce_min3A_752 = arith.xori %get3A_748, %reduce_min3A_751 : vector<16xi32>
      %reduce_min3A_753 = tpu.scan <min>, %reduce_min3A_752 masked %reduce_min3A_749 : vector<16xi32>, vector<16xi1> -> vector<16xi32>
      %reduce_min3A_754 = arith.xori %reduce_min3A_753, %reduce_min3A_751 : vector<16xi32>
      %reduce_min3A_755 = vector.extract %reduce_min3A_754[15] : i32 from vector<16xi32>
      %ge3A = arith.cmpi sge, %reduce_min3A_755, %add3A_674 : i32
      %select_n3A = arith.select %ge3A, %scan3A_740, %div3A_744 : i32
      %select_n3A_756 = arith.select %ge3A, %div3A_744, %scan3A_741 : i32
      scf.yield %select_n3A, %select_n3A_756 : i32, i32
    }
    %scan3A_682 = arith.constant 15 : i32
    %mul3A_683 = arith.constant 16 : i32
    %mul3A_684 = arith.muli %scan3A_681#0, %mul3A_683 : i32
    "tpu.region"() ({
      %run_scoped3A = tpu.sem_alloc : memref<!tpu.dma_semaphore, #tpu.memory_space<semaphore_mem>>
      %dma_start3A_739 = tpu.memref_slice %arg3[%mul3A_684] : memref<320000xi32, #tpu.memory_space<hbm>> -> memref<16xi32, #tpu.memory_space<hbm>>
      %dma_start3A_740 = tpu.memref_slice %arg3[%mul3A_684] : memref<320000xi32, #tpu.memory_space<hbm>> -> memref<16xi32, #tpu.memory_space<hbm>>
      tpu.enqueue_dma source(%dma_start3A_740 : memref<16xi32, #tpu.memory_space<hbm>>) target(%arg13 : memref<16xi32, #tpu.memory_space<vmem>>) target_semaphore(%run_scoped3A : memref<!tpu.dma_semaphore, #tpu.memory_space<semaphore_mem>>)
      %dma_wait3A_741 = tpu.memref_slice %arg3[%mul3A_684] : memref<320000xi32, #tpu.memory_space<hbm>> -> memref<16xi32, #tpu.memory_space<hbm>>
      %dma_wait3A_742 = tpu.memref_slice %arg3[%mul3A_684] : memref<320000xi32, #tpu.memory_space<hbm>> -> memref<16xi32, #tpu.memory_space<hbm>>
      tpu.wait_dma2 semaphore(%run_scoped3A : memref<!tpu.dma_semaphore, #tpu.memory_space<semaphore_mem>>) src(%dma_wait3A_742 : memref<16xi32, #tpu.memory_space<hbm>>) dst(%arg13 : memref<16xi32, #tpu.memory_space<vmem>>)
      tpu.yield
    }) : () -> ()
    %get3A_685 = arith.constant 0 : index
    %get3A_686 = tpu.vector_load %arg13[%get3A_685] {strides = array<i32>} : memref<16xi32, #tpu.memory_space<vmem>>, vector<16xi32>,
    %lt3A_687 = vector.broadcast %add3A_674 : i32 to vector<16xi32>
    %lt3A_688 = arith.cmpi slt, %get3A_686, %lt3A_687 : vector<16xi32>
    %convert_element_type3A_689 = arith.extui %lt3A_688 : vector<16xi1> to vector<16xi32>
    %reduce_sum3A_690 = arith.constant true
    %reduce_sum3A_691 = vector.broadcast %reduce_sum3A_690 : i1 to vector<16xi1>
    %reduce_sum3A_692 = tpu.scan <sum>, %convert_element_type3A_689 masked %reduce_sum3A_691 : vector<16xi32>, vector<16xi1> -> vector<16xi32>
    %reduce_sum3A_693 = vector.extract %reduce_sum3A_692[15] : i32 from vector<16xi32>
    %mul3A_694 = arith.constant 16 : i32
    %mul3A_695 = arith.muli %scan3A_681#0, %mul3A_694 : i32
    %add3A_696 = arith.addi %mul3A_695, %reduce_sum3A_693 : i32
    %div3A = arith.constant 80 : i32
    %div3A_697 = arith.divsi %add3A_672, %div3A : i32
    %add3A_698 = arith.constant 80 : i32
    %add3A_699 = arith.addi %add3A_696, %add3A_698 : i32
    %sub3A = arith.constant 1 : i32
    %sub3A_700 = arith.subi %add3A_699, %sub3A : i32
    %div3A_701 = arith.constant 80 : i32
    %div3A_702 = arith.divsi %sub3A_700, %div3A_701 : i32
    %add3A_703 = arith.constant 0 : i32
    %add3A_704 = arith.addi %div3A_697, %add3A_703 : i32
    %lt3A_705 = arith.cmpi slt, %add3A_704, %div3A_702 : i32
    %convert_element_type3A_706 = arith.extui %lt3A_705 : i1 to i32
    %cond3A = arith.constant 0 : i32
    %cond3A_707 = arith.cmpi ne, %convert_element_type3A_706, %cond3A : i32
    scf.if %cond3A_707 {
      %add3A_739 = arith.constant 0 : i32
      %add3A_740 = arith.addi %div3A_697, %add3A_739 : i32
      %mul3A_741 = arith.constant 80 : i32
      %mul3A_742 = arith.muli %add3A_740, %mul3A_741 : i32
      %dma_start3A_743 = arith.constant 0 : i32
      %dma_start3A_744 = tpu.memref_slice %arg2[%mul3A_742, %dma_start3A_743] : memref<320000x128xf32, #tpu.memory_space<hbm>> -> memref<80x128xf32, #tpu.memory_space<hbm>>
      %dma_start3A_745 = arith.constant 0 : i32
      %dma_start3A_746 = tpu.memref_slice %arg2[%mul3A_742, %dma_start3A_745] : memref<320000x128xf32, #tpu.memory_space<hbm>> -> memref<80x128xf32, #tpu.memory_space<hbm>>
      tpu.enqueue_dma source(%dma_start3A_746 : memref<80x128xf32, #tpu.memory_space<hbm>>) target(%arg6 : memref<80x128xf32, #tpu.memory_space<vmem>>) target_semaphore(%arg17 : memref<!tpu.dma_semaphore, #tpu.memory_space<semaphore_mem>>)
      %dma_start3A_747 = tpu.memref_slice %arg3[%mul3A_742] : memref<320000xi32, #tpu.memory_space<hbm>> -> memref<80xi32, #tpu.memory_space<hbm>>
      %dma_start3A_748 = tpu.memref_slice %arg3[%mul3A_742] : memref<320000xi32, #tpu.memory_space<hbm>> -> memref<80xi32, #tpu.memory_space<hbm>>
      tpu.enqueue_dma source(%dma_start3A_748 : memref<80xi32, #tpu.memory_space<hbm>>) target(%arg9 : memref<80xi32, #tpu.memory_space<vmem>>) target_semaphore(%arg17 : memref<!tpu.dma_semaphore, #tpu.memory_space<semaphore_mem>>)
    } else {
    }
    %add3A_708 = arith.constant 1 : i32
    %add3A_709 = arith.addi %div3A_697, %add3A_708 : i32
    %lt3A_710 = arith.cmpi slt, %add3A_709, %div3A_702 : i32
    %convert_element_type3A_711 = arith.extui %lt3A_710 : i1 to i32
    %cond3A_712 = arith.constant 0 : i32
    %cond3A_713 = arith.cmpi ne, %convert_element_type3A_711, %cond3A_712 : i32
    scf.if %cond3A_713 {
      %add3A_739 = arith.constant 1 : i32
      %add3A_740 = arith.addi %div3A_697, %add3A_739 : i32
      %mul3A_741 = arith.constant 80 : i32
      %mul3A_742 = arith.muli %add3A_740, %mul3A_741 : i32
      %dma_start3A_743 = arith.constant 0 : i32
      %dma_start3A_744 = tpu.memref_slice %arg2[%mul3A_742, %dma_start3A_743] : memref<320000x128xf32, #tpu.memory_space<hbm>> -> memref<80x128xf32, #tpu.memory_space<hbm>>
      %dma_start3A_745 = arith.constant 0 : i32
      %dma_start3A_746 = tpu.memref_slice %arg2[%mul3A_742, %dma_start3A_745] : memref<320000x128xf32, #tpu.memory_space<hbm>> -> memref<80x128xf32, #tpu.memory_space<hbm>>
      tpu.enqueue_dma source(%dma_start3A_746 : memref<80x128xf32, #tpu.memory_space<hbm>>) target(%arg7 : memref<80x128xf32, #tpu.memory_space<vmem>>) target_semaphore(%arg18 : memref<!tpu.dma_semaphore, #tpu.memory_space<semaphore_mem>>)
      %dma_start3A_747 = tpu.memref_slice %arg3[%mul3A_742] : memref<320000xi32, #tpu.memory_space<hbm>> -> memref<80xi32, #tpu.memory_space<hbm>>
      %dma_start3A_748 = tpu.memref_slice %arg3[%mul3A_742] : memref<320000xi32, #tpu.memory_space<hbm>> -> memref<80xi32, #tpu.memory_space<hbm>>
      tpu.enqueue_dma source(%dma_start3A_748 : memref<80xi32, #tpu.memory_space<hbm>>) target(%arg10 : memref<80xi32, #tpu.memory_space<vmem>>) target_semaphore(%arg18 : memref<!tpu.dma_semaphore, #tpu.memory_space<semaphore_mem>>)
    } else {
    }
    %sub3A_714 = arith.subi %div3A_702, %div3A_697 : i32
    %add3A_715 = arith.constant 1 : i32
    %add3A_716 = arith.addi %sub3A_714, %add3A_715 : i32
    %div3A_717 = arith.constant 2 : i32
    %div3A_718 = arith.divsi %add3A_716, %div3A_717 : i32
    %while3A = arith.constant 0 : i32
    %while3A_719 = arith.constant 0 : i32
    %while3A_720 = arith.subi %div3A_718, %while3A : i32
    %while3A_721 = arith.addi %while3A, %while3A_720 : i32
    %while3A_722 = arith.constant 1 : i32
    %while3A_723 = arith.divsi %while3A_720, %while3A_722 : i32
    %while3A_724 = arith.muli %while3A_723, %while3A_722 : i32
    %while3A_725 = arith.addi %while3A, %while3A_724 : i32
    %while3A_726 = arith.constant 1 : i32
    %while3A_727 = scf.for %while3A_739 = %while3A to %while3A_725 step %while3A_726 iter_args(%while3A_740 = %while3A_719) -> (i32)  : i32 {
      %mul3A_741 = arith.constant 2 : i32
      %mul3A_742 = arith.muli %while3A_739, %mul3A_741 : i32
      %add3A_743 = arith.addi %div3A_697, %mul3A_742 : i32
      %add3A_744 = arith.constant 0 : i32
      %add3A_745 = arith.addi %add3A_743, %add3A_744 : i32
      %lt3A_746 = arith.cmpi slt, %add3A_745, %div3A_702 : i32
      %convert_element_type3A_747 = arith.extui %lt3A_746 : i1 to i32
      %cond3A_748 = arith.constant 0 : i32
      %cond3A_749 = arith.cmpi ne, %convert_element_type3A_747, %cond3A_748 : i32
      scf.if %cond3A_749 {
        %mul3A_760 = arith.constant 80 : i32
        %mul3A_761 = arith.muli %add3A_745, %mul3A_760 : i32
        %dma_wait3A_762 = arith.constant 0 : i32
        %dma_wait3A_763 = tpu.memref_slice %arg2[%mul3A_761, %dma_wait3A_762] : memref<320000x128xf32, #tpu.memory_space<hbm>> -> memref<80x128xf32, #tpu.memory_space<hbm>>
        %dma_wait3A_764 = arith.constant 0 : i32
        %dma_wait3A_765 = tpu.memref_slice %arg2[%mul3A_761, %dma_wait3A_764] : memref<320000x128xf32, #tpu.memory_space<hbm>> -> memref<80x128xf32, #tpu.memory_space<hbm>>
        tpu.wait_dma2 semaphore(%arg17 : memref<!tpu.dma_semaphore, #tpu.memory_space<semaphore_mem>>) src(%dma_wait3A_765 : memref<80x128xf32, #tpu.memory_space<hbm>>) dst(%arg6 : memref<80x128xf32, #tpu.memory_space<vmem>>)
        %dma_wait3A_766 = tpu.memref_slice %arg3[%mul3A_761] : memref<320000xi32, #tpu.memory_space<hbm>> -> memref<80xi32, #tpu.memory_space<hbm>>
        %dma_wait3A_767 = tpu.memref_slice %arg3[%mul3A_761] : memref<320000xi32, #tpu.memory_space<hbm>> -> memref<80xi32, #tpu.memory_space<hbm>>
        tpu.wait_dma2 semaphore(%arg17 : memref<!tpu.dma_semaphore, #tpu.memory_space<semaphore_mem>>) src(%dma_wait3A_767 : memref<80xi32, #tpu.memory_space<hbm>>) dst(%arg9 : memref<80xi32, #tpu.memory_space<vmem>>)
        %get3A_768 = arith.constant 0 : index
        %get3A_769 = tpu.vector_load %arg9[%get3A_768] {strides = array<i32>} : memref<80xi32, #tpu.memory_space<vmem>>, vector<16xi32>,
        %sub3A_770 = vector.broadcast %mul3A_2 : i32 to vector<16xi32>
        %sub3A_771 = arith.subi %get3A_769, %sub3A_770 : vector<16xi32>
        %ge3A = arith.constant 0 : i32
        %ge3A_772 = vector.broadcast %ge3A : i32 to vector<16xi32>
        %ge3A_773 = arith.cmpi sge, %sub3A_771, %ge3A_772 : vector<16xi32>
        %lt3A_774 = arith.constant 320 : i32
        %lt3A_775 = vector.broadcast %lt3A_774 : i32 to vector<16xi32>
        %lt3A_776 = arith.cmpi slt, %sub3A_771, %lt3A_775 : vector<16xi32>
        %and3A = arith.andi %ge3A_773, %lt3A_776 : vector<16xi1>
        %jit3A = arith.constant 320 : i32
        %broadcast_in_dim3A_777 = vector.broadcast %jit3A : i32 to vector<16xi32>
        %select_n3A = arith.select %and3A, %sub3A_771, %broadcast_in_dim3A_777 : vector<16xi1>, vector<16xi32>
        %swap3A = arith.constant 0 : index
        %swap3A_778 = tpu.vector_load %arg11[%swap3A] {strides = array<i32>} : memref<80xi32, #tpu.memory_space<vmem>>, vector<16xi32>,
        tpu.vector_store %arg11[%swap3A], %select_n3A {strides = array<i32>} : memref<80xi32, #tpu.memory_space<vmem>>, vector<16xi32>,
        %swap3A_779 = arith.constant 0 : index
        %swap3A_780 = tpu.vector_load %arg14[%swap3A_779] {strides = array<i32>} : memref<16xi32, #tpu.memory_space<vmem>>, vector<16xi32>,
        tpu.vector_store %arg14[%swap3A_779], %get3A_769 {strides = array<i32>} : memref<16xi32, #tpu.memory_space<vmem>>, vector<16xi32>,
        %sub3A_781 = arith.constant 1 : i32
        %sub3A_782 = vector.broadcast %sub3A_781 : i32 to vector<16xi32>
        %sub3A_783 = arith.subi %iota3A, %sub3A_782 : vector<16xi32>
        %max3A = arith.constant 0 : i32
        %max3A_784 = vector.broadcast %max3A : i32 to vector<16xi32>
        %max3A_785 = arith.maxsi %sub3A_783, %max3A_784 : vector<16xi32>
        %gather3A = tpu.vector_load_idx %arg14[%max3A_785] : memref<16xi32, #tpu.memory_space<vmem>>[vector<16xi32>], vector<16xi32>,
        %eq3A = arith.constant 0 : i32
        %eq3A_786 = vector.broadcast %eq3A : i32 to vector<16xi32>
        %eq3A_787 = arith.cmpi eq, %iota3A, %eq3A_786 : vector<16xi32>
        %jit3A_788 = arith.constant -1 : i32
        %broadcast_in_dim3A_789 = vector.broadcast %jit3A_788 : i32 to vector<16xi32>
        %select_n3A_790 = arith.select %eq3A_787, %broadcast_in_dim3A_789, %gather3A : vector<16xi1>, vector<16xi32>
        %ne3A = arith.cmpi ne, %get3A_769, %select_n3A_790 : vector<16xi32>
        %jit3A_791 = arith.constant 16 : i32
        %broadcast_in_dim3A_792 = vector.broadcast %jit3A_791 : i32 to vector<16xi32>
        %select_n3A_793 = arith.select %ne3A, %iota3A, %broadcast_in_dim3A_792 : vector<16xi1>, vector<16xi32>
        %neg3A = arith.constant 0 : i32
        %neg3A_794 = vector.broadcast %neg3A : i32 to vector<16xi32>
        %neg3A_795 = arith.subi %neg3A_794, %select_n3A_793 : vector<16xi32>
        %rev3A = arith.constant 15 : i32
        %rev3A_796 = vector.broadcast %rev3A : i32 to vector<16xi32>
        %rev3A_797 = tpu.iota {dimensions = array<i32: 0>} : vector<16xi32>
        %rev3A_798 = arith.subi %rev3A_796, %rev3A_797 : vector<16xi32>
        %rev3A_799 = tpu.dynamic_gather %neg3A_795[%rev3A_798] in [0] : vector<16xi32>, vector<16xi32> -> vector<16xi32>
        %broadcast_in_dim3A_800 = arith.constant true
        %broadcast_in_dim3A_801 = vector.broadcast %broadcast_in_dim3A_800 : i1 to vector<16xi1>
        %masked_cummax3A = arith.constant -2147483648 : i32
        %masked_cummax3A_802 = vector.broadcast %masked_cummax3A : i32 to vector<16xi32>
        %masked_cummax3A_803 = arith.xori %rev3A_799, %masked_cummax3A_802 : vector<16xi32>
        %masked_cummax3A_804 = tpu.scan <max>, %masked_cummax3A_803 masked %broadcast_in_dim3A_801 : vector<16xi32>, vector<16xi1> -> vector<16xi32>
        %masked_cummax3A_805 = arith.xori %masked_cummax3A_804, %masked_cummax3A_802 : vector<16xi32>
        %rev3A_806 = arith.constant 15 : i32
        %rev3A_807 = vector.broadcast %rev3A_806 : i32 to vector<16xi32>
        %rev3A_808 = tpu.iota {dimensions = array<i32: 0>} : vector<16xi32>
        %rev3A_809 = arith.subi %rev3A_807, %rev3A_808 : vector<16xi32>
        %rev3A_810 = tpu.dynamic_gather %masked_cummax3A_805[%rev3A_809] in [0] : vector<16xi32>, vector<16xi32> -> vector<16xi32>
        %swap3A_811 = arith.constant 0 : index
        %swap3A_812 = tpu.vector_load %arg14[%swap3A_811] {strides = array<i32>} : memref<16xi32, #tpu.memory_space<vmem>>, vector<16xi32>,
        tpu.vector_store %arg14[%swap3A_811], %rev3A_810 {strides = array<i32>} : memref<16xi32, #tpu.memory_space<vmem>>, vector<16xi32>,
        %add3A_813 = arith.constant 1 : i32
        %add3A_814 = vector.broadcast %add3A_813 : i32 to vector<16xi32>
        %add3A_815 = arith.addi %iota3A, %add3A_814 : vector<16xi32>
        %min3A = arith.constant 15 : i32
        %min3A_816 = vector.broadcast %min3A : i32 to vector<16xi32>
        %min3A_817 = arith.minsi %add3A_815, %min3A_816 : vector<16xi32>
        %gather3A_818 = tpu.vector_load_idx %arg14[%min3A_817] : memref<16xi32, #tpu.memory_space<vmem>>[vector<16xi32>], vector<16xi32>,
        %eq3A_819 = arith.constant 15 : i32
        %eq3A_820 = vector.broadcast %eq3A_819 : i32 to vector<16xi32>
        %eq3A_821 = arith.cmpi eq, %iota3A, %eq3A_820 : vector<16xi32>
        %jit3A_822 = arith.constant -16 : i32
        %broadcast_in_dim3A_823 = vector.broadcast %jit3A_822 : i32 to vector<16xi32>
        %select_n3A_824 = arith.select %eq3A_821, %broadcast_in_dim3A_823, %gather3A_818 : vector<16xi1>, vector<16xi32>
        %neg3A_825 = arith.constant 0 : i32
        %neg3A_826 = vector.broadcast %neg3A_825 : i32 to vector<16xi32>
        %neg3A_827 = arith.subi %neg3A_826, %select_n3A_824 : vector<16xi32>
        %sub3A_828 = arith.subi %neg3A_827, %iota3A : vector<16xi32>
        %convert_element_type3A_829 = arith.sitofp %sub3A_828 : vector<16xi32> to vector<16xf32>
        %and3A_830 = arith.andi %ne3A, %and3A : vector<16xi1>
        tpu.vector_store_idx %arg12[%select_n3A], %convert_element_type3A_829 masked %and3A_830 {add = true} : memref<336xf32, #tpu.memory_space<vmem>>[vector<16xi32>], vector<16xf32>, vector<16xi1>
        %get3A_831 = arith.constant 16 : index
        %get3A_832 = tpu.vector_load %arg9[%get3A_831] {strides = array<i32>} : memref<80xi32, #tpu.memory_space<vmem>>, vector<16xi32>,
        %sub3A_833 = vector.broadcast %mul3A_2 : i32 to vector<16xi32>
        %sub3A_834 = arith.subi %get3A_832, %sub3A_833 : vector<16xi32>
        %ge3A_835 = arith.constant 0 : i32
        %ge3A_836 = vector.broadcast %ge3A_835 : i32 to vector<16xi32>
        %ge3A_837 = arith.cmpi sge, %sub3A_834, %ge3A_836 : vector<16xi32>
        %lt3A_838 = arith.constant 320 : i32
        %lt3A_839 = vector.broadcast %lt3A_838 : i32 to vector<16xi32>
        %lt3A_840 = arith.cmpi slt, %sub3A_834, %lt3A_839 : vector<16xi32>
        %and3A_841 = arith.andi %ge3A_837, %lt3A_840 : vector<16xi1>
        %jit3A_842 = arith.constant 320 : i32
        %broadcast_in_dim3A_843 = vector.broadcast %jit3A_842 : i32 to vector<16xi32>
        %select_n3A_844 = arith.select %and3A_841, %sub3A_834, %broadcast_in_dim3A_843 : vector<16xi1>, vector<16xi32>
        %swap3A_845 = arith.constant 16 : index
        %swap3A_846 = tpu.vector_load %arg11[%swap3A_845] {strides = array<i32>} : memref<80xi32, #tpu.memory_space<vmem>>, vector<16xi32>,
        tpu.vector_store %arg11[%swap3A_845], %select_n3A_844 {strides = array<i32>} : memref<80xi32, #tpu.memory_space<vmem>>, vector<16xi32>,
        %swap3A_847 = arith.constant 0 : index
        %swap3A_848 = tpu.vector_load %arg14[%swap3A_847] {strides = array<i32>} : memref<16xi32, #tpu.memory_space<vmem>>, vector<16xi32>,
        tpu.vector_store %arg14[%swap3A_847], %get3A_832 {strides = array<i32>} : memref<16xi32, #tpu.memory_space<vmem>>, vector<16xi32>,
        %sub3A_849 = arith.constant 1 : i32
        %sub3A_850 = vector.broadcast %sub3A_849 : i32 to vector<16xi32>
        %sub3A_851 = arith.subi %iota3A, %sub3A_850 : vector<16xi32>
        %max3A_852 = arith.constant 0 : i32
        %max3A_853 = vector.broadcast %max3A_852 : i32 to vector<16xi32>
        %max3A_854 = arith.maxsi %sub3A_851, %max3A_853 : vector<16xi32>
        %gather3A_855 = tpu.vector_load_idx %arg14[%max3A_854] : memref<16xi32, #tpu.memory_space<vmem>>[vector<16xi32>], vector<16xi32>,
        %eq3A_856 = arith.constant 0 : i32
        %eq3A_857 = vector.broadcast %eq3A_856 : i32 to vector<16xi32>
        %eq3A_858 = arith.cmpi eq, %iota3A, %eq3A_857 : vector<16xi32>
        %jit3A_859 = arith.constant -1 : i32
        %broadcast_in_dim3A_860 = vector.broadcast %jit3A_859 : i32 to vector<16xi32>
        %select_n3A_861 = arith.select %eq3A_858, %broadcast_in_dim3A_860, %gather3A_855 : vector<16xi1>, vector<16xi32>
        %ne3A_862 = arith.cmpi ne, %get3A_832, %select_n3A_861 : vector<16xi32>
        %jit3A_863 = arith.constant 16 : i32
        %broadcast_in_dim3A_864 = vector.broadcast %jit3A_863 : i32 to vector<16xi32>
        %select_n3A_865 = arith.select %ne3A_862, %iota3A, %broadcast_in_dim3A_864 : vector<16xi1>, vector<16xi32>
        %neg3A_866 = arith.constant 0 : i32
        %neg3A_867 = vector.broadcast %neg3A_866 : i32 to vector<16xi32>
        %neg3A_868 = arith.subi %neg3A_867, %select_n3A_865 : vector<16xi32>
        %rev3A_869 = arith.constant 15 : i32
        %rev3A_870 = vector.broadcast %rev3A_869 : i32 to vector<16xi32>
        %rev3A_871 = tpu.iota {dimensions = array<i32: 0>} : vector<16xi32>
        %rev3A_872 = arith.subi %rev3A_870, %rev3A_871 : vector<16xi32>
        %rev3A_873 = tpu.dynamic_gather %neg3A_868[%rev3A_872] in [0] : vector<16xi32>, vector<16xi32> -> vector<16xi32>
        %broadcast_in_dim3A_874 = arith.constant true
        %broadcast_in_dim3A_875 = vector.broadcast %broadcast_in_dim3A_874 : i1 to vector<16xi1>
        %masked_cummax3A_876 = arith.constant -2147483648 : i32
        %masked_cummax3A_877 = vector.broadcast %masked_cummax3A_876 : i32 to vector<16xi32>
        %masked_cummax3A_878 = arith.xori %rev3A_873, %masked_cummax3A_877 : vector<16xi32>
        %masked_cummax3A_879 = tpu.scan <max>, %masked_cummax3A_878 masked %broadcast_in_dim3A_875 : vector<16xi32>, vector<16xi1> -> vector<16xi32>
        %masked_cummax3A_880 = arith.xori %masked_cummax3A_879, %masked_cummax3A_877 : vector<16xi32>
        %rev3A_881 = arith.constant 15 : i32
        %rev3A_882 = vector.broadcast %rev3A_881 : i32 to vector<16xi32>
        %rev3A_883 = tpu.iota {dimensions = array<i32: 0>} : vector<16xi32>
        %rev3A_884 = arith.subi %rev3A_882, %rev3A_883 : vector<16xi32>
        %rev3A_885 = tpu.dynamic_gather %masked_cummax3A_880[%rev3A_884] in [0] : vector<16xi32>, vector<16xi32> -> vector<16xi32>
        %swap3A_886 = arith.constant 0 : index
        %swap3A_887 = tpu.vector_load %arg14[%swap3A_886] {strides = array<i32>} : memref<16xi32, #tpu.memory_space<vmem>>, vector<16xi32>,
        tpu.vector_store %arg14[%swap3A_886], %rev3A_885 {strides = array<i32>} : memref<16xi32, #tpu.memory_space<vmem>>, vector<16xi32>,
        %add3A_888 = arith.constant 1 : i32
        %add3A_889 = vector.broadcast %add3A_888 : i32 to vector<16xi32>
        %add3A_890 = arith.addi %iota3A, %add3A_889 : vector<16xi32>
        %min3A_891 = arith.constant 15 : i32
        %min3A_892 = vector.broadcast %min3A_891 : i32 to vector<16xi32>
        %min3A_893 = arith.minsi %add3A_890, %min3A_892 : vector<16xi32>
        %gather3A_894 = tpu.vector_load_idx %arg14[%min3A_893] : memref<16xi32, #tpu.memory_space<vmem>>[vector<16xi32>], vector<16xi32>,
        %eq3A_895 = arith.constant 15 : i32
        %eq3A_896 = vector.broadcast %eq3A_895 : i32 to vector<16xi32>
        %eq3A_897 = arith.cmpi eq, %iota3A, %eq3A_896 : vector<16xi32>
        %jit3A_898 = arith.constant -16 : i32
        %broadcast_in_dim3A_899 = vector.broadcast %jit3A_898 : i32 to vector<16xi32>
        %select_n3A_900 = arith.select %eq3A_897, %broadcast_in_dim3A_899, %gather3A_894 : vector<16xi1>, vector<16xi32>
        %neg3A_901 = arith.constant 0 : i32
        %neg3A_902 = vector.broadcast %neg3A_901 : i32 to vector<16xi32>
        %neg3A_903 = arith.subi %neg3A_902, %select_n3A_900 : vector<16xi32>
        %sub3A_904 = arith.subi %neg3A_903, %iota3A : vector<16xi32>
        %convert_element_type3A_905 = arith.sitofp %sub3A_904 : vector<16xi32> to vector<16xf32>
        %and3A_906 = arith.andi %ne3A_862, %and3A_841 : vector<16xi1>
        tpu.vector_store_idx %arg12[%select_n3A_844], %convert_element_type3A_905 masked %and3A_906 {add = true} : memref<336xf32, #tpu.memory_space<vmem>>[vector<16xi32>], vector<16xf32>, vector<16xi1>
        %get3A_907 = arith.constant 32 : index
        %get3A_908 = tpu.vector_load %arg9[%get3A_907] {strides = array<i32>} : memref<80xi32, #tpu.memory_space<vmem>>, vector<16xi32>,
        %sub3A_909 = vector.broadcast %mul3A_2 : i32 to vector<16xi32>
        %sub3A_910 = arith.subi %get3A_908, %sub3A_909 : vector<16xi32>
        %ge3A_911 = arith.constant 0 : i32
        %ge3A_912 = vector.broadcast %ge3A_911 : i32 to vector<16xi32>
        %ge3A_913 = arith.cmpi sge, %sub3A_910, %ge3A_912 : vector<16xi32>
        %lt3A_914 = arith.constant 320 : i32
        %lt3A_915 = vector.broadcast %lt3A_914 : i32 to vector<16xi32>
        %lt3A_916 = arith.cmpi slt, %sub3A_910, %lt3A_915 : vector<16xi32>
        %and3A_917 = arith.andi %ge3A_913, %lt3A_916 : vector<16xi1>
        %jit3A_918 = arith.constant 320 : i32
        %broadcast_in_dim3A_919 = vector.broadcast %jit3A_918 : i32 to vector<16xi32>
        %select_n3A_920 = arith.select %and3A_917, %sub3A_910, %broadcast_in_dim3A_919 : vector<16xi1>, vector<16xi32>
        %swap3A_921 = arith.constant 32 : index
        %swap3A_922 = tpu.vector_load %arg11[%swap3A_921] {strides = array<i32>} : memref<80xi32, #tpu.memory_space<vmem>>, vector<16xi32>,
        tpu.vector_store %arg11[%swap3A_921], %select_n3A_920 {strides = array<i32>} : memref<80xi32, #tpu.memory_space<vmem>>, vector<16xi32>,
        %swap3A_923 = arith.constant 0 : index
        %swap3A_924 = tpu.vector_load %arg14[%swap3A_923] {strides = array<i32>} : memref<16xi32, #tpu.memory_space<vmem>>, vector<16xi32>,
        tpu.vector_store %arg14[%swap3A_923], %get3A_908 {strides = array<i32>} : memref<16xi32, #tpu.memory_space<vmem>>, vector<16xi32>,
        %sub3A_925 = arith.constant 1 : i32
        %sub3A_926 = vector.broadcast %sub3A_925 : i32 to vector<16xi32>
        %sub3A_927 = arith.subi %iota3A, %sub3A_926 : vector<16xi32>
        %max3A_928 = arith.constant 0 : i32
        %max3A_929 = vector.broadcast %max3A_928 : i32 to vector<16xi32>
        %max3A_930 = arith.maxsi %sub3A_927, %max3A_929 : vector<16xi32>
        %gather3A_931 = tpu.vector_load_idx %arg14[%max3A_930] : memref<16xi32, #tpu.memory_space<vmem>>[vector<16xi32>], vector<16xi32>,
        %eq3A_932 = arith.constant 0 : i32
        %eq3A_933 = vector.broadcast %eq3A_932 : i32 to vector<16xi32>
        %eq3A_934 = arith.cmpi eq, %iota3A, %eq3A_933 : vector<16xi32>
        %jit3A_935 = arith.constant -1 : i32
        %broadcast_in_dim3A_936 = vector.broadcast %jit3A_935 : i32 to vector<16xi32>
        %select_n3A_937 = arith.select %eq3A_934, %broadcast_in_dim3A_936, %gather3A_931 : vector<16xi1>, vector<16xi32>
        %ne3A_938 = arith.cmpi ne, %get3A_908, %select_n3A_937 : vector<16xi32>
        %jit3A_939 = arith.constant 16 : i32
        %broadcast_in_dim3A_940 = vector.broadcast %jit3A_939 : i32 to vector<16xi32>
        %select_n3A_941 = arith.select %ne3A_938, %iota3A, %broadcast_in_dim3A_940 : vector<16xi1>, vector<16xi32>
        %neg3A_942 = arith.constant 0 : i32
        %neg3A_943 = vector.broadcast %neg3A_942 : i32 to vector<16xi32>
        %neg3A_944 = arith.subi %neg3A_943, %select_n3A_941 : vector<16xi32>
        %rev3A_945 = arith.constant 15 : i32
        %rev3A_946 = vector.broadcast %rev3A_945 : i32 to vector<16xi32>
        %rev3A_947 = tpu.iota {dimensions = array<i32: 0>} : vector<16xi32>
        %rev3A_948 = arith.subi %rev3A_946, %rev3A_947 : vector<16xi32>
        %rev3A_949 = tpu.dynamic_gather %neg3A_944[%rev3A_948] in [0] : vector<16xi32>, vector<16xi32> -> vector<16xi32>
        %broadcast_in_dim3A_950 = arith.constant true
        %broadcast_in_dim3A_951 = vector.broadcast %broadcast_in_dim3A_950 : i1 to vector<16xi1>
        %masked_cummax3A_952 = arith.constant -2147483648 : i32
        %masked_cummax3A_953 = vector.broadcast %masked_cummax3A_952 : i32 to vector<16xi32>
        %masked_cummax3A_954 = arith.xori %rev3A_949, %masked_cummax3A_953 : vector<16xi32>
        %masked_cummax3A_955 = tpu.scan <max>, %masked_cummax3A_954 masked %broadcast_in_dim3A_951 : vector<16xi32>, vector<16xi1> -> vector<16xi32>
        %masked_cummax3A_956 = arith.xori %masked_cummax3A_955, %masked_cummax3A_953 : vector<16xi32>
        %rev3A_957 = arith.constant 15 : i32
        %rev3A_958 = vector.broadcast %rev3A_957 : i32 to vector<16xi32>
        %rev3A_959 = tpu.iota {dimensions = array<i32: 0>} : vector<16xi32>
        %rev3A_960 = arith.subi %rev3A_958, %rev3A_959 : vector<16xi32>
        %rev3A_961 = tpu.dynamic_gather %masked_cummax3A_956[%rev3A_960] in [0] : vector<16xi32>, vector<16xi32> -> vector<16xi32>
        %swap3A_962 = arith.constant 0 : index
        %swap3A_963 = tpu.vector_load %arg14[%swap3A_962] {strides = array<i32>} : memref<16xi32, #tpu.memory_space<vmem>>, vector<16xi32>,
        tpu.vector_store %arg14[%swap3A_962], %rev3A_961 {strides = array<i32>} : memref<16xi32, #tpu.memory_space<vmem>>, vector<16xi32>,
        %add3A_964 = arith.constant 1 : i32
        %add3A_965 = vector.broadcast %add3A_964 : i32 to vector<16xi32>
        %add3A_966 = arith.addi %iota3A, %add3A_965 : vector<16xi32>
        %min3A_967 = arith.constant 15 : i32
        %min3A_968 = vector.broadcast %min3A_967 : i32 to vector<16xi32>
        %min3A_969 = arith.minsi %add3A_966, %min3A_968 : vector<16xi32>
        %gather3A_970 = tpu.vector_load_idx %arg14[%min3A_969] : memref<16xi32, #tpu.memory_space<vmem>>[vector<16xi32>], vector<16xi32>,
        %eq3A_971 = arith.constant 15 : i32
        %eq3A_972 = vector.broadcast %eq3A_971 : i32 to vector<16xi32>
        %eq3A_973 = arith.cmpi eq, %iota3A, %eq3A_972 : vector<16xi32>
        %jit3A_974 = arith.constant -16 : i32
        %broadcast_in_dim3A_975 = vector.broadcast %jit3A_974 : i32 to vector<16xi32>
        %select_n3A_976 = arith.select %eq3A_973, %broadcast_in_dim3A_975, %gather3A_970 : vector<16xi1>, vector<16xi32>
        %neg3A_977 = arith.constant 0 : i32
        %neg3A_978 = vector.broadcast %neg3A_977 : i32 to vector<16xi32>
        %neg3A_979 = arith.subi %neg3A_978, %select_n3A_976 : vector<16xi32>
        %sub3A_980 = arith.subi %neg3A_979, %iota3A : vector<16xi32>
        %convert_element_type3A_981 = arith.sitofp %sub3A_980 : vector<16xi32> to vector<16xf32>
        %and3A_982 = arith.andi %ne3A_938, %and3A_917 : vector<16xi1>
        tpu.vector_store_idx %arg12[%select_n3A_920], %convert_element_type3A_981 masked %and3A_982 {add = true} : memref<336xf32, #tpu.memory_space<vmem>>[vector<16xi32>], vector<16xf32>, vector<16xi1>
        %get3A_983 = arith.constant 48 : index
        %get3A_984 = tpu.vector_load %arg9[%get3A_983] {strides = array<i32>} : memref<80xi32, #tpu.memory_space<vmem>>, vector<16xi32>,
        %sub3A_985 = vector.broadcast %mul3A_2 : i32 to vector<16xi32>
        %sub3A_986 = arith.subi %get3A_984, %sub3A_985 : vector<16xi32>
        %ge3A_987 = arith.constant 0 : i32
        %ge3A_988 = vector.broadcast %ge3A_987 : i32 to vector<16xi32>
        %ge3A_989 = arith.cmpi sge, %sub3A_986, %ge3A_988 : vector<16xi32>
        %lt3A_990 = arith.constant 320 : i32
        %lt3A_991 = vector.broadcast %lt3A_990 : i32 to vector<16xi32>
        %lt3A_992 = arith.cmpi slt, %sub3A_986, %lt3A_991 : vector<16xi32>
        %and3A_993 = arith.andi %ge3A_989, %lt3A_992 : vector<16xi1>
        %jit3A_994 = arith.constant 320 : i32
        %broadcast_in_dim3A_995 = vector.broadcast %jit3A_994 : i32 to vector<16xi32>
        %select_n3A_996 = arith.select %and3A_993, %sub3A_986, %broadcast_in_dim3A_995 : vector<16xi1>, vector<16xi32>
        %swap3A_997 = arith.constant 48 : index
        %swap3A_998 = tpu.vector_load %arg11[%swap3A_997] {strides = array<i32>} : memref<80xi32, #tpu.memory_space<vmem>>, vector<16xi32>,
        tpu.vector_store %arg11[%swap3A_997], %select_n3A_996 {strides = array<i32>} : memref<80xi32, #tpu.memory_space<vmem>>, vector<16xi32>,
        %swap3A_999 = arith.constant 0 : index
        %swap3A_1000 = tpu.vector_load %arg14[%swap3A_999] {strides = array<i32>} : memref<16xi32, #tpu.memory_space<vmem>>, vector<16xi32>,
        tpu.vector_store %arg14[%swap3A_999], %get3A_984 {strides = array<i32>} : memref<16xi32, #tpu.memory_space<vmem>>, vector<16xi32>,
        %sub3A_1001 = arith.constant 1 : i32
        %sub3A_1002 = vector.broadcast %sub3A_1001 : i32 to vector<16xi32>
        %sub3A_1003 = arith.subi %iota3A, %sub3A_1002 : vector<16xi32>
        %max3A_1004 = arith.constant 0 : i32
        %max3A_1005 = vector.broadcast %max3A_1004 : i32 to vector<16xi32>
        %max3A_1006 = arith.maxsi %sub3A_1003, %max3A_1005 : vector<16xi32>
        %gather3A_1007 = tpu.vector_load_idx %arg14[%max3A_1006] : memref<16xi32, #tpu.memory_space<vmem>>[vector<16xi32>], vector<16xi32>,
        %eq3A_1008 = arith.constant 0 : i32
        %eq3A_1009 = vector.broadcast %eq3A_1008 : i32 to vector<16xi32>
        %eq3A_1010 = arith.cmpi eq, %iota3A, %eq3A_1009 : vector<16xi32>
        %jit3A_1011 = arith.constant -1 : i32
        %broadcast_in_dim3A_1012 = vector.broadcast %jit3A_1011 : i32 to vector<16xi32>
        %select_n3A_1013 = arith.select %eq3A_1010, %broadcast_in_dim3A_1012, %gather3A_1007 : vector<16xi1>, vector<16xi32>
        %ne3A_1014 = arith.cmpi ne, %get3A_984, %select_n3A_1013 : vector<16xi32>
        %jit3A_1015 = arith.constant 16 : i32
        %broadcast_in_dim3A_1016 = vector.broadcast %jit3A_1015 : i32 to vector<16xi32>
        %select_n3A_1017 = arith.select %ne3A_1014, %iota3A, %broadcast_in_dim3A_1016 : vector<16xi1>, vector<16xi32>
        %neg3A_1018 = arith.constant 0 : i32
        %neg3A_1019 = vector.broadcast %neg3A_1018 : i32 to vector<16xi32>
        %neg3A_1020 = arith.subi %neg3A_1019, %select_n3A_1017 : vector<16xi32>
        %rev3A_1021 = arith.constant 15 : i32
        %rev3A_1022 = vector.broadcast %rev3A_1021 : i32 to vector<16xi32>
        %rev3A_1023 = tpu.iota {dimensions = array<i32: 0>} : vector<16xi32>
        %rev3A_1024 = arith.subi %rev3A_1022, %rev3A_1023 : vector<16xi32>
        %rev3A_1025 = tpu.dynamic_gather %neg3A_1020[%rev3A_1024] in [0] : vector<16xi32>, vector<16xi32> -> vector<16xi32>
        %broadcast_in_dim3A_1026 = arith.constant true
        %broadcast_in_dim3A_1027 = vector.broadcast %broadcast_in_dim3A_1026 : i1 to vector<16xi1>
        %masked_cummax3A_1028 = arith.constant -2147483648 : i32
        %masked_cummax3A_1029 = vector.broadcast %masked_cummax3A_1028 : i32 to vector<16xi32>
        %masked_cummax3A_1030 = arith.xori %rev3A_1025, %masked_cummax3A_1029 : vector<16xi32>
        %masked_cummax3A_1031 = tpu.scan <max>, %masked_cummax3A_1030 masked %broadcast_in_dim3A_1027 : vector<16xi32>, vector<16xi1> -> vector<16xi32>
        %masked_cummax3A_1032 = arith.xori %masked_cummax3A_1031, %masked_cummax3A_1029 : vector<16xi32>
        %rev3A_1033 = arith.constant 15 : i32
        %rev3A_1034 = vector.broadcast %rev3A_1033 : i32 to vector<16xi32>
        %rev3A_1035 = tpu.iota {dimensions = array<i32: 0>} : vector<16xi32>
        %rev3A_1036 = arith.subi %rev3A_1034, %rev3A_1035 : vector<16xi32>
        %rev3A_1037 = tpu.dynamic_gather %masked_cummax3A_1032[%rev3A_1036] in [0] : vector<16xi32>, vector<16xi32> -> vector<16xi32>
        %swap3A_1038 = arith.constant 0 : index
        %swap3A_1039 = tpu.vector_load %arg14[%swap3A_1038] {strides = array<i32>} : memref<16xi32, #tpu.memory_space<vmem>>, vector<16xi32>,
        tpu.vector_store %arg14[%swap3A_1038], %rev3A_1037 {strides = array<i32>} : memref<16xi32, #tpu.memory_space<vmem>>, vector<16xi32>,
        %add3A_1040 = arith.constant 1 : i32
        %add3A_1041 = vector.broadcast %add3A_1040 : i32 to vector<16xi32>
        %add3A_1042 = arith.addi %iota3A, %add3A_1041 : vector<16xi32>
        %min3A_1043 = arith.constant 15 : i32
        %min3A_1044 = vector.broadcast %min3A_1043 : i32 to vector<16xi32>
        %min3A_1045 = arith.minsi %add3A_1042, %min3A_1044 : vector<16xi32>
        %gather3A_1046 = tpu.vector_load_idx %arg14[%min3A_1045] : memref<16xi32, #tpu.memory_space<vmem>>[vector<16xi32>], vector<16xi32>,
        %eq3A_1047 = arith.constant 15 : i32
        %eq3A_1048 = vector.broadcast %eq3A_1047 : i32 to vector<16xi32>
        %eq3A_1049 = arith.cmpi eq, %iota3A, %eq3A_1048 : vector<16xi32>
        %jit3A_1050 = arith.constant -16 : i32
        %broadcast_in_dim3A_1051 = vector.broadcast %jit3A_1050 : i32 to vector<16xi32>
        %select_n3A_1052 = arith.select %eq3A_1049, %broadcast_in_dim3A_1051, %gather3A_1046 : vector<16xi1>, vector<16xi32>
        %neg3A_1053 = arith.constant 0 : i32
        %neg3A_1054 = vector.broadcast %neg3A_1053 : i32 to vector<16xi32>
        %neg3A_1055 = arith.subi %neg3A_1054, %select_n3A_1052 : vector<16xi32>
        %sub3A_1056 = arith.subi %neg3A_1055, %iota3A : vector<16xi32>
        %convert_element_type3A_1057 = arith.sitofp %sub3A_1056 : vector<16xi32> to vector<16xf32>
        %and3A_1058 = arith.andi %ne3A_1014, %and3A_993 : vector<16xi1>
        tpu.vector_store_idx %arg12[%select_n3A_996], %convert_element_type3A_1057 masked %and3A_1058 {add = true} : memref<336xf32, #tpu.memory_space<vmem>>[vector<16xi32>], vector<16xf32>, vector<16xi1>
        %get3A_1059 = arith.constant 64 : index
        %get3A_1060 = tpu.vector_load %arg9[%get3A_1059] {strides = array<i32>} : memref<80xi32, #tpu.memory_space<vmem>>, vector<16xi32>,
        %sub3A_1061 = vector.broadcast %mul3A_2 : i32 to vector<16xi32>
        %sub3A_1062 = arith.subi %get3A_1060, %sub3A_1061 : vector<16xi32>
        %ge3A_1063 = arith.constant 0 : i32
        %ge3A_1064 = vector.broadcast %ge3A_1063 : i32 to vector<16xi32>
        %ge3A_1065 = arith.cmpi sge, %sub3A_1062, %ge3A_1064 : vector<16xi32>
        %lt3A_1066 = arith.constant 320 : i32
        %lt3A_1067 = vector.broadcast %lt3A_1066 : i32 to vector<16xi32>
        %lt3A_1068 = arith.cmpi slt, %sub3A_1062, %lt3A_1067 : vector<16xi32>
        %and3A_1069 = arith.andi %ge3A_1065, %lt3A_1068 : vector<16xi1>
        %jit3A_1070 = arith.constant 320 : i32
        %broadcast_in_dim3A_1071 = vector.broadcast %jit3A_1070 : i32 to vector<16xi32>
        %select_n3A_1072 = arith.select %and3A_1069, %sub3A_1062, %broadcast_in_dim3A_1071 : vector<16xi1>, vector<16xi32>
        %swap3A_1073 = arith.constant 64 : index
        %swap3A_1074 = tpu.vector_load %arg11[%swap3A_1073] {strides = array<i32>} : memref<80xi32, #tpu.memory_space<vmem>>, vector<16xi32>,
        tpu.vector_store %arg11[%swap3A_1073], %select_n3A_1072 {strides = array<i32>} : memref<80xi32, #tpu.memory_space<vmem>>, vector<16xi32>,
        %swap3A_1075 = arith.constant 0 : index
        %swap3A_1076 = tpu.vector_load %arg14[%swap3A_1075] {strides = array<i32>} : memref<16xi32, #tpu.memory_space<vmem>>, vector<16xi32>,
        tpu.vector_store %arg14[%swap3A_1075], %get3A_1060 {strides = array<i32>} : memref<16xi32, #tpu.memory_space<vmem>>, vector<16xi32>,
        %sub3A_1077 = arith.constant 1 : i32
        %sub3A_1078 = vector.broadcast %sub3A_1077 : i32 to vector<16xi32>
        %sub3A_1079 = arith.subi %iota3A, %sub3A_1078 : vector<16xi32>
        %max3A_1080 = arith.constant 0 : i32
        %max3A_1081 = vector.broadcast %max3A_1080 : i32 to vector<16xi32>
        %max3A_1082 = arith.maxsi %sub3A_1079, %max3A_1081 : vector<16xi32>
        %gather3A_1083 = tpu.vector_load_idx %arg14[%max3A_1082] : memref<16xi32, #tpu.memory_space<vmem>>[vector<16xi32>], vector<16xi32>,
        %eq3A_1084 = arith.constant 0 : i32
        %eq3A_1085 = vector.broadcast %eq3A_1084 : i32 to vector<16xi32>
        %eq3A_1086 = arith.cmpi eq, %iota3A, %eq3A_1085 : vector<16xi32>
        %jit3A_1087 = arith.constant -1 : i32
        %broadcast_in_dim3A_1088 = vector.broadcast %jit3A_1087 : i32 to vector<16xi32>
        %select_n3A_1089 = arith.select %eq3A_1086, %broadcast_in_dim3A_1088, %gather3A_1083 : vector<16xi1>, vector<16xi32>
        %ne3A_1090 = arith.cmpi ne, %get3A_1060, %select_n3A_1089 : vector<16xi32>
        %jit3A_1091 = arith.constant 16 : i32
        %broadcast_in_dim3A_1092 = vector.broadcast %jit3A_1091 : i32 to vector<16xi32>
        %select_n3A_1093 = arith.select %ne3A_1090, %iota3A, %broadcast_in_dim3A_1092 : vector<16xi1>, vector<16xi32>
        %neg3A_1094 = arith.constant 0 : i32
        %neg3A_1095 = vector.broadcast %neg3A_1094 : i32 to vector<16xi32>
        %neg3A_1096 = arith.subi %neg3A_1095, %select_n3A_1093 : vector<16xi32>
        %rev3A_1097 = arith.constant 15 : i32
        %rev3A_1098 = vector.broadcast %rev3A_1097 : i32 to vector<16xi32>
        %rev3A_1099 = tpu.iota {dimensions = array<i32: 0>} : vector<16xi32>
        %rev3A_1100 = arith.subi %rev3A_1098, %rev3A_1099 : vector<16xi32>
        %rev3A_1101 = tpu.dynamic_gather %neg3A_1096[%rev3A_1100] in [0] : vector<16xi32>, vector<16xi32> -> vector<16xi32>
        %broadcast_in_dim3A_1102 = arith.constant true
        %broadcast_in_dim3A_1103 = vector.broadcast %broadcast_in_dim3A_1102 : i1 to vector<16xi1>
        %masked_cummax3A_1104 = arith.constant -2147483648 : i32
        %masked_cummax3A_1105 = vector.broadcast %masked_cummax3A_1104 : i32 to vector<16xi32>
        %masked_cummax3A_1106 = arith.xori %rev3A_1101, %masked_cummax3A_1105 : vector<16xi32>
        %masked_cummax3A_1107 = tpu.scan <max>, %masked_cummax3A_1106 masked %broadcast_in_dim3A_1103 : vector<16xi32>, vector<16xi1> -> vector<16xi32>
        %masked_cummax3A_1108 = arith.xori %masked_cummax3A_1107, %masked_cummax3A_1105 : vector<16xi32>
        %rev3A_1109 = arith.constant 15 : i32
        %rev3A_1110 = vector.broadcast %rev3A_1109 : i32 to vector<16xi32>
        %rev3A_1111 = tpu.iota {dimensions = array<i32: 0>} : vector<16xi32>
        %rev3A_1112 = arith.subi %rev3A_1110, %rev3A_1111 : vector<16xi32>
        %rev3A_1113 = tpu.dynamic_gather %masked_cummax3A_1108[%rev3A_1112] in [0] : vector<16xi32>, vector<16xi32> -> vector<16xi32>
        %swap3A_1114 = arith.constant 0 : index
        %swap3A_1115 = tpu.vector_load %arg14[%swap3A_1114] {strides = array<i32>} : memref<16xi32, #tpu.memory_space<vmem>>, vector<16xi32>,
        tpu.vector_store %arg14[%swap3A_1114], %rev3A_1113 {strides = array<i32>} : memref<16xi32, #tpu.memory_space<vmem>>, vector<16xi32>,
        %add3A_1116 = arith.constant 1 : i32
        %add3A_1117 = vector.broadcast %add3A_1116 : i32 to vector<16xi32>
        %add3A_1118 = arith.addi %iota3A, %add3A_1117 : vector<16xi32>
        %min3A_1119 = arith.constant 15 : i32
        %min3A_1120 = vector.broadcast %min3A_1119 : i32 to vector<16xi32>
        %min3A_1121 = arith.minsi %add3A_1118, %min3A_1120 : vector<16xi32>
        %gather3A_1122 = tpu.vector_load_idx %arg14[%min3A_1121] : memref<16xi32, #tpu.memory_space<vmem>>[vector<16xi32>], vector<16xi32>,
        %eq3A_1123 = arith.constant 15 : i32
        %eq3A_1124 = vector.broadcast %eq3A_1123 : i32 to vector<16xi32>
        %eq3A_1125 = arith.cmpi eq, %iota3A, %eq3A_1124 : vector<16xi32>
        %jit3A_1126 = arith.constant -16 : i32
        %broadcast_in_dim3A_1127 = vector.broadcast %jit3A_1126 : i32 to vector<16xi32>
        %select_n3A_1128 = arith.select %eq3A_1125, %broadcast_in_dim3A_1127, %gather3A_1122 : vector<16xi1>, vector<16xi32>
        %neg3A_1129 = arith.constant 0 : i32
        %neg3A_1130 = vector.broadcast %neg3A_1129 : i32 to vector<16xi32>
        %neg3A_1131 = arith.subi %neg3A_1130, %select_n3A_1128 : vector<16xi32>
        %sub3A_1132 = arith.subi %neg3A_1131, %iota3A : vector<16xi32>
        %convert_element_type3A_1133 = arith.sitofp %sub3A_1132 : vector<16xi32> to vector<16xf32>
        %and3A_1134 = arith.andi %ne3A_1090, %and3A_1069 : vector<16xi1>
        tpu.vector_store_idx %arg12[%select_n3A_1072], %convert_element_type3A_1133 masked %and3A_1134 {add = true} : memref<336xf32, #tpu.memory_space<vmem>>[vector<16xi32>], vector<16xf32>, vector<16xi1>
        "tpu.region"() ({
          %run_scoped3A = tpu.sem_alloc : memref<!tpu.dma_semaphore, #tpu.memory_space<semaphore_mem>>
          %dma_start3A_1141 = arith.constant 0 : i32
          %dma_start3A_1142 = arith.constant 0 : i32
          %dma_start3A_1143 = tpu.memref_slice %arg5[%arg1, %dma_start3A_1141, %dma_start3A_1142] : memref<16x321x128xf32, #tpu.memory_space<vmem_shared>> -> memref<1x321x128xf32, #tpu.memory_space<vmem_shared>>
          %dma_start3A_1144 = tpu.memref_squeeze %dma_start3A_1143 : memref<1x321x128xf32, #tpu.memory_space<vmem_shared>> -> memref<321x128xf32, #tpu.memory_space<vmem_shared>>
          %dma_start3A_1145 = arith.constant 0 : i32
          %dma_start3A_1146 = arith.constant 0 : i32
          %dma_start3A_1147 = tpu.memref_slice %dma_start3A_1144[%dma_start3A_1145, %dma_start3A_1146] : memref<321x128xf32, #tpu.memory_space<vmem_shared>> -> memref<321x128xf32, #tpu.memory_space<vmem_shared>>
          tpu.enqueue_indirect_dma source(%arg6 : memref<80x128xf32, #tpu.memory_space<vmem>>) target(%dma_start3A_1147 : memref<321x128xf32, #tpu.memory_space<vmem_shared>>) offsets(%arg11 : memref<80xi32, #tpu.memory_space<vmem>>) semaphore(%run_scoped3A : memref<!tpu.dma_semaphore, #tpu.memory_space<semaphore_mem>>) {add = true}
          %dma_wait3A_1148 = arith.constant 0 : i32
          %dma_wait3A_1149 = arith.constant 0 : i32
          %dma_wait3A_1150 = tpu.memref_slice %arg5[%arg1, %dma_wait3A_1148, %dma_wait3A_1149] : memref<16x321x128xf32, #tpu.memory_space<vmem_shared>> -> memref<1x321x128xf32, #tpu.memory_space<vmem_shared>>
          %dma_wait3A_1151 = tpu.memref_squeeze %dma_wait3A_1150 : memref<1x321x128xf32, #tpu.memory_space<vmem_shared>> -> memref<321x128xf32, #tpu.memory_space<vmem_shared>>
          %dma_wait3A_1152 = arith.constant 0 : i32
          %dma_wait3A_1153 = arith.constant 0 : i32
          %dma_wait3A_1154 = tpu.memref_slice %dma_wait3A_1151[%dma_wait3A_1152, %dma_wait3A_1153] : memref<321x128xf32, #tpu.memory_space<vmem_shared>> -> memref<321x128xf32, #tpu.memory_space<vmem_shared>>
          tpu.wait_indirect_dma semaphore(%run_scoped3A : memref<!tpu.dma_semaphore, #tpu.memory_space<semaphore_mem>>) src(%arg6 : memref<80x128xf32, #tpu.memory_space<vmem>>) dst(%dma_wait3A_1154 : memref<321x128xf32, #tpu.memory_space<vmem_shared>>)
          tpu.yield
        }) : () -> ()
        %add3A_1135 = arith.constant 2 : i32
        %add3A_1136 = arith.addi %add3A_745, %add3A_1135 : i32
        %lt3A_1137 = arith.cmpi slt, %add3A_1136, %div3A_702 : i32
        %convert_element_type3A_1138 = arith.extui %lt3A_1137 : i1 to i32
        %cond3A_1139 = arith.constant 0 : i32
        %cond3A_1140 = arith.cmpi ne, %convert_element_type3A_1138, %cond3A_1139 : i32
        scf.if %cond3A_1140 {
          %add3A_1141 = arith.constant 2 : i32
          %add3A_1142 = arith.addi %add3A_745, %add3A_1141 : i32
          %mul3A_1143 = arith.constant 80 : i32
          %mul3A_1144 = arith.muli %add3A_1142, %mul3A_1143 : i32
          %dma_start3A_1145 = arith.constant 0 : i32
          %dma_start3A_1146 = tpu.memref_slice %arg2[%mul3A_1144, %dma_start3A_1145] : memref<320000x128xf32, #tpu.memory_space<hbm>> -> memref<80x128xf32, #tpu.memory_space<hbm>>
          %dma_start3A_1147 = arith.constant 0 : i32
          %dma_start3A_1148 = tpu.memref_slice %arg2[%mul3A_1144, %dma_start3A_1147] : memref<320000x128xf32, #tpu.memory_space<hbm>> -> memref<80x128xf32, #tpu.memory_space<hbm>>
          tpu.enqueue_dma source(%dma_start3A_1148 : memref<80x128xf32, #tpu.memory_space<hbm>>) target(%arg6 : memref<80x128xf32, #tpu.memory_space<vmem>>) target_semaphore(%arg17 : memref<!tpu.dma_semaphore, #tpu.memory_space<semaphore_mem>>)
          %dma_start3A_1149 = tpu.memref_slice %arg3[%mul3A_1144] : memref<320000xi32, #tpu.memory_space<hbm>> -> memref<80xi32, #tpu.memory_space<hbm>>
          %dma_start3A_1150 = tpu.memref_slice %arg3[%mul3A_1144] : memref<320000xi32, #tpu.memory_space<hbm>> -> memref<80xi32, #tpu.memory_space<hbm>>
          tpu.enqueue_dma source(%dma_start3A_1150 : memref<80xi32, #tpu.memory_space<hbm>>) target(%arg9 : memref<80xi32, #tpu.memory_space<vmem>>) target_semaphore(%arg17 : memref<!tpu.dma_semaphore, #tpu.memory_space<semaphore_mem>>)
        } else {
        }
      } else {
      }
      %mul3A_750 = arith.constant 2 : i32
      %mul3A_751 = arith.muli %while3A_739, %mul3A_750 : i32
      %add3A_752 = arith.addi %div3A_697, %mul3A_751 : i32
      %add3A_753 = arith.constant 1 : i32
      %add3A_754 = arith.addi %add3A_752, %add3A_753 : i32
      %lt3A_755 = arith.cmpi slt, %add3A_754, %div3A_702 : i32
      %convert_element_type3A_756 = arith.extui %lt3A_755 : i1 to i32
      %cond3A_757 = arith.constant 0 : i32
      %cond3A_758 = arith.cmpi ne, %convert_element_type3A_756, %cond3A_757 : i32
      scf.if %cond3A_758 {
        %mul3A_760 = arith.constant 80 : i32
        %mul3A_761 = arith.muli %add3A_754, %mul3A_760 : i32
        %dma_wait3A_762 = arith.constant 0 : i32
        %dma_wait3A_763 = tpu.memref_slice %arg2[%mul3A_761, %dma_wait3A_762] : memref<320000x128xf32, #tpu.memory_space<hbm>> -> memref<80x128xf32, #tpu.memory_space<hbm>>
        %dma_wait3A_764 = arith.constant 0 : i32
        %dma_wait3A_765 = tpu.memref_slice %arg2[%mul3A_761, %dma_wait3A_764] : memref<320000x128xf32, #tpu.memory_space<hbm>> -> memref<80x128xf32, #tpu.memory_space<hbm>>
        tpu.wait_dma2 semaphore(%arg18 : memref<!tpu.dma_semaphore, #tpu.memory_space<semaphore_mem>>) src(%dma_wait3A_765 : memref<80x128xf32, #tpu.memory_space<hbm>>) dst(%arg7 : memref<80x128xf32, #tpu.memory_space<vmem>>)
        %dma_wait3A_766 = tpu.memref_slice %arg3[%mul3A_761] : memref<320000xi32, #tpu.memory_space<hbm>> -> memref<80xi32, #tpu.memory_space<hbm>>
        %dma_wait3A_767 = tpu.memref_slice %arg3[%mul3A_761] : memref<320000xi32, #tpu.memory_space<hbm>> -> memref<80xi32, #tpu.memory_space<hbm>>
        tpu.wait_dma2 semaphore(%arg18 : memref<!tpu.dma_semaphore, #tpu.memory_space<semaphore_mem>>) src(%dma_wait3A_767 : memref<80xi32, #tpu.memory_space<hbm>>) dst(%arg10 : memref<80xi32, #tpu.memory_space<vmem>>)
        %get3A_768 = arith.constant 0 : index
        %get3A_769 = tpu.vector_load %arg10[%get3A_768] {strides = array<i32>} : memref<80xi32, #tpu.memory_space<vmem>>, vector<16xi32>,
        %sub3A_770 = vector.broadcast %mul3A_2 : i32 to vector<16xi32>
        %sub3A_771 = arith.subi %get3A_769, %sub3A_770 : vector<16xi32>
        %ge3A = arith.constant 0 : i32
        %ge3A_772 = vector.broadcast %ge3A : i32 to vector<16xi32>
        %ge3A_773 = arith.cmpi sge, %sub3A_771, %ge3A_772 : vector<16xi32>
        %lt3A_774 = arith.constant 320 : i32
        %lt3A_775 = vector.broadcast %lt3A_774 : i32 to vector<16xi32>
        %lt3A_776 = arith.cmpi slt, %sub3A_771, %lt3A_775 : vector<16xi32>
        %and3A = arith.andi %ge3A_773, %lt3A_776 : vector<16xi1>
        %jit3A = arith.constant 320 : i32
        %broadcast_in_dim3A_777 = vector.broadcast %jit3A : i32 to vector<16xi32>
        %select_n3A = arith.select %and3A, %sub3A_771, %broadcast_in_dim3A_777 : vector<16xi1>, vector<16xi32>
        %swap3A = arith.constant 0 : index
        %swap3A_778 = tpu.vector_load %arg11[%swap3A] {strides = array<i32>} : memref<80xi32, #tpu.memory_space<vmem>>, vector<16xi32>,
        tpu.vector_store %arg11[%swap3A], %select_n3A {strides = array<i32>} : memref<80xi32, #tpu.memory_space<vmem>>, vector<16xi32>,
        %swap3A_779 = arith.constant 0 : index
        %swap3A_780 = tpu.vector_load %arg14[%swap3A_779] {strides = array<i32>} : memref<16xi32, #tpu.memory_space<vmem>>, vector<16xi32>,
        tpu.vector_store %arg14[%swap3A_779], %get3A_769 {strides = array<i32>} : memref<16xi32, #tpu.memory_space<vmem>>, vector<16xi32>,
        %sub3A_781 = arith.constant 1 : i32
        %sub3A_782 = vector.broadcast %sub3A_781 : i32 to vector<16xi32>
        %sub3A_783 = arith.subi %iota3A, %sub3A_782 : vector<16xi32>
        %max3A = arith.constant 0 : i32
        %max3A_784 = vector.broadcast %max3A : i32 to vector<16xi32>
        %max3A_785 = arith.maxsi %sub3A_783, %max3A_784 : vector<16xi32>
        %gather3A = tpu.vector_load_idx %arg14[%max3A_785] : memref<16xi32, #tpu.memory_space<vmem>>[vector<16xi32>], vector<16xi32>,
        %eq3A = arith.constant 0 : i32
        %eq3A_786 = vector.broadcast %eq3A : i32 to vector<16xi32>
        %eq3A_787 = arith.cmpi eq, %iota3A, %eq3A_786 : vector<16xi32>
        %jit3A_788 = arith.constant -1 : i32
        %broadcast_in_dim3A_789 = vector.broadcast %jit3A_788 : i32 to vector<16xi32>
        %select_n3A_790 = arith.select %eq3A_787, %broadcast_in_dim3A_789, %gather3A : vector<16xi1>, vector<16xi32>
        %ne3A = arith.cmpi ne, %get3A_769, %select_n3A_790 : vector<16xi32>
        %jit3A_791 = arith.constant 16 : i32
        %broadcast_in_dim3A_792 = vector.broadcast %jit3A_791 : i32 to vector<16xi32>
        %select_n3A_793 = arith.select %ne3A, %iota3A, %broadcast_in_dim3A_792 : vector<16xi1>, vector<16xi32>
        %neg3A = arith.constant 0 : i32
        %neg3A_794 = vector.broadcast %neg3A : i32 to vector<16xi32>
        %neg3A_795 = arith.subi %neg3A_794, %select_n3A_793 : vector<16xi32>
        %rev3A = arith.constant 15 : i32
        %rev3A_796 = vector.broadcast %rev3A : i32 to vector<16xi32>
        %rev3A_797 = tpu.iota {dimensions = array<i32: 0>} : vector<16xi32>
        %rev3A_798 = arith.subi %rev3A_796, %rev3A_797 : vector<16xi32>
        %rev3A_799 = tpu.dynamic_gather %neg3A_795[%rev3A_798] in [0] : vector<16xi32>, vector<16xi32> -> vector<16xi32>
        %broadcast_in_dim3A_800 = arith.constant true
        %broadcast_in_dim3A_801 = vector.broadcast %broadcast_in_dim3A_800 : i1 to vector<16xi1>
        %masked_cummax3A = arith.constant -2147483648 : i32
        %masked_cummax3A_802 = vector.broadcast %masked_cummax3A : i32 to vector<16xi32>
        %masked_cummax3A_803 = arith.xori %rev3A_799, %masked_cummax3A_802 : vector<16xi32>
        %masked_cummax3A_804 = tpu.scan <max>, %masked_cummax3A_803 masked %broadcast_in_dim3A_801 : vector<16xi32>, vector<16xi1> -> vector<16xi32>
        %masked_cummax3A_805 = arith.xori %masked_cummax3A_804, %masked_cummax3A_802 : vector<16xi32>
        %rev3A_806 = arith.constant 15 : i32
        %rev3A_807 = vector.broadcast %rev3A_806 : i32 to vector<16xi32>
        %rev3A_808 = tpu.iota {dimensions = array<i32: 0>} : vector<16xi32>
        %rev3A_809 = arith.subi %rev3A_807, %rev3A_808 : vector<16xi32>
        %rev3A_810 = tpu.dynamic_gather %masked_cummax3A_805[%rev3A_809] in [0] : vector<16xi32>, vector<16xi32> -> vector<16xi32>
        %swap3A_811 = arith.constant 0 : index
        %swap3A_812 = tpu.vector_load %arg14[%swap3A_811] {strides = array<i32>} : memref<16xi32, #tpu.memory_space<vmem>>, vector<16xi32>,
        tpu.vector_store %arg14[%swap3A_811], %rev3A_810 {strides = array<i32>} : memref<16xi32, #tpu.memory_space<vmem>>, vector<16xi32>,
        %add3A_813 = arith.constant 1 : i32
        %add3A_814 = vector.broadcast %add3A_813 : i32 to vector<16xi32>
        %add3A_815 = arith.addi %iota3A, %add3A_814 : vector<16xi32>
        %min3A = arith.constant 15 : i32
        %min3A_816 = vector.broadcast %min3A : i32 to vector<16xi32>
        %min3A_817 = arith.minsi %add3A_815, %min3A_816 : vector<16xi32>
        %gather3A_818 = tpu.vector_load_idx %arg14[%min3A_817] : memref<16xi32, #tpu.memory_space<vmem>>[vector<16xi32>], vector<16xi32>,
        %eq3A_819 = arith.constant 15 : i32
        %eq3A_820 = vector.broadcast %eq3A_819 : i32 to vector<16xi32>
        %eq3A_821 = arith.cmpi eq, %iota3A, %eq3A_820 : vector<16xi32>
        %jit3A_822 = arith.constant -16 : i32
        %broadcast_in_dim3A_823 = vector.broadcast %jit3A_822 : i32 to vector<16xi32>
        %select_n3A_824 = arith.select %eq3A_821, %broadcast_in_dim3A_823, %gather3A_818 : vector<16xi1>, vector<16xi32>
        %neg3A_825 = arith.constant 0 : i32
        %neg3A_826 = vector.broadcast %neg3A_825 : i32 to vector<16xi32>
        %neg3A_827 = arith.subi %neg3A_826, %select_n3A_824 : vector<16xi32>
        %sub3A_828 = arith.subi %neg3A_827, %iota3A : vector<16xi32>
        %convert_element_type3A_829 = arith.sitofp %sub3A_828 : vector<16xi32> to vector<16xf32>
        %and3A_830 = arith.andi %ne3A, %and3A : vector<16xi1>
        tpu.vector_store_idx %arg12[%select_n3A], %convert_element_type3A_829 masked %and3A_830 {add = true} : memref<336xf32, #tpu.memory_space<vmem>>[vector<16xi32>], vector<16xf32>, vector<16xi1>
        %get3A_831 = arith.constant 16 : index
        %get3A_832 = tpu.vector_load %arg10[%get3A_831] {strides = array<i32>} : memref<80xi32, #tpu.memory_space<vmem>>, vector<16xi32>,
        %sub3A_833 = vector.broadcast %mul3A_2 : i32 to vector<16xi32>
        %sub3A_834 = arith.subi %get3A_832, %sub3A_833 : vector<16xi32>
        %ge3A_835 = arith.constant 0 : i32
        %ge3A_836 = vector.broadcast %ge3A_835 : i32 to vector<16xi32>
        %ge3A_837 = arith.cmpi sge, %sub3A_834, %ge3A_836 : vector<16xi32>
        %lt3A_838 = arith.constant 320 : i32
        %lt3A_839 = vector.broadcast %lt3A_838 : i32 to vector<16xi32>
        %lt3A_840 = arith.cmpi slt, %sub3A_834, %lt3A_839 : vector<16xi32>
        %and3A_841 = arith.andi %ge3A_837, %lt3A_840 : vector<16xi1>
        %jit3A_842 = arith.constant 320 : i32
        %broadcast_in_dim3A_843 = vector.broadcast %jit3A_842 : i32 to vector<16xi32>
        %select_n3A_844 = arith.select %and3A_841, %sub3A_834, %broadcast_in_dim3A_843 : vector<16xi1>, vector<16xi32>
        %swap3A_845 = arith.constant 16 : index
        %swap3A_846 = tpu.vector_load %arg11[%swap3A_845] {strides = array<i32>} : memref<80xi32, #tpu.memory_space<vmem>>, vector<16xi32>,
        tpu.vector_store %arg11[%swap3A_845], %select_n3A_844 {strides = array<i32>} : memref<80xi32, #tpu.memory_space<vmem>>, vector<16xi32>,
        %swap3A_847 = arith.constant 0 : index
        %swap3A_848 = tpu.vector_load %arg14[%swap3A_847] {strides = array<i32>} : memref<16xi32, #tpu.memory_space<vmem>>, vector<16xi32>,
        tpu.vector_store %arg14[%swap3A_847], %get3A_832 {strides = array<i32>} : memref<16xi32, #tpu.memory_space<vmem>>, vector<16xi32>,
        %sub3A_849 = arith.constant 1 : i32
        %sub3A_850 = vector.broadcast %sub3A_849 : i32 to vector<16xi32>
        %sub3A_851 = arith.subi %iota3A, %sub3A_850 : vector<16xi32>
        %max3A_852 = arith.constant 0 : i32
        %max3A_853 = vector.broadcast %max3A_852 : i32 to vector<16xi32>
        %max3A_854 = arith.maxsi %sub3A_851, %max3A_853 : vector<16xi32>
        %gather3A_855 = tpu.vector_load_idx %arg14[%max3A_854] : memref<16xi32, #tpu.memory_space<vmem>>[vector<16xi32>], vector<16xi32>,
        %eq3A_856 = arith.constant 0 : i32
        %eq3A_857 = vector.broadcast %eq3A_856 : i32 to vector<16xi32>
        %eq3A_858 = arith.cmpi eq, %iota3A, %eq3A_857 : vector<16xi32>
        %jit3A_859 = arith.constant -1 : i32
        %broadcast_in_dim3A_860 = vector.broadcast %jit3A_859 : i32 to vector<16xi32>
        %select_n3A_861 = arith.select %eq3A_858, %broadcast_in_dim3A_860, %gather3A_855 : vector<16xi1>, vector<16xi32>
        %ne3A_862 = arith.cmpi ne, %get3A_832, %select_n3A_861 : vector<16xi32>
        %jit3A_863 = arith.constant 16 : i32
        %broadcast_in_dim3A_864 = vector.broadcast %jit3A_863 : i32 to vector<16xi32>
        %select_n3A_865 = arith.select %ne3A_862, %iota3A, %broadcast_in_dim3A_864 : vector<16xi1>, vector<16xi32>
        %neg3A_866 = arith.constant 0 : i32
        %neg3A_867 = vector.broadcast %neg3A_866 : i32 to vector<16xi32>
        %neg3A_868 = arith.subi %neg3A_867, %select_n3A_865 : vector<16xi32>
        %rev3A_869 = arith.constant 15 : i32
        %rev3A_870 = vector.broadcast %rev3A_869 : i32 to vector<16xi32>
        %rev3A_871 = tpu.iota {dimensions = array<i32: 0>} : vector<16xi32>
        %rev3A_872 = arith.subi %rev3A_870, %rev3A_871 : vector<16xi32>
        %rev3A_873 = tpu.dynamic_gather %neg3A_868[%rev3A_872] in [0] : vector<16xi32>, vector<16xi32> -> vector<16xi32>
        %broadcast_in_dim3A_874 = arith.constant true
        %broadcast_in_dim3A_875 = vector.broadcast %broadcast_in_dim3A_874 : i1 to vector<16xi1>
        %masked_cummax3A_876 = arith.constant -2147483648 : i32
        %masked_cummax3A_877 = vector.broadcast %masked_cummax3A_876 : i32 to vector<16xi32>
        %masked_cummax3A_878 = arith.xori %rev3A_873, %masked_cummax3A_877 : vector<16xi32>
        %masked_cummax3A_879 = tpu.scan <max>, %masked_cummax3A_878 masked %broadcast_in_dim3A_875 : vector<16xi32>, vector<16xi1> -> vector<16xi32>
        %masked_cummax3A_880 = arith.xori %masked_cummax3A_879, %masked_cummax3A_877 : vector<16xi32>
        %rev3A_881 = arith.constant 15 : i32
        %rev3A_882 = vector.broadcast %rev3A_881 : i32 to vector<16xi32>
        %rev3A_883 = tpu.iota {dimensions = array<i32: 0>} : vector<16xi32>
        %rev3A_884 = arith.subi %rev3A_882, %rev3A_883 : vector<16xi32>
        %rev3A_885 = tpu.dynamic_gather %masked_cummax3A_880[%rev3A_884] in [0] : vector<16xi32>, vector<16xi32> -> vector<16xi32>
        %swap3A_886 = arith.constant 0 : index
        %swap3A_887 = tpu.vector_load %arg14[%swap3A_886] {strides = array<i32>} : memref<16xi32, #tpu.memory_space<vmem>>, vector<16xi32>,
        tpu.vector_store %arg14[%swap3A_886], %rev3A_885 {strides = array<i32>} : memref<16xi32, #tpu.memory_space<vmem>>, vector<16xi32>,
        %add3A_888 = arith.constant 1 : i32
        %add3A_889 = vector.broadcast %add3A_888 : i32 to vector<16xi32>
        %add3A_890 = arith.addi %iota3A, %add3A_889 : vector<16xi32>
        %min3A_891 = arith.constant 15 : i32
        %min3A_892 = vector.broadcast %min3A_891 : i32 to vector<16xi32>
        %min3A_893 = arith.minsi %add3A_890, %min3A_892 : vector<16xi32>
        %gather3A_894 = tpu.vector_load_idx %arg14[%min3A_893] : memref<16xi32, #tpu.memory_space<vmem>>[vector<16xi32>], vector<16xi32>,
        %eq3A_895 = arith.constant 15 : i32
        %eq3A_896 = vector.broadcast %eq3A_895 : i32 to vector<16xi32>
        %eq3A_897 = arith.cmpi eq, %iota3A, %eq3A_896 : vector<16xi32>
        %jit3A_898 = arith.constant -16 : i32
        %broadcast_in_dim3A_899 = vector.broadcast %jit3A_898 : i32 to vector<16xi32>
        %select_n3A_900 = arith.select %eq3A_897, %broadcast_in_dim3A_899, %gather3A_894 : vector<16xi1>, vector<16xi32>
        %neg3A_901 = arith.constant 0 : i32
        %neg3A_902 = vector.broadcast %neg3A_901 : i32 to vector<16xi32>
        %neg3A_903 = arith.subi %neg3A_902, %select_n3A_900 : vector<16xi32>
        %sub3A_904 = arith.subi %neg3A_903, %iota3A : vector<16xi32>
        %convert_element_type3A_905 = arith.sitofp %sub3A_904 : vector<16xi32> to vector<16xf32>
        %and3A_906 = arith.andi %ne3A_862, %and3A_841 : vector<16xi1>
        tpu.vector_store_idx %arg12[%select_n3A_844], %convert_element_type3A_905 masked %and3A_906 {add = true} : memref<336xf32, #tpu.memory_space<vmem>>[vector<16xi32>], vector<16xf32>, vector<16xi1>
        %get3A_907 = arith.constant 32 : index
        %get3A_908 = tpu.vector_load %arg10[%get3A_907] {strides = array<i32>} : memref<80xi32, #tpu.memory_space<vmem>>, vector<16xi32>,
        %sub3A_909 = vector.broadcast %mul3A_2 : i32 to vector<16xi32>
        %sub3A_910 = arith.subi %get3A_908, %sub3A_909 : vector<16xi32>
        %ge3A_911 = arith.constant 0 : i32
        %ge3A_912 = vector.broadcast %ge3A_911 : i32 to vector<16xi32>
        %ge3A_913 = arith.cmpi sge, %sub3A_910, %ge3A_912 : vector<16xi32>
        %lt3A_914 = arith.constant 320 : i32
        %lt3A_915 = vector.broadcast %lt3A_914 : i32 to vector<16xi32>
        %lt3A_916 = arith.cmpi slt, %sub3A_910, %lt3A_915 : vector<16xi32>
        %and3A_917 = arith.andi %ge3A_913, %lt3A_916 : vector<16xi1>
        %jit3A_918 = arith.constant 320 : i32
        %broadcast_in_dim3A_919 = vector.broadcast %jit3A_918 : i32 to vector<16xi32>
        %select_n3A_920 = arith.select %and3A_917, %sub3A_910, %broadcast_in_dim3A_919 : vector<16xi1>, vector<16xi32>
        %swap3A_921 = arith.constant 32 : index
        %swap3A_922 = tpu.vector_load %arg11[%swap3A_921] {strides = array<i32>} : memref<80xi32, #tpu.memory_space<vmem>>, vector<16xi32>,
        tpu.vector_store %arg11[%swap3A_921], %select_n3A_920 {strides = array<i32>} : memref<80xi32, #tpu.memory_space<vmem>>, vector<16xi32>,
        %swap3A_923 = arith.constant 0 : index
        %swap3A_924 = tpu.vector_load %arg14[%swap3A_923] {strides = array<i32>} : memref<16xi32, #tpu.memory_space<vmem>>, vector<16xi32>,
        tpu.vector_store %arg14[%swap3A_923], %get3A_908 {strides = array<i32>} : memref<16xi32, #tpu.memory_space<vmem>>, vector<16xi32>,
        %sub3A_925 = arith.constant 1 : i32
        %sub3A_926 = vector.broadcast %sub3A_925 : i32 to vector<16xi32>
        %sub3A_927 = arith.subi %iota3A, %sub3A_926 : vector<16xi32>
        %max3A_928 = arith.constant 0 : i32
        %max3A_929 = vector.broadcast %max3A_928 : i32 to vector<16xi32>
        %max3A_930 = arith.maxsi %sub3A_927, %max3A_929 : vector<16xi32>
        %gather3A_931 = tpu.vector_load_idx %arg14[%max3A_930] : memref<16xi32, #tpu.memory_space<vmem>>[vector<16xi32>], vector<16xi32>,
        %eq3A_932 = arith.constant 0 : i32
        %eq3A_933 = vector.broadcast %eq3A_932 : i32 to vector<16xi32>
        %eq3A_934 = arith.cmpi eq, %iota3A, %eq3A_933 : vector<16xi32>
        %jit3A_935 = arith.constant -1 : i32
        %broadcast_in_dim3A_936 = vector.broadcast %jit3A_935 : i32 to vector<16xi32>
        %select_n3A_937 = arith.select %eq3A_934, %broadcast_in_dim3A_936, %gather3A_931 : vector<16xi1>, vector<16xi32>
        %ne3A_938 = arith.cmpi ne, %get3A_908, %select_n3A_937 : vector<16xi32>
        %jit3A_939 = arith.constant 16 : i32
        %broadcast_in_dim3A_940 = vector.broadcast %jit3A_939 : i32 to vector<16xi32>
        %select_n3A_941 = arith.select %ne3A_938, %iota3A, %broadcast_in_dim3A_940 : vector<16xi1>, vector<16xi32>
        %neg3A_942 = arith.constant 0 : i32
        %neg3A_943 = vector.broadcast %neg3A_942 : i32 to vector<16xi32>
        %neg3A_944 = arith.subi %neg3A_943, %select_n3A_941 : vector<16xi32>
        %rev3A_945 = arith.constant 15 : i32
        %rev3A_946 = vector.broadcast %rev3A_945 : i32 to vector<16xi32>
        %rev3A_947 = tpu.iota {dimensions = array<i32: 0>} : vector<16xi32>
        %rev3A_948 = arith.subi %rev3A_946, %rev3A_947 : vector<16xi32>
        %rev3A_949 = tpu.dynamic_gather %neg3A_944[%rev3A_948] in [0] : vector<16xi32>, vector<16xi32> -> vector<16xi32>
        %broadcast_in_dim3A_950 = arith.constant true
        %broadcast_in_dim3A_951 = vector.broadcast %broadcast_in_dim3A_950 : i1 to vector<16xi1>
        %masked_cummax3A_952 = arith.constant -2147483648 : i32
        %masked_cummax3A_953 = vector.broadcast %masked_cummax3A_952 : i32 to vector<16xi32>
        %masked_cummax3A_954 = arith.xori %rev3A_949, %masked_cummax3A_953 : vector<16xi32>
        %masked_cummax3A_955 = tpu.scan <max>, %masked_cummax3A_954 masked %broadcast_in_dim3A_951 : vector<16xi32>, vector<16xi1> -> vector<16xi32>
        %masked_cummax3A_956 = arith.xori %masked_cummax3A_955, %masked_cummax3A_953 : vector<16xi32>
        %rev3A_957 = arith.constant 15 : i32
        %rev3A_958 = vector.broadcast %rev3A_957 : i32 to vector<16xi32>
        %rev3A_959 = tpu.iota {dimensions = array<i32: 0>} : vector<16xi32>
        %rev3A_960 = arith.subi %rev3A_958, %rev3A_959 : vector<16xi32>
        %rev3A_961 = tpu.dynamic_gather %masked_cummax3A_956[%rev3A_960] in [0] : vector<16xi32>, vector<16xi32> -> vector<16xi32>
        %swap3A_962 = arith.constant 0 : index
        %swap3A_963 = tpu.vector_load %arg14[%swap3A_962] {strides = array<i32>} : memref<16xi32, #tpu.memory_space<vmem>>, vector<16xi32>,
        tpu.vector_store %arg14[%swap3A_962], %rev3A_961 {strides = array<i32>} : memref<16xi32, #tpu.memory_space<vmem>>, vector<16xi32>,
        %add3A_964 = arith.constant 1 : i32
        %add3A_965 = vector.broadcast %add3A_964 : i32 to vector<16xi32>
        %add3A_966 = arith.addi %iota3A, %add3A_965 : vector<16xi32>
        %min3A_967 = arith.constant 15 : i32
        %min3A_968 = vector.broadcast %min3A_967 : i32 to vector<16xi32>
        %min3A_969 = arith.minsi %add3A_966, %min3A_968 : vector<16xi32>
        %gather3A_970 = tpu.vector_load_idx %arg14[%min3A_969] : memref<16xi32, #tpu.memory_space<vmem>>[vector<16xi32>], vector<16xi32>,
        %eq3A_971 = arith.constant 15 : i32
        %eq3A_972 = vector.broadcast %eq3A_971 : i32 to vector<16xi32>
        %eq3A_973 = arith.cmpi eq, %iota3A, %eq3A_972 : vector<16xi32>
        %jit3A_974 = arith.constant -16 : i32
        %broadcast_in_dim3A_975 = vector.broadcast %jit3A_974 : i32 to vector<16xi32>
        %select_n3A_976 = arith.select %eq3A_973, %broadcast_in_dim3A_975, %gather3A_970 : vector<16xi1>, vector<16xi32>
        %neg3A_977 = arith.constant 0 : i32
        %neg3A_978 = vector.broadcast %neg3A_977 : i32 to vector<16xi32>
        %neg3A_979 = arith.subi %neg3A_978, %select_n3A_976 : vector<16xi32>
        %sub3A_980 = arith.subi %neg3A_979, %iota3A : vector<16xi32>
        %convert_element_type3A_981 = arith.sitofp %sub3A_980 : vector<16xi32> to vector<16xf32>
        %and3A_982 = arith.andi %ne3A_938, %and3A_917 : vector<16xi1>
        tpu.vector_store_idx %arg12[%select_n3A_920], %convert_element_type3A_981 masked %and3A_982 {add = true} : memref<336xf32, #tpu.memory_space<vmem>>[vector<16xi32>], vector<16xf32>, vector<16xi1>
        %get3A_983 = arith.constant 48 : index
        %get3A_984 = tpu.vector_load %arg10[%get3A_983] {strides = array<i32>} : memref<80xi32, #tpu.memory_space<vmem>>, vector<16xi32>,
        %sub3A_985 = vector.broadcast %mul3A_2 : i32 to vector<16xi32>
        %sub3A_986 = arith.subi %get3A_984, %sub3A_985 : vector<16xi32>
        %ge3A_987 = arith.constant 0 : i32
        %ge3A_988 = vector.broadcast %ge3A_987 : i32 to vector<16xi32>
        %ge3A_989 = arith.cmpi sge, %sub3A_986, %ge3A_988 : vector<16xi32>
        %lt3A_990 = arith.constant 320 : i32
        %lt3A_991 = vector.broadcast %lt3A_990 : i32 to vector<16xi32>
        %lt3A_992 = arith.cmpi slt, %sub3A_986, %lt3A_991 : vector<16xi32>
        %and3A_993 = arith.andi %ge3A_989, %lt3A_992 : vector<16xi1>
        %jit3A_994 = arith.constant 320 : i32
        %broadcast_in_dim3A_995 = vector.broadcast %jit3A_994 : i32 to vector<16xi32>
        %select_n3A_996 = arith.select %and3A_993, %sub3A_986, %broadcast_in_dim3A_995 : vector<16xi1>, vector<16xi32>
        %swap3A_997 = arith.constant 48 : index
        %swap3A_998 = tpu.vector_load %arg11[%swap3A_997] {strides = array<i32>} : memref<80xi32, #tpu.memory_space<vmem>>, vector<16xi32>,
        tpu.vector_store %arg11[%swap3A_997], %select_n3A_996 {strides = array<i32>} : memref<80xi32, #tpu.memory_space<vmem>>, vector<16xi32>,
        %swap3A_999 = arith.constant 0 : index
        %swap3A_1000 = tpu.vector_load %arg14[%swap3A_999] {strides = array<i32>} : memref<16xi32, #tpu.memory_space<vmem>>, vector<16xi32>,
        tpu.vector_store %arg14[%swap3A_999], %get3A_984 {strides = array<i32>} : memref<16xi32, #tpu.memory_space<vmem>>, vector<16xi32>,
        %sub3A_1001 = arith.constant 1 : i32
        %sub3A_1002 = vector.broadcast %sub3A_1001 : i32 to vector<16xi32>
        %sub3A_1003 = arith.subi %iota3A, %sub3A_1002 : vector<16xi32>
        %max3A_1004 = arith.constant 0 : i32
        %max3A_1005 = vector.broadcast %max3A_1004 : i32 to vector<16xi32>
        %max3A_1006 = arith.maxsi %sub3A_1003, %max3A_1005 : vector<16xi32>
        %gather3A_1007 = tpu.vector_load_idx %arg14[%max3A_1006] : memref<16xi32, #tpu.memory_space<vmem>>[vector<16xi32>], vector<16xi32>,
        %eq3A_1008 = arith.constant 0 : i32
        %eq3A_1009 = vector.broadcast %eq3A_1008 : i32 to vector<16xi32>
        %eq3A_1010 = arith.cmpi eq, %iota3A, %eq3A_1009 : vector<16xi32>
        %jit3A_1011 = arith.constant -1 : i32
        %broadcast_in_dim3A_1012 = vector.broadcast %jit3A_1011 : i32 to vector<16xi32>
        %select_n3A_1013 = arith.select %eq3A_1010, %broadcast_in_dim3A_1012, %gather3A_1007 : vector<16xi1>, vector<16xi32>
        %ne3A_1014 = arith.cmpi ne, %get3A_984, %select_n3A_1013 : vector<16xi32>
        %jit3A_1015 = arith.constant 16 : i32
        %broadcast_in_dim3A_1016 = vector.broadcast %jit3A_1015 : i32 to vector<16xi32>
        %select_n3A_1017 = arith.select %ne3A_1014, %iota3A, %broadcast_in_dim3A_1016 : vector<16xi1>, vector<16xi32>
        %neg3A_1018 = arith.constant 0 : i32
        %neg3A_1019 = vector.broadcast %neg3A_1018 : i32 to vector<16xi32>
        %neg3A_1020 = arith.subi %neg3A_1019, %select_n3A_1017 : vector<16xi32>
        %rev3A_1021 = arith.constant 15 : i32
        %rev3A_1022 = vector.broadcast %rev3A_1021 : i32 to vector<16xi32>
        %rev3A_1023 = tpu.iota {dimensions = array<i32: 0>} : vector<16xi32>
        %rev3A_1024 = arith.subi %rev3A_1022, %rev3A_1023 : vector<16xi32>
        %rev3A_1025 = tpu.dynamic_gather %neg3A_1020[%rev3A_1024] in [0] : vector<16xi32>, vector<16xi32> -> vector<16xi32>
        %broadcast_in_dim3A_1026 = arith.constant true
        %broadcast_in_dim3A_1027 = vector.broadcast %broadcast_in_dim3A_1026 : i1 to vector<16xi1>
        %masked_cummax3A_1028 = arith.constant -2147483648 : i32
        %masked_cummax3A_1029 = vector.broadcast %masked_cummax3A_1028 : i32 to vector<16xi32>
        %masked_cummax3A_1030 = arith.xori %rev3A_1025, %masked_cummax3A_1029 : vector<16xi32>
        %masked_cummax3A_1031 = tpu.scan <max>, %masked_cummax3A_1030 masked %broadcast_in_dim3A_1027 : vector<16xi32>, vector<16xi1> -> vector<16xi32>
        %masked_cummax3A_1032 = arith.xori %masked_cummax3A_1031, %masked_cummax3A_1029 : vector<16xi32>
        %rev3A_1033 = arith.constant 15 : i32
        %rev3A_1034 = vector.broadcast %rev3A_1033 : i32 to vector<16xi32>
        %rev3A_1035 = tpu.iota {dimensions = array<i32: 0>} : vector<16xi32>
        %rev3A_1036 = arith.subi %rev3A_1034, %rev3A_1035 : vector<16xi32>
        %rev3A_1037 = tpu.dynamic_gather %masked_cummax3A_1032[%rev3A_1036] in [0] : vector<16xi32>, vector<16xi32> -> vector<16xi32>
        %swap3A_1038 = arith.constant 0 : index
        %swap3A_1039 = tpu.vector_load %arg14[%swap3A_1038] {strides = array<i32>} : memref<16xi32, #tpu.memory_space<vmem>>, vector<16xi32>,
        tpu.vector_store %arg14[%swap3A_1038], %rev3A_1037 {strides = array<i32>} : memref<16xi32, #tpu.memory_space<vmem>>, vector<16xi32>,
        %add3A_1040 = arith.constant 1 : i32
        %add3A_1041 = vector.broadcast %add3A_1040 : i32 to vector<16xi32>
        %add3A_1042 = arith.addi %iota3A, %add3A_1041 : vector<16xi32>
        %min3A_1043 = arith.constant 15 : i32
        %min3A_1044 = vector.broadcast %min3A_1043 : i32 to vector<16xi32>
        %min3A_1045 = arith.minsi %add3A_1042, %min3A_1044 : vector<16xi32>
        %gather3A_1046 = tpu.vector_load_idx %arg14[%min3A_1045] : memref<16xi32, #tpu.memory_space<vmem>>[vector<16xi32>], vector<16xi32>,
        %eq3A_1047 = arith.constant 15 : i32
        %eq3A_1048 = vector.broadcast %eq3A_1047 : i32 to vector<16xi32>
        %eq3A_1049 = arith.cmpi eq, %iota3A, %eq3A_1048 : vector<16xi32>
        %jit3A_1050 = arith.constant -16 : i32
        %broadcast_in_dim3A_1051 = vector.broadcast %jit3A_1050 : i32 to vector<16xi32>
        %select_n3A_1052 = arith.select %eq3A_1049, %broadcast_in_dim3A_1051, %gather3A_1046 : vector<16xi1>, vector<16xi32>
        %neg3A_1053 = arith.constant 0 : i32
        %neg3A_1054 = vector.broadcast %neg3A_1053 : i32 to vector<16xi32>
        %neg3A_1055 = arith.subi %neg3A_1054, %select_n3A_1052 : vector<16xi32>
        %sub3A_1056 = arith.subi %neg3A_1055, %iota3A : vector<16xi32>
        %convert_element_type3A_1057 = arith.sitofp %sub3A_1056 : vector<16xi32> to vector<16xf32>
        %and3A_1058 = arith.andi %ne3A_1014, %and3A_993 : vector<16xi1>
        tpu.vector_store_idx %arg12[%select_n3A_996], %convert_element_type3A_1057 masked %and3A_1058 {add = true} : memref<336xf32, #tpu.memory_space<vmem>>[vector<16xi32>], vector<16xf32>, vector<16xi1>
        %get3A_1059 = arith.constant 64 : index
        %get3A_1060 = tpu.vector_load %arg10[%get3A_1059] {strides = array<i32>} : memref<80xi32, #tpu.memory_space<vmem>>, vector<16xi32>,
        %sub3A_1061 = vector.broadcast %mul3A_2 : i32 to vector<16xi32>
        %sub3A_1062 = arith.subi %get3A_1060, %sub3A_1061 : vector<16xi32>
        %ge3A_1063 = arith.constant 0 : i32
        %ge3A_1064 = vector.broadcast %ge3A_1063 : i32 to vector<16xi32>
        %ge3A_1065 = arith.cmpi sge, %sub3A_1062, %ge3A_1064 : vector<16xi32>
        %lt3A_1066 = arith.constant 320 : i32
        %lt3A_1067 = vector.broadcast %lt3A_1066 : i32 to vector<16xi32>
        %lt3A_1068 = arith.cmpi slt, %sub3A_1062, %lt3A_1067 : vector<16xi32>
        %and3A_1069 = arith.andi %ge3A_1065, %lt3A_1068 : vector<16xi1>
        %jit3A_1070 = arith.constant 320 : i32
        %broadcast_in_dim3A_1071 = vector.broadcast %jit3A_1070 : i32 to vector<16xi32>
        %select_n3A_1072 = arith.select %and3A_1069, %sub3A_1062, %broadcast_in_dim3A_1071 : vector<16xi1>, vector<16xi32>
        %swap3A_1073 = arith.constant 64 : index
        %swap3A_1074 = tpu.vector_load %arg11[%swap3A_1073] {strides = array<i32>} : memref<80xi32, #tpu.memory_space<vmem>>, vector<16xi32>,
        tpu.vector_store %arg11[%swap3A_1073], %select_n3A_1072 {strides = array<i32>} : memref<80xi32, #tpu.memory_space<vmem>>, vector<16xi32>,
        %swap3A_1075 = arith.constant 0 : index
        %swap3A_1076 = tpu.vector_load %arg14[%swap3A_1075] {strides = array<i32>} : memref<16xi32, #tpu.memory_space<vmem>>, vector<16xi32>,
        tpu.vector_store %arg14[%swap3A_1075], %get3A_1060 {strides = array<i32>} : memref<16xi32, #tpu.memory_space<vmem>>, vector<16xi32>,
        %sub3A_1077 = arith.constant 1 : i32
        %sub3A_1078 = vector.broadcast %sub3A_1077 : i32 to vector<16xi32>
        %sub3A_1079 = arith.subi %iota3A, %sub3A_1078 : vector<16xi32>
        %max3A_1080 = arith.constant 0 : i32
        %max3A_1081 = vector.broadcast %max3A_1080 : i32 to vector<16xi32>
        %max3A_1082 = arith.maxsi %sub3A_1079, %max3A_1081 : vector<16xi32>
        %gather3A_1083 = tpu.vector_load_idx %arg14[%max3A_1082] : memref<16xi32, #tpu.memory_space<vmem>>[vector<16xi32>], vector<16xi32>,
        %eq3A_1084 = arith.constant 0 : i32
        %eq3A_1085 = vector.broadcast %eq3A_1084 : i32 to vector<16xi32>
        %eq3A_1086 = arith.cmpi eq, %iota3A, %eq3A_1085 : vector<16xi32>
        %jit3A_1087 = arith.constant -1 : i32
        %broadcast_in_dim3A_1088 = vector.broadcast %jit3A_1087 : i32 to vector<16xi32>
        %select_n3A_1089 = arith.select %eq3A_1086, %broadcast_in_dim3A_1088, %gather3A_1083 : vector<16xi1>, vector<16xi32>
        %ne3A_1090 = arith.cmpi ne, %get3A_1060, %select_n3A_1089 : vector<16xi32>
        %jit3A_1091 = arith.constant 16 : i32
        %broadcast_in_dim3A_1092 = vector.broadcast %jit3A_1091 : i32 to vector<16xi32>
        %select_n3A_1093 = arith.select %ne3A_1090, %iota3A, %broadcast_in_dim3A_1092 : vector<16xi1>, vector<16xi32>
        %neg3A_1094 = arith.constant 0 : i32
        %neg3A_1095 = vector.broadcast %neg3A_1094 : i32 to vector<16xi32>
        %neg3A_1096 = arith.subi %neg3A_1095, %select_n3A_1093 : vector<16xi32>
        %rev3A_1097 = arith.constant 15 : i32
        %rev3A_1098 = vector.broadcast %rev3A_1097 : i32 to vector<16xi32>
        %rev3A_1099 = tpu.iota {dimensions = array<i32: 0>} : vector<16xi32>
        %rev3A_1100 = arith.subi %rev3A_1098, %rev3A_1099 : vector<16xi32>
        %rev3A_1101 = tpu.dynamic_gather %neg3A_1096[%rev3A_1100] in [0] : vector<16xi32>, vector<16xi32> -> vector<16xi32>
        %broadcast_in_dim3A_1102 = arith.constant true
        %broadcast_in_dim3A_1103 = vector.broadcast %broadcast_in_dim3A_1102 : i1 to vector<16xi1>
        %masked_cummax3A_1104 = arith.constant -2147483648 : i32
        %masked_cummax3A_1105 = vector.broadcast %masked_cummax3A_1104 : i32 to vector<16xi32>
        %masked_cummax3A_1106 = arith.xori %rev3A_1101, %masked_cummax3A_1105 : vector<16xi32>
        %masked_cummax3A_1107 = tpu.scan <max>, %masked_cummax3A_1106 masked %broadcast_in_dim3A_1103 : vector<16xi32>, vector<16xi1> -> vector<16xi32>
        %masked_cummax3A_1108 = arith.xori %masked_cummax3A_1107, %masked_cummax3A_1105 : vector<16xi32>
        %rev3A_1109 = arith.constant 15 : i32
        %rev3A_1110 = vector.broadcast %rev3A_1109 : i32 to vector<16xi32>
        %rev3A_1111 = tpu.iota {dimensions = array<i32: 0>} : vector<16xi32>
        %rev3A_1112 = arith.subi %rev3A_1110, %rev3A_1111 : vector<16xi32>
        %rev3A_1113 = tpu.dynamic_gather %masked_cummax3A_1108[%rev3A_1112] in [0] : vector<16xi32>, vector<16xi32> -> vector<16xi32>
        %swap3A_1114 = arith.constant 0 : index
        %swap3A_1115 = tpu.vector_load %arg14[%swap3A_1114] {strides = array<i32>} : memref<16xi32, #tpu.memory_space<vmem>>, vector<16xi32>,
        tpu.vector_store %arg14[%swap3A_1114], %rev3A_1113 {strides = array<i32>} : memref<16xi32, #tpu.memory_space<vmem>>, vector<16xi32>,
        %add3A_1116 = arith.constant 1 : i32
        %add3A_1117 = vector.broadcast %add3A_1116 : i32 to vector<16xi32>
        %add3A_1118 = arith.addi %iota3A, %add3A_1117 : vector<16xi32>
        %min3A_1119 = arith.constant 15 : i32
        %min3A_1120 = vector.broadcast %min3A_1119 : i32 to vector<16xi32>
        %min3A_1121 = arith.minsi %add3A_1118, %min3A_1120 : vector<16xi32>
        %gather3A_1122 = tpu.vector_load_idx %arg14[%min3A_1121] : memref<16xi32, #tpu.memory_space<vmem>>[vector<16xi32>], vector<16xi32>,
        %eq3A_1123 = arith.constant 15 : i32
        %eq3A_1124 = vector.broadcast %eq3A_1123 : i32 to vector<16xi32>
        %eq3A_1125 = arith.cmpi eq, %iota3A, %eq3A_1124 : vector<16xi32>
        %jit3A_1126 = arith.constant -16 : i32
        %broadcast_in_dim3A_1127 = vector.broadcast %jit3A_1126 : i32 to vector<16xi32>
        %select_n3A_1128 = arith.select %eq3A_1125, %broadcast_in_dim3A_1127, %gather3A_1122 : vector<16xi1>, vector<16xi32>
        %neg3A_1129 = arith.constant 0 : i32
        %neg3A_1130 = vector.broadcast %neg3A_1129 : i32 to vector<16xi32>
        %neg3A_1131 = arith.subi %neg3A_1130, %select_n3A_1128 : vector<16xi32>
        %sub3A_1132 = arith.subi %neg3A_1131, %iota3A : vector<16xi32>
        %convert_element_type3A_1133 = arith.sitofp %sub3A_1132 : vector<16xi32> to vector<16xf32>
        %and3A_1134 = arith.andi %ne3A_1090, %and3A_1069 : vector<16xi1>
        tpu.vector_store_idx %arg12[%select_n3A_1072], %convert_element_type3A_1133 masked %and3A_1134 {add = true} : memref<336xf32, #tpu.memory_space<vmem>>[vector<16xi32>], vector<16xf32>, vector<16xi1>
        "tpu.region"() ({
          %run_scoped3A = tpu.sem_alloc : memref<!tpu.dma_semaphore, #tpu.memory_space<semaphore_mem>>
          %dma_start3A_1141 = arith.constant 0 : i32
          %dma_start3A_1142 = arith.constant 0 : i32
          %dma_start3A_1143 = tpu.memref_slice %arg5[%arg1, %dma_start3A_1141, %dma_start3A_1142] : memref<16x321x128xf32, #tpu.memory_space<vmem_shared>> -> memref<1x321x128xf32, #tpu.memory_space<vmem_shared>>
          %dma_start3A_1144 = tpu.memref_squeeze %dma_start3A_1143 : memref<1x321x128xf32, #tpu.memory_space<vmem_shared>> -> memref<321x128xf32, #tpu.memory_space<vmem_shared>>
          %dma_start3A_1145 = arith.constant 0 : i32
          %dma_start3A_1146 = arith.constant 0 : i32
          %dma_start3A_1147 = tpu.memref_slice %dma_start3A_1144[%dma_start3A_1145, %dma_start3A_1146] : memref<321x128xf32, #tpu.memory_space<vmem_shared>> -> memref<321x128xf32, #tpu.memory_space<vmem_shared>>
          tpu.enqueue_indirect_dma source(%arg7 : memref<80x128xf32, #tpu.memory_space<vmem>>) target(%dma_start3A_1147 : memref<321x128xf32, #tpu.memory_space<vmem_shared>>) offsets(%arg11 : memref<80xi32, #tpu.memory_space<vmem>>) semaphore(%run_scoped3A : memref<!tpu.dma_semaphore, #tpu.memory_space<semaphore_mem>>) {add = true}
          %dma_wait3A_1148 = arith.constant 0 : i32
          %dma_wait3A_1149 = arith.constant 0 : i32
          %dma_wait3A_1150 = tpu.memref_slice %arg5[%arg1, %dma_wait3A_1148, %dma_wait3A_1149] : memref<16x321x128xf32, #tpu.memory_space<vmem_shared>> -> memref<1x321x128xf32, #tpu.memory_space<vmem_shared>>
          %dma_wait3A_1151 = tpu.memref_squeeze %dma_wait3A_1150 : memref<1x321x128xf32, #tpu.memory_space<vmem_shared>> -> memref<321x128xf32, #tpu.memory_space<vmem_shared>>
          %dma_wait3A_1152 = arith.constant 0 : i32
          %dma_wait3A_1153 = arith.constant 0 : i32
          %dma_wait3A_1154 = tpu.memref_slice %dma_wait3A_1151[%dma_wait3A_1152, %dma_wait3A_1153] : memref<321x128xf32, #tpu.memory_space<vmem_shared>> -> memref<321x128xf32, #tpu.memory_space<vmem_shared>>
          tpu.wait_indirect_dma semaphore(%run_scoped3A : memref<!tpu.dma_semaphore, #tpu.memory_space<semaphore_mem>>) src(%arg7 : memref<80x128xf32, #tpu.memory_space<vmem>>) dst(%dma_wait3A_1154 : memref<321x128xf32, #tpu.memory_space<vmem_shared>>)
          tpu.yield
        }) : () -> ()
        %add3A_1135 = arith.constant 2 : i32
        %add3A_1136 = arith.addi %add3A_754, %add3A_1135 : i32
        %lt3A_1137 = arith.cmpi slt, %add3A_1136, %div3A_702 : i32
        %convert_element_type3A_1138 = arith.extui %lt3A_1137 : i1 to i32
        %cond3A_1139 = arith.constant 0 : i32
        %cond3A_1140 = arith.cmpi ne, %convert_element_type3A_1138, %cond3A_1139 : i32
        scf.if %cond3A_1140 {
          %add3A_1141 = arith.constant 2 : i32
          %add3A_1142 = arith.addi %add3A_754, %add3A_1141 : i32
          %mul3A_1143 = arith.constant 80 : i32
          %mul3A_1144 = arith.muli %add3A_1142, %mul3A_1143 : i32
          %dma_start3A_1145 = arith.constant 0 : i32
          %dma_start3A_1146 = tpu.memref_slice %arg2[%mul3A_1144, %dma_start3A_1145] : memref<320000x128xf32, #tpu.memory_space<hbm>> -> memref<80x128xf32, #tpu.memory_space<hbm>>
          %dma_start3A_1147 = arith.constant 0 : i32
          %dma_start3A_1148 = tpu.memref_slice %arg2[%mul3A_1144, %dma_start3A_1147] : memref<320000x128xf32, #tpu.memory_space<hbm>> -> memref<80x128xf32, #tpu.memory_space<hbm>>
          tpu.enqueue_dma source(%dma_start3A_1148 : memref<80x128xf32, #tpu.memory_space<hbm>>) target(%arg7 : memref<80x128xf32, #tpu.memory_space<vmem>>) target_semaphore(%arg18 : memref<!tpu.dma_semaphore, #tpu.memory_space<semaphore_mem>>)
          %dma_start3A_1149 = tpu.memref_slice %arg3[%mul3A_1144] : memref<320000xi32, #tpu.memory_space<hbm>> -> memref<80xi32, #tpu.memory_space<hbm>>
          %dma_start3A_1150 = tpu.memref_slice %arg3[%mul3A_1144] : memref<320000xi32, #tpu.memory_space<hbm>> -> memref<80xi32, #tpu.memory_space<hbm>>
          tpu.enqueue_dma source(%dma_start3A_1150 : memref<80xi32, #tpu.memory_space<hbm>>) target(%arg10 : memref<80xi32, #tpu.memory_space<vmem>>) target_semaphore(%arg18 : memref<!tpu.dma_semaphore, #tpu.memory_space<semaphore_mem>>)
        } else {
        }
      } else {
      }
      %while3A_759 = arith.constant 0 : i32
      scf.yield %while3A_759 : i32
    }
    %while3A_728 = arith.constant 1 : i32
    %while3A_729 = scf.for %while3A_739 = %while3A_725 to %while3A_721 step %while3A_728 iter_args(%while3A_740 = %while3A_727) -> (i32)  : i32 {
      %mul3A_741 = arith.constant 2 : i32
      %mul3A_742 = arith.muli %while3A_739, %mul3A_741 : i32
      %add3A_743 = arith.addi %div3A_697, %mul3A_742 : i32
      %add3A_744 = arith.constant 0 : i32
      %add3A_745 = arith.addi %add3A_743, %add3A_744 : i32
      %lt3A_746 = arith.cmpi slt, %add3A_745, %div3A_702 : i32
      %convert_element_type3A_747 = arith.extui %lt3A_746 : i1 to i32
      %cond3A_748 = arith.constant 0 : i32
      %cond3A_749 = arith.cmpi ne, %convert_element_type3A_747, %cond3A_748 : i32
      scf.if %cond3A_749 {
        %mul3A_760 = arith.constant 80 : i32
        %mul3A_761 = arith.muli %add3A_745, %mul3A_760 : i32
        %dma_wait3A_762 = arith.constant 0 : i32
        %dma_wait3A_763 = tpu.memref_slice %arg2[%mul3A_761, %dma_wait3A_762] : memref<320000x128xf32, #tpu.memory_space<hbm>> -> memref<80x128xf32, #tpu.memory_space<hbm>>
        %dma_wait3A_764 = arith.constant 0 : i32
        %dma_wait3A_765 = tpu.memref_slice %arg2[%mul3A_761, %dma_wait3A_764] : memref<320000x128xf32, #tpu.memory_space<hbm>> -> memref<80x128xf32, #tpu.memory_space<hbm>>
        tpu.wait_dma2 semaphore(%arg17 : memref<!tpu.dma_semaphore, #tpu.memory_space<semaphore_mem>>) src(%dma_wait3A_765 : memref<80x128xf32, #tpu.memory_space<hbm>>) dst(%arg6 : memref<80x128xf32, #tpu.memory_space<vmem>>)
        %dma_wait3A_766 = tpu.memref_slice %arg3[%mul3A_761] : memref<320000xi32, #tpu.memory_space<hbm>> -> memref<80xi32, #tpu.memory_space<hbm>>
        %dma_wait3A_767 = tpu.memref_slice %arg3[%mul3A_761] : memref<320000xi32, #tpu.memory_space<hbm>> -> memref<80xi32, #tpu.memory_space<hbm>>
        tpu.wait_dma2 semaphore(%arg17 : memref<!tpu.dma_semaphore, #tpu.memory_space<semaphore_mem>>) src(%dma_wait3A_767 : memref<80xi32, #tpu.memory_space<hbm>>) dst(%arg9 : memref<80xi32, #tpu.memory_space<vmem>>)
        %get3A_768 = arith.constant 0 : index
        %get3A_769 = tpu.vector_load %arg9[%get3A_768] {strides = array<i32>} : memref<80xi32, #tpu.memory_space<vmem>>, vector<16xi32>,
        %sub3A_770 = vector.broadcast %mul3A_2 : i32 to vector<16xi32>
        %sub3A_771 = arith.subi %get3A_769, %sub3A_770 : vector<16xi32>
        %ge3A = arith.constant 0 : i32
        %ge3A_772 = vector.broadcast %ge3A : i32 to vector<16xi32>
        %ge3A_773 = arith.cmpi sge, %sub3A_771, %ge3A_772 : vector<16xi32>
        %lt3A_774 = arith.constant 320 : i32
        %lt3A_775 = vector.broadcast %lt3A_774 : i32 to vector<16xi32>
        %lt3A_776 = arith.cmpi slt, %sub3A_771, %lt3A_775 : vector<16xi32>
        %and3A = arith.andi %ge3A_773, %lt3A_776 : vector<16xi1>
        %jit3A = arith.constant 320 : i32
        %broadcast_in_dim3A_777 = vector.broadcast %jit3A : i32 to vector<16xi32>
        %select_n3A = arith.select %and3A, %sub3A_771, %broadcast_in_dim3A_777 : vector<16xi1>, vector<16xi32>
        %swap3A = arith.constant 0 : index
        %swap3A_778 = tpu.vector_load %arg11[%swap3A] {strides = array<i32>} : memref<80xi32, #tpu.memory_space<vmem>>, vector<16xi32>,
        tpu.vector_store %arg11[%swap3A], %select_n3A {strides = array<i32>} : memref<80xi32, #tpu.memory_space<vmem>>, vector<16xi32>,
        %swap3A_779 = arith.constant 0 : index
        %swap3A_780 = tpu.vector_load %arg14[%swap3A_779] {strides = array<i32>} : memref<16xi32, #tpu.memory_space<vmem>>, vector<16xi32>,
        tpu.vector_store %arg14[%swap3A_779], %get3A_769 {strides = array<i32>} : memref<16xi32, #tpu.memory_space<vmem>>, vector<16xi32>,
        %sub3A_781 = arith.constant 1 : i32
        %sub3A_782 = vector.broadcast %sub3A_781 : i32 to vector<16xi32>
        %sub3A_783 = arith.subi %iota3A, %sub3A_782 : vector<16xi32>
        %max3A = arith.constant 0 : i32
        %max3A_784 = vector.broadcast %max3A : i32 to vector<16xi32>
        %max3A_785 = arith.maxsi %sub3A_783, %max3A_784 : vector<16xi32>
        %gather3A = tpu.vector_load_idx %arg14[%max3A_785] : memref<16xi32, #tpu.memory_space<vmem>>[vector<16xi32>], vector<16xi32>,
        %eq3A = arith.constant 0 : i32
        %eq3A_786 = vector.broadcast %eq3A : i32 to vector<16xi32>
        %eq3A_787 = arith.cmpi eq, %iota3A, %eq3A_786 : vector<16xi32>
        %jit3A_788 = arith.constant -1 : i32
        %broadcast_in_dim3A_789 = vector.broadcast %jit3A_788 : i32 to vector<16xi32>
        %select_n3A_790 = arith.select %eq3A_787, %broadcast_in_dim3A_789, %gather3A : vector<16xi1>, vector<16xi32>
        %ne3A = arith.cmpi ne, %get3A_769, %select_n3A_790 : vector<16xi32>
        %jit3A_791 = arith.constant 16 : i32
        %broadcast_in_dim3A_792 = vector.broadcast %jit3A_791 : i32 to vector<16xi32>
        %select_n3A_793 = arith.select %ne3A, %iota3A, %broadcast_in_dim3A_792 : vector<16xi1>, vector<16xi32>
        %neg3A = arith.constant 0 : i32
        %neg3A_794 = vector.broadcast %neg3A : i32 to vector<16xi32>
        %neg3A_795 = arith.subi %neg3A_794, %select_n3A_793 : vector<16xi32>
        %rev3A = arith.constant 15 : i32
        %rev3A_796 = vector.broadcast %rev3A : i32 to vector<16xi32>
        %rev3A_797 = tpu.iota {dimensions = array<i32: 0>} : vector<16xi32>
        %rev3A_798 = arith.subi %rev3A_796, %rev3A_797 : vector<16xi32>
        %rev3A_799 = tpu.dynamic_gather %neg3A_795[%rev3A_798] in [0] : vector<16xi32>, vector<16xi32> -> vector<16xi32>
        %broadcast_in_dim3A_800 = arith.constant true
        %broadcast_in_dim3A_801 = vector.broadcast %broadcast_in_dim3A_800 : i1 to vector<16xi1>
        %masked_cummax3A = arith.constant -2147483648 : i32
        %masked_cummax3A_802 = vector.broadcast %masked_cummax3A : i32 to vector<16xi32>
        %masked_cummax3A_803 = arith.xori %rev3A_799, %masked_cummax3A_802 : vector<16xi32>
        %masked_cummax3A_804 = tpu.scan <max>, %masked_cummax3A_803 masked %broadcast_in_dim3A_801 : vector<16xi32>, vector<16xi1> -> vector<16xi32>
        %masked_cummax3A_805 = arith.xori %masked_cummax3A_804, %masked_cummax3A_802 : vector<16xi32>
        %rev3A_806 = arith.constant 15 : i32
        %rev3A_807 = vector.broadcast %rev3A_806 : i32 to vector<16xi32>
        %rev3A_808 = tpu.iota {dimensions = array<i32: 0>} : vector<16xi32>
        %rev3A_809 = arith.subi %rev3A_807, %rev3A_808 : vector<16xi32>
        %rev3A_810 = tpu.dynamic_gather %masked_cummax3A_805[%rev3A_809] in [0] : vector<16xi32>, vector<16xi32> -> vector<16xi32>
        %swap3A_811 = arith.constant 0 : index
        %swap3A_812 = tpu.vector_load %arg14[%swap3A_811] {strides = array<i32>} : memref<16xi32, #tpu.memory_space<vmem>>, vector<16xi32>,
        tpu.vector_store %arg14[%swap3A_811], %rev3A_810 {strides = array<i32>} : memref<16xi32, #tpu.memory_space<vmem>>, vector<16xi32>,
        %add3A_813 = arith.constant 1 : i32
        %add3A_814 = vector.broadcast %add3A_813 : i32 to vector<16xi32>
        %add3A_815 = arith.addi %iota3A, %add3A_814 : vector<16xi32>
        %min3A = arith.constant 15 : i32
        %min3A_816 = vector.broadcast %min3A : i32 to vector<16xi32>
        %min3A_817 = arith.minsi %add3A_815, %min3A_816 : vector<16xi32>
        %gather3A_818 = tpu.vector_load_idx %arg14[%min3A_817] : memref<16xi32, #tpu.memory_space<vmem>>[vector<16xi32>], vector<16xi32>,
        %eq3A_819 = arith.constant 15 : i32
        %eq3A_820 = vector.broadcast %eq3A_819 : i32 to vector<16xi32>
        %eq3A_821 = arith.cmpi eq, %iota3A, %eq3A_820 : vector<16xi32>
        %jit3A_822 = arith.constant -16 : i32
        %broadcast_in_dim3A_823 = vector.broadcast %jit3A_822 : i32 to vector<16xi32>
        %select_n3A_824 = arith.select %eq3A_821, %broadcast_in_dim3A_823, %gather3A_818 : vector<16xi1>, vector<16xi32>
        %neg3A_825 = arith.constant 0 : i32
        %neg3A_826 = vector.broadcast %neg3A_825 : i32 to vector<16xi32>
        %neg3A_827 = arith.subi %neg3A_826, %select_n3A_824 : vector<16xi32>
        %sub3A_828 = arith.subi %neg3A_827, %iota3A : vector<16xi32>
        %convert_element_type3A_829 = arith.sitofp %sub3A_828 : vector<16xi32> to vector<16xf32>
        %and3A_830 = arith.andi %ne3A, %and3A : vector<16xi1>
        tpu.vector_store_idx %arg12[%select_n3A], %convert_element_type3A_829 masked %and3A_830 {add = true} : memref<336xf32, #tpu.memory_space<vmem>>[vector<16xi32>], vector<16xf32>, vector<16xi1>
        %get3A_831 = arith.constant 16 : index
        %get3A_832 = tpu.vector_load %arg9[%get3A_831] {strides = array<i32>} : memref<80xi32, #tpu.memory_space<vmem>>, vector<16xi32>,
        %sub3A_833 = vector.broadcast %mul3A_2 : i32 to vector<16xi32>
        %sub3A_834 = arith.subi %get3A_832, %sub3A_833 : vector<16xi32>
        %ge3A_835 = arith.constant 0 : i32
        %ge3A_836 = vector.broadcast %ge3A_835 : i32 to vector<16xi32>
        %ge3A_837 = arith.cmpi sge, %sub3A_834, %ge3A_836 : vector<16xi32>
        %lt3A_838 = arith.constant 320 : i32
        %lt3A_839 = vector.broadcast %lt3A_838 : i32 to vector<16xi32>
        %lt3A_840 = arith.cmpi slt, %sub3A_834, %lt3A_839 : vector<16xi32>
        %and3A_841 = arith.andi %ge3A_837, %lt3A_840 : vector<16xi1>
        %jit3A_842 = arith.constant 320 : i32
        %broadcast_in_dim3A_843 = vector.broadcast %jit3A_842 : i32 to vector<16xi32>
        %select_n3A_844 = arith.select %and3A_841, %sub3A_834, %broadcast_in_dim3A_843 : vector<16xi1>, vector<16xi32>
        %swap3A_845 = arith.constant 16 : index
        %swap3A_846 = tpu.vector_load %arg11[%swap3A_845] {strides = array<i32>} : memref<80xi32, #tpu.memory_space<vmem>>, vector<16xi32>,
        tpu.vector_store %arg11[%swap3A_845], %select_n3A_844 {strides = array<i32>} : memref<80xi32, #tpu.memory_space<vmem>>, vector<16xi32>,
        %swap3A_847 = arith.constant 0 : index
        %swap3A_848 = tpu.vector_load %arg14[%swap3A_847] {strides = array<i32>} : memref<16xi32, #tpu.memory_space<vmem>>, vector<16xi32>,
        tpu.vector_store %arg14[%swap3A_847], %get3A_832 {strides = array<i32>} : memref<16xi32, #tpu.memory_space<vmem>>, vector<16xi32>,
        %sub3A_849 = arith.constant 1 : i32
        %sub3A_850 = vector.broadcast %sub3A_849 : i32 to vector<16xi32>
        %sub3A_851 = arith.subi %iota3A, %sub3A_850 : vector<16xi32>
        %max3A_852 = arith.constant 0 : i32
        %max3A_853 = vector.broadcast %max3A_852 : i32 to vector<16xi32>
        %max3A_854 = arith.maxsi %sub3A_851, %max3A_853 : vector<16xi32>
        %gather3A_855 = tpu.vector_load_idx %arg14[%max3A_854] : memref<16xi32, #tpu.memory_space<vmem>>[vector<16xi32>], vector<16xi32>,
        %eq3A_856 = arith.constant 0 : i32
        %eq3A_857 = vector.broadcast %eq3A_856 : i32 to vector<16xi32>
        %eq3A_858 = arith.cmpi eq, %iota3A, %eq3A_857 : vector<16xi32>
        %jit3A_859 = arith.constant -1 : i32
        %broadcast_in_dim3A_860 = vector.broadcast %jit3A_859 : i32 to vector<16xi32>
        %select_n3A_861 = arith.select %eq3A_858, %broadcast_in_dim3A_860, %gather3A_855 : vector<16xi1>, vector<16xi32>
        %ne3A_862 = arith.cmpi ne, %get3A_832, %select_n3A_861 : vector<16xi32>
        %jit3A_863 = arith.constant 16 : i32
        %broadcast_in_dim3A_864 = vector.broadcast %jit3A_863 : i32 to vector<16xi32>
        %select_n3A_865 = arith.select %ne3A_862, %iota3A, %broadcast_in_dim3A_864 : vector<16xi1>, vector<16xi32>
        %neg3A_866 = arith.constant 0 : i32
        %neg3A_867 = vector.broadcast %neg3A_866 : i32 to vector<16xi32>
        %neg3A_868 = arith.subi %neg3A_867, %select_n3A_865 : vector<16xi32>
        %rev3A_869 = arith.constant 15 : i32
        %rev3A_870 = vector.broadcast %rev3A_869 : i32 to vector<16xi32>
        %rev3A_871 = tpu.iota {dimensions = array<i32: 0>} : vector<16xi32>
        %rev3A_872 = arith.subi %rev3A_870, %rev3A_871 : vector<16xi32>
        %rev3A_873 = tpu.dynamic_gather %neg3A_868[%rev3A_872] in [0] : vector<16xi32>, vector<16xi32> -> vector<16xi32>
        %broadcast_in_dim3A_874 = arith.constant true
        %broadcast_in_dim3A_875 = vector.broadcast %broadcast_in_dim3A_874 : i1 to vector<16xi1>
        %masked_cummax3A_876 = arith.constant -2147483648 : i32
        %masked_cummax3A_877 = vector.broadcast %masked_cummax3A_876 : i32 to vector<16xi32>
        %masked_cummax3A_878 = arith.xori %rev3A_873, %masked_cummax3A_877 : vector<16xi32>
        %masked_cummax3A_879 = tpu.scan <max>, %masked_cummax3A_878 masked %broadcast_in_dim3A_875 : vector<16xi32>, vector<16xi1> -> vector<16xi32>
        %masked_cummax3A_880 = arith.xori %masked_cummax3A_879, %masked_cummax3A_877 : vector<16xi32>
        %rev3A_881 = arith.constant 15 : i32
        %rev3A_882 = vector.broadcast %rev3A_881 : i32 to vector<16xi32>
        %rev3A_883 = tpu.iota {dimensions = array<i32: 0>} : vector<16xi32>
        %rev3A_884 = arith.subi %rev3A_882, %rev3A_883 : vector<16xi32>
        %rev3A_885 = tpu.dynamic_gather %masked_cummax3A_880[%rev3A_884] in [0] : vector<16xi32>, vector<16xi32> -> vector<16xi32>
        %swap3A_886 = arith.constant 0 : index
        %swap3A_887 = tpu.vector_load %arg14[%swap3A_886] {strides = array<i32>} : memref<16xi32, #tpu.memory_space<vmem>>, vector<16xi32>,
        tpu.vector_store %arg14[%swap3A_886], %rev3A_885 {strides = array<i32>} : memref<16xi32, #tpu.memory_space<vmem>>, vector<16xi32>,
        %add3A_888 = arith.constant 1 : i32
        %add3A_889 = vector.broadcast %add3A_888 : i32 to vector<16xi32>
        %add3A_890 = arith.addi %iota3A, %add3A_889 : vector<16xi32>
        %min3A_891 = arith.constant 15 : i32
        %min3A_892 = vector.broadcast %min3A_891 : i32 to vector<16xi32>
        %min3A_893 = arith.minsi %add3A_890, %min3A_892 : vector<16xi32>
        %gather3A_894 = tpu.vector_load_idx %arg14[%min3A_893] : memref<16xi32, #tpu.memory_space<vmem>>[vector<16xi32>], vector<16xi32>,
        %eq3A_895 = arith.constant 15 : i32
        %eq3A_896 = vector.broadcast %eq3A_895 : i32 to vector<16xi32>
        %eq3A_897 = arith.cmpi eq, %iota3A, %eq3A_896 : vector<16xi32>
        %jit3A_898 = arith.constant -16 : i32
        %broadcast_in_dim3A_899 = vector.broadcast %jit3A_898 : i32 to vector<16xi32>
        %select_n3A_900 = arith.select %eq3A_897, %broadcast_in_dim3A_899, %gather3A_894 : vector<16xi1>, vector<16xi32>
        %neg3A_901 = arith.constant 0 : i32
        %neg3A_902 = vector.broadcast %neg3A_901 : i32 to vector<16xi32>
        %neg3A_903 = arith.subi %neg3A_902, %select_n3A_900 : vector<16xi32>
        %sub3A_904 = arith.subi %neg3A_903, %iota3A : vector<16xi32>
        %convert_element_type3A_905 = arith.sitofp %sub3A_904 : vector<16xi32> to vector<16xf32>
        %and3A_906 = arith.andi %ne3A_862, %and3A_841 : vector<16xi1>
        tpu.vector_store_idx %arg12[%select_n3A_844], %convert_element_type3A_905 masked %and3A_906 {add = true} : memref<336xf32, #tpu.memory_space<vmem>>[vector<16xi32>], vector<16xf32>, vector<16xi1>
        %get3A_907 = arith.constant 32 : index
        %get3A_908 = tpu.vector_load %arg9[%get3A_907] {strides = array<i32>} : memref<80xi32, #tpu.memory_space<vmem>>, vector<16xi32>,
        %sub3A_909 = vector.broadcast %mul3A_2 : i32 to vector<16xi32>
        %sub3A_910 = arith.subi %get3A_908, %sub3A_909 : vector<16xi32>
        %ge3A_911 = arith.constant 0 : i32
        %ge3A_912 = vector.broadcast %ge3A_911 : i32 to vector<16xi32>
        %ge3A_913 = arith.cmpi sge, %sub3A_910, %ge3A_912 : vector<16xi32>
        %lt3A_914 = arith.constant 320 : i32
        %lt3A_915 = vector.broadcast %lt3A_914 : i32 to vector<16xi32>
        %lt3A_916 = arith.cmpi slt, %sub3A_910, %lt3A_915 : vector<16xi32>
        %and3A_917 = arith.andi %ge3A_913, %lt3A_916 : vector<16xi1>
        %jit3A_918 = arith.constant 320 : i32
        %broadcast_in_dim3A_919 = vector.broadcast %jit3A_918 : i32 to vector<16xi32>
        %select_n3A_920 = arith.select %and3A_917, %sub3A_910, %broadcast_in_dim3A_919 : vector<16xi1>, vector<16xi32>
        %swap3A_921 = arith.constant 32 : index
        %swap3A_922 = tpu.vector_load %arg11[%swap3A_921] {strides = array<i32>} : memref<80xi32, #tpu.memory_space<vmem>>, vector<16xi32>,
        tpu.vector_store %arg11[%swap3A_921], %select_n3A_920 {strides = array<i32>} : memref<80xi32, #tpu.memory_space<vmem>>, vector<16xi32>,
        %swap3A_923 = arith.constant 0 : index
        %swap3A_924 = tpu.vector_load %arg14[%swap3A_923] {strides = array<i32>} : memref<16xi32, #tpu.memory_space<vmem>>, vector<16xi32>,
        tpu.vector_store %arg14[%swap3A_923], %get3A_908 {strides = array<i32>} : memref<16xi32, #tpu.memory_space<vmem>>, vector<16xi32>,
        %sub3A_925 = arith.constant 1 : i32
        %sub3A_926 = vector.broadcast %sub3A_925 : i32 to vector<16xi32>
        %sub3A_927 = arith.subi %iota3A, %sub3A_926 : vector<16xi32>
        %max3A_928 = arith.constant 0 : i32
        %max3A_929 = vector.broadcast %max3A_928 : i32 to vector<16xi32>
        %max3A_930 = arith.maxsi %sub3A_927, %max3A_929 : vector<16xi32>
        %gather3A_931 = tpu.vector_load_idx %arg14[%max3A_930] : memref<16xi32, #tpu.memory_space<vmem>>[vector<16xi32>], vector<16xi32>,
        %eq3A_932 = arith.constant 0 : i32
        %eq3A_933 = vector.broadcast %eq3A_932 : i32 to vector<16xi32>
        %eq3A_934 = arith.cmpi eq, %iota3A, %eq3A_933 : vector<16xi32>
        %jit3A_935 = arith.constant -1 : i32
        %broadcast_in_dim3A_936 = vector.broadcast %jit3A_935 : i32 to vector<16xi32>
        %select_n3A_937 = arith.select %eq3A_934, %broadcast_in_dim3A_936, %gather3A_931 : vector<16xi1>, vector<16xi32>
        %ne3A_938 = arith.cmpi ne, %get3A_908, %select_n3A_937 : vector<16xi32>
        %jit3A_939 = arith.constant 16 : i32
        %broadcast_in_dim3A_940 = vector.broadcast %jit3A_939 : i32 to vector<16xi32>
        %select_n3A_941 = arith.select %ne3A_938, %iota3A, %broadcast_in_dim3A_940 : vector<16xi1>, vector<16xi32>
        %neg3A_942 = arith.constant 0 : i32
        %neg3A_943 = vector.broadcast %neg3A_942 : i32 to vector<16xi32>
        %neg3A_944 = arith.subi %neg3A_943, %select_n3A_941 : vector<16xi32>
        %rev3A_945 = arith.constant 15 : i32
        %rev3A_946 = vector.broadcast %rev3A_945 : i32 to vector<16xi32>
        %rev3A_947 = tpu.iota {dimensions = array<i32: 0>} : vector<16xi32>
        %rev3A_948 = arith.subi %rev3A_946, %rev3A_947 : vector<16xi32>
        %rev3A_949 = tpu.dynamic_gather %neg3A_944[%rev3A_948] in [0] : vector<16xi32>, vector<16xi32> -> vector<16xi32>
        %broadcast_in_dim3A_950 = arith.constant true
        %broadcast_in_dim3A_951 = vector.broadcast %broadcast_in_dim3A_950 : i1 to vector<16xi1>
        %masked_cummax3A_952 = arith.constant -2147483648 : i32
        %masked_cummax3A_953 = vector.broadcast %masked_cummax3A_952 : i32 to vector<16xi32>
        %masked_cummax3A_954 = arith.xori %rev3A_949, %masked_cummax3A_953 : vector<16xi32>
        %masked_cummax3A_955 = tpu.scan <max>, %masked_cummax3A_954 masked %broadcast_in_dim3A_951 : vector<16xi32>, vector<16xi1> -> vector<16xi32>
        %masked_cummax3A_956 = arith.xori %masked_cummax3A_955, %masked_cummax3A_953 : vector<16xi32>
        %rev3A_957 = arith.constant 15 : i32
        %rev3A_958 = vector.broadcast %rev3A_957 : i32 to vector<16xi32>
        %rev3A_959 = tpu.iota {dimensions = array<i32: 0>} : vector<16xi32>
        %rev3A_960 = arith.subi %rev3A_958, %rev3A_959 : vector<16xi32>
        %rev3A_961 = tpu.dynamic_gather %masked_cummax3A_956[%rev3A_960] in [0] : vector<16xi32>, vector<16xi32> -> vector<16xi32>
        %swap3A_962 = arith.constant 0 : index
        %swap3A_963 = tpu.vector_load %arg14[%swap3A_962] {strides = array<i32>} : memref<16xi32, #tpu.memory_space<vmem>>, vector<16xi32>,
        tpu.vector_store %arg14[%swap3A_962], %rev3A_961 {strides = array<i32>} : memref<16xi32, #tpu.memory_space<vmem>>, vector<16xi32>,
        %add3A_964 = arith.constant 1 : i32
        %add3A_965 = vector.broadcast %add3A_964 : i32 to vector<16xi32>
        %add3A_966 = arith.addi %iota3A, %add3A_965 : vector<16xi32>
        %min3A_967 = arith.constant 15 : i32
        %min3A_968 = vector.broadcast %min3A_967 : i32 to vector<16xi32>
        %min3A_969 = arith.minsi %add3A_966, %min3A_968 : vector<16xi32>
        %gather3A_970 = tpu.vector_load_idx %arg14[%min3A_969] : memref<16xi32, #tpu.memory_space<vmem>>[vector<16xi32>], vector<16xi32>,
        %eq3A_971 = arith.constant 15 : i32
        %eq3A_972 = vector.broadcast %eq3A_971 : i32 to vector<16xi32>
        %eq3A_973 = arith.cmpi eq, %iota3A, %eq3A_972 : vector<16xi32>
        %jit3A_974 = arith.constant -16 : i32
        %broadcast_in_dim3A_975 = vector.broadcast %jit3A_974 : i32 to vector<16xi32>
        %select_n3A_976 = arith.select %eq3A_973, %broadcast_in_dim3A_975, %gather3A_970 : vector<16xi1>, vector<16xi32>
        %neg3A_977 = arith.constant 0 : i32
        %neg3A_978 = vector.broadcast %neg3A_977 : i32 to vector<16xi32>
        %neg3A_979 = arith.subi %neg3A_978, %select_n3A_976 : vector<16xi32>
        %sub3A_980 = arith.subi %neg3A_979, %iota3A : vector<16xi32>
        %convert_element_type3A_981 = arith.sitofp %sub3A_980 : vector<16xi32> to vector<16xf32>
        %and3A_982 = arith.andi %ne3A_938, %and3A_917 : vector<16xi1>
        tpu.vector_store_idx %arg12[%select_n3A_920], %convert_element_type3A_981 masked %and3A_982 {add = true} : memref<336xf32, #tpu.memory_space<vmem>>[vector<16xi32>], vector<16xf32>, vector<16xi1>
        %get3A_983 = arith.constant 48 : index
        %get3A_984 = tpu.vector_load %arg9[%get3A_983] {strides = array<i32>} : memref<80xi32, #tpu.memory_space<vmem>>, vector<16xi32>,
        %sub3A_985 = vector.broadcast %mul3A_2 : i32 to vector<16xi32>
        %sub3A_986 = arith.subi %get3A_984, %sub3A_985 : vector<16xi32>
        %ge3A_987 = arith.constant 0 : i32
        %ge3A_988 = vector.broadcast %ge3A_987 : i32 to vector<16xi32>
        %ge3A_989 = arith.cmpi sge, %sub3A_986, %ge3A_988 : vector<16xi32>
        %lt3A_990 = arith.constant 320 : i32
        %lt3A_991 = vector.broadcast %lt3A_990 : i32 to vector<16xi32>
        %lt3A_992 = arith.cmpi slt, %sub3A_986, %lt3A_991 : vector<16xi32>
        %and3A_993 = arith.andi %ge3A_989, %lt3A_992 : vector<16xi1>
        %jit3A_994 = arith.constant 320 : i32
        %broadcast_in_dim3A_995 = vector.broadcast %jit3A_994 : i32 to vector<16xi32>
        %select_n3A_996 = arith.select %and3A_993, %sub3A_986, %broadcast_in_dim3A_995 : vector<16xi1>, vector<16xi32>
        %swap3A_997 = arith.constant 48 : index
        %swap3A_998 = tpu.vector_load %arg11[%swap3A_997] {strides = array<i32>} : memref<80xi32, #tpu.memory_space<vmem>>, vector<16xi32>,
        tpu.vector_store %arg11[%swap3A_997], %select_n3A_996 {strides = array<i32>} : memref<80xi32, #tpu.memory_space<vmem>>, vector<16xi32>,
        %swap3A_999 = arith.constant 0 : index
        %swap3A_1000 = tpu.vector_load %arg14[%swap3A_999] {strides = array<i32>} : memref<16xi32, #tpu.memory_space<vmem>>, vector<16xi32>,
        tpu.vector_store %arg14[%swap3A_999], %get3A_984 {strides = array<i32>} : memref<16xi32, #tpu.memory_space<vmem>>, vector<16xi32>,
        %sub3A_1001 = arith.constant 1 : i32
        %sub3A_1002 = vector.broadcast %sub3A_1001 : i32 to vector<16xi32>
        %sub3A_1003 = arith.subi %iota3A, %sub3A_1002 : vector<16xi32>
        %max3A_1004 = arith.constant 0 : i32
        %max3A_1005 = vector.broadcast %max3A_1004 : i32 to vector<16xi32>
        %max3A_1006 = arith.maxsi %sub3A_1003, %max3A_1005 : vector<16xi32>
        %gather3A_1007 = tpu.vector_load_idx %arg14[%max3A_1006] : memref<16xi32, #tpu.memory_space<vmem>>[vector<16xi32>], vector<16xi32>,
        %eq3A_1008 = arith.constant 0 : i32
        %eq3A_1009 = vector.broadcast %eq3A_1008 : i32 to vector<16xi32>
        %eq3A_1010 = arith.cmpi eq, %iota3A, %eq3A_1009 : vector<16xi32>
        %jit3A_1011 = arith.constant -1 : i32
        %broadcast_in_dim3A_1012 = vector.broadcast %jit3A_1011 : i32 to vector<16xi32>
        %select_n3A_1013 = arith.select %eq3A_1010, %broadcast_in_dim3A_1012, %gather3A_1007 : vector<16xi1>, vector<16xi32>
        %ne3A_1014 = arith.cmpi ne, %get3A_984, %select_n3A_1013 : vector<16xi32>
        %jit3A_1015 = arith.constant 16 : i32
        %broadcast_in_dim3A_1016 = vector.broadcast %jit3A_1015 : i32 to vector<16xi32>
        %select_n3A_1017 = arith.select %ne3A_1014, %iota3A, %broadcast_in_dim3A_1016 : vector<16xi1>, vector<16xi32>
        %neg3A_1018 = arith.constant 0 : i32
        %neg3A_1019 = vector.broadcast %neg3A_1018 : i32 to vector<16xi32>
        %neg3A_1020 = arith.subi %neg3A_1019, %select_n3A_1017 : vector<16xi32>
        %rev3A_1021 = arith.constant 15 : i32
        %rev3A_1022 = vector.broadcast %rev3A_1021 : i32 to vector<16xi32>
        %rev3A_1023 = tpu.iota {dimensions = array<i32: 0>} : vector<16xi32>
        %rev3A_1024 = arith.subi %rev3A_1022, %rev3A_1023 : vector<16xi32>
        %rev3A_1025 = tpu.dynamic_gather %neg3A_1020[%rev3A_1024] in [0] : vector<16xi32>, vector<16xi32> -> vector<16xi32>
        %broadcast_in_dim3A_1026 = arith.constant true
        %broadcast_in_dim3A_1027 = vector.broadcast %broadcast_in_dim3A_1026 : i1 to vector<16xi1>
        %masked_cummax3A_1028 = arith.constant -2147483648 : i32
        %masked_cummax3A_1029 = vector.broadcast %masked_cummax3A_1028 : i32 to vector<16xi32>
        %masked_cummax3A_1030 = arith.xori %rev3A_1025, %masked_cummax3A_1029 : vector<16xi32>
        %masked_cummax3A_1031 = tpu.scan <max>, %masked_cummax3A_1030 masked %broadcast_in_dim3A_1027 : vector<16xi32>, vector<16xi1> -> vector<16xi32>
        %masked_cummax3A_1032 = arith.xori %masked_cummax3A_1031, %masked_cummax3A_1029 : vector<16xi32>
        %rev3A_1033 = arith.constant 15 : i32
        %rev3A_1034 = vector.broadcast %rev3A_1033 : i32 to vector<16xi32>
        %rev3A_1035 = tpu.iota {dimensions = array<i32: 0>} : vector<16xi32>
        %rev3A_1036 = arith.subi %rev3A_1034, %rev3A_1035 : vector<16xi32>
        %rev3A_1037 = tpu.dynamic_gather %masked_cummax3A_1032[%rev3A_1036] in [0] : vector<16xi32>, vector<16xi32> -> vector<16xi32>
        %swap3A_1038 = arith.constant 0 : index
        %swap3A_1039 = tpu.vector_load %arg14[%swap3A_1038] {strides = array<i32>} : memref<16xi32, #tpu.memory_space<vmem>>, vector<16xi32>,
        tpu.vector_store %arg14[%swap3A_1038], %rev3A_1037 {strides = array<i32>} : memref<16xi32, #tpu.memory_space<vmem>>, vector<16xi32>,
        %add3A_1040 = arith.constant 1 : i32
        %add3A_1041 = vector.broadcast %add3A_1040 : i32 to vector<16xi32>
        %add3A_1042 = arith.addi %iota3A, %add3A_1041 : vector<16xi32>
        %min3A_1043 = arith.constant 15 : i32
        %min3A_1044 = vector.broadcast %min3A_1043 : i32 to vector<16xi32>
        %min3A_1045 = arith.minsi %add3A_1042, %min3A_1044 : vector<16xi32>
        %gather3A_1046 = tpu.vector_load_idx %arg14[%min3A_1045] : memref<16xi32, #tpu.memory_space<vmem>>[vector<16xi32>], vector<16xi32>,
        %eq3A_1047 = arith.constant 15 : i32
        %eq3A_1048 = vector.broadcast %eq3A_1047 : i32 to vector<16xi32>
        %eq3A_1049 = arith.cmpi eq, %iota3A, %eq3A_1048 : vector<16xi32>
        %jit3A_1050 = arith.constant -16 : i32
        %broadcast_in_dim3A_1051 = vector.broadcast %jit3A_1050 : i32 to vector<16xi32>
        %select_n3A_1052 = arith.select %eq3A_1049, %broadcast_in_dim3A_1051, %gather3A_1046 : vector<16xi1>, vector<16xi32>
        %neg3A_1053 = arith.constant 0 : i32
        %neg3A_1054 = vector.broadcast %neg3A_1053 : i32 to vector<16xi32>
        %neg3A_1055 = arith.subi %neg3A_1054, %select_n3A_1052 : vector<16xi32>
        %sub3A_1056 = arith.subi %neg3A_1055, %iota3A : vector<16xi32>
        %convert_element_type3A_1057 = arith.sitofp %sub3A_1056 : vector<16xi32> to vector<16xf32>
        %and3A_1058 = arith.andi %ne3A_1014, %and3A_993 : vector<16xi1>
        tpu.vector_store_idx %arg12[%select_n3A_996], %convert_element_type3A_1057 masked %and3A_1058 {add = true} : memref<336xf32, #tpu.memory_space<vmem>>[vector<16xi32>], vector<16xf32>, vector<16xi1>
        %get3A_1059 = arith.constant 64 : index
        %get3A_1060 = tpu.vector_load %arg9[%get3A_1059] {strides = array<i32>} : memref<80xi32, #tpu.memory_space<vmem>>, vector<16xi32>,
        %sub3A_1061 = vector.broadcast %mul3A_2 : i32 to vector<16xi32>
        %sub3A_1062 = arith.subi %get3A_1060, %sub3A_1061 : vector<16xi32>
        %ge3A_1063 = arith.constant 0 : i32
        %ge3A_1064 = vector.broadcast %ge3A_1063 : i32 to vector<16xi32>
        %ge3A_1065 = arith.cmpi sge, %sub3A_1062, %ge3A_1064 : vector<16xi32>
        %lt3A_1066 = arith.constant 320 : i32
        %lt3A_1067 = vector.broadcast %lt3A_1066 : i32 to vector<16xi32>
        %lt3A_1068 = arith.cmpi slt, %sub3A_1062, %lt3A_1067 : vector<16xi32>
        %and3A_1069 = arith.andi %ge3A_1065, %lt3A_1068 : vector<16xi1>
        %jit3A_1070 = arith.constant 320 : i32
        %broadcast_in_dim3A_1071 = vector.broadcast %jit3A_1070 : i32 to vector<16xi32>
        %select_n3A_1072 = arith.select %and3A_1069, %sub3A_1062, %broadcast_in_dim3A_1071 : vector<16xi1>, vector<16xi32>
        %swap3A_1073 = arith.constant 64 : index
        %swap3A_1074 = tpu.vector_load %arg11[%swap3A_1073] {strides = array<i32>} : memref<80xi32, #tpu.memory_space<vmem>>, vector<16xi32>,
        tpu.vector_store %arg11[%swap3A_1073], %select_n3A_1072 {strides = array<i32>} : memref<80xi32, #tpu.memory_space<vmem>>, vector<16xi32>,
        %swap3A_1075 = arith.constant 0 : index
        %swap3A_1076 = tpu.vector_load %arg14[%swap3A_1075] {strides = array<i32>} : memref<16xi32, #tpu.memory_space<vmem>>, vector<16xi32>,
        tpu.vector_store %arg14[%swap3A_1075], %get3A_1060 {strides = array<i32>} : memref<16xi32, #tpu.memory_space<vmem>>, vector<16xi32>,
        %sub3A_1077 = arith.constant 1 : i32
        %sub3A_1078 = vector.broadcast %sub3A_1077 : i32 to vector<16xi32>
        %sub3A_1079 = arith.subi %iota3A, %sub3A_1078 : vector<16xi32>
        %max3A_1080 = arith.constant 0 : i32
        %max3A_1081 = vector.broadcast %max3A_1080 : i32 to vector<16xi32>
        %max3A_1082 = arith.maxsi %sub3A_1079, %max3A_1081 : vector<16xi32>
        %gather3A_1083 = tpu.vector_load_idx %arg14[%max3A_1082] : memref<16xi32, #tpu.memory_space<vmem>>[vector<16xi32>], vector<16xi32>,
        %eq3A_1084 = arith.constant 0 : i32
        %eq3A_1085 = vector.broadcast %eq3A_1084 : i32 to vector<16xi32>
        %eq3A_1086 = arith.cmpi eq, %iota3A, %eq3A_1085 : vector<16xi32>
        %jit3A_1087 = arith.constant -1 : i32
        %broadcast_in_dim3A_1088 = vector.broadcast %jit3A_1087 : i32 to vector<16xi32>
        %select_n3A_1089 = arith.select %eq3A_1086, %broadcast_in_dim3A_1088, %gather3A_1083 : vector<16xi1>, vector<16xi32>
        %ne3A_1090 = arith.cmpi ne, %get3A_1060, %select_n3A_1089 : vector<16xi32>
        %jit3A_1091 = arith.constant 16 : i32
        %broadcast_in_dim3A_1092 = vector.broadcast %jit3A_1091 : i32 to vector<16xi32>
        %select_n3A_1093 = arith.select %ne3A_1090, %iota3A, %broadcast_in_dim3A_1092 : vector<16xi1>, vector<16xi32>
        %neg3A_1094 = arith.constant 0 : i32
        %neg3A_1095 = vector.broadcast %neg3A_1094 : i32 to vector<16xi32>
        %neg3A_1096 = arith.subi %neg3A_1095, %select_n3A_1093 : vector<16xi32>
        %rev3A_1097 = arith.constant 15 : i32
        %rev3A_1098 = vector.broadcast %rev3A_1097 : i32 to vector<16xi32>
        %rev3A_1099 = tpu.iota {dimensions = array<i32: 0>} : vector<16xi32>
        %rev3A_1100 = arith.subi %rev3A_1098, %rev3A_1099 : vector<16xi32>
        %rev3A_1101 = tpu.dynamic_gather %neg3A_1096[%rev3A_1100] in [0] : vector<16xi32>, vector<16xi32> -> vector<16xi32>
        %broadcast_in_dim3A_1102 = arith.constant true
        %broadcast_in_dim3A_1103 = vector.broadcast %broadcast_in_dim3A_1102 : i1 to vector<16xi1>
        %masked_cummax3A_1104 = arith.constant -2147483648 : i32
        %masked_cummax3A_1105 = vector.broadcast %masked_cummax3A_1104 : i32 to vector<16xi32>
        %masked_cummax3A_1106 = arith.xori %rev3A_1101, %masked_cummax3A_1105 : vector<16xi32>
        %masked_cummax3A_1107 = tpu.scan <max>, %masked_cummax3A_1106 masked %broadcast_in_dim3A_1103 : vector<16xi32>, vector<16xi1> -> vector<16xi32>
        %masked_cummax3A_1108 = arith.xori %masked_cummax3A_1107, %masked_cummax3A_1105 : vector<16xi32>
        %rev3A_1109 = arith.constant 15 : i32
        %rev3A_1110 = vector.broadcast %rev3A_1109 : i32 to vector<16xi32>
        %rev3A_1111 = tpu.iota {dimensions = array<i32: 0>} : vector<16xi32>
        %rev3A_1112 = arith.subi %rev3A_1110, %rev3A_1111 : vector<16xi32>
        %rev3A_1113 = tpu.dynamic_gather %masked_cummax3A_1108[%rev3A_1112] in [0] : vector<16xi32>, vector<16xi32> -> vector<16xi32>
        %swap3A_1114 = arith.constant 0 : index
        %swap3A_1115 = tpu.vector_load %arg14[%swap3A_1114] {strides = array<i32>} : memref<16xi32, #tpu.memory_space<vmem>>, vector<16xi32>,
        tpu.vector_store %arg14[%swap3A_1114], %rev3A_1113 {strides = array<i32>} : memref<16xi32, #tpu.memory_space<vmem>>, vector<16xi32>,
        %add3A_1116 = arith.constant 1 : i32
        %add3A_1117 = vector.broadcast %add3A_1116 : i32 to vector<16xi32>
        %add3A_1118 = arith.addi %iota3A, %add3A_1117 : vector<16xi32>
        %min3A_1119 = arith.constant 15 : i32
        %min3A_1120 = vector.broadcast %min3A_1119 : i32 to vector<16xi32>
        %min3A_1121 = arith.minsi %add3A_1118, %min3A_1120 : vector<16xi32>
        %gather3A_1122 = tpu.vector_load_idx %arg14[%min3A_1121] : memref<16xi32, #tpu.memory_space<vmem>>[vector<16xi32>], vector<16xi32>,
        %eq3A_1123 = arith.constant 15 : i32
        %eq3A_1124 = vector.broadcast %eq3A_1123 : i32 to vector<16xi32>
        %eq3A_1125 = arith.cmpi eq, %iota3A, %eq3A_1124 : vector<16xi32>
        %jit3A_1126 = arith.constant -16 : i32
        %broadcast_in_dim3A_1127 = vector.broadcast %jit3A_1126 : i32 to vector<16xi32>
        %select_n3A_1128 = arith.select %eq3A_1125, %broadcast_in_dim3A_1127, %gather3A_1122 : vector<16xi1>, vector<16xi32>
        %neg3A_1129 = arith.constant 0 : i32
        %neg3A_1130 = vector.broadcast %neg3A_1129 : i32 to vector<16xi32>
        %neg3A_1131 = arith.subi %neg3A_1130, %select_n3A_1128 : vector<16xi32>
        %sub3A_1132 = arith.subi %neg3A_1131, %iota3A : vector<16xi32>
        %convert_element_type3A_1133 = arith.sitofp %sub3A_1132 : vector<16xi32> to vector<16xf32>
        %and3A_1134 = arith.andi %ne3A_1090, %and3A_1069 : vector<16xi1>
        tpu.vector_store_idx %arg12[%select_n3A_1072], %convert_element_type3A_1133 masked %and3A_1134 {add = true} : memref<336xf32, #tpu.memory_space<vmem>>[vector<16xi32>], vector<16xf32>, vector<16xi1>
        "tpu.region"() ({
          %run_scoped3A = tpu.sem_alloc : memref<!tpu.dma_semaphore, #tpu.memory_space<semaphore_mem>>
          %dma_start3A_1141 = arith.constant 0 : i32
          %dma_start3A_1142 = arith.constant 0 : i32
          %dma_start3A_1143 = tpu.memref_slice %arg5[%arg1, %dma_start3A_1141, %dma_start3A_1142] : memref<16x321x128xf32, #tpu.memory_space<vmem_shared>> -> memref<1x321x128xf32, #tpu.memory_space<vmem_shared>>
          %dma_start3A_1144 = tpu.memref_squeeze %dma_start3A_1143 : memref<1x321x128xf32, #tpu.memory_space<vmem_shared>> -> memref<321x128xf32, #tpu.memory_space<vmem_shared>>
          %dma_start3A_1145 = arith.constant 0 : i32
          %dma_start3A_1146 = arith.constant 0 : i32
          %dma_start3A_1147 = tpu.memref_slice %dma_start3A_1144[%dma_start3A_1145, %dma_start3A_1146] : memref<321x128xf32, #tpu.memory_space<vmem_shared>> -> memref<321x128xf32, #tpu.memory_space<vmem_shared>>
          tpu.enqueue_indirect_dma source(%arg6 : memref<80x128xf32, #tpu.memory_space<vmem>>) target(%dma_start3A_1147 : memref<321x128xf32, #tpu.memory_space<vmem_shared>>) offsets(%arg11 : memref<80xi32, #tpu.memory_space<vmem>>) semaphore(%run_scoped3A : memref<!tpu.dma_semaphore, #tpu.memory_space<semaphore_mem>>) {add = true}
          %dma_wait3A_1148 = arith.constant 0 : i32
          %dma_wait3A_1149 = arith.constant 0 : i32
          %dma_wait3A_1150 = tpu.memref_slice %arg5[%arg1, %dma_wait3A_1148, %dma_wait3A_1149] : memref<16x321x128xf32, #tpu.memory_space<vmem_shared>> -> memref<1x321x128xf32, #tpu.memory_space<vmem_shared>>
          %dma_wait3A_1151 = tpu.memref_squeeze %dma_wait3A_1150 : memref<1x321x128xf32, #tpu.memory_space<vmem_shared>> -> memref<321x128xf32, #tpu.memory_space<vmem_shared>>
          %dma_wait3A_1152 = arith.constant 0 : i32
          %dma_wait3A_1153 = arith.constant 0 : i32
          %dma_wait3A_1154 = tpu.memref_slice %dma_wait3A_1151[%dma_wait3A_1152, %dma_wait3A_1153] : memref<321x128xf32, #tpu.memory_space<vmem_shared>> -> memref<321x128xf32, #tpu.memory_space<vmem_shared>>
          tpu.wait_indirect_dma semaphore(%run_scoped3A : memref<!tpu.dma_semaphore, #tpu.memory_space<semaphore_mem>>) src(%arg6 : memref<80x128xf32, #tpu.memory_space<vmem>>) dst(%dma_wait3A_1154 : memref<321x128xf32, #tpu.memory_space<vmem_shared>>)
          tpu.yield
        }) : () -> ()
        %add3A_1135 = arith.constant 2 : i32
        %add3A_1136 = arith.addi %add3A_745, %add3A_1135 : i32
        %lt3A_1137 = arith.cmpi slt, %add3A_1136, %div3A_702 : i32
        %convert_element_type3A_1138 = arith.extui %lt3A_1137 : i1 to i32
        %cond3A_1139 = arith.constant 0 : i32
        %cond3A_1140 = arith.cmpi ne, %convert_element_type3A_1138, %cond3A_1139 : i32
        scf.if %cond3A_1140 {
          %add3A_1141 = arith.constant 2 : i32
          %add3A_1142 = arith.addi %add3A_745, %add3A_1141 : i32
          %mul3A_1143 = arith.constant 80 : i32
          %mul3A_1144 = arith.muli %add3A_1142, %mul3A_1143 : i32
          %dma_start3A_1145 = arith.constant 0 : i32
          %dma_start3A_1146 = tpu.memref_slice %arg2[%mul3A_1144, %dma_start3A_1145] : memref<320000x128xf32, #tpu.memory_space<hbm>> -> memref<80x128xf32, #tpu.memory_space<hbm>>
          %dma_start3A_1147 = arith.constant 0 : i32
          %dma_start3A_1148 = tpu.memref_slice %arg2[%mul3A_1144, %dma_start3A_1147] : memref<320000x128xf32, #tpu.memory_space<hbm>> -> memref<80x128xf32, #tpu.memory_space<hbm>>
          tpu.enqueue_dma source(%dma_start3A_1148 : memref<80x128xf32, #tpu.memory_space<hbm>>) target(%arg6 : memref<80x128xf32, #tpu.memory_space<vmem>>) target_semaphore(%arg17 : memref<!tpu.dma_semaphore, #tpu.memory_space<semaphore_mem>>)
          %dma_start3A_1149 = tpu.memref_slice %arg3[%mul3A_1144] : memref<320000xi32, #tpu.memory_space<hbm>> -> memref<80xi32, #tpu.memory_space<hbm>>
          %dma_start3A_1150 = tpu.memref_slice %arg3[%mul3A_1144] : memref<320000xi32, #tpu.memory_space<hbm>> -> memref<80xi32, #tpu.memory_space<hbm>>
          tpu.enqueue_dma source(%dma_start3A_1150 : memref<80xi32, #tpu.memory_space<hbm>>) target(%arg9 : memref<80xi32, #tpu.memory_space<vmem>>) target_semaphore(%arg17 : memref<!tpu.dma_semaphore, #tpu.memory_space<semaphore_mem>>)
        } else {
        }
      } else {
      }
      %mul3A_750 = arith.constant 2 : i32
      %mul3A_751 = arith.muli %while3A_739, %mul3A_750 : i32
      %add3A_752 = arith.addi %div3A_697, %mul3A_751 : i32
      %add3A_753 = arith.constant 1 : i32
      %add3A_754 = arith.addi %add3A_752, %add3A_753 : i32
      %lt3A_755 = arith.cmpi slt, %add3A_754, %div3A_702 : i32
      %convert_element_type3A_756 = arith.extui %lt3A_755 : i1 to i32
      %cond3A_757 = arith.constant 0 : i32
      %cond3A_758 = arith.cmpi ne, %convert_element_type3A_756, %cond3A_757 : i32
      scf.if %cond3A_758 {
        %mul3A_760 = arith.constant 80 : i32
        %mul3A_761 = arith.muli %add3A_754, %mul3A_760 : i32
        %dma_wait3A_762 = arith.constant 0 : i32
        %dma_wait3A_763 = tpu.memref_slice %arg2[%mul3A_761, %dma_wait3A_762] : memref<320000x128xf32, #tpu.memory_space<hbm>> -> memref<80x128xf32, #tpu.memory_space<hbm>>
        %dma_wait3A_764 = arith.constant 0 : i32
        %dma_wait3A_765 = tpu.memref_slice %arg2[%mul3A_761, %dma_wait3A_764] : memref<320000x128xf32, #tpu.memory_space<hbm>> -> memref<80x128xf32, #tpu.memory_space<hbm>>
        tpu.wait_dma2 semaphore(%arg18 : memref<!tpu.dma_semaphore, #tpu.memory_space<semaphore_mem>>) src(%dma_wait3A_765 : memref<80x128xf32, #tpu.memory_space<hbm>>) dst(%arg7 : memref<80x128xf32, #tpu.memory_space<vmem>>)
        %dma_wait3A_766 = tpu.memref_slice %arg3[%mul3A_761] : memref<320000xi32, #tpu.memory_space<hbm>> -> memref<80xi32, #tpu.memory_space<hbm>>
        %dma_wait3A_767 = tpu.memref_slice %arg3[%mul3A_761] : memref<320000xi32, #tpu.memory_space<hbm>> -> memref<80xi32, #tpu.memory_space<hbm>>
        tpu.wait_dma2 semaphore(%arg18 : memref<!tpu.dma_semaphore, #tpu.memory_space<semaphore_mem>>) src(%dma_wait3A_767 : memref<80xi32, #tpu.memory_space<hbm>>) dst(%arg10 : memref<80xi32, #tpu.memory_space<vmem>>)
        %get3A_768 = arith.constant 0 : index
        %get3A_769 = tpu.vector_load %arg10[%get3A_768] {strides = array<i32>} : memref<80xi32, #tpu.memory_space<vmem>>, vector<16xi32>,
        %sub3A_770 = vector.broadcast %mul3A_2 : i32 to vector<16xi32>
        %sub3A_771 = arith.subi %get3A_769, %sub3A_770 : vector<16xi32>
        %ge3A = arith.constant 0 : i32
        %ge3A_772 = vector.broadcast %ge3A : i32 to vector<16xi32>
        %ge3A_773 = arith.cmpi sge, %sub3A_771, %ge3A_772 : vector<16xi32>
        %lt3A_774 = arith.constant 320 : i32
        %lt3A_775 = vector.broadcast %lt3A_774 : i32 to vector<16xi32>
        %lt3A_776 = arith.cmpi slt, %sub3A_771, %lt3A_775 : vector<16xi32>
        %and3A = arith.andi %ge3A_773, %lt3A_776 : vector<16xi1>
        %jit3A = arith.constant 320 : i32
        %broadcast_in_dim3A_777 = vector.broadcast %jit3A : i32 to vector<16xi32>
        %select_n3A = arith.select %and3A, %sub3A_771, %broadcast_in_dim3A_777 : vector<16xi1>, vector<16xi32>
        %swap3A = arith.constant 0 : index
        %swap3A_778 = tpu.vector_load %arg11[%swap3A] {strides = array<i32>} : memref<80xi32, #tpu.memory_space<vmem>>, vector<16xi32>,
        tpu.vector_store %arg11[%swap3A], %select_n3A {strides = array<i32>} : memref<80xi32, #tpu.memory_space<vmem>>, vector<16xi32>,
        %swap3A_779 = arith.constant 0 : index
        %swap3A_780 = tpu.vector_load %arg14[%swap3A_779] {strides = array<i32>} : memref<16xi32, #tpu.memory_space<vmem>>, vector<16xi32>,
        tpu.vector_store %arg14[%swap3A_779], %get3A_769 {strides = array<i32>} : memref<16xi32, #tpu.memory_space<vmem>>, vector<16xi32>,
        %sub3A_781 = arith.constant 1 : i32
        %sub3A_782 = vector.broadcast %sub3A_781 : i32 to vector<16xi32>
        %sub3A_783 = arith.subi %iota3A, %sub3A_782 : vector<16xi32>
        %max3A = arith.constant 0 : i32
        %max3A_784 = vector.broadcast %max3A : i32 to vector<16xi32>
        %max3A_785 = arith.maxsi %sub3A_783, %max3A_784 : vector<16xi32>
        %gather3A = tpu.vector_load_idx %arg14[%max3A_785] : memref<16xi32, #tpu.memory_space<vmem>>[vector<16xi32>], vector<16xi32>,
        %eq3A = arith.constant 0 : i32
        %eq3A_786 = vector.broadcast %eq3A : i32 to vector<16xi32>
        %eq3A_787 = arith.cmpi eq, %iota3A, %eq3A_786 : vector<16xi32>
        %jit3A_788 = arith.constant -1 : i32
        %broadcast_in_dim3A_789 = vector.broadcast %jit3A_788 : i32 to vector<16xi32>
        %select_n3A_790 = arith.select %eq3A_787, %broadcast_in_dim3A_789, %gather3A : vector<16xi1>, vector<16xi32>
        %ne3A = arith.cmpi ne, %get3A_769, %select_n3A_790 : vector<16xi32>
        %jit3A_791 = arith.constant 16 : i32
        %broadcast_in_dim3A_792 = vector.broadcast %jit3A_791 : i32 to vector<16xi32>
        %select_n3A_793 = arith.select %ne3A, %iota3A, %broadcast_in_dim3A_792 : vector<16xi1>, vector<16xi32>
        %neg3A = arith.constant 0 : i32
        %neg3A_794 = vector.broadcast %neg3A : i32 to vector<16xi32>
        %neg3A_795 = arith.subi %neg3A_794, %select_n3A_793 : vector<16xi32>
        %rev3A = arith.constant 15 : i32
        %rev3A_796 = vector.broadcast %rev3A : i32 to vector<16xi32>
        %rev3A_797 = tpu.iota {dimensions = array<i32: 0>} : vector<16xi32>
        %rev3A_798 = arith.subi %rev3A_796, %rev3A_797 : vector<16xi32>
        %rev3A_799 = tpu.dynamic_gather %neg3A_795[%rev3A_798] in [0] : vector<16xi32>, vector<16xi32> -> vector<16xi32>
        %broadcast_in_dim3A_800 = arith.constant true
        %broadcast_in_dim3A_801 = vector.broadcast %broadcast_in_dim3A_800 : i1 to vector<16xi1>
        %masked_cummax3A = arith.constant -2147483648 : i32
        %masked_cummax3A_802 = vector.broadcast %masked_cummax3A : i32 to vector<16xi32>
        %masked_cummax3A_803 = arith.xori %rev3A_799, %masked_cummax3A_802 : vector<16xi32>
        %masked_cummax3A_804 = tpu.scan <max>, %masked_cummax3A_803 masked %broadcast_in_dim3A_801 : vector<16xi32>, vector<16xi1> -> vector<16xi32>
        %masked_cummax3A_805 = arith.xori %masked_cummax3A_804, %masked_cummax3A_802 : vector<16xi32>
        %rev3A_806 = arith.constant 15 : i32
        %rev3A_807 = vector.broadcast %rev3A_806 : i32 to vector<16xi32>
        %rev3A_808 = tpu.iota {dimensions = array<i32: 0>} : vector<16xi32>
        %rev3A_809 = arith.subi %rev3A_807, %rev3A_808 : vector<16xi32>
        %rev3A_810 = tpu.dynamic_gather %masked_cummax3A_805[%rev3A_809] in [0] : vector<16xi32>, vector<16xi32> -> vector<16xi32>
        %swap3A_811 = arith.constant 0 : index
        %swap3A_812 = tpu.vector_load %arg14[%swap3A_811] {strides = array<i32>} : memref<16xi32, #tpu.memory_space<vmem>>, vector<16xi32>,
        tpu.vector_store %arg14[%swap3A_811], %rev3A_810 {strides = array<i32>} : memref<16xi32, #tpu.memory_space<vmem>>, vector<16xi32>,
        %add3A_813 = arith.constant 1 : i32
        %add3A_814 = vector.broadcast %add3A_813 : i32 to vector<16xi32>
        %add3A_815 = arith.addi %iota3A, %add3A_814 : vector<16xi32>
        %min3A = arith.constant 15 : i32
        %min3A_816 = vector.broadcast %min3A : i32 to vector<16xi32>
        %min3A_817 = arith.minsi %add3A_815, %min3A_816 : vector<16xi32>
        %gather3A_818 = tpu.vector_load_idx %arg14[%min3A_817] : memref<16xi32, #tpu.memory_space<vmem>>[vector<16xi32>], vector<16xi32>,
        %eq3A_819 = arith.constant 15 : i32
        %eq3A_820 = vector.broadcast %eq3A_819 : i32 to vector<16xi32>
        %eq3A_821 = arith.cmpi eq, %iota3A, %eq3A_820 : vector<16xi32>
        %jit3A_822 = arith.constant -16 : i32
        %broadcast_in_dim3A_823 = vector.broadcast %jit3A_822 : i32 to vector<16xi32>
        %select_n3A_824 = arith.select %eq3A_821, %broadcast_in_dim3A_823, %gather3A_818 : vector<16xi1>, vector<16xi32>
        %neg3A_825 = arith.constant 0 : i32
        %neg3A_826 = vector.broadcast %neg3A_825 : i32 to vector<16xi32>
        %neg3A_827 = arith.subi %neg3A_826, %select_n3A_824 : vector<16xi32>
        %sub3A_828 = arith.subi %neg3A_827, %iota3A : vector<16xi32>
        %convert_element_type3A_829 = arith.sitofp %sub3A_828 : vector<16xi32> to vector<16xf32>
        %and3A_830 = arith.andi %ne3A, %and3A : vector<16xi1>
        tpu.vector_store_idx %arg12[%select_n3A], %convert_element_type3A_829 masked %and3A_830 {add = true} : memref<336xf32, #tpu.memory_space<vmem>>[vector<16xi32>], vector<16xf32>, vector<16xi1>
        %get3A_831 = arith.constant 16 : index
        %get3A_832 = tpu.vector_load %arg10[%get3A_831] {strides = array<i32>} : memref<80xi32, #tpu.memory_space<vmem>>, vector<16xi32>,
        %sub3A_833 = vector.broadcast %mul3A_2 : i32 to vector<16xi32>
        %sub3A_834 = arith.subi %get3A_832, %sub3A_833 : vector<16xi32>
        %ge3A_835 = arith.constant 0 : i32
        %ge3A_836 = vector.broadcast %ge3A_835 : i32 to vector<16xi32>
        %ge3A_837 = arith.cmpi sge, %sub3A_834, %ge3A_836 : vector<16xi32>
        %lt3A_838 = arith.constant 320 : i32
        %lt3A_839 = vector.broadcast %lt3A_838 : i32 to vector<16xi32>
        %lt3A_840 = arith.cmpi slt, %sub3A_834, %lt3A_839 : vector<16xi32>
        %and3A_841 = arith.andi %ge3A_837, %lt3A_840 : vector<16xi1>
        %jit3A_842 = arith.constant 320 : i32
        %broadcast_in_dim3A_843 = vector.broadcast %jit3A_842 : i32 to vector<16xi32>
        %select_n3A_844 = arith.select %and3A_841, %sub3A_834, %broadcast_in_dim3A_843 : vector<16xi1>, vector<16xi32>
        %swap3A_845 = arith.constant 16 : index
        %swap3A_846 = tpu.vector_load %arg11[%swap3A_845] {strides = array<i32>} : memref<80xi32, #tpu.memory_space<vmem>>, vector<16xi32>,
        tpu.vector_store %arg11[%swap3A_845], %select_n3A_844 {strides = array<i32>} : memref<80xi32, #tpu.memory_space<vmem>>, vector<16xi32>,
        %swap3A_847 = arith.constant 0 : index
        %swap3A_848 = tpu.vector_load %arg14[%swap3A_847] {strides = array<i32>} : memref<16xi32, #tpu.memory_space<vmem>>, vector<16xi32>,
        tpu.vector_store %arg14[%swap3A_847], %get3A_832 {strides = array<i32>} : memref<16xi32, #tpu.memory_space<vmem>>, vector<16xi32>,
        %sub3A_849 = arith.constant 1 : i32
        %sub3A_850 = vector.broadcast %sub3A_849 : i32 to vector<16xi32>
        %sub3A_851 = arith.subi %iota3A, %sub3A_850 : vector<16xi32>
        %max3A_852 = arith.constant 0 : i32
        %max3A_853 = vector.broadcast %max3A_852 : i32 to vector<16xi32>
        %max3A_854 = arith.maxsi %sub3A_851, %max3A_853 : vector<16xi32>
        %gather3A_855 = tpu.vector_load_idx %arg14[%max3A_854] : memref<16xi32, #tpu.memory_space<vmem>>[vector<16xi32>], vector<16xi32>,
        %eq3A_856 = arith.constant 0 : i32
        %eq3A_857 = vector.broadcast %eq3A_856 : i32 to vector<16xi32>
        %eq3A_858 = arith.cmpi eq, %iota3A, %eq3A_857 : vector<16xi32>
        %jit3A_859 = arith.constant -1 : i32
        %broadcast_in_dim3A_860 = vector.broadcast %jit3A_859 : i32 to vector<16xi32>
        %select_n3A_861 = arith.select %eq3A_858, %broadcast_in_dim3A_860, %gather3A_855 : vector<16xi1>, vector<16xi32>
        %ne3A_862 = arith.cmpi ne, %get3A_832, %select_n3A_861 : vector<16xi32>
        %jit3A_863 = arith.constant 16 : i32
        %broadcast_in_dim3A_864 = vector.broadcast %jit3A_863 : i32 to vector<16xi32>
        %select_n3A_865 = arith.select %ne3A_862, %iota3A, %broadcast_in_dim3A_864 : vector<16xi1>, vector<16xi32>
        %neg3A_866 = arith.constant 0 : i32
        %neg3A_867 = vector.broadcast %neg3A_866 : i32 to vector<16xi32>
        %neg3A_868 = arith.subi %neg3A_867, %select_n3A_865 : vector<16xi32>
        %rev3A_869 = arith.constant 15 : i32
        %rev3A_870 = vector.broadcast %rev3A_869 : i32 to vector<16xi32>
        %rev3A_871 = tpu.iota {dimensions = array<i32: 0>} : vector<16xi32>
        %rev3A_872 = arith.subi %rev3A_870, %rev3A_871 : vector<16xi32>
        %rev3A_873 = tpu.dynamic_gather %neg3A_868[%rev3A_872] in [0] : vector<16xi32>, vector<16xi32> -> vector<16xi32>
        %broadcast_in_dim3A_874 = arith.constant true
        %broadcast_in_dim3A_875 = vector.broadcast %broadcast_in_dim3A_874 : i1 to vector<16xi1>
        %masked_cummax3A_876 = arith.constant -2147483648 : i32
        %masked_cummax3A_877 = vector.broadcast %masked_cummax3A_876 : i32 to vector<16xi32>
        %masked_cummax3A_878 = arith.xori %rev3A_873, %masked_cummax3A_877 : vector<16xi32>
        %masked_cummax3A_879 = tpu.scan <max>, %masked_cummax3A_878 masked %broadcast_in_dim3A_875 : vector<16xi32>, vector<16xi1> -> vector<16xi32>
        %masked_cummax3A_880 = arith.xori %masked_cummax3A_879, %masked_cummax3A_877 : vector<16xi32>
        %rev3A_881 = arith.constant 15 : i32
        %rev3A_882 = vector.broadcast %rev3A_881 : i32 to vector<16xi32>
        %rev3A_883 = tpu.iota {dimensions = array<i32: 0>} : vector<16xi32>
        %rev3A_884 = arith.subi %rev3A_882, %rev3A_883 : vector<16xi32>
        %rev3A_885 = tpu.dynamic_gather %masked_cummax3A_880[%rev3A_884] in [0] : vector<16xi32>, vector<16xi32> -> vector<16xi32>
        %swap3A_886 = arith.constant 0 : index
        %swap3A_887 = tpu.vector_load %arg14[%swap3A_886] {strides = array<i32>} : memref<16xi32, #tpu.memory_space<vmem>>, vector<16xi32>,
        tpu.vector_store %arg14[%swap3A_886], %rev3A_885 {strides = array<i32>} : memref<16xi32, #tpu.memory_space<vmem>>, vector<16xi32>,
        %add3A_888 = arith.constant 1 : i32
        %add3A_889 = vector.broadcast %add3A_888 : i32 to vector<16xi32>
        %add3A_890 = arith.addi %iota3A, %add3A_889 : vector<16xi32>
        %min3A_891 = arith.constant 15 : i32
        %min3A_892 = vector.broadcast %min3A_891 : i32 to vector<16xi32>
        %min3A_893 = arith.minsi %add3A_890, %min3A_892 : vector<16xi32>
        %gather3A_894 = tpu.vector_load_idx %arg14[%min3A_893] : memref<16xi32, #tpu.memory_space<vmem>>[vector<16xi32>], vector<16xi32>,
        %eq3A_895 = arith.constant 15 : i32
        %eq3A_896 = vector.broadcast %eq3A_895 : i32 to vector<16xi32>
        %eq3A_897 = arith.cmpi eq, %iota3A, %eq3A_896 : vector<16xi32>
        %jit3A_898 = arith.constant -16 : i32
        %broadcast_in_dim3A_899 = vector.broadcast %jit3A_898 : i32 to vector<16xi32>
        %select_n3A_900 = arith.select %eq3A_897, %broadcast_in_dim3A_899, %gather3A_894 : vector<16xi1>, vector<16xi32>
        %neg3A_901 = arith.constant 0 : i32
        %neg3A_902 = vector.broadcast %neg3A_901 : i32 to vector<16xi32>
        %neg3A_903 = arith.subi %neg3A_902, %select_n3A_900 : vector<16xi32>
        %sub3A_904 = arith.subi %neg3A_903, %iota3A : vector<16xi32>
        %convert_element_type3A_905 = arith.sitofp %sub3A_904 : vector<16xi32> to vector<16xf32>
        %and3A_906 = arith.andi %ne3A_862, %and3A_841 : vector<16xi1>
        tpu.vector_store_idx %arg12[%select_n3A_844], %convert_element_type3A_905 masked %and3A_906 {add = true} : memref<336xf32, #tpu.memory_space<vmem>>[vector<16xi32>], vector<16xf32>, vector<16xi1>
        %get3A_907 = arith.constant 32 : index
        %get3A_908 = tpu.vector_load %arg10[%get3A_907] {strides = array<i32>} : memref<80xi32, #tpu.memory_space<vmem>>, vector<16xi32>,
        %sub3A_909 = vector.broadcast %mul3A_2 : i32 to vector<16xi32>
        %sub3A_910 = arith.subi %get3A_908, %sub3A_909 : vector<16xi32>
        %ge3A_911 = arith.constant 0 : i32
        %ge3A_912 = vector.broadcast %ge3A_911 : i32 to vector<16xi32>
        %ge3A_913 = arith.cmpi sge, %sub3A_910, %ge3A_912 : vector<16xi32>
        %lt3A_914 = arith.constant 320 : i32
        %lt3A_915 = vector.broadcast %lt3A_914 : i32 to vector<16xi32>
        %lt3A_916 = arith.cmpi slt, %sub3A_910, %lt3A_915 : vector<16xi32>
        %and3A_917 = arith.andi %ge3A_913, %lt3A_916 : vector<16xi1>
        %jit3A_918 = arith.constant 320 : i32
        %broadcast_in_dim3A_919 = vector.broadcast %jit3A_918 : i32 to vector<16xi32>
        %select_n3A_920 = arith.select %and3A_917, %sub3A_910, %broadcast_in_dim3A_919 : vector<16xi1>, vector<16xi32>
        %swap3A_921 = arith.constant 32 : index
        %swap3A_922 = tpu.vector_load %arg11[%swap3A_921] {strides = array<i32>} : memref<80xi32, #tpu.memory_space<vmem>>, vector<16xi32>,
        tpu.vector_store %arg11[%swap3A_921], %select_n3A_920 {strides = array<i32>} : memref<80xi32, #tpu.memory_space<vmem>>, vector<16xi32>,
        %swap3A_923 = arith.constant 0 : index
        %swap3A_924 = tpu.vector_load %arg14[%swap3A_923] {strides = array<i32>} : memref<16xi32, #tpu.memory_space<vmem>>, vector<16xi32>,
        tpu.vector_store %arg14[%swap3A_923], %get3A_908 {strides = array<i32>} : memref<16xi32, #tpu.memory_space<vmem>>, vector<16xi32>,
        %sub3A_925 = arith.constant 1 : i32
        %sub3A_926 = vector.broadcast %sub3A_925 : i32 to vector<16xi32>
        %sub3A_927 = arith.subi %iota3A, %sub3A_926 : vector<16xi32>
        %max3A_928 = arith.constant 0 : i32
        %max3A_929 = vector.broadcast %max3A_928 : i32 to vector<16xi32>
        %max3A_930 = arith.maxsi %sub3A_927, %max3A_929 : vector<16xi32>
        %gather3A_931 = tpu.vector_load_idx %arg14[%max3A_930] : memref<16xi32, #tpu.memory_space<vmem>>[vector<16xi32>], vector<16xi32>,
        %eq3A_932 = arith.constant 0 : i32
        %eq3A_933 = vector.broadcast %eq3A_932 : i32 to vector<16xi32>
        %eq3A_934 = arith.cmpi eq, %iota3A, %eq3A_933 : vector<16xi32>
        %jit3A_935 = arith.constant -1 : i32
        %broadcast_in_dim3A_936 = vector.broadcast %jit3A_935 : i32 to vector<16xi32>
        %select_n3A_937 = arith.select %eq3A_934, %broadcast_in_dim3A_936, %gather3A_931 : vector<16xi1>, vector<16xi32>
        %ne3A_938 = arith.cmpi ne, %get3A_908, %select_n3A_937 : vector<16xi32>
        %jit3A_939 = arith.constant 16 : i32
        %broadcast_in_dim3A_940 = vector.broadcast %jit3A_939 : i32 to vector<16xi32>
        %select_n3A_941 = arith.select %ne3A_938, %iota3A, %broadcast_in_dim3A_940 : vector<16xi1>, vector<16xi32>
        %neg3A_942 = arith.constant 0 : i32
        %neg3A_943 = vector.broadcast %neg3A_942 : i32 to vector<16xi32>
        %neg3A_944 = arith.subi %neg3A_943, %select_n3A_941 : vector<16xi32>
        %rev3A_945 = arith.constant 15 : i32
        %rev3A_946 = vector.broadcast %rev3A_945 : i32 to vector<16xi32>
        %rev3A_947 = tpu.iota {dimensions = array<i32: 0>} : vector<16xi32>
        %rev3A_948 = arith.subi %rev3A_946, %rev3A_947 : vector<16xi32>
        %rev3A_949 = tpu.dynamic_gather %neg3A_944[%rev3A_948] in [0] : vector<16xi32>, vector<16xi32> -> vector<16xi32>
        %broadcast_in_dim3A_950 = arith.constant true
        %broadcast_in_dim3A_951 = vector.broadcast %broadcast_in_dim3A_950 : i1 to vector<16xi1>
        %masked_cummax3A_952 = arith.constant -2147483648 : i32
        %masked_cummax3A_953 = vector.broadcast %masked_cummax3A_952 : i32 to vector<16xi32>
        %masked_cummax3A_954 = arith.xori %rev3A_949, %masked_cummax3A_953 : vector<16xi32>
        %masked_cummax3A_955 = tpu.scan <max>, %masked_cummax3A_954 masked %broadcast_in_dim3A_951 : vector<16xi32>, vector<16xi1> -> vector<16xi32>
        %masked_cummax3A_956 = arith.xori %masked_cummax3A_955, %masked_cummax3A_953 : vector<16xi32>
        %rev3A_957 = arith.constant 15 : i32
        %rev3A_958 = vector.broadcast %rev3A_957 : i32 to vector<16xi32>
        %rev3A_959 = tpu.iota {dimensions = array<i32: 0>} : vector<16xi32>
        %rev3A_960 = arith.subi %rev3A_958, %rev3A_959 : vector<16xi32>
        %rev3A_961 = tpu.dynamic_gather %masked_cummax3A_956[%rev3A_960] in [0] : vector<16xi32>, vector<16xi32> -> vector<16xi32>
        %swap3A_962 = arith.constant 0 : index
        %swap3A_963 = tpu.vector_load %arg14[%swap3A_962] {strides = array<i32>} : memref<16xi32, #tpu.memory_space<vmem>>, vector<16xi32>,
        tpu.vector_store %arg14[%swap3A_962], %rev3A_961 {strides = array<i32>} : memref<16xi32, #tpu.memory_space<vmem>>, vector<16xi32>,
        %add3A_964 = arith.constant 1 : i32
        %add3A_965 = vector.broadcast %add3A_964 : i32 to vector<16xi32>
        %add3A_966 = arith.addi %iota3A, %add3A_965 : vector<16xi32>
        %min3A_967 = arith.constant 15 : i32
        %min3A_968 = vector.broadcast %min3A_967 : i32 to vector<16xi32>
        %min3A_969 = arith.minsi %add3A_966, %min3A_968 : vector<16xi32>
        %gather3A_970 = tpu.vector_load_idx %arg14[%min3A_969] : memref<16xi32, #tpu.memory_space<vmem>>[vector<16xi32>], vector<16xi32>,
        %eq3A_971 = arith.constant 15 : i32
        %eq3A_972 = vector.broadcast %eq3A_971 : i32 to vector<16xi32>
        %eq3A_973 = arith.cmpi eq, %iota3A, %eq3A_972 : vector<16xi32>
        %jit3A_974 = arith.constant -16 : i32
        %broadcast_in_dim3A_975 = vector.broadcast %jit3A_974 : i32 to vector<16xi32>
        %select_n3A_976 = arith.select %eq3A_973, %broadcast_in_dim3A_975, %gather3A_970 : vector<16xi1>, vector<16xi32>
        %neg3A_977 = arith.constant 0 : i32
        %neg3A_978 = vector.broadcast %neg3A_977 : i32 to vector<16xi32>
        %neg3A_979 = arith.subi %neg3A_978, %select_n3A_976 : vector<16xi32>
        %sub3A_980 = arith.subi %neg3A_979, %iota3A : vector<16xi32>
        %convert_element_type3A_981 = arith.sitofp %sub3A_980 : vector<16xi32> to vector<16xf32>
        %and3A_982 = arith.andi %ne3A_938, %and3A_917 : vector<16xi1>
        tpu.vector_store_idx %arg12[%select_n3A_920], %convert_element_type3A_981 masked %and3A_982 {add = true} : memref<336xf32, #tpu.memory_space<vmem>>[vector<16xi32>], vector<16xf32>, vector<16xi1>
        %get3A_983 = arith.constant 48 : index
        %get3A_984 = tpu.vector_load %arg10[%get3A_983] {strides = array<i32>} : memref<80xi32, #tpu.memory_space<vmem>>, vector<16xi32>,
        %sub3A_985 = vector.broadcast %mul3A_2 : i32 to vector<16xi32>
        %sub3A_986 = arith.subi %get3A_984, %sub3A_985 : vector<16xi32>
        %ge3A_987 = arith.constant 0 : i32
        %ge3A_988 = vector.broadcast %ge3A_987 : i32 to vector<16xi32>
        %ge3A_989 = arith.cmpi sge, %sub3A_986, %ge3A_988 : vector<16xi32>
        %lt3A_990 = arith.constant 320 : i32
        %lt3A_991 = vector.broadcast %lt3A_990 : i32 to vector<16xi32>
        %lt3A_992 = arith.cmpi slt, %sub3A_986, %lt3A_991 : vector<16xi32>
        %and3A_993 = arith.andi %ge3A_989, %lt3A_992 : vector<16xi1>
        %jit3A_994 = arith.constant 320 : i32
        %broadcast_in_dim3A_995 = vector.broadcast %jit3A_994 : i32 to vector<16xi32>
        %select_n3A_996 = arith.select %and3A_993, %sub3A_986, %broadcast_in_dim3A_995 : vector<16xi1>, vector<16xi32>
        %swap3A_997 = arith.constant 48 : index
        %swap3A_998 = tpu.vector_load %arg11[%swap3A_997] {strides = array<i32>} : memref<80xi32, #tpu.memory_space<vmem>>, vector<16xi32>,
        tpu.vector_store %arg11[%swap3A_997], %select_n3A_996 {strides = array<i32>} : memref<80xi32, #tpu.memory_space<vmem>>, vector<16xi32>,
        %swap3A_999 = arith.constant 0 : index
        %swap3A_1000 = tpu.vector_load %arg14[%swap3A_999] {strides = array<i32>} : memref<16xi32, #tpu.memory_space<vmem>>, vector<16xi32>,
        tpu.vector_store %arg14[%swap3A_999], %get3A_984 {strides = array<i32>} : memref<16xi32, #tpu.memory_space<vmem>>, vector<16xi32>,
        %sub3A_1001 = arith.constant 1 : i32
        %sub3A_1002 = vector.broadcast %sub3A_1001 : i32 to vector<16xi32>
        %sub3A_1003 = arith.subi %iota3A, %sub3A_1002 : vector<16xi32>
        %max3A_1004 = arith.constant 0 : i32
        %max3A_1005 = vector.broadcast %max3A_1004 : i32 to vector<16xi32>
        %max3A_1006 = arith.maxsi %sub3A_1003, %max3A_1005 : vector<16xi32>
        %gather3A_1007 = tpu.vector_load_idx %arg14[%max3A_1006] : memref<16xi32, #tpu.memory_space<vmem>>[vector<16xi32>], vector<16xi32>,
        %eq3A_1008 = arith.constant 0 : i32
        %eq3A_1009 = vector.broadcast %eq3A_1008 : i32 to vector<16xi32>
        %eq3A_1010 = arith.cmpi eq, %iota3A, %eq3A_1009 : vector<16xi32>
        %jit3A_1011 = arith.constant -1 : i32
        %broadcast_in_dim3A_1012 = vector.broadcast %jit3A_1011 : i32 to vector<16xi32>
        %select_n3A_1013 = arith.select %eq3A_1010, %broadcast_in_dim3A_1012, %gather3A_1007 : vector<16xi1>, vector<16xi32>
        %ne3A_1014 = arith.cmpi ne, %get3A_984, %select_n3A_1013 : vector<16xi32>
        %jit3A_1015 = arith.constant 16 : i32
        %broadcast_in_dim3A_1016 = vector.broadcast %jit3A_1015 : i32 to vector<16xi32>
        %select_n3A_1017 = arith.select %ne3A_1014, %iota3A, %broadcast_in_dim3A_1016 : vector<16xi1>, vector<16xi32>
        %neg3A_1018 = arith.constant 0 : i32
        %neg3A_1019 = vector.broadcast %neg3A_1018 : i32 to vector<16xi32>
        %neg3A_1020 = arith.subi %neg3A_1019, %select_n3A_1017 : vector<16xi32>
        %rev3A_1021 = arith.constant 15 : i32
        %rev3A_1022 = vector.broadcast %rev3A_1021 : i32 to vector<16xi32>
        %rev3A_1023 = tpu.iota {dimensions = array<i32: 0>} : vector<16xi32>
        %rev3A_1024 = arith.subi %rev3A_1022, %rev3A_1023 : vector<16xi32>
        %rev3A_1025 = tpu.dynamic_gather %neg3A_1020[%rev3A_1024] in [0] : vector<16xi32>, vector<16xi32> -> vector<16xi32>
        %broadcast_in_dim3A_1026 = arith.constant true
        %broadcast_in_dim3A_1027 = vector.broadcast %broadcast_in_dim3A_1026 : i1 to vector<16xi1>
        %masked_cummax3A_1028 = arith.constant -2147483648 : i32
        %masked_cummax3A_1029 = vector.broadcast %masked_cummax3A_1028 : i32 to vector<16xi32>
        %masked_cummax3A_1030 = arith.xori %rev3A_1025, %masked_cummax3A_1029 : vector<16xi32>
        %masked_cummax3A_1031 = tpu.scan <max>, %masked_cummax3A_1030 masked %broadcast_in_dim3A_1027 : vector<16xi32>, vector<16xi1> -> vector<16xi32>
        %masked_cummax3A_1032 = arith.xori %masked_cummax3A_1031, %masked_cummax3A_1029 : vector<16xi32>
        %rev3A_1033 = arith.constant 15 : i32
        %rev3A_1034 = vector.broadcast %rev3A_1033 : i32 to vector<16xi32>
        %rev3A_1035 = tpu.iota {dimensions = array<i32: 0>} : vector<16xi32>
        %rev3A_1036 = arith.subi %rev3A_1034, %rev3A_1035 : vector<16xi32>
        %rev3A_1037 = tpu.dynamic_gather %masked_cummax3A_1032[%rev3A_1036] in [0] : vector<16xi32>, vector<16xi32> -> vector<16xi32>
        %swap3A_1038 = arith.constant 0 : index
        %swap3A_1039 = tpu.vector_load %arg14[%swap3A_1038] {strides = array<i32>} : memref<16xi32, #tpu.memory_space<vmem>>, vector<16xi32>,
        tpu.vector_store %arg14[%swap3A_1038], %rev3A_1037 {strides = array<i32>} : memref<16xi32, #tpu.memory_space<vmem>>, vector<16xi32>,
        %add3A_1040 = arith.constant 1 : i32
        %add3A_1041 = vector.broadcast %add3A_1040 : i32 to vector<16xi32>
        %add3A_1042 = arith.addi %iota3A, %add3A_1041 : vector<16xi32>
        %min3A_1043 = arith.constant 15 : i32
        %min3A_1044 = vector.broadcast %min3A_1043 : i32 to vector<16xi32>
        %min3A_1045 = arith.minsi %add3A_1042, %min3A_1044 : vector<16xi32>
        %gather3A_1046 = tpu.vector_load_idx %arg14[%min3A_1045] : memref<16xi32, #tpu.memory_space<vmem>>[vector<16xi32>], vector<16xi32>,
        %eq3A_1047 = arith.constant 15 : i32
        %eq3A_1048 = vector.broadcast %eq3A_1047 : i32 to vector<16xi32>
        %eq3A_1049 = arith.cmpi eq, %iota3A, %eq3A_1048 : vector<16xi32>
        %jit3A_1050 = arith.constant -16 : i32
        %broadcast_in_dim3A_1051 = vector.broadcast %jit3A_1050 : i32 to vector<16xi32>
        %select_n3A_1052 = arith.select %eq3A_1049, %broadcast_in_dim3A_1051, %gather3A_1046 : vector<16xi1>, vector<16xi32>
        %neg3A_1053 = arith.constant 0 : i32
        %neg3A_1054 = vector.broadcast %neg3A_1053 : i32 to vector<16xi32>
        %neg3A_1055 = arith.subi %neg3A_1054, %select_n3A_1052 : vector<16xi32>
        %sub3A_1056 = arith.subi %neg3A_1055, %iota3A : vector<16xi32>
        %convert_element_type3A_1057 = arith.sitofp %sub3A_1056 : vector<16xi32> to vector<16xf32>
        %and3A_1058 = arith.andi %ne3A_1014, %and3A_993 : vector<16xi1>
        tpu.vector_store_idx %arg12[%select_n3A_996], %convert_element_type3A_1057 masked %and3A_1058 {add = true} : memref<336xf32, #tpu.memory_space<vmem>>[vector<16xi32>], vector<16xf32>, vector<16xi1>
        %get3A_1059 = arith.constant 64 : index
        %get3A_1060 = tpu.vector_load %arg10[%get3A_1059] {strides = array<i32>} : memref<80xi32, #tpu.memory_space<vmem>>, vector<16xi32>,
        %sub3A_1061 = vector.broadcast %mul3A_2 : i32 to vector<16xi32>
        %sub3A_1062 = arith.subi %get3A_1060, %sub3A_1061 : vector<16xi32>
        %ge3A_1063 = arith.constant 0 : i32
        %ge3A_1064 = vector.broadcast %ge3A_1063 : i32 to vector<16xi32>
        %ge3A_1065 = arith.cmpi sge, %sub3A_1062, %ge3A_1064 : vector<16xi32>
        %lt3A_1066 = arith.constant 320 : i32
        %lt3A_1067 = vector.broadcast %lt3A_1066 : i32 to vector<16xi32>
        %lt3A_1068 = arith.cmpi slt, %sub3A_1062, %lt3A_1067 : vector<16xi32>
        %and3A_1069 = arith.andi %ge3A_1065, %lt3A_1068 : vector<16xi1>
        %jit3A_1070 = arith.constant 320 : i32
        %broadcast_in_dim3A_1071 = vector.broadcast %jit3A_1070 : i32 to vector<16xi32>
        %select_n3A_1072 = arith.select %and3A_1069, %sub3A_1062, %broadcast_in_dim3A_1071 : vector<16xi1>, vector<16xi32>
        %swap3A_1073 = arith.constant 64 : index
        %swap3A_1074 = tpu.vector_load %arg11[%swap3A_1073] {strides = array<i32>} : memref<80xi32, #tpu.memory_space<vmem>>, vector<16xi32>,
        tpu.vector_store %arg11[%swap3A_1073], %select_n3A_1072 {strides = array<i32>} : memref<80xi32, #tpu.memory_space<vmem>>, vector<16xi32>,
        %swap3A_1075 = arith.constant 0 : index
        %swap3A_1076 = tpu.vector_load %arg14[%swap3A_1075] {strides = array<i32>} : memref<16xi32, #tpu.memory_space<vmem>>, vector<16xi32>,
        tpu.vector_store %arg14[%swap3A_1075], %get3A_1060 {strides = array<i32>} : memref<16xi32, #tpu.memory_space<vmem>>, vector<16xi32>,
        %sub3A_1077 = arith.constant 1 : i32
        %sub3A_1078 = vector.broadcast %sub3A_1077 : i32 to vector<16xi32>
        %sub3A_1079 = arith.subi %iota3A, %sub3A_1078 : vector<16xi32>
        %max3A_1080 = arith.constant 0 : i32
        %max3A_1081 = vector.broadcast %max3A_1080 : i32 to vector<16xi32>
        %max3A_1082 = arith.maxsi %sub3A_1079, %max3A_1081 : vector<16xi32>
        %gather3A_1083 = tpu.vector_load_idx %arg14[%max3A_1082] : memref<16xi32, #tpu.memory_space<vmem>>[vector<16xi32>], vector<16xi32>,
        %eq3A_1084 = arith.constant 0 : i32
        %eq3A_1085 = vector.broadcast %eq3A_1084 : i32 to vector<16xi32>
        %eq3A_1086 = arith.cmpi eq, %iota3A, %eq3A_1085 : vector<16xi32>
        %jit3A_1087 = arith.constant -1 : i32
        %broadcast_in_dim3A_1088 = vector.broadcast %jit3A_1087 : i32 to vector<16xi32>
        %select_n3A_1089 = arith.select %eq3A_1086, %broadcast_in_dim3A_1088, %gather3A_1083 : vector<16xi1>, vector<16xi32>
        %ne3A_1090 = arith.cmpi ne, %get3A_1060, %select_n3A_1089 : vector<16xi32>
        %jit3A_1091 = arith.constant 16 : i32
        %broadcast_in_dim3A_1092 = vector.broadcast %jit3A_1091 : i32 to vector<16xi32>
        %select_n3A_1093 = arith.select %ne3A_1090, %iota3A, %broadcast_in_dim3A_1092 : vector<16xi1>, vector<16xi32>
        %neg3A_1094 = arith.constant 0 : i32
        %neg3A_1095 = vector.broadcast %neg3A_1094 : i32 to vector<16xi32>
        %neg3A_1096 = arith.subi %neg3A_1095, %select_n3A_1093 : vector<16xi32>
        %rev3A_1097 = arith.constant 15 : i32
        %rev3A_1098 = vector.broadcast %rev3A_1097 : i32 to vector<16xi32>
        %rev3A_1099 = tpu.iota {dimensions = array<i32: 0>} : vector<16xi32>
        %rev3A_1100 = arith.subi %rev3A_1098, %rev3A_1099 : vector<16xi32>
        %rev3A_1101 = tpu.dynamic_gather %neg3A_1096[%rev3A_1100] in [0] : vector<16xi32>, vector<16xi32> -> vector<16xi32>
        %broadcast_in_dim3A_1102 = arith.constant true
        %broadcast_in_dim3A_1103 = vector.broadcast %broadcast_in_dim3A_1102 : i1 to vector<16xi1>
        %masked_cummax3A_1104 = arith.constant -2147483648 : i32
        %masked_cummax3A_1105 = vector.broadcast %masked_cummax3A_1104 : i32 to vector<16xi32>
        %masked_cummax3A_1106 = arith.xori %rev3A_1101, %masked_cummax3A_1105 : vector<16xi32>
        %masked_cummax3A_1107 = tpu.scan <max>, %masked_cummax3A_1106 masked %broadcast_in_dim3A_1103 : vector<16xi32>, vector<16xi1> -> vector<16xi32>
        %masked_cummax3A_1108 = arith.xori %masked_cummax3A_1107, %masked_cummax3A_1105 : vector<16xi32>
        %rev3A_1109 = arith.constant 15 : i32
        %rev3A_1110 = vector.broadcast %rev3A_1109 : i32 to vector<16xi32>
        %rev3A_1111 = tpu.iota {dimensions = array<i32: 0>} : vector<16xi32>
        %rev3A_1112 = arith.subi %rev3A_1110, %rev3A_1111 : vector<16xi32>
        %rev3A_1113 = tpu.dynamic_gather %masked_cummax3A_1108[%rev3A_1112] in [0] : vector<16xi32>, vector<16xi32> -> vector<16xi32>
        %swap3A_1114 = arith.constant 0 : index
        %swap3A_1115 = tpu.vector_load %arg14[%swap3A_1114] {strides = array<i32>} : memref<16xi32, #tpu.memory_space<vmem>>, vector<16xi32>,
        tpu.vector_store %arg14[%swap3A_1114], %rev3A_1113 {strides = array<i32>} : memref<16xi32, #tpu.memory_space<vmem>>, vector<16xi32>,
        %add3A_1116 = arith.constant 1 : i32
        %add3A_1117 = vector.broadcast %add3A_1116 : i32 to vector<16xi32>
        %add3A_1118 = arith.addi %iota3A, %add3A_1117 : vector<16xi32>
        %min3A_1119 = arith.constant 15 : i32
        %min3A_1120 = vector.broadcast %min3A_1119 : i32 to vector<16xi32>
        %min3A_1121 = arith.minsi %add3A_1118, %min3A_1120 : vector<16xi32>
        %gather3A_1122 = tpu.vector_load_idx %arg14[%min3A_1121] : memref<16xi32, #tpu.memory_space<vmem>>[vector<16xi32>], vector<16xi32>,
        %eq3A_1123 = arith.constant 15 : i32
        %eq3A_1124 = vector.broadcast %eq3A_1123 : i32 to vector<16xi32>
        %eq3A_1125 = arith.cmpi eq, %iota3A, %eq3A_1124 : vector<16xi32>
        %jit3A_1126 = arith.constant -16 : i32
        %broadcast_in_dim3A_1127 = vector.broadcast %jit3A_1126 : i32 to vector<16xi32>
        %select_n3A_1128 = arith.select %eq3A_1125, %broadcast_in_dim3A_1127, %gather3A_1122 : vector<16xi1>, vector<16xi32>
        %neg3A_1129 = arith.constant 0 : i32
        %neg3A_1130 = vector.broadcast %neg3A_1129 : i32 to vector<16xi32>
        %neg3A_1131 = arith.subi %neg3A_1130, %select_n3A_1128 : vector<16xi32>
        %sub3A_1132 = arith.subi %neg3A_1131, %iota3A : vector<16xi32>
        %convert_element_type3A_1133 = arith.sitofp %sub3A_1132 : vector<16xi32> to vector<16xf32>
        %and3A_1134 = arith.andi %ne3A_1090, %and3A_1069 : vector<16xi1>
        tpu.vector_store_idx %arg12[%select_n3A_1072], %convert_element_type3A_1133 masked %and3A_1134 {add = true} : memref<336xf32, #tpu.memory_space<vmem>>[vector<16xi32>], vector<16xf32>, vector<16xi1>
        "tpu.region"() ({
          %run_scoped3A = tpu.sem_alloc : memref<!tpu.dma_semaphore, #tpu.memory_space<semaphore_mem>>
          %dma_start3A_1141 = arith.constant 0 : i32
          %dma_start3A_1142 = arith.constant 0 : i32
          %dma_start3A_1143 = tpu.memref_slice %arg5[%arg1, %dma_start3A_1141, %dma_start3A_1142] : memref<16x321x128xf32, #tpu.memory_space<vmem_shared>> -> memref<1x321x128xf32, #tpu.memory_space<vmem_shared>>
          %dma_start3A_1144 = tpu.memref_squeeze %dma_start3A_1143 : memref<1x321x128xf32, #tpu.memory_space<vmem_shared>> -> memref<321x128xf32, #tpu.memory_space<vmem_shared>>
          %dma_start3A_1145 = arith.constant 0 : i32
          %dma_start3A_1146 = arith.constant 0 : i32
          %dma_start3A_1147 = tpu.memref_slice %dma_start3A_1144[%dma_start3A_1145, %dma_start3A_1146] : memref<321x128xf32, #tpu.memory_space<vmem_shared>> -> memref<321x128xf32, #tpu.memory_space<vmem_shared>>
          tpu.enqueue_indirect_dma source(%arg7 : memref<80x128xf32, #tpu.memory_space<vmem>>) target(%dma_start3A_1147 : memref<321x128xf32, #tpu.memory_space<vmem_shared>>) offsets(%arg11 : memref<80xi32, #tpu.memory_space<vmem>>) semaphore(%run_scoped3A : memref<!tpu.dma_semaphore, #tpu.memory_space<semaphore_mem>>) {add = true}
          %dma_wait3A_1148 = arith.constant 0 : i32
          %dma_wait3A_1149 = arith.constant 0 : i32
          %dma_wait3A_1150 = tpu.memref_slice %arg5[%arg1, %dma_wait3A_1148, %dma_wait3A_1149] : memref<16x321x128xf32, #tpu.memory_space<vmem_shared>> -> memref<1x321x128xf32, #tpu.memory_space<vmem_shared>>
          %dma_wait3A_1151 = tpu.memref_squeeze %dma_wait3A_1150 : memref<1x321x128xf32, #tpu.memory_space<vmem_shared>> -> memref<321x128xf32, #tpu.memory_space<vmem_shared>>
          %dma_wait3A_1152 = arith.constant 0 : i32
          %dma_wait3A_1153 = arith.constant 0 : i32
          %dma_wait3A_1154 = tpu.memref_slice %dma_wait3A_1151[%dma_wait3A_1152, %dma_wait3A_1153] : memref<321x128xf32, #tpu.memory_space<vmem_shared>> -> memref<321x128xf32, #tpu.memory_space<vmem_shared>>
          tpu.wait_indirect_dma semaphore(%run_scoped3A : memref<!tpu.dma_semaphore, #tpu.memory_space<semaphore_mem>>) src(%arg7 : memref<80x128xf32, #tpu.memory_space<vmem>>) dst(%dma_wait3A_1154 : memref<321x128xf32, #tpu.memory_space<vmem_shared>>)
          tpu.yield
        }) : () -> ()
        %add3A_1135 = arith.constant 2 : i32
        %add3A_1136 = arith.addi %add3A_754, %add3A_1135 : i32
        %lt3A_1137 = arith.cmpi slt, %add3A_1136, %div3A_702 : i32
        %convert_element_type3A_1138 = arith.extui %lt3A_1137 : i1 to i32
        %cond3A_1139 = arith.constant 0 : i32
        %cond3A_1140 = arith.cmpi ne, %convert_element_type3A_1138, %cond3A_1139 : i32
        scf.if %cond3A_1140 {
          %add3A_1141 = arith.constant 2 : i32
          %add3A_1142 = arith.addi %add3A_754, %add3A_1141 : i32
          %mul3A_1143 = arith.constant 80 : i32
          %mul3A_1144 = arith.muli %add3A_1142, %mul3A_1143 : i32
          %dma_start3A_1145 = arith.constant 0 : i32
          %dma_start3A_1146 = tpu.memref_slice %arg2[%mul3A_1144, %dma_start3A_1145] : memref<320000x128xf32, #tpu.memory_space<hbm>> -> memref<80x128xf32, #tpu.memory_space<hbm>>
          %dma_start3A_1147 = arith.constant 0 : i32
          %dma_start3A_1148 = tpu.memref_slice %arg2[%mul3A_1144, %dma_start3A_1147] : memref<320000x128xf32, #tpu.memory_space<hbm>> -> memref<80x128xf32, #tpu.memory_space<hbm>>
          tpu.enqueue_dma source(%dma_start3A_1148 : memref<80x128xf32, #tpu.memory_space<hbm>>) target(%arg7 : memref<80x128xf32, #tpu.memory_space<vmem>>) target_semaphore(%arg18 : memref<!tpu.dma_semaphore, #tpu.memory_space<semaphore_mem>>)
          %dma_start3A_1149 = tpu.memref_slice %arg3[%mul3A_1144] : memref<320000xi32, #tpu.memory_space<hbm>> -> memref<80xi32, #tpu.memory_space<hbm>>
          %dma_start3A_1150 = tpu.memref_slice %arg3[%mul3A_1144] : memref<320000xi32, #tpu.memory_space<hbm>> -> memref<80xi32, #tpu.memory_space<hbm>>
          tpu.enqueue_dma source(%dma_start3A_1150 : memref<80xi32, #tpu.memory_space<hbm>>) target(%arg10 : memref<80xi32, #tpu.memory_space<vmem>>) target_semaphore(%arg18 : memref<!tpu.dma_semaphore, #tpu.memory_space<semaphore_mem>>)
        } else {
        }
      } else {
      }
      %while3A_759 = arith.constant 0 : i32
      scf.yield %while3A_759 : i32
    }
    "tpu.region"() ({
      %run_scoped3A = tpu.sem_alloc : memref<!tpu.dma_semaphore, #tpu.memory_space<semaphore_mem>>
      %dma_start3A_739 = arith.constant 0 : i32
      %dma_start3A_740 = arith.constant 0 : i32
      %dma_start3A_741 = tpu.memref_slice %arg5[%arg1, %dma_start3A_739, %dma_start3A_740] : memref<16x321x128xf32, #tpu.memory_space<vmem_shared>> -> memref<1x320x128xf32, #tpu.memory_space<vmem_shared>>
      %dma_start3A_742 = tpu.memref_squeeze %dma_start3A_741 : memref<1x320x128xf32, #tpu.memory_space<vmem_shared>> -> memref<320x128xf32, #tpu.memory_space<vmem_shared>>
      %dma_start3A_743 = arith.constant 0 : i32
      %dma_start3A_744 = arith.constant 0 : i32
      %dma_start3A_745 = tpu.memref_slice %arg5[%arg1, %dma_start3A_743, %dma_start3A_744] : memref<16x321x128xf32, #tpu.memory_space<vmem_shared>> -> memref<1x320x128xf32, #tpu.memory_space<vmem_shared>>
      %dma_start3A_746 = tpu.memref_squeeze %dma_start3A_745 : memref<1x320x128xf32, #tpu.memory_space<vmem_shared>> -> memref<320x128xf32, #tpu.memory_space<vmem_shared>>
      tpu.enqueue_dma source(%dma_start3A_746 : memref<320x128xf32, #tpu.memory_space<vmem_shared>>) target(%arg8 : memref<320x128xf32, #tpu.memory_space<vmem>>) target_semaphore(%run_scoped3A : memref<!tpu.dma_semaphore, #tpu.memory_space<semaphore_mem>>)
      %dma_wait3A_747 = arith.constant 0 : i32
      %dma_wait3A_748 = arith.constant 0 : i32
      %dma_wait3A_749 = tpu.memref_slice %arg5[%arg1, %dma_wait3A_747, %dma_wait3A_748] : memref<16x321x128xf32, #tpu.memory_space<vmem_shared>> -> memref<1x320x128xf32, #tpu.memory_space<vmem_shared>>
      %dma_wait3A_750 = tpu.memref_squeeze %dma_wait3A_749 : memref<1x320x128xf32, #tpu.memory_space<vmem_shared>> -> memref<320x128xf32, #tpu.memory_space<vmem_shared>>
      %dma_wait3A_751 = arith.constant 0 : i32
      %dma_wait3A_752 = arith.constant 0 : i32
      %dma_wait3A_753 = tpu.memref_slice %arg5[%arg1, %dma_wait3A_751, %dma_wait3A_752] : memref<16x321x128xf32, #tpu.memory_space<vmem_shared>> -> memref<1x320x128xf32, #tpu.memory_space<vmem_shared>>
      %dma_wait3A_754 = tpu.memref_squeeze %dma_wait3A_753 : memref<1x320x128xf32, #tpu.memory_space<vmem_shared>> -> memref<320x128xf32, #tpu.memory_space<vmem_shared>>
      tpu.wait_dma2 semaphore(%run_scoped3A : memref<!tpu.dma_semaphore, #tpu.memory_space<semaphore_mem>>) src(%dma_wait3A_754 : memref<320x128xf32, #tpu.memory_space<vmem_shared>>) dst(%arg8 : memref<320x128xf32, #tpu.memory_space<vmem>>)
      tpu.yield
    }) : () -> ()
    %scan3A_730 = arith.constant 0 : i32
    %scan3A_731 = arith.constant 0 : i32
    %scan3A_732 = arith.constant 320 : i32
    %scan3A_733 = arith.addi %scan3A_731, %scan3A_732 : i32
    %scan3A_734 = arith.constant 1 : i32
    %scan3A_735 = scf.for %scan3A_739 = %scan3A_731 to %scan3A_733 step %scan3A_734 iter_args(%scan3A_740 = %scan3A_730) -> (i32)  : i32 {
      %broadcast_in_dim3A_741 = vector.broadcast %scan3A_739 : i32 to vector<16xi32>
      %gather3A = tpu.vector_load_idx %arg12[%broadcast_in_dim3A_741] : memref<336xf32, #tpu.memory_space<vmem>>[vector<16xi32>], vector<16xf32>,
      %add3A_742 = arith.constant 9.99999971E-10 : f32
      %add3A_743 = vector.broadcast %add3A_742 : f32 to vector<16xf32>
      %add3A_744 = arith.addf %gather3A, %add3A_743 : vector<16xf32>
      %get3A_745 = arith.index_cast %scan3A_739 : i32 to index
      %get3A_746 = arith.constant 0 : index
      %get3A_747 = tpu.vector_load %arg8[%get3A_745, %get3A_746] {strides = array<i32>} : memref<320x128xf32, #tpu.memory_space<vmem>>, vector<16xf32>,
      %div3A_748 = arith.divf %get3A_747, %add3A_744 : vector<16xf32>
      %swap3A = arith.index_cast %scan3A_739 : i32 to index
      %swap3A_749 = arith.constant 0 : index
      %swap3A_750 = tpu.vector_load %arg8[%swap3A, %swap3A_749] {strides = array<i32>} : memref<320x128xf32, #tpu.memory_space<vmem>>, vector<16xf32>,
      tpu.vector_store %arg8[%swap3A, %swap3A_749], %div3A_748 {strides = array<i32>} : memref<320x128xf32, #tpu.memory_space<vmem>>, vector<16xf32>,
      %get3A_751 = arith.index_cast %scan3A_739 : i32 to index
      %get3A_752 = arith.constant 16 : index
      %get3A_753 = tpu.vector_load %arg8[%get3A_751, %get3A_752] {strides = array<i32>} : memref<320x128xf32, #tpu.memory_space<vmem>>, vector<16xf32>,
      %div3A_754 = arith.divf %get3A_753, %add3A_744 : vector<16xf32>
      %swap3A_755 = arith.index_cast %scan3A_739 : i32 to index
      %swap3A_756 = arith.constant 16 : index
      %swap3A_757 = tpu.vector_load %arg8[%swap3A_755, %swap3A_756] {strides = array<i32>} : memref<320x128xf32, #tpu.memory_space<vmem>>, vector<16xf32>,
      tpu.vector_store %arg8[%swap3A_755, %swap3A_756], %div3A_754 {strides = array<i32>} : memref<320x128xf32, #tpu.memory_space<vmem>>, vector<16xf32>,
      %get3A_758 = arith.index_cast %scan3A_739 : i32 to index
      %get3A_759 = arith.constant 32 : index
      %get3A_760 = tpu.vector_load %arg8[%get3A_758, %get3A_759] {strides = array<i32>} : memref<320x128xf32, #tpu.memory_space<vmem>>, vector<16xf32>,
      %div3A_761 = arith.divf %get3A_760, %add3A_744 : vector<16xf32>
      %swap3A_762 = arith.index_cast %scan3A_739 : i32 to index
      %swap3A_763 = arith.constant 32 : index
      %swap3A_764 = tpu.vector_load %arg8[%swap3A_762, %swap3A_763] {strides = array<i32>} : memref<320x128xf32, #tpu.memory_space<vmem>>, vector<16xf32>,
      tpu.vector_store %arg8[%swap3A_762, %swap3A_763], %div3A_761 {strides = array<i32>} : memref<320x128xf32, #tpu.memory_space<vmem>>, vector<16xf32>,
      %get3A_765 = arith.index_cast %scan3A_739 : i32 to index
      %get3A_766 = arith.constant 48 : index
      %get3A_767 = tpu.vector_load %arg8[%get3A_765, %get3A_766] {strides = array<i32>} : memref<320x128xf32, #tpu.memory_space<vmem>>, vector<16xf32>,
      %div3A_768 = arith.divf %get3A_767, %add3A_744 : vector<16xf32>
      %swap3A_769 = arith.index_cast %scan3A_739 : i32 to index
      %swap3A_770 = arith.constant 48 : index
      %swap3A_771 = tpu.vector_load %arg8[%swap3A_769, %swap3A_770] {strides = array<i32>} : memref<320x128xf32, #tpu.memory_space<vmem>>, vector<16xf32>,
      tpu.vector_store %arg8[%swap3A_769, %swap3A_770], %div3A_768 {strides = array<i32>} : memref<320x128xf32, #tpu.memory_space<vmem>>, vector<16xf32>,
      %get3A_772 = arith.index_cast %scan3A_739 : i32 to index
      %get3A_773 = arith.constant 64 : index
      %get3A_774 = tpu.vector_load %arg8[%get3A_772, %get3A_773] {strides = array<i32>} : memref<320x128xf32, #tpu.memory_space<vmem>>, vector<16xf32>,
      %div3A_775 = arith.divf %get3A_774, %add3A_744 : vector<16xf32>
      %swap3A_776 = arith.index_cast %scan3A_739 : i32 to index
      %swap3A_777 = arith.constant 64 : index
      %swap3A_778 = tpu.vector_load %arg8[%swap3A_776, %swap3A_777] {strides = array<i32>} : memref<320x128xf32, #tpu.memory_space<vmem>>, vector<16xf32>,
      tpu.vector_store %arg8[%swap3A_776, %swap3A_777], %div3A_775 {strides = array<i32>} : memref<320x128xf32, #tpu.memory_space<vmem>>, vector<16xf32>,
      %get3A_779 = arith.index_cast %scan3A_739 : i32 to index
      %get3A_780 = arith.constant 80 : index
      %get3A_781 = tpu.vector_load %arg8[%get3A_779, %get3A_780] {strides = array<i32>} : memref<320x128xf32, #tpu.memory_space<vmem>>, vector<16xf32>,
      %div3A_782 = arith.divf %get3A_781, %add3A_744 : vector<16xf32>
      %swap3A_783 = arith.index_cast %scan3A_739 : i32 to index
      %swap3A_784 = arith.constant 80 : index
      %swap3A_785 = tpu.vector_load %arg8[%swap3A_783, %swap3A_784] {strides = array<i32>} : memref<320x128xf32, #tpu.memory_space<vmem>>, vector<16xf32>,
      tpu.vector_store %arg8[%swap3A_783, %swap3A_784], %div3A_782 {strides = array<i32>} : memref<320x128xf32, #tpu.memory_space<vmem>>, vector<16xf32>,
      %get3A_786 = arith.index_cast %scan3A_739 : i32 to index
      %get3A_787 = arith.constant 96 : index
      %get3A_788 = tpu.vector_load %arg8[%get3A_786, %get3A_787] {strides = array<i32>} : memref<320x128xf32, #tpu.memory_space<vmem>>, vector<16xf32>,
      %div3A_789 = arith.divf %get3A_788, %add3A_744 : vector<16xf32>
      %swap3A_790 = arith.index_cast %scan3A_739 : i32 to index
      %swap3A_791 = arith.constant 96 : index
      %swap3A_792 = tpu.vector_load %arg8[%swap3A_790, %swap3A_791] {strides = array<i32>} : memref<320x128xf32, #tpu.memory_space<vmem>>, vector<16xf32>,
      tpu.vector_store %arg8[%swap3A_790, %swap3A_791], %div3A_789 {strides = array<i32>} : memref<320x128xf32, #tpu.memory_space<vmem>>, vector<16xf32>,
      %get3A_793 = arith.index_cast %scan3A_739 : i32 to index
      %get3A_794 = arith.constant 112 : index
      %get3A_795 = tpu.vector_load %arg8[%get3A_793, %get3A_794] {strides = array<i32>} : memref<320x128xf32, #tpu.memory_space<vmem>>, vector<16xf32>,
      %div3A_796 = arith.divf %get3A_795, %add3A_744 : vector<16xf32>
      %swap3A_797 = arith.index_cast %scan3A_739 : i32 to index
      %swap3A_798 = arith.constant 112 : index
      %swap3A_799 = tpu.vector_load %arg8[%swap3A_797, %swap3A_798] {strides = array<i32>} : memref<320x128xf32, #tpu.memory_space<vmem>>, vector<16xf32>,
      tpu.vector_store %arg8[%swap3A_797, %swap3A_798], %div3A_796 {strides = array<i32>} : memref<320x128xf32, #tpu.memory_space<vmem>>, vector<16xf32>,
      %scan3A_800 = arith.constant 0 : i32
      scf.yield %scan3A_800 : i32
    }
    %scan3A_736 = arith.constant 320 : i32
    %mul3A_737 = arith.constant 320 : i32
    %mul3A_738 = arith.muli %add3A, %mul3A_737 : i32
    "tpu.region"() ({
      %run_scoped3A = tpu.sem_alloc : memref<!tpu.dma_semaphore, #tpu.memory_space<semaphore_mem>>
      %dma_start3A_739 = arith.constant 0 : i32
      %dma_start3A_740 = tpu.memref_slice %arg4[%mul3A_738, %dma_start3A_739] : memref<10240x128xf32, #tpu.memory_space<hbm>> -> memref<320x128xf32, #tpu.memory_space<hbm>>
      %dma_start3A_741 = arith.constant 0 : i32
      %dma_start3A_742 = tpu.memref_slice %arg4[%mul3A_738, %dma_start3A_741] : memref<10240x128xf32, #tpu.memory_space<hbm>> -> memref<320x128xf32, #tpu.memory_space<hbm>>
      tpu.enqueue_dma source(%arg8 : memref<320x128xf32, #tpu.memory_space<vmem>>) target(%dma_start3A_742 : memref<320x128xf32, #tpu.memory_space<hbm>>) target_semaphore(%run_scoped3A : memref<!tpu.dma_semaphore, #tpu.memory_space<semaphore_mem>>)
      %dma_wait3A_743 = arith.constant 0 : i32
      %dma_wait3A_744 = tpu.memref_slice %arg4[%mul3A_738, %dma_wait3A_743] : memref<10240x128xf32, #tpu.memory_space<hbm>> -> memref<320x128xf32, #tpu.memory_space<hbm>>
      %dma_wait3A_745 = arith.constant 0 : i32
      %dma_wait3A_746 = tpu.memref_slice %arg4[%mul3A_738, %dma_wait3A_745] : memref<10240x128xf32, #tpu.memory_space<hbm>> -> memref<320x128xf32, #tpu.memory_space<hbm>>
      tpu.wait_dma2 semaphore(%run_scoped3A : memref<!tpu.dma_semaphore, #tpu.memory_space<semaphore_mem>>) src(%arg8 : memref<320x128xf32, #tpu.memory_space<vmem>>) dst(%dma_wait3A_746 : memref<320x128xf32, #tpu.memory_space<hbm>>)
      tpu.yield
    }) : () -> ()
    return
  }
}

</mosaic_0001>

<sc_bundles>
// kernel: kernel.4.cloned.1.call-start
scs
__scs_entry_jumppad:
0x0: {  	(pc) =	sbr.rel $0x88, $3  }
0x1: {  	(tag) =	ssettag $0x0;
	lr =	simm.s32 $0x1  }
0x2: {  	[smem:$0x3F9F] =	sst lr;
	_ =	strace $0xD0000000  }
0x3: {  	_ = 	snop  }
0x4: {  	_ = 	snop  }
0x5: {  	_ = 	snop  }
0x6: {  	_ = 	snop  }
0x7: {  	_ = 	snop  }
__scs_overlays_trampoline_lowered:
0x8: {  	[smem:$0x3FAE] =	sst s0  }
0x9: {  	[smem:$0x3FAF] =	sst s1  }
0xa: {  	[smem:$0x3FB0] =	sst s2  }
0xb: {  	[smem:$0x3FB1] =	sst s3  }
0xc: {  	[smem:$0x3FB2] =	sst s4  }
0xd: {  	[smem:$0x3FB3] =	sst s5  }
0xe: {  	[smem:$0x3FB4] =	sst s6  }
0xf: {  	[smem:$0x3FB5] =	sst s7  }
0x10: {  	[smem:$0x3FB6] =	sst s8  }
0x11: {  	[smem:$0x3FB7] =	sst s9;
	s0 =	simm.s32 @!p0 $0x0  }
0x12: {  	s1 =	sld [smem:$0x3F9D];
	s0 =	simm.s32 @p0 $0x1  }
0x13: {  	[smem:$0x3FB8] =	sst s0;
	s0 =	simm.s32 @!p1 $0x0  }
0x14: {  	s2 =	sld [smem:$0x3F9C];
	s0 =	simm.s32 @p1 $0x1  }
0x15: {  	[smem:$0x3FB9] =	sst s0;
	s0 =	simm.s32 @!p2 $0x0  }
0x16: {  	s3 =	sld [smem:$0x3FDB];
	s0 =	simm.s32 @p2 $0x1  }
0x17: {  	s4 =	simm.s32 $0x1BF5;
	[smem:$0x3FBB] =	sst s0  }
0x18: {  	s0 =	sld [smem:$0x3F9E];
	_ =	swait.ge [sflag:s4], $0x0  }
0x19: {  	s7 =	sld [smem:$0x3F9F]  }
0x1a: {  	s8 =	sadd.s32 $0xFFFFE003, lr  }
0x1b: {  	s9 =	sadd.s32 $0xFFFFFEF7, lr;
	s5 =	simm.s32 $0xFFFFFFFF;
	p2 =	slt.u32 s8, $0xFFFFF086  }
0x1c: {  	p1 =	slt.u32 s9, $0xF7A;
	s5 =	simm.s32 @!p2 $0x0  }
0x1d: {  	s5 =	simm.s32 @p1 $0x1;
	p0 =	seq.s32 s7, s2  }
0x1e: {  	s7 =	smul.u32 @!p0 $0xF7A, s2;
	p2 =	seq.s32 @!p0 s5, $0x0  }
0x1f: {  	s9 =	smul.u32 $0xF7A, s1;
	s8 =	simm.s32 @!p0 $0x1BF5;
	p2 =	por !p2, p0  }
0x20: {  	[sflag:s8] =	ssyncset.s32 @!p0 $0xFFFFF086;
	s6 =	sadd.s32 @!p0 s3, s7;
	s7 =	simm.s32 @!p0 $0x108  }
0x21: {  	s3 =	sadd.s32 s3, s9;
	s6 =	sadd.s32 @!p0 $0x88, s6;
	s7 =	simm.s32 @p2 $0x1082  }
0x22: {  	[simem:s7], [sflag:s8] =	dma.local @!p0 [hbm:s6], $0xF7A  }
0x23: {  	s9 =	sor.u32 $0xD0000000, s2;
	s6 =	simm.s32 $0x108;
	_ =	swait.ge @!p0 [sflag:s8], $0x0  }
0x24: {  	s3 =	sadd.s32 $0x88, s3;
	s6 =	simm.s32 @!p1 $0x1082;
	[sflag:s4] =	ssyncset.s32 $0xFFFFF086  }
0x25: {  	[simem:s6], [sflag:s4] =	dma.local [hbm:s3], $0xF7A  }
0x26: {  	[smem:$0x3F9F] =	sst s1;
	(tag) =	ssettag s2;
	_ =	strace s9  }
0x27: {  	s1 =	sld [smem:$0x3FAF]  }
0x28: {  	s2 =	sld [smem:$0x3FB0]  }
0x29: {  	s4 =	sld [smem:$0x3FB2]  }
0x2a: {  	p0 =	seq.s32 s5, $0x0;
	s5 =	sld [smem:$0x3FB3]  }
0x2b: {  	s6 =	sld [smem:$0x3FB4]  }
0x2c: {  	s7 =	sld [smem:$0x3FB5]  }
0x2d: {  	s3 =	simm.s32 $0x108;
	s8 =	sld [smem:$0x3FB6]  }
0x2e: {  	s3 =	simm.s32 @!p0 $0x1082;
	s9 =	sld [smem:$0x3FB7]  }
0x2f: {  	lr =	sadd.s32 s0, s3;
	s0 =	sld [smem:$0x3FAE]  }
0x30: {  	s3 =	sld [smem:$0x3FB1]  }
0x31: {  	[smem:$0x3FBA] =	sst s10  }
0x32: {  	s10 =	sld [smem:$0x3FB8];
	_ =	sdelay $0x3  }
0x33: {  	p0 =	seq.s32 s10, $0x1;
	s10 =	sld [smem:$0x3FBA];
	_ =	sdelay $0x3  }
0x34: {  	[smem:$0x3FBA] =	sst s10  }
0x35: {  	s10 =	sld [smem:$0x3FB9];
	_ =	sdelay $0x3  }
0x36: {  	p1 =	seq.s32 s10, $0x1;
	s10 =	sld [smem:$0x3FBA];
	_ =	sdelay $0x3  }
0x37: {  	[smem:$0x3FBA] =	sst s10  }
0x38: {  	s10 =	sld [smem:$0x3FBB]  }
0x39: {  	_ = 	snop;
	(pc) =	sbr.ind lr, $3  }
0x3a: {  	_ = 	snop  }
0x3b: {  	_ = 	snop  }
0x3c: {  	p2 =	seq.s32 s10, $0x1;
	s10 =	sld [smem:$0x3FBA]  }
0x3d: {  	_ =	shalt  }
0x3e: {  	_ =	shalt  }
0x3f: {  	_ =	shalt  }
0x40: {  	_ =	shalt  }
0x41: {  	_ =	shalt  }
0x42: {  	_ =	shalt  }
0x43: {  	_ =	shalt  }
0x44: {  	_ =	shalt  }
0x45: {  	_ =	shalt  }
0x46: {  	_ =	shalt  }
0x47: {  	_ =	shalt  }
0x48: {  	_ =	shalt  }
0x49: {  	_ =	shalt  }
0x4a: {  	_ =	shalt  }
0x4b: {  	_ =	shalt  }
0x4c: {  	_ =	shalt  }
0x4d: {  	_ =	shalt  }
0x4e: {  	_ =	shalt  }
0x4f: {  	_ =	shalt  }
0x50: {  	_ =	shalt  }
0x51: {  	_ =	shalt  }
0x52: {  	_ =	shalt  }
0x53: {  	_ =	shalt  }
0x54: {  	_ =	shalt  }
0x55: {  	_ =	shalt  }
0x56: {  	_ =	shalt  }
0x57: {  	_ =	shalt  }
0x58: {  	_ =	shalt  }
0x59: {  	_ =	shalt  }
0x5a: {  	_ =	shalt  }
0x5b: {  	_ =	shalt  }
0x5c: {  	_ =	shalt  }
0x5d: {  	_ =	shalt  }
0x5e: {  	_ =	shalt  }
0x5f: {  	_ =	shalt  }
0x60: {  	_ =	shalt  }
0x61: {  	_ =	shalt  }
0x62: {  	_ =	shalt  }
0x63: {  	_ =	shalt  }
0x64: {  	_ =	shalt  }
0x65: {  	_ =	shalt  }
0x66: {  	_ =	shalt  }
0x67: {  	_ =	shalt  }
0x68: {  	_ =	shalt  }
0x69: {  	_ =	shalt  }
0x6a: {  	_ =	shalt  }
0x6b: {  	_ =	shalt  }
0x6c: {  	_ =	shalt  }
0x6d: {  	_ =	shalt  }
0x6e: {  	_ =	shalt  }
0x6f: {  	_ =	shalt  }
0x70: {  	_ =	shalt  }
0x71: {  	_ =	shalt  }
0x72: {  	_ =	shalt  }
0x73: {  	_ =	shalt  }
0x74: {  	_ =	shalt  }
0x75: {  	_ =	shalt  }
0x76: {  	_ =	shalt  }
0x77: {  	_ =	shalt  }
0x78: {  	_ =	shalt  }
0x79: {  	_ =	shalt  }
0x7a: {  	_ =	shalt  }
0x7b: {  	_ =	shalt  }
0x7c: {  	_ =	shalt  }
0x7d: {  	_ =	shalt  }
0x7e: {  	_ =	shalt  }
0x7f: {  	_ =	shalt  }
0x80: {  	_ =	shalt  }
0x81: {  	_ =	shalt  }
0x82: {  	_ =	shalt  }
0x83: {  	_ =	shalt  }
0x84: {  	_ =	shalt  }
0x85: {  	_ =	shalt  }
0x86: {  	_ =	shalt  }
0x87: {  	_ =	shalt  }
.Lfunc_end0:
.L_simem_size_0:
called_computation_lowered:
.L_overlay_start_0:
0x88: {  	s2 =	sld [smem:$0x3FD9]  }
0x89: {  	s3 =	sld [smem:$0x3FFE];
	_ =	sdelay $0x1  }
0x8a: {  	s1 =	srdreg.scid  }
0x8b: {  	s0 =	sand.u32 $0x1, s1  }
0x8c: {  	s17 =	sshll.u32 s0, $0xA;
	s2 =	sadd.s32 s3, s2  }
0x8d: {  	s2 =	sadd.s32 s2, s17  }
0x8e: {  	[smem:$0x3FC6] =	sst s2  }
0x8f: {  	_ = 	snop  }
0x90: {  	s2 =	sld [smem:$0x3FC9]  }
0x91: {  	s18 =	sld [smem:$0x3FD0];
	(tm) =	ssettm $0x1  }
0x92: {  	s4 =	sld [smem:$0x3FFB];
	_ =	sdelay $0x3  }
0x93: {  	_ =	strace s4  }
0x94: {  	s4 =	sld [smem:$0x3FFC];
	_ =	sdelay $0x3  }
0x95: {  	_ =	strace s4  }
0x96: {  	s4 =	sld [smem:$0x3FFD];
	_ =	sdelay $0x3  }
0x97: {  	_ =	strace s4  }
0x98: {  	_ =	strace $0x8FFFFFFF  }
0x99: {  	s19 =	sld [smem:$0x3FDB];
	_ =	sdelay $0x1  }
0x9a: {  	s5 =	simm.s32 $_scs_section_size  }
0x9b: {  	s6 =	simm.s32 $_size__tile_overlayer_lowered;
	s7 =	simm.s32 $_tile_overlayer_lowered  }
0x9c: {  	s22 =	simm.s32 $0x1BFF;
	s21 =	sshll.u32 s7, $0x1;
	s4 =	sadd.s32 s5, s19  }
0x9d: {  	s8 =	simm.s32 $0x0;
	s20 =	sshll.u32 s6, $0x1;
	s6 =	sadd.s32 s21, s4  }
0x9e: {  	[timem:s8], [sflag:s22] =	dma.local [hbm:s6], s20  }
0x9f: {  	_ =	swait.ge [sflag:s22], s20  }
0xa0: {  	s5 =	ssub.s32 $0x0, s20;
	[sflag:s22] =	ssyncset.done $0x0  }
0xa1: {  	[sflag:s22] =	ssyncadd.s32 s5;
	_ =	sdelay $0x1  }
0xa2: {  	s23 =	simm.s32 $0x1B8B  }
0xa3: {  	_ =	swait.ge [sflag:s23], $0x1  }
0xa4: {  	[sflag:s23] =	ssyncset.done $0x0  }
0xa5: {  	s25 =	simm.s32 $0x1B8E;
	s24 =	sld [smem:$0x3FFE];
	[sflag:s23] =	ssyncadd.s32 $0xFFFFFFFF  }
0xa6: {  	s26 =	simm.s32 $execute0_lowered;
	[smem:$0x3FD2] =	sst s25  }
0xa7: {  	s6 =	sshll.u32 s26, $0x1;
	_ =	strace $0x80000046;
	[dreg:$0x1] =	wrdreg $0xFFFFFFFF  }
0xa8: {  	s28 =	simm.s32 $_size_execute0_lowered;
	s4 =	sadd.s32 s4, s6;
	[dreg:$0x0] =	wrdreg $0x0  }
0xa9: {  	s6 =	sshll.u32 s28, $0x1;
	[dreg:$0x2] =	wrdreg s4  }
0xaa: {  	[dreg:$0x3] =	wrdreg s6  }
0xab: {  	[dreg:$0x4] =	wrdreg $0xC0  }
0xac: {  	_ =	task [dreg:s8], $0x5FFFF  }
0xad: {  	[dreg:$0x1] =	wrdreg $0xFFFFFFFF  }
0xae: {  	[dreg:$0x0] =	wrdreg $0x60  }
0xaf: {  	[dreg:$0x2] =	wrdreg s2  }
0xb0: {  	[dreg:$0x3] =	wrdreg s18  }
0xb1: {  	[dreg:$0x4] =	wrdreg s24  }
0xb2: {  	[dreg:$0x5] =	wrdreg $0x0  }
0xb3: {  	[dreg:$0x6] =	wrdreg $0x9  }
0xb4: {  	_ =	task.clear_ibuf [dreg:s8], $0x7FFFF;
	_ =	strace $0x90000046  }
0xb5: {  	s29 =	simm.s32 $0x9;
	_ =	strace $0x80000048  }
0xb6: {  	_ =	swait.ge [sflag:s29], $0x1  }
0xb7: {  	[sflag:s29] =	ssyncadd.s32 $0xFFFFFFFF  }
0xb8: {  	_ =	strace $0x90000048  }
0xb9: {  	_ =	sfence  }
0xba: {  	s30 =	sld [smem:$0x0];
	_ =	sdelay $0x2  }
0xbb: {  	s31 =	sshll.u32 s1, $0xD;
	s1 =	sshrl.u32 s1, $0x2  }
0xbc: {  	s3 =	sand.u32 $0x4000, s31;
	s1 =	sadd.s32 s1, s30  }
0xbd: {  	s0 =	sor.u32 s3, s0;
	s1 =	sshll.u32 s1, $0x11  }
0xbe: {  	s0 =	sor.u32 s1, s0  }
0xbf: {  	s0 =	sadd.s32 $0x8F2B, s0  }
0xc0: {  	[sflag:s0] =	ssyncadd.remote.s32 $0x1  }
0xc1: {  	_ =	sfence.sel $0xFFFF  }
0xc2: {  	[dreg:$0x0] =	wrdreg $0xFFFFFFFF;
	(pc) =	sbr.abs _section_cstart, $3  }
0xc3: {  	[dreg:$0x1] =	wrdreg $0xFFFFFFFF  }
0xc4: {  	_ =	task.clear_ibuf [dreg:s8], $0x2FFFF;
	_ =	strace $0x9FFFFFFF  }
0xc5: {  	(tm) =	ssettm $0x7FFFFFFF  }
tec
execute0_lowered:
.L_overlay_start_1:
0x0: {  	(tag) =	ssettag $0x1  }
0x1: {  	s0 =	rddreg [dreg:$0x0];
	s1 =	srdreg.scid  }
0x2: {  	s2 =	rddreg [dreg:$0x1];
	s1 =	sand.u32 $0x1, s1  }
0x3: {  	s3 =	rddreg [dreg:$0x2];
	s8 =	stileid.u32;
	s4 =	sshll.u32 s1, $0x4  }
0x4: {  	s1 =	ssub.s32 $0x2, s1;
	s5 =	sor.u32 s8, s4;
	s8 =	smul.u32 $0x28200, s8  }
0x5: {  	s6 =	rddreg [dreg:$0x3];
	s26 =	sshrl.u32 s1, $0x1  }
0x6: {  	s4 =	simm.s32 $0x0;
	s1 =	ssub.s32 s1, s26;
	s8 =	sshrl.u32 s8, $0x2  }
0x7: {  	[smem:$0x7FF] =	sst s4;
	s1 =	smax.u32 s1, $0x1;
	s6 =	sadd.s32 s8, s6  }
0x8: {  	_ =	strace $0x80000047;
	[dreg:$0x17] =	wrdreg s1;
	s9 =	sadd.s32 $0x400, s6  }
0x9: {  	s10 =	sadd.s32 $0x800, s6;
	[dreg:$0x5] =	wrdreg s9  }
0xa: {  	s11 =	sadd.s32 $0xC00, s6;
	[dreg:$0x6] =	wrdreg s10  }
0xb: {  	s12 =	sadd.s32 $0x1000, s6;
	[dreg:$0x7] =	wrdreg s11  }
0xc: {  	s13 =	sadd.s32 $0x1400, s6;
	[dreg:$0x8] =	wrdreg s12  }
0xd: {  	s14 =	sadd.s32 $0x1800, s6;
	[dreg:$0x9] =	wrdreg s13  }
0xe: {  	s15 =	sadd.s32 $0x1C00, s6;
	[dreg:$0xa] =	wrdreg s14  }
0xf: {  	s16 =	sadd.s32 $0x2000, s6;
	[dreg:$0xb] =	wrdreg s15  }
0x10: {  	s17 =	sadd.s32 $0x2400, s6;
	[dreg:$0xc] =	wrdreg s16  }
0x11: {  	s18 =	sadd.s32 $0x2800, s6;
	[dreg:$0xd] =	wrdreg s17  }
0x12: {  	s19 =	sadd.s32 $0x2C00, s6;
	[dreg:$0xe] =	wrdreg s18  }
0x13: {  	s20 =	sadd.s32 $0x3000, s6;
	[dreg:$0xf] =	wrdreg s19  }
0x14: {  	s21 =	sadd.s32 $0x3400, s6;
	[dreg:$0x10] =	wrdreg s20  }
0x15: {  	s22 =	sadd.s32 $0x3800, s6;
	[dreg:$0x11] =	wrdreg s21  }
0x16: {  	s7 =	smul.u32 $0x1400, s5;
	s23 =	sadd.s32 $0x3C00, s6;
	[dreg:$0x12] =	wrdreg s22  }
0x17: {  	s24 =	sadd.s32 $0x4000, s6;
	[dreg:$0x13] =	wrdreg s23  }
0x18: {  	s3 =	sadd.s32 s7, s3;
	s25 =	sadd.s32 $0x4400, s6;
	[dreg:$0x14] =	wrdreg s24  }
0x19: {  	s3 =	sadd.s32 $0x600, s3;
	[dreg:$0x15] =	wrdreg s25  }
0x1a: {  	s26 =	sadd.s32 $0x4800, s6;
	[dreg:$0x16] =	wrdreg s3  }
0x1b: {  	s7 =	sadd.s32 $0x5000, s6;
	[dreg:$0x18] =	wrdreg s26  }
0x1c: {  	s8 =	sadd.s32 $0x5400, s6;
	[dreg:$0x1a] =	wrdreg s7  }
0x1d: {  	s3 =	sadd.s32 $0x4C00, s6;
	[dreg:$0x1b] =	wrdreg s8  }
0x1e: {  	s9 =	sadd.s32 $0x5800, s6;
	[dreg:$0x19] =	wrdreg s3  }
0x1f: {  	s10 =	sadd.s32 $0x5C00, s6;
	[dreg:$0x1c] =	wrdreg s9  }
0x20: {  	s11 =	sadd.s32 $0x6000, s6;
	[dreg:$0x1d] =	wrdreg s10  }
0x21: {  	s12 =	sadd.s32 $0x6400, s6;
	[dreg:$0x1e] =	wrdreg s11  }
0x22: {  	s13 =	sadd.s32 $0x6800, s6;
	[dreg:$0x1f] =	wrdreg s12  }
0x23: {  	s14 =	sadd.s32 $0x6C00, s6;
	[smem:$0x7F0] =	sst s13  }
0x24: {  	s15 =	sadd.s32 $0x7000, s6;
	[smem:$0x7F1] =	sst s14  }
0x25: {  	s16 =	sadd.s32 $0x7400, s6;
	[smem:$0x7F2] =	sst s15  }
0x26: {  	s17 =	sadd.s32 $0x7800, s6;
	[smem:$0x7F3] =	sst s16  }
0x27: {  	s18 =	sadd.s32 $0x7C00, s6;
	[smem:$0x7F4] =	sst s17  }
0x28: {  	s19 =	sadd.s32 $0x8000, s6;
	[smem:$0x7F5] =	sst s18  }
0x29: {  	s20 =	sadd.s32 $0x8400, s6;
	[smem:$0x7F6] =	sst s19  }
0x2a: {  	v0 =	vimm.s32 $0xFFEDCBA9;
	s28 =	simm.s32 $0x192C0;
	s21 =	sadd.s32 $0x8800, s6;
	[smem:$0x7F7] =	sst s20  }
0x2b: {  	v1 =	vimm.s32 $0x87654321;
	v2 =	vimm.s32 $0xEDCBA987;
	s29 =	simm.s32 $0x2;
	s22 =	sadd.s32 $0x8C00, s6;
	[smem:$0x7F8] =	sst s21  }
0x2c: {  	v4 =	vimm.s32 $0x65432100;
	s30 =	simm.s32 $0x192D0;
	s23 =	sadd.s32 $0x9000, s6;
	[smem:$0x7F9] =	sst s22  }
0x2d: {  	s31 =	simm.s32 $0x19170;
	v3 =	vunpack.c.l.s4.s8 v0;
	v1 =	vunpack.c.l.s4.s8 v1;
	v2 =	vunpack.c.l.s4.s8 v2;
	s24 =	sadd.s32 $0x9400, s6;
	[smem:$0x7FA] =	sst s23  }
0x2e: {  	v4 =	vunpack.c.l.s4.s8 v4;
	s5 =	smul.u32 $0x140, s5;
	s25 =	sadd.s32 $0x9800, s6;
	[smem:$0x7FB] =	sst s24  }
0x2f: {  	v5 =	vunpack.c.0.s8.s32 v3;
	v6 =	vunpack.c.0.s8.s32 v1;
	v7 =	vunpack.c.0.s8.s32 v2;
	s1 =	simm.s32 $0x19120;
	s26 =	sadd.s32 $0x9C00, s6;
	[smem:$0x7FC] =	sst s25  }
0x30: {  	v2 =	vlaneseq.u32;
	v8 =	vunpack.c.0.s8.s32 v4;
	v4 =	vimm.f32 $0.0e+00;
	s7 =	simm.s32 $0xA080;
	s8 =	simm.s32 $0x3;
	[smem:$0x7FD] =	sst s26  }
0x31: {  	v3 =	vmul.u32 $0xFFFFFFFF, v2;
	v9 =	vcombine.low v6, v5;
	v6 =	vand.u32 $0xF, v7;
	s22 =	sadd.s32 $0xA000, s6;
	s23 =	sadd.s32 $0x140, s5;
	s24 =	simm.s32 $0x192E0  }
0x32: {  	v5 =	vimm.s32 $0x0;
	v0 =	vmov s5;
	v6 =	vcombine.low v8, v6;
	s25 =	simm.s32 $0x1;
	s26 =	simm.s32 $0x4;
	s3 =	simm.s32 $0x50  }
0x33: {  	v7 =	vadd.s32 $0xF, v3;
	v8 =	vand.u32 $0xF, v9;
	s9 =	simm.s32 $0xC880;
	s10 =	simm.s32 $0xF080;
	s11 =	simm.s32 $0x0;
	v1 =	vmov s23  }
.LBB2_1:
0x34: {  	[tilespmem:$0x192E0] =	vst v4  }
0x35: {  	[tilespmem:$0x192F0] =	vst v4  }
0x36: {  	[tilespmem:$0x19300] =	vst v4  }
0x37: {  	[tilespmem:$0x19310] =	vst v4  }
0x38: {  	[tilespmem:$0x19320] =	vst v4  }
0x39: {  	[tilespmem:$0x19330] =	vst v4  }
0x3a: {  	[tilespmem:$0x19340] =	vst v4  }
0x3b: {  	[tilespmem:$0x19350] =	vst v4  }
0x3c: {  	[tilespmem:$0x19360] =	vst v4  }
0x3d: {  	[tilespmem:$0x19370] =	vst v4  }
0x3e: {  	[tilespmem:$0x19380] =	vst v4  }
0x3f: {  	[tilespmem:$0x19390] =	vst v4  }
0x40: {  	[tilespmem:$0x193A0] =	vst v4  }
0x41: {  	[tilespmem:$0x193B0] =	vst v4  }
0x42: {  	[tilespmem:$0x193C0] =	vst v4  }
0x43: {  	[tilespmem:$0x193D0] =	vst v4  }
0x44: {  	[tilespmem:$0x193E0] =	vst v4  }
0x45: {  	[tilespmem:$0x193F0] =	vst v4  }
0x46: {  	[tilespmem:$0x19400] =	vst v4  }
0x47: {  	[tilespmem:$0x19410] =	vst v4  }
0x48: {  	[tilespmem:$0x19420] =	vst v4  }
0x49: {  	[tilespmem:$0x19430] =	vst v4  }
0x4a: {  	[tilespmem:$0x19440] =	vst v4  }
0x4b: {  	[tilespmem:$0x19450] =	vst v4  }
0x4c: {  	[tilespmem:$0x19460] =	vst v4  }
0x4d: {  	[tilespmem:$0x19470] =	vst v4  }
0x4e: {  	[tilespmem:$0x19480] =	vst v4  }
0x4f: {  	[tilespmem:$0x19490] =	vst v4  }
0x50: {  	[tilespmem:$0x194A0] =	vst v4  }
0x51: {  	[tilespmem:$0x194B0] =	vst v4  }
0x52: {  	[tilespmem:$0x194C0] =	vst v4  }
0x53: {  	[tilespmem:$0x194D0] =	vst v4  }
0x54: {  	[tilespmem:$0x194E0] =	vst v4  }
0x55: {  	[tilespmem:$0x194F0] =	vst v4  }
0x56: {  	[tilespmem:$0x19500] =	vst v4  }
0x57: {  	[tilespmem:$0x19510] =	vst v4  }
0x58: {  	[tilespmem:$0x19520] =	vst v4  }
0x59: {  	[tilespmem:$0x19530] =	vst v4  }
0x5a: {  	[tilespmem:$0x19540] =	vst v4  }
0x5b: {  	[tilespmem:$0x19550] =	vst v4  }
0x5c: {  	[tilespmem:$0x19560] =	vst v4  }
0x5d: {  	[tilespmem:$0x19570] =	vst v4  }
0x5e: {  	[tilespmem:$0x19580] =	vst v4  }
0x5f: {  	[tilespmem:$0x19590] =	vst v4  }
0x60: {  	[tilespmem:$0x195A0] =	vst v4  }
0x61: {  	[tilespmem:$0x195B0] =	vst v4  }
0x62: {  	[tilespmem:$0x195C0] =	vst v4  }
0x63: {  	[tilespmem:$0x195D0] =	vst v4  }
0x64: {  	[tilespmem:$0x195E0] =	vst v4  }
0x65: {  	[tilespmem:$0x195F0] =	vst v4  }
0x66: {  	[tilespmem:$0x19600] =	vst v4  }
0x67: {  	[tilespmem:$0x19610] =	vst v4  }
0x68: {  	[tilespmem:$0x19620] =	vst v4  }
0x69: {  	[tilespmem:$0x19630] =	vst v4  }
0x6a: {  	[tilespmem:$0x19640] =	vst v4  }
0x6b: {  	[tilespmem:$0x19650] =	vst v4  }
0x6c: {  	[tilespmem:$0x19660] =	vst v4  }
0x6d: {  	[tilespmem:$0x19670] =	vst v4  }
0x6e: {  	[tilespmem:$0x19680] =	vst v4  }
0x6f: {  	[tilespmem:$0x19690] =	vst v4  }
0x70: {  	[tilespmem:$0x196A0] =	vst v4  }
0x71: {  	[tilespmem:$0x196B0] =	vst v4  }
0x72: {  	[tilespmem:$0x196C0] =	vst v4  }
0x73: {  	[tilespmem:$0x196D0] =	vst v4  }
0x74: {  	[tilespmem:$0x19170] =	vst v4  }
0x75: {  	[tilespmem:$0x19180] =	vst v4  }
0x76: {  	[tilespmem:$0x19190] =	vst v4  }
0x77: {  	[tilespmem:$0x191A0] =	vst v4  }
0x78: {  	[tilespmem:$0x191B0] =	vst v4  }
0x79: {  	[tilespmem:$0x191C0] =	vst v4  }
0x7a: {  	[tilespmem:$0x191D0] =	vst v4  }
0x7b: {  	[tilespmem:$0x191E0] =	vst v4  }
0x7c: {  	[tilespmem:$0x191F0] =	vst v4  }
0x7d: {  	[tilespmem:$0x19200] =	vst v4  }
0x7e: {  	[tilespmem:$0x19210] =	vst v4  }
0x7f: {  	[tilespmem:$0x19220] =	vst v4  }
0x80: {  	[tilespmem:$0x19230] =	vst v4  }
0x81: {  	[tilespmem:$0x19240] =	vst v4  }
0x82: {  	[tilespmem:$0x19250] =	vst v4  }
0x83: {  	[tilespmem:$0x19260] =	vst v4  }
0x84: {  	[tilespmem:$0x19270] =	vst v4  }
0x85: {  	[tilespmem:$0x19280] =	vst v4  }
0x86: {  	[tilespmem:$0x19290] =	vst v4  }
0x87: {  	[tilespmem:$0x192A0] =	vst v4  }
0x88: {  	[tilespmem:$0x192B0] =	vst v4;
	s12 =	rddreg [dreg:$0x5]  }
0x89: {  	[spmem:s6] =	stream.linear.scatter [tilespmem:s24], [sflag:$0x1], $0x400, $0x38;
	[tilespmem:$0x196E0] =	vst v63  }
0x8a: {  	s19 =	rddreg [dreg:$0x6]  }
0x8b: {  	[spmem:s12] =	stream.linear.scatter [tilespmem:s24], [sflag:$0x1], $0x400, $0x38;
	[tilespmem:$0x196E0] =	vst v63  }
0x8c: {  	s20 =	rddreg [dreg:$0x7]  }
0x8d: {  	[spmem:s19] =	stream.linear.scatter [tilespmem:s24], [sflag:$0x1], $0x400, $0x38;
	[tilespmem:$0x196E0] =	vst v63  }
0x8e: {  	s21 =	rddreg [dreg:$0x8]  }
0x8f: {  	[spmem:s20] =	stream.linear.scatter [tilespmem:s24], [sflag:$0x1], $0x400, $0x38;
	[tilespmem:$0x196E0] =	vst v63  }
0x90: {  	s13 =	rddreg [dreg:$0x9]  }
0x91: {  	[spmem:s21] =	stream.linear.scatter [tilespmem:s24], [sflag:$0x1], $0x400, $0x38;
	[tilespmem:$0x196E0] =	vst v63  }
0x92: {  	s14 =	rddreg [dreg:$0xa]  }
0x93: {  	[spmem:s13] =	stream.linear.scatter [tilespmem:s24], [sflag:$0x1], $0x400, $0x38;
	[tilespmem:$0x196E0] =	vst v63  }
0x94: {  	s15 =	rddreg [dreg:$0xb]  }
0x95: {  	[spmem:s14] =	stream.linear.scatter [tilespmem:s24], [sflag:$0x1], $0x400, $0x38;
	[tilespmem:$0x196E0] =	vst v63  }
0x96: {  	s16 =	rddreg [dreg:$0xc]  }
0x97: {  	[spmem:s15] =	stream.linear.scatter [tilespmem:s24], [sflag:$0x1], $0x400, $0x38;
	[tilespmem:$0x196E0] =	vst v63  }
0x98: {  	s17 =	rddreg [dreg:$0xd]  }
0x99: {  	[spmem:s16] =	stream.linear.scatter [tilespmem:s24], [sflag:$0x1], $0x400, $0x38;
	[tilespmem:$0x196E0] =	vst v63  }
0x9a: {  	s18 =	rddreg [dreg:$0xe]  }
0x9b: {  	[spmem:s17] =	stream.linear.scatter [tilespmem:s24], [sflag:$0x1], $0x400, $0x38;
	[tilespmem:$0x196E0] =	vst v63  }
0x9c: {  	s19 =	rddreg [dreg:$0xf]  }
0x9d: {  	[spmem:s18] =	stream.linear.scatter [tilespmem:s24], [sflag:$0x1], $0x400, $0x38;
	[tilespmem:$0x196E0] =	vst v63  }
0x9e: {  	s20 =	rddreg [dreg:$0x10]  }
0x9f: {  	[spmem:s19] =	stream.linear.scatter [tilespmem:s24], [sflag:$0x1], $0x400, $0x38;
	[tilespmem:$0x196E0] =	vst v63  }
0xa0: {  	s21 =	rddreg [dreg:$0x11]  }
0xa1: {  	[spmem:s20] =	stream.linear.scatter [tilespmem:s24], [sflag:$0x1], $0x400, $0x38;
	[tilespmem:$0x196E0] =	vst v63  }
0xa2: {  	s13 =	rddreg [dreg:$0x12]  }
0xa3: {  	[spmem:s21] =	stream.linear.scatter [tilespmem:s24], [sflag:$0x1], $0x400, $0x38;
	[tilespmem:$0x196E0] =	vst v63  }
0xa4: {  	s14 =	rddreg [dreg:$0x13]  }
0xa5: {  	[spmem:s13] =	stream.linear.scatter [tilespmem:s24], [sflag:$0x1], $0x400, $0x38;
	[tilespmem:$0x196E0] =	vst v63  }
0xa6: {  	s15 =	rddreg [dreg:$0x14]  }
0xa7: {  	[spmem:s14] =	stream.linear.scatter [tilespmem:s24], [sflag:$0x1], $0x400, $0x38;
	[tilespmem:$0x196E0] =	vst v63  }
0xa8: {  	s16 =	rddreg [dreg:$0x15]  }
0xa9: {  	[spmem:s15] =	stream.linear.scatter [tilespmem:s24], [sflag:$0x1], $0x400, $0x38;
	[tilespmem:$0x196E0] =	vst v63  }
0xaa: {  	s17 =	rddreg [dreg:$0x18]  }
0xab: {  	[spmem:s16] =	stream.linear.scatter [tilespmem:s24], [sflag:$0x1], $0x400, $0x38;
	[tilespmem:$0x196E0] =	vst v63  }
0xac: {  	s18 =	rddreg [dreg:$0x19]  }
0xad: {  	[spmem:s17] =	stream.linear.scatter [tilespmem:s24], [sflag:$0x1], $0x400, $0x38;
	[tilespmem:$0x196E0] =	vst v63  }
0xae: {  	s19 =	rddreg [dreg:$0x1a]  }
0xaf: {  	[spmem:s18] =	stream.linear.scatter [tilespmem:s24], [sflag:$0x1], $0x400, $0x38;
	[tilespmem:$0x196E0] =	vst v63  }
0xb0: {  	s20 =	rddreg [dreg:$0x1b]  }
0xb1: {  	[spmem:s19] =	stream.linear.scatter [tilespmem:s24], [sflag:$0x1], $0x400, $0x38;
	[tilespmem:$0x196E0] =	vst v63  }
0xb2: {  	s21 =	rddreg [dreg:$0x1c]  }
0xb3: {  	[spmem:s20] =	stream.linear.scatter [tilespmem:s24], [sflag:$0x1], $0x400, $0x38;
	[tilespmem:$0x196E0] =	vst v63  }
0xb4: {  	s13 =	rddreg [dreg:$0x1d]  }
0xb5: {  	[spmem:s21] =	stream.linear.scatter [tilespmem:s24], [sflag:$0x1], $0x400, $0x38;
	[tilespmem:$0x196E0] =	vst v63  }
0xb6: {  	s14 =	rddreg [dreg:$0x1e]  }
0xb7: {  	[spmem:s13] =	stream.linear.scatter [tilespmem:s24], [sflag:$0x1], $0x400, $0x38;
	[tilespmem:$0x196E0] =	vst v63  }
0xb8: {  	s15 =	rddreg [dreg:$0x1f]  }
0xb9: {  	[spmem:s14] =	stream.linear.scatter [tilespmem:s24], [sflag:$0x1], $0x400, $0x38;
	[tilespmem:$0x196E0] =	vst v63  }
0xba: {  	s16 =	sld [smem:$0x7F0]  }
0xbb: {  	[spmem:s15] =	stream.linear.scatter [tilespmem:s24], [sflag:$0x1], $0x400, $0x38;
	[tilespmem:$0x196E0] =	vst v63  }
0xbc: {  	s17 =	sld [smem:$0x7F1]  }
0xbd: {  	[spmem:s16] =	stream.linear.scatter [tilespmem:s24], [sflag:$0x1], $0x400, $0x38;
	[tilespmem:$0x196E0] =	vst v63  }
0xbe: {  	s18 =	sld [smem:$0x7F2]  }
0xbf: {  	[spmem:s17] =	stream.linear.scatter [tilespmem:s24], [sflag:$0x1], $0x400, $0x38;
	[tilespmem:$0x196E0] =	vst v63  }
0xc0: {  	s19 =	sld [smem:$0x7F3]  }
0xc1: {  	[spmem:s18] =	stream.linear.scatter [tilespmem:s24], [sflag:$0x1], $0x400, $0x38;
	[tilespmem:$0x196E0] =	vst v63  }
0xc2: {  	s20 =	sld [smem:$0x7F4]  }
0xc3: {  	[spmem:s19] =	stream.linear.scatter [tilespmem:s24], [sflag:$0x1], $0x400, $0x38;
	[tilespmem:$0x196E0] =	vst v63  }
0xc4: {  	s21 =	sld [smem:$0x7F5]  }
0xc5: {  	[spmem:s20] =	stream.linear.scatter [tilespmem:s24], [sflag:$0x1], $0x400, $0x38;
	[tilespmem:$0x196E0] =	vst v63  }
0xc6: {  	s13 =	sld [smem:$0x7F6]  }
0xc7: {  	[spmem:s21] =	stream.linear.scatter [tilespmem:s24], [sflag:$0x1], $0x400, $0x38;
	[tilespmem:$0x196E0] =	vst v63  }
0xc8: {  	s14 =	sld [smem:$0x7F7]  }
0xc9: {  	[spmem:s13] =	stream.linear.scatter [tilespmem:s24], [sflag:$0x1], $0x400, $0x38;
	[tilespmem:$0x196E0] =	vst v63  }
0xca: {  	s15 =	sld [smem:$0x7F8]  }
0xcb: {  	[spmem:s14] =	stream.linear.scatter [tilespmem:s24], [sflag:$0x1], $0x400, $0x38;
	[tilespmem:$0x196E0] =	vst v63  }
0xcc: {  	s16 =	sld [smem:$0x7F9]  }
0xcd: {  	[spmem:s15] =	stream.linear.scatter [tilespmem:s24], [sflag:$0x1], $0x400, $0x38;
	[tilespmem:$0x196E0] =	vst v63  }
0xce: {  	s17 =	sld [smem:$0x7FA]  }
0xcf: {  	[spmem:s16] =	stream.linear.scatter [tilespmem:s24], [sflag:$0x1], $0x400, $0x38;
	[tilespmem:$0x196E0] =	vst v63  }
0xd0: {  	s18 =	sld [smem:$0x7FB]  }
0xd1: {  	[spmem:s17] =	stream.linear.scatter [tilespmem:s24], [sflag:$0x1], $0x400, $0x38;
	[tilespmem:$0x196E0] =	vst v63  }
0xd2: {  	s19 =	sld [smem:$0x7FC]  }
0xd3: {  	[spmem:s18] =	stream.linear.scatter [tilespmem:s24], [sflag:$0x1], $0x400, $0x38;
	[tilespmem:$0x196E0] =	vst v63  }
0xd4: {  	s20 =	sld [smem:$0x7FD]  }
0xd5: {  	[spmem:s19] =	stream.linear.scatter [tilespmem:s24], [sflag:$0x1], $0x400, $0x38;
	[tilespmem:$0x196E0] =	vst v63  }
0xd6: {  	_ = 	snop  }
0xd7: {  	[spmem:s20] =	stream.linear.scatter [tilespmem:s24], [sflag:$0x1], $0x400, $0x38;
	[tilespmem:$0x196E0] =	vst v63  }
0xd8: {  	_ =	swait.ge [sflag:s25], $0x400  }
0xd9: {  	[sflag:s25] =	ssyncset.done $0x0  }
0xda: {  	[sflag:s25] =	ssyncadd.s32 $0xFFFFFC00  }
0xdb: {  	_ =	swait.ge [sflag:s25], $0x400  }
0xdc: {  	[sflag:s25] =	ssyncset.done $0x0  }
0xdd: {  	[sflag:s25] =	ssyncadd.s32 $0xFFFFFC00  }
0xde: {  	_ =	swait.ge [sflag:s25], $0x400  }
0xdf: {  	[sflag:s25] =	ssyncset.done $0x0  }
0xe0: {  	[sflag:s25] =	ssyncadd.s32 $0xFFFFFC00  }
0xe1: {  	_ =	swait.ge [sflag:s25], $0x400  }
0xe2: {  	[sflag:s25] =	ssyncset.done $0x0  }
0xe3: {  	[sflag:s25] =	ssyncadd.s32 $0xFFFFFC00  }
0xe4: {  	_ =	swait.ge [sflag:s25], $0x400  }
0xe5: {  	[sflag:s25] =	ssyncset.done $0x0  }
0xe6: {  	[sflag:s25] =	ssyncadd.s32 $0xFFFFFC00  }
0xe7: {  	_ =	swait.ge [sflag:s25], $0x400  }
0xe8: {  	[sflag:s25] =	ssyncset.done $0x0  }
0xe9: {  	[sflag:s25] =	ssyncadd.s32 $0xFFFFFC00  }
0xea: {  	_ =	swait.ge [sflag:s25], $0x400  }
0xeb: {  	[sflag:s25] =	ssyncset.done $0x0  }
0xec: {  	[sflag:s25] =	ssyncadd.s32 $0xFFFFFC00  }
0xed: {  	_ =	swait.ge [sflag:s25], $0x400  }
0xee: {  	[sflag:s25] =	ssyncset.done $0x0  }
0xef: {  	[sflag:s25] =	ssyncadd.s32 $0xFFFFFC00  }
0xf0: {  	_ =	swait.ge [sflag:s25], $0x400  }
0xf1: {  	[sflag:s25] =	ssyncset.done $0x0  }
0xf2: {  	[sflag:s25] =	ssyncadd.s32 $0xFFFFFC00  }
0xf3: {  	_ =	swait.ge [sflag:s25], $0x400  }
0xf4: {  	[sflag:s25] =	ssyncset.done $0x0  }
0xf5: {  	[sflag:s25] =	ssyncadd.s32 $0xFFFFFC00  }
0xf6: {  	_ =	swait.ge [sflag:s25], $0x400  }
0xf7: {  	[sflag:s25] =	ssyncset.done $0x0  }
0xf8: {  	[sflag:s25] =	ssyncadd.s32 $0xFFFFFC00  }
0xf9: {  	_ =	swait.ge [sflag:s25], $0x400  }
0xfa: {  	[sflag:s25] =	ssyncset.done $0x0  }
0xfb: {  	[sflag:s25] =	ssyncadd.s32 $0xFFFFFC00  }
0xfc: {  	_ =	swait.ge [sflag:s25], $0x400  }
0xfd: {  	[sflag:s25] =	ssyncset.done $0x0  }
0xfe: {  	[sflag:s25] =	ssyncadd.s32 $0xFFFFFC00  }
0xff: {  	_ =	swait.ge [sflag:s25], $0x400  }
0x100: {  	[sflag:s25] =	ssyncset.done $0x0  }
0x101: {  	[sflag:s25] =	ssyncadd.s32 $0xFFFFFC00  }
0x102: {  	_ =	swait.ge [sflag:s25], $0x400  }
0x103: {  	[sflag:s25] =	ssyncset.done $0x0  }
0x104: {  	[sflag:s25] =	ssyncadd.s32 $0xFFFFFC00  }
0x105: {  	_ =	swait.ge [sflag:s25], $0x400  }
0x106: {  	[sflag:s25] =	ssyncset.done $0x0  }
0x107: {  	[sflag:s25] =	ssyncadd.s32 $0xFFFFFC00  }
0x108: {  	_ =	swait.ge [sflag:s25], $0x400  }
0x109: {  	[sflag:s25] =	ssyncset.done $0x0  }
0x10a: {  	[sflag:s25] =	ssyncadd.s32 $0xFFFFFC00  }
0x10b: {  	_ =	swait.ge [sflag:s25], $0x400  }
0x10c: {  	[sflag:s25] =	ssyncset.done $0x0  }
0x10d: {  	[sflag:s25] =	ssyncadd.s32 $0xFFFFFC00  }
0x10e: {  	_ =	swait.ge [sflag:s25], $0x400  }
0x10f: {  	[sflag:s25] =	ssyncset.done $0x0  }
0x110: {  	[sflag:s25] =	ssyncadd.s32 $0xFFFFFC00  }
0x111: {  	_ =	swait.ge [sflag:s25], $0x400  }
0x112: {  	[sflag:s25] =	ssyncset.done $0x0  }
0x113: {  	[sflag:s25] =	ssyncadd.s32 $0xFFFFFC00  }
0x114: {  	_ =	swait.ge [sflag:s25], $0x400  }
0x115: {  	[sflag:s25] =	ssyncset.done $0x0  }
0x116: {  	[sflag:s25] =	ssyncadd.s32 $0xFFFFFC00  }
0x117: {  	_ =	swait.ge [sflag:s25], $0x400  }
0x118: {  	[sflag:s25] =	ssyncset.done $0x0  }
0x119: {  	[sflag:s25] =	ssyncadd.s32 $0xFFFFFC00  }
0x11a: {  	_ =	swait.ge [sflag:s25], $0x400  }
0x11b: {  	[sflag:s25] =	ssyncset.done $0x0  }
0x11c: {  	[sflag:s25] =	ssyncadd.s32 $0xFFFFFC00  }
0x11d: {  	_ =	swait.ge [sflag:s25], $0x400  }
0x11e: {  	[sflag:s25] =	ssyncset.done $0x0  }
0x11f: {  	[sflag:s25] =	ssyncadd.s32 $0xFFFFFC00  }
0x120: {  	_ =	swait.ge [sflag:s25], $0x400  }
0x121: {  	[sflag:s25] =	ssyncset.done $0x0  }
0x122: {  	[sflag:s25] =	ssyncadd.s32 $0xFFFFFC00  }
0x123: {  	_ =	swait.ge [sflag:s25], $0x400  }
0x124: {  	[sflag:s25] =	ssyncset.done $0x0  }
0x125: {  	[sflag:s25] =	ssyncadd.s32 $0xFFFFFC00  }
0x126: {  	_ =	swait.ge [sflag:s25], $0x400  }
0x127: {  	[sflag:s25] =	ssyncset.done $0x0  }
0x128: {  	[sflag:s25] =	ssyncadd.s32 $0xFFFFFC00  }
0x129: {  	_ =	swait.ge [sflag:s25], $0x400  }
0x12a: {  	[sflag:s25] =	ssyncset.done $0x0  }
0x12b: {  	[sflag:s25] =	ssyncadd.s32 $0xFFFFFC00  }
0x12c: {  	_ =	swait.ge [sflag:s25], $0x400  }
0x12d: {  	[sflag:s25] =	ssyncset.done $0x0  }
0x12e: {  	[sflag:s25] =	ssyncadd.s32 $0xFFFFFC00  }
0x12f: {  	_ =	swait.ge [sflag:s25], $0x400  }
0x130: {  	[sflag:s25] =	ssyncset.done $0x0  }
0x131: {  	[sflag:s25] =	ssyncadd.s32 $0xFFFFFC00  }
0x132: {  	_ =	swait.ge [sflag:s25], $0x400  }
0x133: {  	[sflag:s25] =	ssyncset.done $0x0  }
0x134: {  	[sflag:s25] =	ssyncadd.s32 $0xFFFFFC00  }
0x135: {  	_ =	swait.ge [sflag:s25], $0x400  }
0x136: {  	[sflag:s25] =	ssyncset.done $0x0  }
0x137: {  	[sflag:s25] =	ssyncadd.s32 $0xFFFFFC00  }
0x138: {  	_ =	swait.ge [sflag:s25], $0x400  }
0x139: {  	[sflag:s25] =	ssyncset.done $0x0  }
0x13a: {  	[sflag:s25] =	ssyncadd.s32 $0xFFFFFC00  }
0x13b: {  	_ =	swait.ge [sflag:s25], $0x400  }
0x13c: {  	[sflag:s25] =	ssyncset.done $0x0  }
0x13d: {  	[sflag:s25] =	ssyncadd.s32 $0xFFFFFC00  }
0x13e: {  	_ =	swait.ge [sflag:s25], $0x400  }
0x13f: {  	[sflag:s25] =	ssyncset.done $0x0  }
0x140: {  	[sflag:s25] =	ssyncadd.s32 $0xFFFFFC00  }
0x141: {  	_ =	swait.ge [sflag:s25], $0x400  }
0x142: {  	[sflag:s25] =	ssyncset.done $0x0  }
0x143: {  	[sflag:s25] =	ssyncadd.s32 $0xFFFFFC00  }
0x144: {  	_ =	swait.ge [sflag:s25], $0x400  }
0x145: {  	[sflag:s25] =	ssyncset.done $0x0  }
0x146: {  	[sflag:s25] =	ssyncadd.s32 $0xFFFFFC00  }
0x147: {  	_ =	swait.ge [sflag:s25], $0x400  }
0x148: {  	[sflag:s25] =	ssyncset.done $0x0  }
0x149: {  	[sflag:s25] =	ssyncadd.s32 $0xFFFFFC00  }
0x14a: {  	_ =	swait.ge [sflag:s25], $0x400  }
0x14b: {  	[sflag:s25] =	ssyncset.done $0x0  }
0x14c: {  	[sflag:s25] =	ssyncadd.s32 $0xFFFFFC00  }
0x14d: {  	_ =	swait.ge [sflag:s25], $0x400  }
0x14e: {  	[sflag:s25] =	ssyncset.done $0x0  }
0x14f: {  	[sflag:s25] =	ssyncadd.s32 $0xFFFFFC00  }
0x150: {  	[spmem:s22] =	stream.linear.scatter [tilespmem:s24], [sflag:$0x4], $0x80, $0x38;
	[tilespmem:$0x196E0] =	vst v63  }
0x151: {  	s21 =	simm.s32 $0x4E20;
	_ =	swait.ge [sflag:s26], $0x80  }
0x152: {  	s12 =	sand.u32 $0x1FFFFFFE, s21;
	[sflag:s26] =	ssyncset.done $0x0  }
0x153: {  	s12 =	sadd.s32 s2, s12;
	[sflag:s26] =	ssyncadd.s32 $0xFFFFFF80  }
0x154: {  	[tilespmem:s28], [sflag:$0x4] =	stream.linear.gather [hbm4b:s12+s4], $0x10, $0x38;
	[tilespmem:$0x196E0] =	vst v63  }
0x155: {  	_ =	swait.ge [sflag:s26], $0x10  }
0x156: {  	[sflag:s26] =	ssyncset.done $0x0  }
0x157: {  	[sflag:s26] =	ssyncadd.s32 $0xFFFFFFF0  }
0x158: {  	v9 =	vld [tilespmem:$0x192C0];
	_ =	sdelay $0x4  }
0x159: {  	v9 =	vxor.u32 $0x80000000, v9  }
0x15a: {  	(xrf0) =	vmin.scan.msk.u32 $0xffff, v9;
	_ =	sdelay $0x5  }
0x15b: {  	v9, _, _ =	vpop (xrf0)  }
0x15c: {  	(v2sf) =	vpush v9, $0xF;
	_ =	sdelay $0xe  }
0x15d: {  	s13 =	spop (v2sf)  }
0x15e: {  	s14 =	simm.s32 $0x4E20;
	s15 =	simm.s32 $0x2710;
	s13 =	sxor.u32 $0x80000000, s13  }
0x15f: {  	s12 =	simm.s32 $0xE;
	p1 =	slt.s32 s13, s5;
	s13 =	simm.s32 $0x0  }
.LBB2_2:
0x160: {  	s16 =	smov.u32 s14;
	s14 =	smov.u32 s15  }
0x161: {  	p0 =	sne.s32 s12, $0x1;
	s13 =	smov.u32 @p1 s15;
	s14 =	smov.u32 @p1 s16  }
0x162: {  	s12 =	sadd.s32 $0xFFFFFFFF, s12;
	s15 =	sadd.s32 s13, s14  }
0x163: {  	s16 =	sshrl.u32 s15, $0x1F  }
0x164: {  	s15 =	sadd.s32 s16, s15  }
0x165: {  	s16 =	sand.u32 $0x1FFFFFFE, s15  }
0x166: {  	s16 =	sadd.s32 s2, s16  }
0x167: {  	[tilespmem:s28], [sflag:$0x4] =	stream.linear.gather [hbm4b:s16+s4], $0x10, $0x38;
	[tilespmem:$0x196E0] =	vst v63  }
0x168: {  	_ =	swait.ge [sflag:s26], $0x10  }
0x169: {  	[sflag:s26] =	ssyncset.done $0x0  }
0x16a: {  	[sflag:s26] =	ssyncadd.s32 $0xFFFFFFF0  }
0x16b: {  	v9 =	vld [tilespmem:$0x192C0];
	_ =	sdelay $0x4  }
0x16c: {  	v9 =	vxor.u32 $0x80000000, v9  }
0x16d: {  	(xrf0) =	vmin.scan.msk.u32 $0xffff, v9;
	_ =	sdelay $0x5  }
0x16e: {  	v9, _, _ =	vpop (xrf0)  }
0x16f: {  	(v2sf) =	vpush v9, $0xF;
	_ =	sdelay $0xc  }
.Ltmp0:
0x170: {  	(pc) =	sbr.rel @p0 .LBB2_2-.Ltmp0, $4  }
0x171: {  	_ = 	snop  }
0x172: {  	s16 =	spop (v2sf)  }
0x173: {  	s16 =	sxor.u32 $0x80000000, s16  }
0x174: {  	s15 =	sshra.s32 s15, $0x1;
	p1 =	slt.s32 s16, s5  }
0x175: {  	s13 =	smov.u32 @p1 s15  }
0x176: {  	s12 =	sshll.u32 s13, $0x4  }
0x177: {  	s13 =	sshrl.u32 s12, $0x3  }
0x178: {  	s14 =	sadd.s32 s2, s13;
	s13 =	simm.s32 $0x0  }
0x179: {  	[tilespmem:s28], [sflag:$0x4] =	stream.linear.gather [hbm4b:s14+s13], $0x10, $0x38;
	[tilespmem:$0x196E0] =	vst v63  }
0x17a: {  	s20 =	simm.s32 $0x4E20;
	_ =	swait.ge [sflag:s26], $0x10  }
0x17b: {  	s14 =	sand.u32 $0x1FFFFFFE, s20;
	[sflag:s26] =	ssyncset.done $0x0  }
0x17c: {  	s14 =	sadd.s32 s2, s14;
	[sflag:s26] =	ssyncadd.s32 $0xFFFFFFF0  }
0x17d: {  	v9 =	vld [tilespmem:$0x192C0];
	[tilespmem:s28], [sflag:$0x4] =	stream.linear.gather [hbm4b:s14+s4], $0x10, $0x38  }
0x17e: {  	_ =	swait.ge [sflag:s26], $0x10  }
0x17f: {  	[sflag:s26] =	ssyncset.done $0x0  }
0x180: {  	[sflag:s26] =	ssyncadd.s32 $0xFFFFFFF0  }
0x181: {  	v10 =	vld [tilespmem:$0x192C0];
	_ =	sdelay $0x4  }
0x182: {  	v10 =	vxor.u32 $0x80000000, v10  }
0x183: {  	(xrf0) =	vmin.scan.msk.u32 $0xffff, v10;
	_ =	sdelay $0x5  }
0x184: {  	v10, _, _ =	vpop (xrf0)  }
0x185: {  	(v2sf) =	vpush v10, $0xF;
	_ =	sdelay $0xe  }
0x186: {  	s21 =	spop (v2sf)  }
0x187: {  	s15 =	simm.s32 $0x4E20;
	s17 =	sxor.u32 $0x80000000, s21  }
0x188: {  	s16 =	simm.s32 $0x2710;
	s14 =	simm.s32 $0xE;
	p1 =	slt.s32 s17, s23  }
.LBB2_4:
0x189: {  	s17 =	smov.u32 s15;
	s15 =	smov.u32 s16  }
0x18a: {  	p0 =	sne.s32 s14, $0x1;
	s13 =	smov.u32 @p1 s16;
	s15 =	smov.u32 @p1 s17  }
0x18b: {  	s14 =	sadd.s32 $0xFFFFFFFF, s14;
	s16 =	sadd.s32 s13, s15  }
0x18c: {  	s17 =	sshrl.u32 s16, $0x1F  }
0x18d: {  	s16 =	sadd.s32 s17, s16  }
0x18e: {  	s17 =	sand.u32 $0x1FFFFFFE, s16  }
0x18f: {  	s17 =	sadd.s32 s2, s17  }
0x190: {  	[tilespmem:s28], [sflag:$0x4] =	stream.linear.gather [hbm4b:s17+s4], $0x10, $0x38;
	[tilespmem:$0x196E0] =	vst v63  }
0x191: {  	_ =	swait.ge [sflag:s26], $0x10  }
0x192: {  	[sflag:s26] =	ssyncset.done $0x0  }
0x193: {  	[sflag:s26] =	ssyncadd.s32 $0xFFFFFFF0  }
0x194: {  	v10 =	vld [tilespmem:$0x192C0];
	_ =	sdelay $0x4  }
0x195: {  	v10 =	vxor.u32 $0x80000000, v10  }
0x196: {  	(xrf0) =	vmin.scan.msk.u32 $0xffff, v10;
	_ =	sdelay $0x5  }
0x197: {  	v10, _, _ =	vpop (xrf0)  }
0x198: {  	(v2sf) =	vpush v10, $0xF;
	_ =	sdelay $0xc  }
.Ltmp1:
0x199: {  	(pc) =	sbr.rel @p0 .LBB2_4-.Ltmp1, $4  }
0x19a: {  	_ = 	snop  }
0x19b: {  	s17 =	spop (v2sf)  }
0x19c: {  	s17 =	sxor.u32 $0x80000000, s17  }
0x19d: {  	s16 =	sshra.s32 s16, $0x1;
	p1 =	slt.s32 s17, s23  }
0x19e: {  	vm0 =	vlt.s32 v9, v0  }
0x19f: {  	v9 =	vsel vm0, $0x1, v5  }
0x1a0: {  	(xrf0) =	vadd.scan.msk.s32 $0xffff, v9;
	_ =	sdelay $0x5  }
0x1a1: {  	v9, _, _ =	vpop (xrf0)  }
0x1a2: {  	(v2sf) =	vpush v9, $0xF;
	_ =	sdelay $0x9  }
0x1a3: {  	s13 =	smov.u32 @p1 s16  }
0x1a4: {  	s13 =	sshll.u32 s13, $0x4  }
0x1a5: {  	s14 =	sshrl.u32 s13, $0x3  }
0x1a6: {  	s14 =	sadd.s32 s2, s14  }
0x1a7: {  	[tilespmem:s28], [sflag:$0x4] =	stream.linear.gather [hbm4b:s14+s4], $0x10, $0x38;
	[tilespmem:$0x196E0] =	vst v63  }
0x1a8: {  	s15 =	spop (v2sf)  }
0x1a9: {  	_ =	swait.ge [sflag:s26], $0x10  }
0x1aa: {  	[sflag:s26] =	ssyncset.done $0x0  }
0x1ab: {  	[sflag:s26] =	ssyncadd.s32 $0xFFFFFFF0  }
0x1ac: {  	v9 =	vld [tilespmem:$0x192C0];
	_ =	sdelay $0x4  }
0x1ad: {  	vm15 =	vlt.s32 v9, v1  }
0x1ae: {  	v9 =	vsel vm15, $0x1, v5  }
0x1af: {  	(xrf0) =	vadd.scan.msk.s32 $0xffff, v9;
	_ =	sdelay $0x5  }
0x1b0: {  	v9, _, _ =	vpop (xrf0)  }
0x1b1: {  	(v2sf) =	vpush v9, $0xF;
	_ =	sdelay $0xe  }
0x1b2: {  	s12 =	sadd.s32 s12, s15;
	s20 =	spop (v2sf)  }
0x1b3: {  	s15 =	smulhi.u32 $0x66666667, s12;
	s12 =	sshra.s32 s12, $0x1F;
	s13 =	sadd.s32 s20, s13  }
0x1b4: {  	s12 =	smul.u32 $0x66666667, s12;
	s13 =	sadd.s32 $0x4F, s13  }
0x1b5: {  	s21 =	smulhi.u32 $0x66666667, s13;
	s13 =	sshra.s32 s13, $0x1F  }
0x1b6: {  	s13 =	smul.u32 $0x66666667, s13  }
0x1b7: {  	s12 =	sadd.s32 s12, s15  }
0x1b8: {  	s15 =	sshrl.u32 s12, $0x1F;
	s13 =	sadd.s32 s13, s21  }
0x1b9: {  	s12 =	sshra.s32 s12, $0x5;
	s14 =	sshrl.u32 s13, $0x1F;
	s13 =	sshra.s32 s13, $0x5  }
0x1ba: {  	s12 =	sadd.s32 s15, s12;
	s13 =	sadd.s32 s14, s13  }
0x1bb: {  	p0 =	sle.s32 s13, s12  }
0x1bc: {  	s14 =	smul.u32 @!p0 $0x2800, s12;
	_ =	sdelay $0x1  }
0x1bd: {  	s15 =	smul.u32 @!p0 $0x50, s12;
	s14 =	sshrl.u32 @!p0 s14, $0x3  }
0x1be: {  	s16 =	simm.s32 @!p0 $0x0;
	s17 =	simm.s32 @!p0 $0xA080;
	s14 =	sadd.s32 @!p0 s0, s14  }
0x1bf: {  	[tilespmem:s17], [sflag:$0x2] =	stream.linear.gather @!p0 [hbm4b:s14+s16], $0x2800, $0x38;
	[tilespmem:$0x196E0] =	vst v63  }
0x1c0: {  	s14 =	sadd.s32 $0x1, s12  }
0x1c1: {  	s15 =	sshrl.u32 @!p0 s15, $0x3;
	p1 =	sge.s32 s14, s13  }
0x1c2: {  	s15 =	sadd.s32 @!p0 s2, s15;
	s17 =	simm.s32 @!p0 $0x19080;
	s18 =	smul.u32 @!p1 $0x2800, s14  }
0x1c3: {  	[tilespmem:s17], [sflag:$0x2] =	stream.linear.gather @!p0 [hbm4b:s15+s16], $0x50, $0x38;
	[tilespmem:$0x196E0] =	vst v63  }
0x1c4: {  	s14 =	smul.u32 @!p1 $0x50, s14  }
0x1c5: {  	s16 =	simm.s32 @!p1 $0x0;
	s15 =	sshrl.u32 @!p1 s18, $0x3  }
0x1c6: {  	s17 =	simm.s32 @!p1 $0xC880;
	s14 =	sshrl.u32 @!p1 s14, $0x3;
	s15 =	sadd.s32 @!p1 s0, s15  }
0x1c7: {  	[tilespmem:s17], [sflag:$0x3] =	stream.linear.gather @!p1 [hbm4b:s15+s16], $0x2800, $0x38;
	[tilespmem:$0x196E0] =	vst v63  }
0x1c8: {  	s14 =	sadd.s32 @!p1 s2, s14;
	s15 =	simm.s32 @!p1 $0x190D0  }
0x1c9: {  	[tilespmem:s15], [sflag:$0x3] =	stream.linear.gather @!p1 [hbm4b:s14+s16], $0x50, $0x38;
	[tilespmem:$0x196E0] =	vst v63  }
0x1ca: {  	s14 =	ssub.s32 s13, s12  }
0x1cb: {  	p0 =	slt.s32 s14, $0x1  }
.Ltmp2:
0x1cc: {  	_ = 	snop;
	(pc) =	sbr.rel @p0 .LBB2_12-.Ltmp2, $1  }
0x1cd: {  	_ =	sdelay $0x3  }
.Ltmp3:
0x1ce: {  	(pc) =	sbr.rel .LBB2_7-.Ltmp3, $4  }
0x1cf: {  	s16 =	smul.u32 $0x50, s12  }
0x1d0: {  	s17 =	smul.u32 $0x2800, s12  }
0x1d1: {  	s14 =	sadd.s32 $0x1, s14;
	s15 =	sadd.s32 $0xFFFFFFFF, s13  }
0x1d2: {  	s14 =	sshrl.u32 s14, $0x1;
	s16 =	sadd.s32 $0xA0, s16;
	s17 =	sadd.s32 $0x5000, s17  }
.LBB2_11:
0x1d3: {  	s14 =	sadd.s32 $0xFFFFFFFF, s14  }
0x1d4: {  	p0 =	sne.s32 s14, $0x0  }
.Ltmp4:
0x1d5: {  	_ = 	snop;
	(pc) =	sbr.rel @!p0 .LBB2_12-.Ltmp4, $2  }
0x1d6: {  	_ =	sdelay $0x2  }
0x1d7: {  	s12 =	sadd.s32 $0x2, s12;
	s16 =	sadd.s32 $0xA0, s16;
	s17 =	sadd.s32 $0x5000, s17  }
.LBB2_7:
0x1d8: {  	p0 =	sge.s32 s12, s13  }
.Ltmp5:
0x1d9: {  	_ = 	snop;
	(pc) =	sbr.rel @p0 .LBB2_9-.Ltmp5, $1  }
0x1da: {  	_ =	sdelay $0x3  }
0x1db: {  	_ =	swait.ge [sflag:s29], $0x2800  }
0x1dc: {  	[sflag:s29] =	ssyncset.done $0x0  }
0x1dd: {  	[sflag:s29] =	ssyncadd.s32 $0xFFFFD800  }
0x1de: {  	_ =	swait.ge [sflag:s29], $0x50  }
0x1df: {  	[sflag:s29] =	ssyncset.done $0x0  }
0x1e0: {  	[sflag:s29] =	ssyncadd.s32 $0xFFFFFFB0  }
0x1e1: {  	v9 =	vld [tilespmem:$0x19080];
	_ =	sdelay $0x4  }
0x1e2: {  	v10 =	vsub.s32 v9, v0  }
0x1e3: {  	[tilespmem:$0x192D0] =	vst v9;
	v11 =	vmin.u32 v10, $0x140  }
0x1e4: {  	[tilespmem:$0x19120] =	vst v11  }
0x1e5: {  	v12 =	vld.idx.msk [tilespmem:v6+s30+$0x0], $0xffff;
	_ =	sdelay $0x3  }
0x1e6: {  	vm0 =	veq.s32 v2, $0x0  }
0x1e7: {  	v12 =	vsel vm0, $0xFFFFFFFF, v12  }
0x1e8: {  	vm1 =	vne.s32 v9, v12  }
0x1e9: {  	v9 =	vnsel vm1, $0xFFFFFFF0, v3  }
0x1ea: {  	v9 =	vperm.xlane v9, v7;
	_ =	sdelay $0x1  }
0x1eb: {  	v9 =	vxor.u32 $0x80000000, v9  }
0x1ec: {  	(xrf0) =	vmax.scan.msk.u32 $0xffff, v9;
	_ =	sdelay $0x5  }
0x1ed: {  	v9, _, _ =	vpop (xrf0)  }
0x1ee: {  	v9 =	vxor.u32 $0x80000000, v9  }
0x1ef: {  	v9 =	vperm.xlane v9, v7;
	_ =	sdelay $0x1  }
0x1f0: {  	[tilespmem:$0x192D0] =	vst v9  }
0x1f1: {  	v9 =	vld.idx.msk [tilespmem:v8+s30+$0x0], $0xffff;
	_ =	sdelay $0x1  }
0x1f2: {  	vm2 =	vlt.u32 v10, $0x140  }
0x1f3: {  	vm2 =	vmand vm2, vm1  }
0x1f4: {  	vm9 =	veq.s32 v2, $0xF  }
0x1f5: {  	v9 =	vsel vm9, $0xFFFFFFF0, v9  }
0x1f6: {  	v9 =	vsub.s32 v3, v9  }
0x1f7: {  	v9 =	vcvt.s32.f32 v9;
	_ =	sdelay $0x1  }
0x1f8: {  	[tilespmem:v11+s31+$0x0] =	vst.idx.add.f32.msk vm2, v9  }
0x1f9: {  	v9 =	vld [tilespmem:$0x19090];
	_ =	sdelay $0x4  }
0x1fa: {  	v10 =	vsub.s32 v9, v0  }
0x1fb: {  	[tilespmem:$0x192D0] =	vst v9;
	v11 =	vmin.u32 v10, $0x140  }
0x1fc: {  	[tilespmem:$0x19130] =	vst v11  }
0x1fd: {  	v60 =	vld.idx.msk [tilespmem:v6+s30+$0x0], $0xffff;
	_ =	sdelay $0x4  }
0x1fe: {  	v12 =	vsel vm0, $0xFFFFFFFF, v60  }
0x1ff: {  	vm10 =	vne.s32 v9, v12  }
0x200: {  	v9 =	vnsel vm10, $0xFFFFFFF0, v3  }
0x201: {  	v9 =	vperm.xlane v9, v7;
	_ =	sdelay $0x1  }
0x202: {  	v9 =	vxor.u32 $0x80000000, v9  }
0x203: {  	(xrf0) =	vmax.scan.msk.u32 $0xffff, v9;
	_ =	sdelay $0x5  }
0x204: {  	v9, _, _ =	vpop (xrf0)  }
0x205: {  	v9 =	vxor.u32 $0x80000000, v9  }
0x206: {  	v9 =	vperm.xlane v9, v7;
	_ =	sdelay $0x1  }
0x207: {  	[tilespmem:$0x192D0] =	vst v9  }
0x208: {  	v9 =	vld.idx.msk [tilespmem:v8+s30+$0x0], $0xffff;
	_ =	sdelay $0x1  }
0x209: {  	vm3 =	vlt.u32 v10, $0x140  }
0x20a: {  	vm2 =	vmand vm3, vm10;
	_ =	sdelay $0x1  }
0x20b: {  	v9 =	vsel vm9, $0xFFFFFFF0, v9  }
0x20c: {  	v9 =	vsub.s32 v3, v9  }
0x20d: {  	v9 =	vcvt.s32.f32 v9;
	_ =	sdelay $0x1  }
0x20e: {  	[tilespmem:v11+s31+$0x0] =	vst.idx.add.f32.msk vm2, v9  }
0x20f: {  	v9 =	vld [tilespmem:$0x190A0];
	_ =	sdelay $0x4  }
0x210: {  	v10 =	vsub.s32 v9, v0  }
0x211: {  	[tilespmem:$0x192D0] =	vst v9;
	v11 =	vmin.u32 v10, $0x140  }
0x212: {  	[tilespmem:$0x19140] =	vst v11  }
0x213: {  	v61 =	vld.idx.msk [tilespmem:v6+s30+$0x0], $0xffff;
	_ =	sdelay $0x4  }
0x214: {  	v12 =	vsel vm0, $0xFFFFFFFF, v61  }
0x215: {  	vm11 =	vne.s32 v9, v12  }
0x216: {  	v9 =	vnsel vm11, $0xFFFFFFF0, v3  }
0x217: {  	v9 =	vperm.xlane v9, v7;
	_ =	sdelay $0x1  }
0x218: {  	v9 =	vxor.u32 $0x80000000, v9  }
0x219: {  	(xrf0) =	vmax.scan.msk.u32 $0xffff, v9;
	_ =	sdelay $0x5  }
0x21a: {  	v9, _, _ =	vpop (xrf0)  }
0x21b: {  	v9 =	vxor.u32 $0x80000000, v9  }
0x21c: {  	v9 =	vperm.xlane v9, v7;
	_ =	sdelay $0x1  }
0x21d: {  	[tilespmem:$0x192D0] =	vst v9  }
0x21e: {  	v9 =	vld.idx.msk [tilespmem:v8+s30+$0x0], $0xffff;
	_ =	sdelay $0x1  }
0x21f: {  	vm12 =	vlt.u32 v10, $0x140  }
0x220: {  	vm2 =	vmand vm12, vm11;
	_ =	sdelay $0x1  }
0x221: {  	v9 =	vsel vm9, $0xFFFFFFF0, v9  }
0x222: {  	v9 =	vsub.s32 v3, v9  }
0x223: {  	v9 =	vcvt.s32.f32 v9;
	_ =	sdelay $0x1  }
0x224: {  	[tilespmem:v11+s31+$0x0] =	vst.idx.add.f32.msk vm2, v9  }
0x225: {  	v9 =	vld [tilespmem:$0x190B0];
	_ =	sdelay $0x4  }
0x226: {  	v10 =	vsub.s32 v9, v0  }
0x227: {  	[tilespmem:$0x192D0] =	vst v9;
	v11 =	vmin.u32 v10, $0x140  }
0x228: {  	[tilespmem:$0x19150] =	vst v11  }
0x229: {  	v62 =	vld.idx.msk [tilespmem:v6+s30+$0x0], $0xffff;
	_ =	sdelay $0x4  }
0x22a: {  	v12 =	vsel vm0, $0xFFFFFFFF, v62  }
0x22b: {  	vm13 =	vne.s32 v9, v12  }
0x22c: {  	v9 =	vnsel vm13, $0xFFFFFFF0, v3  }
0x22d: {  	v9 =	vperm.xlane v9, v7;
	_ =	sdelay $0x1  }
0x22e: {  	v9 =	vxor.u32 $0x80000000, v9  }
0x22f: {  	(xrf0) =	vmax.scan.msk.u32 $0xffff, v9;
	_ =	sdelay $0x5  }
0x230: {  	v9, _, _ =	vpop (xrf0)  }
0x231: {  	v9 =	vxor.u32 $0x80000000, v9  }
0x232: {  	v9 =	vperm.xlane v9, v7;
	_ =	sdelay $0x1  }
0x233: {  	[tilespmem:$0x192D0] =	vst v9  }
0x234: {  	v9 =	vld.idx.msk [tilespmem:v8+s30+$0x0], $0xffff;
	_ =	sdelay $0x1  }
0x235: {  	vm14 =	vlt.u32 v10, $0x140  }
0x236: {  	vm2 =	vmand vm14, vm13;
	_ =	sdelay $0x1  }
0x237: {  	v9 =	vsel vm9, $0xFFFFFFF0, v9  }
0x238: {  	v9 =	vsub.s32 v3, v9  }
0x239: {  	v9 =	vcvt.s32.f32 v9;
	_ =	sdelay $0x1  }
0x23a: {  	[tilespmem:v11+s31+$0x0] =	vst.idx.add.f32.msk vm2, v9  }
0x23b: {  	v9 =	vld [tilespmem:$0x190C0];
	_ =	sdelay $0x4  }
0x23c: {  	v10 =	vsub.s32 v9, v0  }
0x23d: {  	[tilespmem:$0x192D0] =	vst v9;
	v11 =	vmin.u32 v10, $0x140  }
0x23e: {  	[tilespmem:$0x19160] =	vst v11  }
0x23f: {  	v63 =	vld.idx.msk [tilespmem:v6+s30+$0x0], $0xffff;
	_ =	sdelay $0x4  }
0x240: {  	v12 =	vsel vm0, $0xFFFFFFFF, v63  }
0x241: {  	vm0 =	vne.s32 v9, v12  }
0x242: {  	v9 =	vnsel vm0, $0xFFFFFFF0, v3  }
0x243: {  	v9 =	vperm.xlane v9, v7;
	_ =	sdelay $0x1  }
0x244: {  	v9 =	vxor.u32 $0x80000000, v9  }
0x245: {  	(xrf0) =	vmax.scan.msk.u32 $0xffff, v9;
	_ =	sdelay $0x5  }
0x246: {  	v9, _, _ =	vpop (xrf0)  }
0x247: {  	v9 =	vxor.u32 $0x80000000, v9  }
0x248: {  	v9 =	vperm.xlane v9, v7;
	_ =	sdelay $0x1  }
0x249: {  	[tilespmem:$0x192D0] =	vst v9  }
0x24a: {  	v9 =	vld.idx.msk [tilespmem:v8+s30+$0x0], $0xffff;
	_ =	sdelay $0x1  }
0x24b: {  	vm15 =	vlt.u32 v10, $0x140  }
0x24c: {  	vm0 =	vmand vm15, vm0;
	_ =	sdelay $0x1  }
0x24d: {  	v9 =	vsel vm9, $0xFFFFFFF0, v9  }
0x24e: {  	v9 =	vsub.s32 v3, v9  }
0x24f: {  	v9 =	vcvt.s32.f32 v9;
	_ =	sdelay $0x1  }
0x250: {  	s18 =	sadd.s32 $0x2, s12;
	[tilespmem:v11+s31+$0x0] =	vst.idx.add.f32.msk vm0, v9  }
0x251: {  	[spmem:s6] =	stream.indirect.scatter.add.f32 [tilespmem:s7], [sflag:$0x4], $0x80, s1, s3, $0xb8;
	[tilespmem:$0x196E0] =	vst v63  }
0x252: {  	p0 =	sge.s32 s18, s13;
	_ =	swait.ge [sflag:s26], $0x2800  }
0x253: {  	s18 =	sshrl.u32 @!p0 s17, $0x3;
	s19 =	simm.s32 @!p0 $0x0;
	[sflag:s26] =	ssyncset.done $0x0  }
0x254: {  	s20 =	simm.s32 @!p0 $0xA080;
	s18 =	sadd.s32 @!p0 s0, s18;
	[sflag:s26] =	ssyncadd.s32 $0xFFFFD800  }
0x255: {  	[tilespmem:s20], [sflag:$0x2] =	stream.linear.gather @!p0 [hbm4b:s18+s19], $0x2800, $0x38;
	[tilespmem:$0x196E0] =	vst v63  }
0x256: {  	s18 =	sshrl.u32 @!p0 s16, $0x3  }
0x257: {  	s20 =	simm.s32 @!p0 $0x19080;
	s18 =	sadd.s32 @!p0 s2, s18  }
0x258: {  	[tilespmem:s20], [sflag:$0x2] =	stream.linear.gather @!p0 [hbm4b:s18+s19], $0x50, $0x38;
	[tilespmem:$0x196E0] =	vst v63  }
.LBB2_9:
0x259: {  	p0 =	sge.s32 s12, s15  }
.Ltmp6:
0x25a: {  	_ = 	snop;
	(pc) =	sbr.rel @p0 .LBB2_11-.Ltmp6, $1  }
0x25b: {  	_ =	sdelay $0x3  }
0x25c: {  	_ =	swait.ge [sflag:s8], $0x2800  }
0x25d: {  	[sflag:s8] =	ssyncset.done $0x0  }
0x25e: {  	[sflag:s8] =	ssyncadd.s32 $0xFFFFD800  }
0x25f: {  	_ =	swait.ge [sflag:s8], $0x50  }
0x260: {  	[sflag:s8] =	ssyncset.done $0x0  }
0x261: {  	[sflag:s8] =	ssyncadd.s32 $0xFFFFFFB0  }
0x262: {  	v9 =	vld [tilespmem:$0x190D0];
	_ =	sdelay $0x4  }
0x263: {  	v10 =	vsub.s32 v9, v0  }
0x264: {  	[tilespmem:$0x192D0] =	vst v9;
	v11 =	vmin.u32 v10, $0x140  }
0x265: {  	[tilespmem:$0x19120] =	vst v11  }
0x266: {  	v12 =	vld.idx.msk [tilespmem:v6+s30+$0x0], $0xffff;
	_ =	sdelay $0x3  }
0x267: {  	vm0 =	veq.s32 v2, $0x0  }
0x268: {  	v12 =	vsel vm0, $0xFFFFFFFF, v12  }
0x269: {  	vm1 =	vne.s32 v9, v12  }
0x26a: {  	v9 =	vnsel vm1, $0xFFFFFFF0, v3  }
0x26b: {  	v9 =	vperm.xlane v9, v7;
	_ =	sdelay $0x1  }
0x26c: {  	v9 =	vxor.u32 $0x80000000, v9  }
0x26d: {  	(xrf0) =	vmax.scan.msk.u32 $0xffff, v9;
	_ =	sdelay $0x5  }
0x26e: {  	v9, _, _ =	vpop (xrf0)  }
0x26f: {  	v9 =	vxor.u32 $0x80000000, v9  }
0x270: {  	v9 =	vperm.xlane v9, v7;
	_ =	sdelay $0x1  }
0x271: {  	[tilespmem:$0x192D0] =	vst v9  }
0x272: {  	v9 =	vld.idx.msk [tilespmem:v8+s30+$0x0], $0xffff;
	_ =	sdelay $0x1  }
0x273: {  	vm2 =	vlt.u32 v10, $0x140  }
0x274: {  	vm2 =	vmand vm2, vm1  }
0x275: {  	vm9 =	veq.s32 v2, $0xF  }
0x276: {  	v9 =	vsel vm9, $0xFFFFFFF0, v9  }
0x277: {  	v9 =	vsub.s32 v3, v9  }
0x278: {  	v9 =	vcvt.s32.f32 v9;
	_ =	sdelay $0x1  }
0x279: {  	[tilespmem:v11+s31+$0x0] =	vst.idx.add.f32.msk vm2, v9  }
0x27a: {  	v9 =	vld [tilespmem:$0x190E0];
	_ =	sdelay $0x4  }
0x27b: {  	v10 =	vsub.s32 v9, v0  }
0x27c: {  	[tilespmem:$0x192D0] =	vst v9;
	v11 =	vmin.u32 v10, $0x140  }
0x27d: {  	[tilespmem:$0x19130] =	vst v11  }
0x27e: {  	v60 =	vld.idx.msk [tilespmem:v6+s30+$0x0], $0xffff;
	_ =	sdelay $0x4  }
0x27f: {  	v12 =	vsel vm0, $0xFFFFFFFF, v60  }
0x280: {  	vm10 =	vne.s32 v9, v12  }
0x281: {  	v9 =	vnsel vm10, $0xFFFFFFF0, v3  }
0x282: {  	v9 =	vperm.xlane v9, v7;
	_ =	sdelay $0x1  }
0x283: {  	v9 =	vxor.u32 $0x80000000, v9  }
0x284: {  	(xrf0) =	vmax.scan.msk.u32 $0xffff, v9;
	_ =	sdelay $0x5  }
0x285: {  	v9, _, _ =	vpop (xrf0)  }
0x286: {  	v9 =	vxor.u32 $0x80000000, v9  }
0x287: {  	v9 =	vperm.xlane v9, v7;
	_ =	sdelay $0x1  }
0x288: {  	[tilespmem:$0x192D0] =	vst v9  }
0x289: {  	v9 =	vld.idx.msk [tilespmem:v8+s30+$0x0], $0xffff;
	_ =	sdelay $0x1  }
0x28a: {  	vm3 =	vlt.u32 v10, $0x140  }
0x28b: {  	vm2 =	vmand vm3, vm10;
	_ =	sdelay $0x1  }
0x28c: {  	v9 =	vsel vm9, $0xFFFFFFF0, v9  }
0x28d: {  	v9 =	vsub.s32 v3, v9  }
0x28e: {  	v9 =	vcvt.s32.f32 v9;
	_ =	sdelay $0x1  }
0x28f: {  	[tilespmem:v11+s31+$0x0] =	vst.idx.add.f32.msk vm2, v9  }
0x290: {  	v9 =	vld [tilespmem:$0x190F0];
	_ =	sdelay $0x4  }
0x291: {  	v10 =	vsub.s32 v9, v0  }
0x292: {  	[tilespmem:$0x192D0] =	vst v9;
	v11 =	vmin.u32 v10, $0x140  }
0x293: {  	[tilespmem:$0x19140] =	vst v11  }
0x294: {  	v61 =	vld.idx.msk [tilespmem:v6+s30+$0x0], $0xffff;
	_ =	sdelay $0x4  }
0x295: {  	v12 =	vsel vm0, $0xFFFFFFFF, v61  }
0x296: {  	vm11 =	vne.s32 v9, v12  }
0x297: {  	v9 =	vnsel vm11, $0xFFFFFFF0, v3  }
0x298: {  	v9 =	vperm.xlane v9, v7;
	_ =	sdelay $0x1  }
0x299: {  	v9 =	vxor.u32 $0x80000000, v9  }
0x29a: {  	(xrf0) =	vmax.scan.msk.u32 $0xffff, v9;
	_ =	sdelay $0x5  }
0x29b: {  	v9, _, _ =	vpop (xrf0)  }
0x29c: {  	v9 =	vxor.u32 $0x80000000, v9  }
0x29d: {  	v9 =	vperm.xlane v9, v7;
	_ =	sdelay $0x1  }
0x29e: {  	[tilespmem:$0x192D0] =	vst v9  }
0x29f: {  	v9 =	vld.idx.msk [tilespmem:v8+s30+$0x0], $0xffff;
	_ =	sdelay $0x1  }
0x2a0: {  	vm12 =	vlt.u32 v10, $0x140  }
0x2a1: {  	vm2 =	vmand vm12, vm11;
	_ =	sdelay $0x1  }
0x2a2: {  	v9 =	vsel vm9, $0xFFFFFFF0, v9  }
0x2a3: {  	v9 =	vsub.s32 v3, v9  }
0x2a4: {  	v9 =	vcvt.s32.f32 v9;
	_ =	sdelay $0x1  }
0x2a5: {  	[tilespmem:v11+s31+$0x0] =	vst.idx.add.f32.msk vm2, v9  }
0x2a6: {  	v9 =	vld [tilespmem:$0x19100];
	_ =	sdelay $0x4  }
0x2a7: {  	v10 =	vsub.s32 v9, v0  }
0x2a8: {  	[tilespmem:$0x192D0] =	vst v9;
	v11 =	vmin.u32 v10, $0x140  }
0x2a9: {  	[tilespmem:$0x19150] =	vst v11  }
0x2aa: {  	v62 =	vld.idx.msk [tilespmem:v6+s30+$0x0], $0xffff;
	_ =	sdelay $0x4  }
0x2ab: {  	v12 =	vsel vm0, $0xFFFFFFFF, v62  }
0x2ac: {  	vm13 =	vne.s32 v9, v12  }
0x2ad: {  	v9 =	vnsel vm13, $0xFFFFFFF0, v3  }
0x2ae: {  	v9 =	vperm.xlane v9, v7;
	_ =	sdelay $0x1  }
0x2af: {  	v9 =	vxor.u32 $0x80000000, v9  }
0x2b0: {  	(xrf0) =	vmax.scan.msk.u32 $0xffff, v9;
	_ =	sdelay $0x5  }
0x2b1: {  	v9, _, _ =	vpop (xrf0)  }
0x2b2: {  	v9 =	vxor.u32 $0x80000000, v9  }
0x2b3: {  	v9 =	vperm.xlane v9, v7;
	_ =	sdelay $0x1  }
0x2b4: {  	[tilespmem:$0x192D0] =	vst v9  }
0x2b5: {  	v9 =	vld.idx.msk [tilespmem:v8+s30+$0x0], $0xffff;
	_ =	sdelay $0x1  }
0x2b6: {  	vm14 =	vlt.u32 v10, $0x140  }
0x2b7: {  	vm2 =	vmand vm14, vm13;
	_ =	sdelay $0x1  }
0x2b8: {  	v9 =	vsel vm9, $0xFFFFFFF0, v9  }
0x2b9: {  	v9 =	vsub.s32 v3, v9  }
0x2ba: {  	v9 =	vcvt.s32.f32 v9;
	_ =	sdelay $0x1  }
0x2bb: {  	[tilespmem:v11+s31+$0x0] =	vst.idx.add.f32.msk vm2, v9  }
0x2bc: {  	v9 =	vld [tilespmem:$0x19110];
	_ =	sdelay $0x4  }
0x2bd: {  	v10 =	vsub.s32 v9, v0  }
0x2be: {  	[tilespmem:$0x192D0] =	vst v9;
	v11 =	vmin.u32 v10, $0x140  }
0x2bf: {  	[tilespmem:$0x19160] =	vst v11  }
0x2c0: {  	v63 =	vld.idx.msk [tilespmem:v6+s30+$0x0], $0xffff;
	_ =	sdelay $0x4  }
0x2c1: {  	v12 =	vsel vm0, $0xFFFFFFFF, v63  }
0x2c2: {  	vm0 =	vne.s32 v9, v12  }
0x2c3: {  	v9 =	vnsel vm0, $0xFFFFFFF0, v3  }
0x2c4: {  	v9 =	vperm.xlane v9, v7;
	_ =	sdelay $0x1  }
0x2c5: {  	v9 =	vxor.u32 $0x80000000, v9  }
0x2c6: {  	(xrf0) =	vmax.scan.msk.u32 $0xffff, v9;
	_ =	sdelay $0x5  }
0x2c7: {  	v9, _, _ =	vpop (xrf0)  }
0x2c8: {  	v9 =	vxor.u32 $0x80000000, v9  }
0x2c9: {  	v9 =	vperm.xlane v9, v7;
	_ =	sdelay $0x1  }
0x2ca: {  	[tilespmem:$0x192D0] =	vst v9  }
0x2cb: {  	v9 =	vld.idx.msk [tilespmem:v8+s30+$0x0], $0xffff;
	_ =	sdelay $0x1  }
0x2cc: {  	vm15 =	vlt.u32 v10, $0x140  }
0x2cd: {  	vm0 =	vmand vm15, vm0;
	_ =	sdelay $0x1  }
0x2ce: {  	v9 =	vsel vm9, $0xFFFFFFF0, v9  }
0x2cf: {  	v9 =	vsub.s32 v3, v9  }
0x2d0: {  	s18 =	sadd.s32 $0x3, s12;
	v9 =	vcvt.s32.f32 v9  }
0x2d1: {  	p0 =	sge.s32 s18, s13  }
0x2d2: {  	s18 =	sadd.s32 @!p0 $0x2800, s17;
	[tilespmem:v11+s31+$0x0] =	vst.idx.add.f32.msk vm0, v9  }
0x2d3: {  	[spmem:s6] =	stream.indirect.scatter.add.f32 [tilespmem:s9], [sflag:$0x4], $0x80, s1, s3, $0xb8;
	[tilespmem:$0x196E0] =	vst v63  }
0x2d4: {  	s19 =	sadd.s32 @!p0 $0x50, s16;
	s20 =	simm.s32 @!p0 $0x0;
	_ =	swait.ge [sflag:s26], $0x2800  }
0x2d5: {  	s21 =	simm.s32 @!p0 $0xC880;
	s18 =	sshrl.u32 @!p0 s18, $0x3;
	[sflag:s26] =	ssyncset.done $0x0  }
.Ltmp7:
0x2d6: {  	s18 =	sadd.s32 @!p0 s0, s18;
	[sflag:s26] =	ssyncadd.s32 $0xFFFFD800;
	(pc) =	sbr.rel .LBB2_11-.Ltmp7, $4  }
0x2d7: {  	[tilespmem:s21], [sflag:$0x3] =	stream.linear.gather @!p0 [hbm4b:s18+s20], $0x2800, $0x38;
	[tilespmem:$0x196E0] =	vst v63  }
0x2d8: {  	s18 =	sshrl.u32 @!p0 s19, $0x3  }
0x2d9: {  	s19 =	simm.s32 @!p0 $0x190D0;
	s18 =	sadd.s32 @!p0 s2, s18  }
0x2da: {  	[tilespmem:s19], [sflag:$0x3] =	stream.linear.gather @!p0 [hbm4b:s18+s20], $0x50, $0x38;
	[tilespmem:$0x196E0] =	vst v63  }
.LBB2_12:
0x2db: {  	s12 =	simm.s32 $0x0  }
0x2dc: {  	v9 =	vmov s12  }
0x2dd: {  	[tilespmem:s10], [sflag:$0x4] =	stream.linear.gather [spmem:s6], $0xA000, $0x38;
	[tilespmem:$0x196E0] =	vst v63  }
0x2de: {  	_ =	swait.ge [sflag:s26], $0xA000  }
0x2df: {  	[sflag:s26] =	ssyncset.done $0x0  }
0x2e0: {  	[sflag:s26] =	ssyncadd.s32 $0xFFFF6000  }
0x2e1: {  	v9 =	vld.idx.msk [tilespmem:v9+s31+$0x0], $0xffff;
	_ =	sdelay $0x4  }
0x2e2: {  	v9 =	vadd.f32 $9.999999710e-10, v9;
	_ =	sdelay $0x1  }
0x2e3: {  	(erf) = vrcp.f32 v9;
	_ =	sdelay $0x1  }
0x2e4: {  	s12 =	simm.s32 $0xF0C0  }
0x2e5: {  	v11 =	vld [tilespmem:s12+$0x30]  }
0x2e6: {  	v10 =	vld [tilespmem:s12+$0xFFFFFFC0]  }
0x2e7: {  	v12 =	vld [tilespmem:s12+$0xFFFFFFD0]  }
0x2e8: {  	v13 =	vld [tilespmem:s12+$0xFFFFFFE0]  }
0x2e9: {  	v14 =	vld [tilespmem:s12+$0x10]  }
0x2ea: {  	v9 =	vld [tilespmem:s12+$0xFFFFFFF0]  }
0x2eb: {  	v15 =	vld [tilespmem:s12+$0x0];
	v16 =	vpop (erf)  }
0x2ec: {  	v17 =	vld [tilespmem:s12+$0x20];
	v10 =	vmul.f32 v16, v10  }
0x2ed: {  	v12 =	vmul.f32 v12, v16  }
0x2ee: {  	v13 =	vmul.f32 v13, v16;
	[tilespmem:s12+$0xFFFFFFC0] =	vst v10  }
0x2ef: {  	v18 =	vmul.f32 v9, v16;
	[tilespmem:s12+$0xFFFFFFD0] =	vst v12  }
0x2f0: {  	s13 =	simm.s32 $0x1;
	v9 =	vmul.f32 v14, v16;
	v10 =	vmul.f32 v15, v16;
	[tilespmem:s12+$0xFFFFFFE0] =	vst v13  }
0x2f1: {  	v11 =	vmul.f32 v11, v16;
	v12 =	vmul.f32 v17, v16;
	v13 =	vmov s13;
	s13 =	simm.s32 $0x2;
	[tilespmem:s12+$0xFFFFFFF0] =	vst v18  }
.LBB2_13:
0x2f2: {  	p0 =	sne.s32 s13, $0x13F;
	[tilespmem:s12+$0x0] =	vst v10  }
0x2f3: {  	[tilespmem:s12+$0x10] =	vst v9  }
0x2f4: {  	[tilespmem:s12+$0x20] =	vst v12  }
0x2f5: {  	[tilespmem:s12+$0x30] =	vst v11  }
0x2f6: {  	v9 =	vld.idx.msk [tilespmem:v13+s31+$0x0], $0xffff;
	_ =	sdelay $0x5  }
0x2f7: {  	v9 =	vadd.f32 $9.999999710e-10, v9;
	_ =	sdelay $0x1  }
0x2f8: {  	s12 =	sadd.s32 $0x80, s12;
	(erf) = vrcp.f32 v9  }
0x2f9: {  	v9 =	vld [tilespmem:s12+$0xFFFFFFF0]  }
0x2fa: {  	v11 =	vld [tilespmem:s12+$0x30]  }
0x2fb: {  	v12 =	vld [tilespmem:s12+$0x10]  }
0x2fc: {  	v10 =	vld [tilespmem:s12+$0xFFFFFFD0]  }
0x2fd: {  	v13 =	vld [tilespmem:s12+$0xFFFFFFC0]  }
0x2fe: {  	v14 =	vld [tilespmem:s12+$0xFFFFFFE0]  }
0x2ff: {  	v15 =	vld [tilespmem:s12+$0x0]  }
0x300: {  	v16 =	vld [tilespmem:s12+$0x20]  }
0x301: {  	v17 =	vpop (erf)  }
0x302: {  	v13 =	vmul.f32 v17, v13;
	v18 =	vmul.f32 v10, v17  }
.Ltmp8:
0x303: {  	v19 =	vmul.f32 v9, v17;
	v14 =	vmul.f32 v14, v17;
	(pc) =	sbr.rel @p0 .LBB2_13-.Ltmp8, $4  }
0x304: {  	v9 =	vmul.f32 v12, v17;
	[tilespmem:s12+$0xFFFFFFC0] =	vst v13;
	v10 =	vmul.f32 v15, v17  }
0x305: {  	v11 =	vmul.f32 v11, v17;
	[tilespmem:s12+$0xFFFFFFD0] =	vst v18;
	v12 =	vmul.f32 v16, v17  }
0x306: {  	[tilespmem:s12+$0xFFFFFFE0] =	vst v14  }
0x307: {  	v13 =	vmov s13;
	s13 =	sadd.s32 $0x1, s13;
	[tilespmem:s12+$0xFFFFFFF0] =	vst v19  }
0x308: {  	[tilespmem:s12+$0x0] =	vst v10  }
0x309: {  	[tilespmem:s12+$0x10] =	vst v9  }
0x30a: {  	[tilespmem:s12+$0x20] =	vst v12  }
0x30b: {  	[tilespmem:s12+$0x30] =	vst v11  }
0x30c: {  	v9 =	vld.idx.msk [tilespmem:v13+s31+$0x0], $0xffff;
	_ =	sdelay $0x4  }
0x30d: {  	v9 =	vadd.f32 $9.999999710e-10, v9;
	_ =	sdelay $0x1  }
0x30e: {  	(erf) = vrcp.f32 v9;
	_ =	sdelay $0x3  }
0x30f: {  	s19 =	sadd.s32 $0x80, s12  }
0x310: {  	v9 =	vld [tilespmem:s19+$0xFFFFFFC0]  }
0x311: {  	v10 =	vld [tilespmem:s19+$0xFFFFFFD0]  }
0x312: {  	v11 =	vld [tilespmem:s19+$0xFFFFFFE0]  }
0x313: {  	v12 =	vld [tilespmem:s19+$0xFFFFFFF0]  }
0x314: {  	v63 =	vld [tilespmem:s19+$0x0];
	v14 =	vpop (erf)  }
0x315: {  	v15 =	vld [tilespmem:s19+$0x10];
	v9 =	vmul.f32 v14, v9  }
0x316: {  	v16 =	vld [tilespmem:s19+$0x20];
	v10 =	vmul.f32 v10, v14  }
0x317: {  	v17 =	vld [tilespmem:s19+$0x30];
	v11 =	vmul.f32 v11, v14;
	[tilespmem:s19+$0xFFFFFFC0] =	vst v9  }
0x318: {  	v9 =	vmul.f32 v12, v14;
	[tilespmem:s19+$0xFFFFFFD0] =	vst v10  }
0x319: {  	v10 =	vmul.f32 v63, v14;
	[tilespmem:s19+$0xFFFFFFE0] =	vst v11  }
0x31a: {  	v11 =	vmul.f32 v15, v14;
	[tilespmem:s19+$0xFFFFFFF0] =	vst v9  }
0x31b: {  	v9 =	vmul.f32 v16, v14;
	[tilespmem:s19+$0x0] =	vst v10  }
0x31c: {  	v10 =	vmul.f32 v17, v14;
	[tilespmem:s19+$0x10] =	vst v11  }
0x31d: {  	[tilespmem:s19+$0x20] =	vst v9  }
0x31e: {  	s20 =	rddreg [dreg:$0x16];
	[tilespmem:s19+$0x30] =	vst v10  }
0x31f: {  	[hbm4b:s20+s4] =	stream.linear.scatter [tilespmem:s10], [sflag:$0x4], $0xA000, $0x38;
	[tilespmem:$0x196E0] =	vst v63  }
0x320: {  	_ =	swait.ge [sflag:s26], $0xA000  }
0x321: {  	s11 =	sadd.s32 $0x1, s11;
	s21 =	rddreg [dreg:$0x17]  }
0x322: {  	p0 =	sne.s32 s11, s21  }
.Ltmp9:
0x323: {  	_ = 	snop;
	(pc) =	sbr.rel @p0 .LBB2_1-.Ltmp9, $3  }
0x324: {  	_ =	sdelay $0x1  }
0x325: {  	[sflag:s26] =	ssyncset.done $0x0  }
0x326: {  	[sflag:s26] =	ssyncadd.s32 $0xFFFF6000  }
0x327: {  	_ =	sfence.sel $0x180000  }
0x328: {  	[bflag:$0x0] =	sbarrier.arrive $0xFFFF  }
0x329: {  	_ =	strace $0x90000047  }
0x32a: {  	s0 =	stileid.u32;
	[bflag:$0x2] =	sbarrier.arrive $0xFFFF  }
0x32b: {  	p0 =	sne.s32 s0, $0x0;
	s0 =	rddreg [dreg:$0x4]  }
0x32c: {  	s0 =	sadd.s32 @!p0 $0x100000, s0  }
0x32d: {  	[sflag:s0] =	ssyncadd.tile.s32 @!p0 $0x1;
	_ =	shalt  }
.Lfunc_end2:
_tile_overlayer_lowered:
.L_overlay_start_2:
0x32e: {  	(tag) =	ssettag $0x2  }
0x32f: {  	s0 =	rddreg [dreg:$0x0];
	s2 =	stileid.u32  }
0x330: {  	s1 =	rddreg [dreg:$0x1];
	p0 =	sne.s32 s2, $0x0  }
0x331: {  	s3 =	rddreg [dreg:$0x2];
	[bflag:$0x3] =	sbarrier.arrive $0xFFFF;
	s2 =	simm.s32 @!p0 $0x1C04  }
0x332: {  	[timem:s3], [sflag:s2] =	dma.local @!p0 [hbm:s0], s1  }
0x333: {  	s0 =	simm.s32 @!p0 $0x4  }
0x334: {  	_ =	swait.ge @!p0 [sflag:s0], s1  }
0x335: {  	s1 =	ssub.s32 @!p0 $0x0, s1;
	[sflag:s0] =	ssyncset.done @!p0 $0x0  }
0x336: {  	[sflag:s0] =	ssyncadd.s32 @!p0 s1  }
0x337: {  	[bflag:$0x3] =	sbarrier.arrive $0xFFFF  }
0x338: {  	_ =	shalt  }

// kernel: kernel.7.cloned.1.call-start
scs
__scs_entry_jumppad:
0x0: {  	(pc) =	sbr.rel $0x88, $3  }
0x1: {  	(tag) =	ssettag $0x0;
	lr =	simm.s32 $0x1  }
0x2: {  	[smem:$0x3F9F] =	sst lr;
	_ =	strace $0xD0000000  }
0x3: {  	_ = 	snop  }
0x4: {  	_ = 	snop  }
0x5: {  	_ = 	snop  }
0x6: {  	_ = 	snop  }
0x7: {  	_ = 	snop  }
__scs_overlays_trampoline_lowered:
0x8: {  	[smem:$0x3FAE] =	sst s0  }
0x9: {  	[smem:$0x3FAF] =	sst s1  }
0xa: {  	[smem:$0x3FB0] =	sst s2  }
0xb: {  	[smem:$0x3FB1] =	sst s3  }
0xc: {  	[smem:$0x3FB2] =	sst s4  }
0xd: {  	[smem:$0x3FB3] =	sst s5  }
0xe: {  	[smem:$0x3FB4] =	sst s6  }
0xf: {  	[smem:$0x3FB5] =	sst s7  }
0x10: {  	[smem:$0x3FB6] =	sst s8  }
0x11: {  	[smem:$0x3FB7] =	sst s9;
	s0 =	simm.s32 @!p0 $0x0  }
0x12: {  	s1 =	sld [smem:$0x3F9D];
	s0 =	simm.s32 @p0 $0x1  }
0x13: {  	[smem:$0x3FB8] =	sst s0;
	s0 =	simm.s32 @!p1 $0x0  }
0x14: {  	s2 =	sld [smem:$0x3F9C];
	s0 =	simm.s32 @p1 $0x1  }
0x15: {  	[smem:$0x3FB9] =	sst s0;
	s0 =	simm.s32 @!p2 $0x0  }
0x16: {  	s3 =	sld [smem:$0x3FDB];
	s0 =	simm.s32 @p2 $0x1  }
0x17: {  	s4 =	simm.s32 $0x1BF5;
	[smem:$0x3FBB] =	sst s0  }
0x18: {  	s0 =	sld [smem:$0x3F9E];
	_ =	swait.ge [sflag:s4], $0x0  }
0x19: {  	s7 =	sld [smem:$0x3F9F]  }
0x1a: {  	s8 =	sadd.s32 $0xFFFFE003, lr  }
0x1b: {  	s9 =	sadd.s32 $0xFFFFFEF7, lr;
	s5 =	simm.s32 $0xFFFFFFFF;
	p2 =	slt.u32 s8, $0xFFFFF086  }
0x1c: {  	p1 =	slt.u32 s9, $0xF7A;
	s5 =	simm.s32 @!p2 $0x0  }
0x1d: {  	s5 =	simm.s32 @p1 $0x1;
	p0 =	seq.s32 s7, s2  }
0x1e: {  	s7 =	smul.u32 @!p0 $0xF7A, s2;
	p2 =	seq.s32 @!p0 s5, $0x0  }
0x1f: {  	s9 =	smul.u32 $0xF7A, s1;
	s8 =	simm.s32 @!p0 $0x1BF5;
	p2 =	por !p2, p0  }
0x20: {  	[sflag:s8] =	ssyncset.s32 @!p0 $0xFFFFF086;
	s6 =	sadd.s32 @!p0 s3, s7;
	s7 =	simm.s32 @!p0 $0x108  }
0x21: {  	s3 =	sadd.s32 s3, s9;
	s6 =	sadd.s32 @!p0 $0x88, s6;
	s7 =	simm.s32 @p2 $0x1082  }
0x22: {  	[simem:s7], [sflag:s8] =	dma.local @!p0 [hbm:s6], $0xF7A  }
0x23: {  	s9 =	sor.u32 $0xD0000000, s2;
	s6 =	simm.s32 $0x108;
	_ =	swait.ge @!p0 [sflag:s8], $0x0  }
0x24: {  	s3 =	sadd.s32 $0x88, s3;
	s6 =	simm.s32 @!p1 $0x1082;
	[sflag:s4] =	ssyncset.s32 $0xFFFFF086  }
0x25: {  	[simem:s6], [sflag:s4] =	dma.local [hbm:s3], $0xF7A  }
0x26: {  	[smem:$0x3F9F] =	sst s1;
	(tag) =	ssettag s2;
	_ =	strace s9  }
0x27: {  	s1 =	sld [smem:$0x3FAF]  }
0x28: {  	s2 =	sld [smem:$0x3FB0]  }
0x29: {  	s4 =	sld [smem:$0x3FB2]  }
0x2a: {  	p0 =	seq.s32 s5, $0x0;
	s5 =	sld [smem:$0x3FB3]  }
0x2b: {  	s6 =	sld [smem:$0x3FB4]  }
0x2c: {  	s7 =	sld [smem:$0x3FB5]  }
0x2d: {  	s3 =	simm.s32 $0x108;
	s8 =	sld [smem:$0x3FB6]  }
0x2e: {  	s3 =	simm.s32 @!p0 $0x1082;
	s9 =	sld [smem:$0x3FB7]  }
0x2f: {  	lr =	sadd.s32 s0, s3;
	s0 =	sld [smem:$0x3FAE]  }
0x30: {  	s3 =	sld [smem:$0x3FB1]  }
0x31: {  	[smem:$0x3FBA] =	sst s10  }
0x32: {  	s10 =	sld [smem:$0x3FB8];
	_ =	sdelay $0x3  }
0x33: {  	p0 =	seq.s32 s10, $0x1;
	s10 =	sld [smem:$0x3FBA];
	_ =	sdelay $0x3  }
0x34: {  	[smem:$0x3FBA] =	sst s10  }
0x35: {  	s10 =	sld [smem:$0x3FB9];
	_ =	sdelay $0x3  }
0x36: {  	p1 =	seq.s32 s10, $0x1;
	s10 =	sld [smem:$0x3FBA];
	_ =	sdelay $0x3  }
0x37: {  	[smem:$0x3FBA] =	sst s10  }
0x38: {  	s10 =	sld [smem:$0x3FBB]  }
0x39: {  	_ = 	snop;
	(pc) =	sbr.ind lr, $3  }
0x3a: {  	_ = 	snop  }
0x3b: {  	_ = 	snop  }
0x3c: {  	p2 =	seq.s32 s10, $0x1;
	s10 =	sld [smem:$0x3FBA]  }
0x3d: {  	_ =	shalt  }
0x3e: {  	_ =	shalt  }
0x3f: {  	_ =	shalt  }
0x40: {  	_ =	shalt  }
0x41: {  	_ =	shalt  }
0x42: {  	_ =	shalt  }
0x43: {  	_ =	shalt  }
0x44: {  	_ =	shalt  }
0x45: {  	_ =	shalt  }
0x46: {  	_ =	shalt  }
0x47: {  	_ =	shalt  }
0x48: {  	_ =	shalt  }
0x49: {  	_ =	shalt  }
0x4a: {  	_ =	shalt  }
0x4b: {  	_ =	shalt  }
0x4c: {  	_ =	shalt  }
0x4d: {  	_ =	shalt  }
0x4e: {  	_ =	shalt  }
0x4f: {  	_ =	shalt  }
0x50: {  	_ =	shalt  }
0x51: {  	_ =	shalt  }
0x52: {  	_ =	shalt  }
0x53: {  	_ =	shalt  }
0x54: {  	_ =	shalt  }
0x55: {  	_ =	shalt  }
0x56: {  	_ =	shalt  }
0x57: {  	_ =	shalt  }
0x58: {  	_ =	shalt  }
0x59: {  	_ =	shalt  }
0x5a: {  	_ =	shalt  }
0x5b: {  	_ =	shalt  }
0x5c: {  	_ =	shalt  }
0x5d: {  	_ =	shalt  }
0x5e: {  	_ =	shalt  }
0x5f: {  	_ =	shalt  }
0x60: {  	_ =	shalt  }
0x61: {  	_ =	shalt  }
0x62: {  	_ =	shalt  }
0x63: {  	_ =	shalt  }
0x64: {  	_ =	shalt  }
0x65: {  	_ =	shalt  }
0x66: {  	_ =	shalt  }
0x67: {  	_ =	shalt  }
0x68: {  	_ =	shalt  }
0x69: {  	_ =	shalt  }
0x6a: {  	_ =	shalt  }
0x6b: {  	_ =	shalt  }
0x6c: {  	_ =	shalt  }
0x6d: {  	_ =	shalt  }
0x6e: {  	_ =	shalt  }
0x6f: {  	_ =	shalt  }
0x70: {  	_ =	shalt  }
0x71: {  	_ =	shalt  }
0x72: {  	_ =	shalt  }
0x73: {  	_ =	shalt  }
0x74: {  	_ =	shalt  }
0x75: {  	_ =	shalt  }
0x76: {  	_ =	shalt  }
0x77: {  	_ =	shalt  }
0x78: {  	_ =	shalt  }
0x79: {  	_ =	shalt  }
0x7a: {  	_ =	shalt  }
0x7b: {  	_ =	shalt  }
0x7c: {  	_ =	shalt  }
0x7d: {  	_ =	shalt  }
0x7e: {  	_ =	shalt  }
0x7f: {  	_ =	shalt  }
0x80: {  	_ =	shalt  }
0x81: {  	_ =	shalt  }
0x82: {  	_ =	shalt  }
0x83: {  	_ =	shalt  }
0x84: {  	_ =	shalt  }
0x85: {  	_ =	shalt  }
0x86: {  	_ =	shalt  }
0x87: {  	_ =	shalt  }
.Lfunc_end0:
.L_simem_size_0:
called_computation.1_lowered:
.L_overlay_start_0:
0x88: {  	s2 =	sld [smem:$0x3FD9]  }
0x89: {  	s3 =	sld [smem:$0x3FFE];
	_ =	sdelay $0x1  }
0x8a: {  	s1 =	srdreg.scid  }
0x8b: {  	s0 =	sand.u32 $0x1, s1  }
0x8c: {  	s17 =	sshll.u32 s0, $0xA;
	s2 =	sadd.s32 s3, s2  }
0x8d: {  	s2 =	sadd.s32 s2, s17  }
0x8e: {  	[smem:$0x3FC6] =	sst s2  }
0x8f: {  	_ = 	snop  }
0x90: {  	s2 =	sld [smem:$0x3FD0];
	(tm) =	ssettm $0x1  }
0x91: {  	s18 =	sld [smem:$0x3FFB];
	_ =	sdelay $0x3  }
0x92: {  	_ =	strace s18  }
0x93: {  	s3 =	sld [smem:$0x3FFC];
	_ =	sdelay $0x3  }
0x94: {  	_ =	strace s3  }
0x95: {  	s3 =	sld [smem:$0x3FFD];
	_ =	sdelay $0x3  }
0x96: {  	_ =	strace s3  }
0x97: {  	_ =	strace $0x8FFFFFFF  }
0x98: {  	s19 =	sld [smem:$0x3FDB];
	_ =	sdelay $0x1  }
0x99: {  	s4 =	simm.s32 $_scs_section_size  }
0x9a: {  	s5 =	simm.s32 $_size__tile_overlayer_lowered;
	s6 =	simm.s32 $_tile_overlayer_lowered  }
0x9b: {  	s22 =	simm.s32 $0x1BFF;
	s21 =	sshll.u32 s6, $0x1;
	s3 =	sadd.s32 s4, s19  }
0x9c: {  	s7 =	simm.s32 $0x0;
	s20 =	sshll.u32 s5, $0x1;
	s5 =	sadd.s32 s21, s3  }
0x9d: {  	[timem:s7], [sflag:s22] =	dma.local [hbm:s5], s20  }
0x9e: {  	_ =	swait.ge [sflag:s22], s20  }
0x9f: {  	s4 =	ssub.s32 $0x0, s20;
	[sflag:s22] =	ssyncset.done $0x0  }
0xa0: {  	[sflag:s22] =	ssyncadd.s32 s4;
	_ =	sdelay $0x1  }
0xa1: {  	s23 =	simm.s32 $0x1B8B  }
0xa2: {  	_ =	swait.ge [sflag:s23], $0x1  }
0xa3: {  	[sflag:s23] =	ssyncset.done $0x0  }
0xa4: {  	s25 =	simm.s32 $0x1B8E;
	s24 =	sld [smem:$0x3FFE];
	[sflag:s23] =	ssyncadd.s32 $0xFFFFFFFF  }
0xa5: {  	s26 =	simm.s32 $execute0_lowered;
	[smem:$0x3FD2] =	sst s25  }
0xa6: {  	s5 =	sshll.u32 s26, $0x1;
	_ =	strace $0x80000049;
	[dreg:$0x1] =	wrdreg $0xFFFFFFFF  }
0xa7: {  	s28 =	simm.s32 $_size_execute0_lowered;
	s3 =	sadd.s32 s3, s5;
	[dreg:$0x0] =	wrdreg $0x0  }
0xa8: {  	s5 =	sshll.u32 s28, $0x1;
	[dreg:$0x2] =	wrdreg s3  }
0xa9: {  	[dreg:$0x3] =	wrdreg s5  }
0xaa: {  	[dreg:$0x4] =	wrdreg $0xC0  }
0xab: {  	_ =	task [dreg:s7], $0x5FFFF  }
0xac: {  	[dreg:$0x1] =	wrdreg $0xFFFFFFFF  }
0xad: {  	[dreg:$0x0] =	wrdreg $0x60  }
0xae: {  	[dreg:$0x2] =	wrdreg s24  }
0xaf: {  	[dreg:$0x3] =	wrdreg s2  }
0xb0: {  	[dreg:$0x4] =	wrdreg $0x9  }
0xb1: {  	_ =	task.clear_ibuf [dreg:s7], $0x5FFFF;
	_ =	strace $0x90000049  }
0xb2: {  	s29 =	simm.s32 $0x9;
	_ =	strace $0x8000004B  }
0xb3: {  	_ =	swait.ge [sflag:s29], $0x1  }
0xb4: {  	[sflag:s29] =	ssyncadd.s32 $0xFFFFFFFF  }
0xb5: {  	_ =	strace $0x9000004B  }
0xb6: {  	_ =	sfence  }
0xb7: {  	s30 =	sld [smem:$0x0];
	_ =	sdelay $0x2  }
0xb8: {  	s31 =	sshll.u32 s1, $0xD;
	s1 =	sshrl.u32 s1, $0x2  }
0xb9: {  	s3 =	sand.u32 $0x4000, s31;
	s1 =	sadd.s32 s1, s30  }
0xba: {  	s0 =	sor.u32 s3, s0;
	s1 =	sshll.u32 s1, $0x11  }
0xbb: {  	s0 =	sor.u32 s1, s0  }
0xbc: {  	s0 =	sadd.s32 $0x8F2B, s0  }
0xbd: {  	[sflag:s0] =	ssyncadd.remote.s32 $0x1  }
0xbe: {  	_ =	sfence.sel $0xFFFF  }
0xbf: {  	[dreg:$0x0] =	wrdreg $0xFFFFFFFF;
	(pc) =	sbr.abs _section_cstart, $3  }
0xc0: {  	[dreg:$0x1] =	wrdreg $0xFFFFFFFF  }
0xc1: {  	_ =	task.clear_ibuf [dreg:s7], $0x2FFFF;
	_ =	strace $0x9FFFFFFF  }
0xc2: {  	(tm) =	ssettm $0x7FFFFFFF  }
0xc3: {  	_ =	shalt  }
tec
execute0_lowered:
.L_overlay_start_1:
0x0: {  	(tag) =	ssettag $0x1  }
0x1: {  	s0 =	rddreg [dreg:$0x0]  }
0x2: {  	s1 =	rddreg [dreg:$0x1]  }
0x3: {  	s3 =	srdreg.scid;
	s2 =	simm.s32 $0x0;
	s10 =	stileid.u32  }
0x4: {  	s11 =	simm.s32 $0xB;
	s12 =	simm.s32 $0x7D;
	s13 =	simm.s32 $0x2800  }
0x5: {  	s15 =	simm.s32 $0x6680;
	s17 =	simm.s32 $0xA500;
	s28 =	simm.s32 $0x6  }
0x6: {  	s29 =	simm.s32 $0x7;
	s30 =	simm.s32 $0x8;
	s6 =	smul.u32 $0x2710, s10  }
0x7: {  	s31 =	simm.s32 $0x9;
	s4 =	sand.u32 $0x1, s3;
	s24 =	smul.u32 $0x27100, s10  }
0x8: {  	[smem:$0x7FF] =	sst s2;
	s3 =	sshll.u32 s4, $0x4;
	s5 =	smul.u32 $0x27100, s4  }
0x9: {  	s8 =	ssub.s32 $0x2, s4;
	s21 =	smul.u32 $0x271000, s4;
	s3 =	sor.u32 s10, s3  }
0xa: {  	_ =	strace $0x8000004A;
	s9 =	sshrl.u32 s8, $0x1;
	s7 =	smul.u32 $0x500, s3  }
0xb: {  	s3 =	sadd.s32 $0x600, s0;
	s5 =	sadd.s32 s6, s5;
	s19 =	ssub.s32 s8, s9  }
0xc: {  	s5 =	sshll.u32 s5, $0x4;
	s22 =	smax.u32 s19, $0x1;
	s19 =	simm.s32 $0xE380  }
0xd: {  	s0 =	sadd.s32 s7, s0;
	s20 =	sadd.s32 s1, s5;
	[dreg:$0x4] =	wrdreg s22  }
0xe: {  	s1 =	sadd.s32 s21, s1;
	s21 =	simm.s32 $0x12200;
	s0 =	sadd.s32 $0x28600, s0  }
0xf: {  	s22 =	simm.s32 $0x1;
	s23 =	sadd.s32 $0x1F40, s20;
	[dreg:$0x3] =	wrdreg s0  }
.Ltmp0:
0x10: {  	s25 =	sadd.s32 $0x1770, s20;
	[dreg:$0x5] =	wrdreg s23;
	(pc) =	sbr.rel .LBB2_1-.Ltmp0, $4  }
0x11: {  	s26 =	sadd.s32 $0xFA0, s20;
	s14 =	sadd.s32 s24, s1;
	[dreg:$0x6] =	wrdreg s25  }
0x12: {  	s24 =	simm.s32 $0x3;
	s1 =	simm.s32 $0x0;
	[dreg:$0x7] =	wrdreg s26  }
0x13: {  	s0 =	sadd.s32 $0x7D0, s20;
	s23 =	simm.s32 $0x2;
	s25 =	simm.s32 $0x4  }
0x14: {  	s26 =	simm.s32 $0x5;
	[dreg:$0x8] =	wrdreg s0;
	s0 =	simm.s32 $0xA  }
.LBB2_4:
0x15: {  	_ =	swait.ge [sflag:s28], $0x3E80  }
0x16: {  	[sflag:s28] =	ssyncset.done $0x0  }
0x17: {  	[sflag:s28] =	ssyncadd.s32 $0xFFFFC180  }
0x18: {  	_ =	swait.ge [sflag:s29], $0x3E80  }
0x19: {  	[sflag:s29] =	ssyncset.done $0x0  }
0x1a: {  	[sflag:s29] =	ssyncadd.s32 $0xFFFFC180  }
0x1b: {  	_ =	swait.ge [sflag:s30], $0x3E80  }
0x1c: {  	[sflag:s30] =	ssyncset.done $0x0  }
0x1d: {  	[sflag:s30] =	ssyncadd.s32 $0xFFFFC180  }
0x1e: {  	_ =	swait.ge [sflag:s31], $0x3E80  }
0x1f: {  	[sflag:s31] =	ssyncset.done $0x0  }
0x20: {  	[sflag:s31] =	ssyncadd.s32 $0xFFFFC180  }
0x21: {  	_ =	swait.ge [sflag:s0], $0x3E80  }
0x22: {  	s1 =	sadd.s32 $0x1, s1;
	s4 =	rddreg [dreg:$0x4]  }
0x23: {  	p0 =	sne.s32 s1, s4  }
.Ltmp1:
0x24: {  	_ = 	snop;
	(pc) =	sbr.rel @!p0 .LBB2_5-.Ltmp1, $3  }
0x25: {  	_ =	sdelay $0x1  }
0x26: {  	[sflag:s0] =	ssyncset.done $0x0  }
0x27: {  	[sflag:s0] =	ssyncadd.s32 $0xFFFFC180  }
.LBB2_1:
0x28: {  	s4 =	rddreg [dreg:$0x3]  }
0x29: {  	[tilespmem:s2], [sflag:$0xB] =	stream.linear.gather [hbm4b:s4+s2], $0x2800, $0x38;
	[tilespmem:$0x16080] =	vst v63  }
0x2a: {  	_ =	swait.ge [sflag:s11], $0x2800  }
0x2b: {  	[sflag:s11] =	ssyncset.done $0x0  }
0x2c: {  	[sflag:s11] =	ssyncadd.s32 $0xFFFFD800  }
0x2d: {  	[tilespmem:s13], [sflag:$0x1] =	stream.indirect.gather [hbm4b:s3+s12], $0x80, s2, s12, $0xb8;
	[tilespmem:$0x16080] =	vst v63  }
0x2e: {  	s10 =	simm.s32 $0x80;
	s9 =	rddreg [dreg:$0x8]  }
0x2f: {  	[tilespmem:s15], [sflag:$0x2] =	stream.indirect.gather [hbm4b:s3+s12], $0x80, s10, s12, $0xb8;
	[tilespmem:$0x16080] =	vst v63  }
0x30: {  	s16 =	simm.s32 $0x100;
	s8 =	rddreg [dreg:$0x7]  }
0x31: {  	[tilespmem:s17], [sflag:$0x3] =	stream.indirect.gather [hbm4b:s3+s12], $0x80, s16, s12, $0xb8;
	[tilespmem:$0x16080] =	vst v63  }
0x32: {  	s18 =	simm.s32 $0x180;
	s20 =	simm.s32 $0x200;
	s7 =	rddreg [dreg:$0x6]  }
0x33: {  	[tilespmem:s19], [sflag:$0x4] =	stream.indirect.gather [hbm4b:s3+s12], $0x80, s18, s12, $0xb8;
	[tilespmem:$0x16080] =	vst v63  }
0x34: {  	s5 =	simm.s32 $0x0;
	s6 =	rddreg [dreg:$0x5];
	s10 =	smov.u32 s14  }
0x35: {  	[tilespmem:s21], [sflag:$0x5] =	stream.indirect.gather [hbm4b:s3+s12], $0x80, s20, s12, $0xb8;
	[tilespmem:$0x16080] =	vst v63  }
.LBB2_2:
0x36: {  	_ =	swait.ge [sflag:s22], $0x3E80  }
0x37: {  	p0 =	seq.s32 s5, $0x9600;
	[sflag:s22] =	ssyncset.done $0x0  }
0x38: {  	s4 =	simm.s32 @!p0 $0x6;
	[sflag:s22] =	ssyncadd.s32 $0xFFFFC180  }
0x39: {  	[hbm4b:s10+s2] =	stream.linear.scatter [tilespmem:s13], [sflag:$0x6], $0x3E80, $0x38;
	[tilespmem:$0x16080] =	vst v63  }
0x3a: {  	_ =	swait.ge @!p0 [sflag:s4], $0x3E80  }
0x3b: {  	[sflag:s4] =	ssyncset.done @!p0 $0x0  }
0x3c: {  	[sflag:s4] =	ssyncadd.s32 @!p0 $0xFFFFC180;
	s4 =	sshra.s32 @!p0 s5, $0x2  }
0x3d: {  	s18 =	simm.s32 @!p0 $0x7D;
	s16 =	simm.s32 @!p0 $0x2800;
	s20 =	sadd.s32 @!p0 $0x280, s4  }
0x3e: {  	[tilespmem:s16], [sflag:$0x1] =	stream.indirect.gather @!p0 [hbm4b:s3+s18], $0x80, s20, s18, $0xb8;
	[tilespmem:$0x16080] =	vst v63  }
0x3f: {  	_ =	swait.ge [sflag:s23], $0x3E80  }
0x40: {  	[sflag:s23] =	ssyncset.done $0x0  }
0x41: {  	s16 =	simm.s32 @!p0 $0x7;
	[sflag:s23] =	ssyncadd.s32 $0xFFFFC180  }
0x42: {  	[hbm4b:s9+s2] =	stream.linear.scatter [tilespmem:s15], [sflag:$0x7], $0x3E80, $0x38;
	[tilespmem:$0x16080] =	vst v63  }
0x43: {  	_ =	swait.ge @!p0 [sflag:s16], $0x3E80  }
0x44: {  	[sflag:s16] =	ssyncset.done @!p0 $0x0  }
0x45: {  	s20 =	simm.s32 @!p0 $0x6680;
	[sflag:s16] =	ssyncadd.s32 @!p0 $0xFFFFC180;
	s16 =	sadd.s32 @!p0 $0x300, s4  }
0x46: {  	[tilespmem:s20], [sflag:$0x2] =	stream.indirect.gather @!p0 [hbm4b:s3+s18], $0x80, s16, s18, $0xb8;
	[tilespmem:$0x16080] =	vst v63  }
0x47: {  	_ =	swait.ge [sflag:s24], $0x3E80  }
0x48: {  	[sflag:s24] =	ssyncset.done $0x0  }
0x49: {  	s16 =	simm.s32 @!p0 $0x8;
	[sflag:s24] =	ssyncadd.s32 $0xFFFFC180  }
0x4a: {  	[hbm4b:s8+s2] =	stream.linear.scatter [tilespmem:s17], [sflag:$0x8], $0x3E80, $0x38;
	[tilespmem:$0x16080] =	vst v63  }
0x4b: {  	_ =	swait.ge @!p0 [sflag:s16], $0x3E80  }
0x4c: {  	[sflag:s16] =	ssyncset.done @!p0 $0x0  }
0x4d: {  	s20 =	simm.s32 @!p0 $0xA500;
	[sflag:s16] =	ssyncadd.s32 @!p0 $0xFFFFC180;
	s16 =	sadd.s32 @!p0 $0x380, s4  }
0x4e: {  	[tilespmem:s20], [sflag:$0x3] =	stream.indirect.gather @!p0 [hbm4b:s3+s18], $0x80, s16, s18, $0xb8;
	[tilespmem:$0x16080] =	vst v63  }
0x4f: {  	_ =	swait.ge [sflag:s25], $0x3E80  }
0x50: {  	[sflag:s25] =	ssyncset.done $0x0  }
0x51: {  	s16 =	simm.s32 @!p0 $0x9;
	[sflag:s25] =	ssyncadd.s32 $0xFFFFC180  }
0x52: {  	[hbm4b:s7+s2] =	stream.linear.scatter [tilespmem:s19], [sflag:$0x9], $0x3E80, $0x38;
	[tilespmem:$0x16080] =	vst v63  }
0x53: {  	_ =	swait.ge @!p0 [sflag:s16], $0x3E80  }
0x54: {  	[sflag:s16] =	ssyncset.done @!p0 $0x0  }
0x55: {  	s4 =	sadd.s32 @!p0 $0x400, s4;
	[sflag:s16] =	ssyncadd.s32 @!p0 $0xFFFFC180;
	s16 =	simm.s32 @!p0 $0xE380  }
0x56: {  	[tilespmem:s16], [sflag:$0x4] =	stream.indirect.gather @!p0 [hbm4b:s3+s18], $0x80, s4, s18, $0xb8;
	[tilespmem:$0x16080] =	vst v63  }
.Ltmp2:
0x57: {  	_ = 	snop;
	(pc) =	sbr.rel @p0 .LBB2_4-.Ltmp2, $4  }
0x58: {  	_ =	swait.ge [sflag:s26], $0x3E80  }
0x59: {  	[sflag:s26] =	ssyncset.done $0x0  }
0x5a: {  	[sflag:s26] =	ssyncadd.s32 $0xFFFFC180  }
0x5b: {  	[hbm4b:s6+s2] =	stream.linear.scatter [tilespmem:s21], [sflag:$0xA], $0x3E80, $0x38;
	[tilespmem:$0x16080] =	vst v63  }
.Ltmp3:
0x5c: {  	_ =	swait.ge [sflag:s0], $0x3E80;
	s4 =	sshra.s32 s5, $0x2;
	(pc) =	sbr.rel .LBB2_2-.Ltmp3, $4  }
0x5d: {  	s5 =	sadd.s32 $0xA00, s5;
	s6 =	sadd.s32 $0x2710, s6;
	s7 =	sadd.s32 $0x2710, s7  }
0x5e: {  	s8 =	sadd.s32 $0x2710, s8;
	s9 =	sadd.s32 $0x2710, s9;
	[sflag:s0] =	ssyncset.done $0x0  }
0x5f: {  	s10 =	sadd.s32 $0x2710, s10;
	s4 =	sadd.s32 $0x480, s4;
	[sflag:s0] =	ssyncadd.s32 $0xFFFFC180  }
0x60: {  	[tilespmem:s21], [sflag:$0x5] =	stream.indirect.gather [hbm4b:s3+s12], $0x80, s4, s12, $0xb8;
	[tilespmem:$0x16080] =	vst v63  }
.LBB2_5:
0x61: {  	_ =	sfence.sel $0x180000  }
0x62: {  	[bflag:$0x0] =	sbarrier.arrive $0xFFFF  }
0x63: {  	_ =	strace $0x9000004A  }
0x64: {  	s0 =	stileid.u32;
	[bflag:$0x2] =	sbarrier.arrive $0xFFFF  }
0x65: {  	p0 =	sne.s32 s0, $0x0;
	s0 =	rddreg [dreg:$0x2]  }
0x66: {  	s0 =	sadd.s32 @!p0 $0x100000, s0  }
0x67: {  	[sflag:s0] =	ssyncadd.tile.s32 @!p0 $0x1;
	_ =	shalt  }
.Lfunc_end2:
_tile_overlayer_lowered:
.L_overlay_start_2:
0x68: {  	(tag) =	ssettag $0x2  }
0x69: {  	s0 =	rddreg [dreg:$0x0];
	s2 =	stileid.u32  }
0x6a: {  	s1 =	rddreg [dreg:$0x1];
	p0 =	sne.s32 s2, $0x0  }
0x6b: {  	s3 =	rddreg [dreg:$0x2];
	[bflag:$0x3] =	sbarrier.arrive $0xFFFF;
	s2 =	simm.s32 @!p0 $0x1C0B  }
0x6c: {  	[timem:s3], [sflag:s2] =	dma.local @!p0 [hbm:s0], s1  }
0x6d: {  	s0 =	simm.s32 @!p0 $0xB  }
0x6e: {  	_ =	swait.ge @!p0 [sflag:s0], s1  }
0x6f: {  	s1 =	ssub.s32 @!p0 $0x0, s1;
	[sflag:s0] =	ssyncset.done @!p0 $0x0  }
0x70: {  	[sflag:s0] =	ssyncadd.s32 @!p0 s1  }
0x71: {  	[bflag:$0x3] =	sbarrier.arrive $0xFFFF  }
0x72: {  	_ =	shalt  }

</sc_bundles>
